<compile_context>
chip_gen: v7x
topology: tpu7x:2x2x1
jax: 0.10.2.dev20260603
libtpu: 0.0.44.dev20260713+nightly
codegen_flags: <defaults>
</compile_context>

<pallas_src>
import functools

import jax
import jax.numpy as jnp
from jax import lax
from jax.experimental import pallas as pl
from jax.experimental.pallas import tpu as pltpu
from jax.experimental.pallas import tpu_sc as plsc

BN_EPS = 1e-5

CHUNK = 80
NCHUNK = 250
NSLICE = 2
NCH_SLICE = NCHUNK // NSLICE
NBUF = 5
LOOKAHEAD = 3


def _precompute_body(feats_ref, xyz_ref, wx_ref, wc_ref, wn_ref, b1_ref,
                     g_ref, hc_ref):
    e = feats_ref[:, 0, :]
    o = feats_ref[:, 1, :]
    xe = xyz_ref[:, 0, :]
    xo = xyz_ref[:, 1, :]
    dot = lambda a, b: jnp.dot(a, b, preferred_element_type=jnp.float32)
    p = dot(xe, wx_ref[0:3]) + dot(xo, wx_ref[3:6])
    g_ref[...] = dot(e, wn_ref[0:64]) + dot(o, wn_ref[64:128]) + p
    hc_ref[...] = (dot(e, wc_ref[0:64]) + dot(o, wc_ref[64:128]) - p
                   + b1_ref[...])


def _precompute(featsp, xyzp, wxp, wcp, wnp, b1p, prows, blkp):
    nb = prows // blkp
    return pl.pallas_call(
        _precompute_body,
        grid=(nb,),
        in_specs=[
            pl.BlockSpec((blkp, 2, 64), lambda i: (i, 0, 0)),
            pl.BlockSpec((blkp, 2, 3), lambda i: (i, 0, 0)),
            pl.BlockSpec((6, 128), lambda i: (0, 0)),
            pl.BlockSpec((128, 128), lambda i: (0, 0)),
            pl.BlockSpec((128, 128), lambda i: (0, 0)),
            pl.BlockSpec((1, 128), lambda i: (0, 0)),
        ],
        out_specs=[
            pl.BlockSpec((blkp, 128), lambda i: (i, 0)),
            pl.BlockSpec((blkp, 128), lambda i: (i, 0)),
        ],
        out_shape=[
            jax.ShapeDtypeStruct((prows, 128), jnp.float32),
            jax.ShapeDtypeStruct((prows, 128), jnp.float32),
        ],
    )(featsp, xyzp, wxp, wcp, wnp, b1p)


def _sc_gather_body(gflat_hbm, idxt_hbm, out_hbm, idx_v, buf_v, gsem, ssem,
                    *, ch0, nch):
    h = lax.axis_index("c")
    k = lax.axis_index("s")

    pltpu.sync_copy(idxt_hbm.at[k, h, pl.ds(ch0, nch)], idx_v)

    def gather_start(c, b):
        pltpu.async_copy(gflat_hbm.at[idx_v.at[c]], buf_v.at[b], gsem)

    def gather_wait(c, b):
        pltpu.make_async_copy(gflat_hbm.at[idx_v.at[c]], buf_v.at[b],
                              gsem).wait()

    def store_start(c, b):
        pltpu.async_copy(buf_v.at[b],
                         out_hbm.at[k, h, pl.ds(c * CHUNK, CHUNK)], ssem)

    def store_wait(c, b):
        pltpu.make_async_copy(buf_v.at[b],
                              out_hbm.at[k, h, pl.ds(c * CHUNK, CHUNK)],
                              ssem).wait()

    ngroups = nch // NBUF
    assert nch % NBUF == 0 and LOOKAHEAD < NBUF

    for j in range(LOOKAHEAD):
        gather_start(j, j)

    for j in range(NBUF):
        gather_wait(j, j)
        store_start(j, j)
        if j + LOOKAHEAD - NBUF >= 0:
            store_wait(j + LOOKAHEAD - NBUF, (j + LOOKAHEAD) % NBUF)
        gather_start(j + LOOKAHEAD, (j + LOOKAHEAD) % NBUF)

    def steady(g, carry):
        cbase = g * NBUF
        for j in range(NBUF):
            c = cbase + j
            gather_wait(c, j)
            store_start(c, j)
            store_wait(c + LOOKAHEAD - NBUF, (j + LOOKAHEAD) % NBUF)
            gather_start(c + LOOKAHEAD, (j + LOOKAHEAD) % NBUF)
        return carry

    lax.fori_loop(1, ngroups - 1, steady, 0)

    for j in range(NBUF):
        c = nch - NBUF + j
        gather_wait(c, j)
        store_start(c, j)
        if j + LOOKAHEAD < NBUF:
            store_wait(c + LOOKAHEAD - NBUF, (j + LOOKAHEAD) % NBUF)
            gather_start(c + LOOKAHEAD, (j + LOOKAHEAD) % NBUF)

    for j in range(NBUF):
        c = nch - NBUF + j
        store_wait(c, j)


def _sc_gather(gflat, idxt, k_planes, sl):
    mesh = plsc.VectorSubcoreMesh(core_axis_name="c", subcore_axis_name="s")
    fn = pl.kernel(
        functools.partial(_sc_gather_body, ch0=sl * NCH_SLICE, nch=NCH_SLICE),
        out_type=jax.ShapeDtypeStruct(
            (k_planes, 2, NCH_SLICE * CHUNK, 64), jnp.float32),
        mesh=mesh,
        compiler_params=pltpu.CompilerParams(use_tc_tiling_on_sc=False),
        scratch_types=[
            pltpu.VMEM((NCH_SLICE, CHUNK), jnp.int32),
            pltpu.VMEM((NBUF, CHUNK, 64), jnp.float32),
            pltpu.SemaphoreType.DMA,
            pltpu.SemaphoreType.DMA,
        ],
    )
    return fn(gflat, idxt)


def _stats_body(gg_ref, hc_ref, fold_ref, ones_ref, sum_ref, ssq_ref, acc_s,
                acc_q):
    h = pl.program_id(0)
    k = pl.program_id(1)
    x = gg_ref[0, 0] + hc_ref[...]
    ones = ones_ref[...]
    bs = jnp.dot(ones, x, preferred_element_type=jnp.float32)
    bq = jnp.dot(ones, x * x, preferred_element_type=jnp.float32)

    @pl.when(jnp.logical_and(k == 0, h == 0))
    def _init():
        acc_s[...] = bs
        acc_q[...] = bq

    @pl.when(jnp.logical_not(jnp.logical_and(k == 0, h == 0)))
    def _acc():
        acc_s[...] += bs
        acc_q[...] += bq

    @pl.when(jnp.logical_and(h == pl.num_programs(0) - 1,
                             k == pl.num_programs(1) - 1))
    def _fin():
        fold = fold_ref[...]
        sum_ref[...] = jnp.dot(acc_s[...], fold,
                               preferred_element_type=jnp.float32)
        ssq_ref[...] = jnp.dot(acc_q[...], fold,
                               preferred_element_type=jnp.float32)


def _stats(ggp, hcp, fold, ones_row, k_planes, blkp, sl):
    return pl.pallas_call(
        _stats_body,
        grid=(2, k_planes),
        in_specs=[
            pl.BlockSpec((1, 1, blkp, 128), lambda h, k: (k, h, 0, 0)),
            pl.BlockSpec((blkp, 128), lambda h, k: (2 * h + sl, 0)),
            pl.BlockSpec((128, 64), lambda h, k: (0, 0)),
            pl.BlockSpec((1, blkp), lambda h, k: (0, 0)),
        ],
        out_specs=[
            pl.BlockSpec((1, 64), lambda h, k: (0, 0)),
            pl.BlockSpec((1, 64), lambda h, k: (0, 0)),
        ],
        out_shape=[
            jax.ShapeDtypeStruct((1, 64), jnp.float32),
            jax.ShapeDtypeStruct((1, 64), jnp.float32),
        ],
        scratch_shapes=[
            pltpu.VMEM((1, 128), jnp.float32),
            pltpu.VMEM((1, 128), jnp.float32),
        ],
    )(ggp, hcp, fold, ones_row)


def _apply_body(gg0_ref, gg1_ref, hc_ref, sum0_ref, ssq0_ref, sum1_ref,
                ssq1_ref, gam_ref, bet_ref, expand_ref, w2_ref, b2_ref,
                out_ref, macc, hcs, w2s, *, m_total):
    sl = pl.program_id(0)
    k = pl.program_id(2)
    step = pl.program_id(0) * pl.num_programs(1) * pl.num_programs(2) \
        + pl.program_id(1) * pl.num_programs(2) + k

    @pl.when(step == 0)
    def _prep():
        mean = (sum0_ref[...] + sum1_ref[...]) * (1.0 / m_total)
        var = (ssq0_ref[...] + ssq1_ref[...]) * (1.0 / m_total) - mean * mean
        s = gam_ref[...] * lax.rsqrt(var + BN_EPS)
        expand = expand_ref[...]
        sp = jnp.dot(s, expand, preferred_element_type=jnp.float32)
        w2s[...] = (jnp.transpose(sp) * w2_ref[...]).astype(jnp.bfloat16)

    @pl.when(k == 0)
    def _hcprep():
        mean = (sum0_ref[...] + sum1_ref[...]) * (1.0 / m_total)
        var = (ssq0_ref[...] + ssq1_ref[...]) * (1.0 / m_total) - mean * mean
        s = gam_ref[...] * lax.rsqrt(var + BN_EPS)
        t = bet_ref[...] - mean * s
        expand = expand_ref[...]
        tq = jnp.dot(t / s, expand, preferred_element_type=jnp.float32)
        hcs[...] = hc_ref[...] + tq

    g = jnp.where(sl == 0, gg0_ref[0, 0], gg1_ref[0, 0])
    y = jnp.maximum(g + hcs[...], 0.0)
    z = jnp.dot(y.astype(jnp.bfloat16), w2s[...],
                preferred_element_type=jnp.float32)

    @pl.when(k == 0)
    def _init():
        macc[...] = z

    @pl.when(k != 0)
    def _max():
        macc[...] = jnp.maximum(macc[...], z)

    @pl.when(k == pl.num_programs(2) - 1)
    def _fin():
        out_ref[...] = macc[...] + b2_ref[...]


def _apply(gg0, gg1, hcp, st0, st1, gam, bet, expand, w2p, b2p, k_planes,
           prows, blkp, m_total):
    kl = k_planes - 1

    def gg0_map(sl, h, k):
        return (jnp.where(sl == 0, k, kl), jnp.where(sl == 0, h, 1), 0, 0)

    def gg1_map(sl, h, k):
        return (jnp.where(sl == 0, 0, k), jnp.where(sl == 0, 0, h), 0, 0)

    fixed = lambda sl, h, k: (0, 0)
    return pl.pallas_call(
        functools.partial(_apply_body, m_total=float(m_total)),
        grid=(2, 2, k_planes),
        in_specs=[
            pl.BlockSpec((1, 1, blkp, 128), gg0_map),
            pl.BlockSpec((1, 1, blkp, 128), gg1_map),
            pl.BlockSpec((blkp, 128), lambda sl, h, k: (2 * h + sl, 0)),
            pl.BlockSpec((1, 64), fixed),
            pl.BlockSpec((1, 64), fixed),
            pl.BlockSpec((1, 64), fixed),
            pl.BlockSpec((1, 64), fixed),
            pl.BlockSpec((1, 64), fixed),
            pl.BlockSpec((1, 64), fixed),
            pl.BlockSpec((64, 128), fixed),
            pl.BlockSpec((128, 128), fixed),
            pl.BlockSpec((1, 128), fixed),
        ],
        out_specs=pl.BlockSpec((blkp, 128), lambda sl, h, k: (2 * h + sl, 0)),
        out_shape=jax.ShapeDtypeStruct((prows, 128), jnp.float32),
        scratch_shapes=[
            pltpu.VMEM((blkp, 128), jnp.float32),
            pltpu.VMEM((blkp, 128), jnp.float32),
            pltpu.VMEM((128, 128), jnp.bfloat16),
        ],
    )(gg0, gg1, hcp, st0[0], st0[1], st1[0], st1[1], gam, bet, expand, w2p,
      b2p)


def _blockdiag(w):
    d_in, d_out = w.shape
    z = jnp.zeros((d_in, d_out), w.dtype)
    return jnp.concatenate([
        jnp.concatenate([w, z], axis=1),
        jnp.concatenate([z, w], axis=1),
    ], axis=0)


def kernel(xyz, features, neighbors_idx, W1, b1, gamma, beta, W2, b2):
    B, N, C = features.shape
    K = neighbors_idx.shape[-1]
    rows = B * N
    prows = rows // 2
    blkp = 5000

    featsp = features.reshape(prows, 2, C)
    xyzp = xyz.reshape(prows, 2, 3)
    w1x = W1[0:3]
    wxp = jnp.zeros((6, 128), jnp.float32)
    wxp = wxp.at[0:3, 0:64].set(w1x).at[3:6, 64:128].set(w1x)
    wcp = _blockdiag(W1[3:3 + C])
    wnp = _blockdiag(W1[3 + C:3 + 2 * C])
    b1p = jnp.concatenate([b1, b1]).reshape(1, 128)
    eye = jnp.eye(64, dtype=jnp.float32)
    fold = jnp.concatenate([eye, eye], axis=0)
    expand = jnp.concatenate([eye, eye], axis=1)
    w2p = _blockdiag(W2)
    b2p = jnp.concatenate([b2, b2]).reshape(1, 128)

    idx = neighbors_idx.astype(jnp.int32) + (jnp.arange(B, dtype=jnp.int32)
                                             * N)[:, None, None]
    idxt = idx.transpose(2, 0, 1).reshape(K, 2, NCHUNK, CHUNK)

    gp, hcp = _precompute(featsp, xyzp, wxp, wcp, wnp, b1p, prows, 2000)
    gflat = gp.reshape(rows, 64)
    blks = NCH_SLICE * CHUNK // 2
    ones_row = jnp.ones((1, blks), jnp.float32)
    ggs = []
    sts = []
    for sl in range(NSLICE):
        gg = _sc_gather(gflat, idxt, K, sl)
        ggp = gg.reshape(K, 2, blks, 128)
        ggs.append(ggp)
        sts.append(_stats(ggp, hcp, fold, ones_row, K, blks, sl))
    outp = _apply(ggs[0], ggs[1], hcp, sts[0], sts[1], gamma.reshape(1, 64),
                  beta.reshape(1, 64), expand, w2p, b2p, K, prows, blks,
                  K * rows)
    return outp.reshape(B, N, 64)

# --- scband reference (transcript-rebuilt; emitter-appended) ---
"""Pipeline reference for scband-point-net-samodule-22162031247559 (READ-ONLY COPY).

The authoritative reference and input builder live on the scoring server;
editing this copy changes nothing except your own understanding.
"""

import jax, jax.numpy as jnp
import numpy as np

B, N, K, C = 2, 20000, 16, 64
IN_DIM = 3 + 2 * C  # 131
H1, H2 = 64, 64
BN_EPS = 1e-5


def setup_inputs(seed: int = 0) -> dict:
    key = jax.random.key(seed)
    ks = jax.random.split(key, 8)
    xyz = jax.random.normal(ks[0], (B, N, 3), dtype=jnp.float32)
    features = jax.random.normal(ks[1], (B, N, C), dtype=jnp.float32)
    neighbors_idx = jax.random.randint(ks[2], (B, N, K), 0, N, dtype=jnp.int64) if jax.config.jax_enable_x64 else jax.random.randint(ks[2], (B, N, K), 0, N, dtype=jnp.int32)
    W1 = jax.random.normal(ks[3], (IN_DIM, H1), dtype=jnp.float32) * 0.05
    b1 = jnp.zeros((H1,), dtype=jnp.float32)
    gamma = jnp.ones((H1,), dtype=jnp.float32)
    beta = jnp.zeros((H1,), dtype=jnp.float32)
    W2 = jax.random.normal(ks[4], (H1, H2), dtype=jnp.float32) * 0.05
    b2 = jnp.zeros((H2,), dtype=jnp.float32)
    return {
        "xyz": xyz,
        "features": features,
        "neighbors_idx": neighbors_idx,
        "W1": W1,
        "b1": b1,
        "gamma": gamma,
        "beta": beta,
        "W2": W2,
        "b2": b2,
    }


def reference(xyz, features, neighbors_idx, W1, b1, gamma, beta, W2, b2):
    Bsz, Np, Kn = neighbors_idx.shape
    gather = jax.vmap(lambda arr, idx: jnp.take(arr, idx, axis=0))
    features_neighbors = gather(features, neighbors_idx)          # (B, N, K, C)
    xyz_neighbors = gather(xyz, neighbors_idx)                    # (B, N, K, 3)
    xyz_central = xyz[:, :, None, :]                              # (B, N, 1, 3)
    xyz_local = xyz_neighbors - xyz_central                      # (B, N, K, 3)
    features_central = jnp.broadcast_to(features[:, :, None, :], features_neighbors.shape)
    features_local = jnp.concatenate([xyz_local, features_central, features_neighbors], axis=-1)
    x = features_local.reshape(Bsz * Np, Kn, -1)                  # (B*N, K, 131)
    # Linear 1
    x = x @ W1 + b1
    # BatchNorm1d in training mode: per-channel stats over (batch, length) dims
    mean = jnp.mean(x, axis=(0, 1))
    var = jnp.var(x, axis=(0, 1))
    x = (x - mean) / jnp.sqrt(var + BN_EPS) * gamma + beta
    # ReLU
    x = jax.nn.relu(x)
    # Linear 2 (final, no BN/activation)
    x = x @ W2 + b2
    x = x.reshape(Bsz, Np, Kn, -1)
    new_features = jnp.max(x, axis=2)                             # (B, N, H2)
    return new_features

if __name__ == "__main__":
    import jax
    _d = setup_inputs()
    print(jax.jit(kernel)(*tuple(_d.values())))

</pallas_src>

<mosaic_0001>
#map = affine_map<(d0, d1) -> (0, 0)>
#map1 = affine_map<(d0, d1) -> (0, 0, 0, 0)>
module attributes {stable_mosaic.version = 14 : i64} {
  func.func @_sc_gather_body(%arg0: i32, %arg1: i32, %arg2: memref<40000x64xf32, #tpu.memory_space<hbm>>, %arg3: memref<16x2x250x80xi32, #tpu.memory_space<hbm>>, %arg4: memref<16x2x10000x64xf32, #tpu.memory_space<hbm>>, %arg5: memref<125x80xi32, #tpu.memory_space<vmem>>, %arg6: memref<5x80x64xf32, #tpu.memory_space<vmem>>, %arg7: memref<!tpu.dma_semaphore, #tpu.memory_space<semaphore_mem>>, %arg8: memref<!tpu.dma_semaphore, #tpu.memory_space<semaphore_mem>>) attributes {dimension_semantics = [#tpu.dimension_semantics<core_parallel>, #tpu.dimension_semantics<subcore_parallel>], iteration_bounds = array<i64: 2, 16>, scalar_prefetch = 0 : i64, scratch_operands = 4 : i64, tpu.core_type = #tpu.core_type<sc_vector_subcore>, window_params = [{transform_indices = #map}, {transform_indices = #map1}, {transform_indices = #map1}]} {
    "tpu.region"() ({
      %run_scoped3A = tpu.sem_alloc : memref<!tpu.dma_semaphore, #tpu.memory_space<semaphore_mem>>
      %dma_start3A_583 = arith.constant 0 : i32
      %dma_start3A_584 = arith.constant 0 : i32
      %dma_start3A_585 = tpu.memref_slice %arg3[%arg1, %arg0, %dma_start3A_583, %dma_start3A_584] : memref<16x2x250x80xi32, #tpu.memory_space<hbm>> -> memref<1x1x125x80xi32, #tpu.memory_space<hbm>>
      %dma_start3A_586 = tpu.memref_squeeze %dma_start3A_585 : memref<1x1x125x80xi32, #tpu.memory_space<hbm>> -> memref<125x80xi32, #tpu.memory_space<hbm>>
      %dma_start3A_587 = arith.constant 0 : i32
      %dma_start3A_588 = arith.constant 0 : i32
      %dma_start3A_589 = tpu.memref_slice %arg3[%arg1, %arg0, %dma_start3A_587, %dma_start3A_588] : memref<16x2x250x80xi32, #tpu.memory_space<hbm>> -> memref<1x1x125x80xi32, #tpu.memory_space<hbm>>
      %dma_start3A_590 = tpu.memref_squeeze %dma_start3A_589 : memref<1x1x125x80xi32, #tpu.memory_space<hbm>> -> memref<125x80xi32, #tpu.memory_space<hbm>>
      tpu.enqueue_dma source(%dma_start3A_590 : memref<125x80xi32, #tpu.memory_space<hbm>>) target(%arg5 : memref<125x80xi32, #tpu.memory_space<vmem>>) target_semaphore(%run_scoped3A : memref<!tpu.dma_semaphore, #tpu.memory_space<semaphore_mem>>)
      %dma_wait3A_591 = arith.constant 0 : i32
      %dma_wait3A_592 = arith.constant 0 : i32
      %dma_wait3A_593 = tpu.memref_slice %arg3[%arg1, %arg0, %dma_wait3A_591, %dma_wait3A_592] : memref<16x2x250x80xi32, #tpu.memory_space<hbm>> -> memref<1x1x125x80xi32, #tpu.memory_space<hbm>>
      %dma_wait3A_594 = tpu.memref_squeeze %dma_wait3A_593 : memref<1x1x125x80xi32, #tpu.memory_space<hbm>> -> memref<125x80xi32, #tpu.memory_space<hbm>>
      %dma_wait3A_595 = arith.constant 0 : i32
      %dma_wait3A_596 = arith.constant 0 : i32
      %dma_wait3A_597 = tpu.memref_slice %arg3[%arg1, %arg0, %dma_wait3A_595, %dma_wait3A_596] : memref<16x2x250x80xi32, #tpu.memory_space<hbm>> -> memref<1x1x125x80xi32, #tpu.memory_space<hbm>>
      %dma_wait3A_598 = tpu.memref_squeeze %dma_wait3A_597 : memref<1x1x125x80xi32, #tpu.memory_space<hbm>> -> memref<125x80xi32, #tpu.memory_space<hbm>>
      tpu.wait_dma2 semaphore(%run_scoped3A : memref<!tpu.dma_semaphore, #tpu.memory_space<semaphore_mem>>) src(%dma_wait3A_598 : memref<125x80xi32, #tpu.memory_space<hbm>>) dst(%arg5 : memref<125x80xi32, #tpu.memory_space<vmem>>)
      tpu.yield
    }) : () -> ()
    %dma_start3A = arith.constant 0 : i32
    %dma_start3A_0 = arith.constant 0 : i32
    %dma_start3A_1 = arith.constant 0 : i32
    %dma_start3A_2 = arith.constant 0 : i32
    %dma_start3A_3 = tpu.memref_slice %arg6[%dma_start3A_0, %dma_start3A_1, %dma_start3A_2] : memref<5x80x64xf32, #tpu.memory_space<vmem>> -> memref<1x80x64xf32, #tpu.memory_space<vmem>>
    %dma_start3A_4 = tpu.memref_squeeze %dma_start3A_3 : memref<1x80x64xf32, #tpu.memory_space<vmem>> -> memref<80x64xf32, #tpu.memory_space<vmem>>
    %dma_start3A_5 = arith.constant 0 : i32
    %dma_start3A_6 = tpu.memref_slice %arg5[%dma_start3A, %dma_start3A_5] : memref<125x80xi32, #tpu.memory_space<vmem>> -> memref<1x80xi32, #tpu.memory_space<vmem>>
    %dma_start3A_7 = tpu.memref_squeeze %dma_start3A_6 : memref<1x80xi32, #tpu.memory_space<vmem>> -> memref<80xi32, #tpu.memory_space<vmem>>
    %dma_start3A_8 = arith.constant 0 : i32
    %dma_start3A_9 = arith.constant 0 : i32
    %dma_start3A_10 = tpu.memref_slice %arg2[%dma_start3A_8, %dma_start3A_9] : memref<40000x64xf32, #tpu.memory_space<hbm>> -> memref<40000x64xf32, #tpu.memory_space<hbm>>
    tpu.enqueue_indirect_dma source(%dma_start3A_10 : memref<40000x64xf32, #tpu.memory_space<hbm>>) target(%dma_start3A_4 : memref<80x64xf32, #tpu.memory_space<vmem>>) offsets(%dma_start3A_7 : memref<80xi32, #tpu.memory_space<vmem>>) semaphore(%arg7 : memref<!tpu.dma_semaphore, #tpu.memory_space<semaphore_mem>>)
    %dma_start3A_11 = arith.constant 1 : i32
    %dma_start3A_12 = arith.constant 1 : i32
    %dma_start3A_13 = arith.constant 0 : i32
    %dma_start3A_14 = arith.constant 0 : i32
    %dma_start3A_15 = tpu.memref_slice %arg6[%dma_start3A_12, %dma_start3A_13, %dma_start3A_14] : memref<5x80x64xf32, #tpu.memory_space<vmem>> -> memref<1x80x64xf32, #tpu.memory_space<vmem>>
    %dma_start3A_16 = tpu.memref_squeeze %dma_start3A_15 : memref<1x80x64xf32, #tpu.memory_space<vmem>> -> memref<80x64xf32, #tpu.memory_space<vmem>>
    %dma_start3A_17 = arith.constant 0 : i32
    %dma_start3A_18 = tpu.memref_slice %arg5[%dma_start3A_11, %dma_start3A_17] : memref<125x80xi32, #tpu.memory_space<vmem>> -> memref<1x80xi32, #tpu.memory_space<vmem>>
    %dma_start3A_19 = tpu.memref_squeeze %dma_start3A_18 : memref<1x80xi32, #tpu.memory_space<vmem>> -> memref<80xi32, #tpu.memory_space<vmem>>
    %dma_start3A_20 = arith.constant 0 : i32
    %dma_start3A_21 = arith.constant 0 : i32
    %dma_start3A_22 = tpu.memref_slice %arg2[%dma_start3A_20, %dma_start3A_21] : memref<40000x64xf32, #tpu.memory_space<hbm>> -> memref<40000x64xf32, #tpu.memory_space<hbm>>
    tpu.enqueue_indirect_dma source(%dma_start3A_22 : memref<40000x64xf32, #tpu.memory_space<hbm>>) target(%dma_start3A_16 : memref<80x64xf32, #tpu.memory_space<vmem>>) offsets(%dma_start3A_19 : memref<80xi32, #tpu.memory_space<vmem>>) semaphore(%arg7 : memref<!tpu.dma_semaphore, #tpu.memory_space<semaphore_mem>>)
    %dma_start3A_23 = arith.constant 2 : i32
    %dma_start3A_24 = arith.constant 2 : i32
    %dma_start3A_25 = arith.constant 0 : i32
    %dma_start3A_26 = arith.constant 0 : i32
    %dma_start3A_27 = tpu.memref_slice %arg6[%dma_start3A_24, %dma_start3A_25, %dma_start3A_26] : memref<5x80x64xf32, #tpu.memory_space<vmem>> -> memref<1x80x64xf32, #tpu.memory_space<vmem>>
    %dma_start3A_28 = tpu.memref_squeeze %dma_start3A_27 : memref<1x80x64xf32, #tpu.memory_space<vmem>> -> memref<80x64xf32, #tpu.memory_space<vmem>>
    %dma_start3A_29 = arith.constant 0 : i32
    %dma_start3A_30 = tpu.memref_slice %arg5[%dma_start3A_23, %dma_start3A_29] : memref<125x80xi32, #tpu.memory_space<vmem>> -> memref<1x80xi32, #tpu.memory_space<vmem>>
    %dma_start3A_31 = tpu.memref_squeeze %dma_start3A_30 : memref<1x80xi32, #tpu.memory_space<vmem>> -> memref<80xi32, #tpu.memory_space<vmem>>
    %dma_start3A_32 = arith.constant 0 : i32
    %dma_start3A_33 = arith.constant 0 : i32
    %dma_start3A_34 = tpu.memref_slice %arg2[%dma_start3A_32, %dma_start3A_33] : memref<40000x64xf32, #tpu.memory_space<hbm>> -> memref<40000x64xf32, #tpu.memory_space<hbm>>
    tpu.enqueue_indirect_dma source(%dma_start3A_34 : memref<40000x64xf32, #tpu.memory_space<hbm>>) target(%dma_start3A_28 : memref<80x64xf32, #tpu.memory_space<vmem>>) offsets(%dma_start3A_31 : memref<80xi32, #tpu.memory_space<vmem>>) semaphore(%arg7 : memref<!tpu.dma_semaphore, #tpu.memory_space<semaphore_mem>>)
    %dma_wait3A = arith.constant 0 : i32
    %dma_wait3A_35 = arith.constant 0 : i32
    %dma_wait3A_36 = arith.constant 0 : i32
    %dma_wait3A_37 = arith.constant 0 : i32
    %dma_wait3A_38 = tpu.memref_slice %arg6[%dma_wait3A_35, %dma_wait3A_36, %dma_wait3A_37] : memref<5x80x64xf32, #tpu.memory_space<vmem>> -> memref<1x80x64xf32, #tpu.memory_space<vmem>>
    %dma_wait3A_39 = tpu.memref_squeeze %dma_wait3A_38 : memref<1x80x64xf32, #tpu.memory_space<vmem>> -> memref<80x64xf32, #tpu.memory_space<vmem>>
    %dma_wait3A_40 = arith.constant 0 : i32
    %dma_wait3A_41 = tpu.memref_slice %arg5[%dma_wait3A, %dma_wait3A_40] : memref<125x80xi32, #tpu.memory_space<vmem>> -> memref<1x80xi32, #tpu.memory_space<vmem>>
    %dma_wait3A_42 = tpu.memref_squeeze %dma_wait3A_41 : memref<1x80xi32, #tpu.memory_space<vmem>> -> memref<80xi32, #tpu.memory_space<vmem>>
    %dma_wait3A_43 = arith.constant 0 : i32
    %dma_wait3A_44 = arith.constant 0 : i32
    %dma_wait3A_45 = tpu.memref_slice %arg2[%dma_wait3A_43, %dma_wait3A_44] : memref<40000x64xf32, #tpu.memory_space<hbm>> -> memref<40000x64xf32, #tpu.memory_space<hbm>>
    tpu.wait_indirect_dma semaphore(%arg7 : memref<!tpu.dma_semaphore, #tpu.memory_space<semaphore_mem>>) src(%dma_wait3A_45 : memref<40000x64xf32, #tpu.memory_space<hbm>>) dst(%dma_wait3A_39 : memref<80x64xf32, #tpu.memory_space<vmem>>)
    %dma_start3A_46 = arith.constant 0 : i32
    %dma_start3A_47 = arith.constant 0 : i32
    %dma_start3A_48 = arith.constant 0 : i32
    %dma_start3A_49 = tpu.memref_slice %arg6[%dma_start3A_46, %dma_start3A_47, %dma_start3A_48] : memref<5x80x64xf32, #tpu.memory_space<vmem>> -> memref<1x80x64xf32, #tpu.memory_space<vmem>>
    %dma_start3A_50 = tpu.memref_squeeze %dma_start3A_49 : memref<1x80x64xf32, #tpu.memory_space<vmem>> -> memref<80x64xf32, #tpu.memory_space<vmem>>
    %dma_start3A_51 = arith.constant 0 : i32
    %dma_start3A_52 = arith.constant 0 : i32
    %dma_start3A_53 = tpu.memref_slice %arg4[%arg1, %arg0, %dma_start3A_51, %dma_start3A_52] : memref<16x2x10000x64xf32, #tpu.memory_space<hbm>> -> memref<1x1x80x64xf32, #tpu.memory_space<hbm>>
    %dma_start3A_54 = tpu.memref_squeeze %dma_start3A_53 : memref<1x1x80x64xf32, #tpu.memory_space<hbm>> -> memref<80x64xf32, #tpu.memory_space<hbm>>
    %dma_start3A_55 = arith.constant 0 : i32
    %dma_start3A_56 = arith.constant 0 : i32
    %dma_start3A_57 = tpu.memref_slice %arg4[%arg1, %arg0, %dma_start3A_55, %dma_start3A_56] : memref<16x2x10000x64xf32, #tpu.memory_space<hbm>> -> memref<1x1x80x64xf32, #tpu.memory_space<hbm>>
    %dma_start3A_58 = tpu.memref_squeeze %dma_start3A_57 : memref<1x1x80x64xf32, #tpu.memory_space<hbm>> -> memref<80x64xf32, #tpu.memory_space<hbm>>
    %dma_start3A_59 = arith.constant 0 : i32
    %dma_start3A_60 = arith.constant 0 : i32
    %dma_start3A_61 = tpu.memref_slice %arg6[%dma_start3A_46, %dma_start3A_59, %dma_start3A_60] : memref<5x80x64xf32, #tpu.memory_space<vmem>> -> memref<1x80x64xf32, #tpu.memory_space<vmem>>
    %dma_start3A_62 = tpu.memref_squeeze %dma_start3A_61 : memref<1x80x64xf32, #tpu.memory_space<vmem>> -> memref<80x64xf32, #tpu.memory_space<vmem>>
    tpu.enqueue_dma source(%dma_start3A_62 : memref<80x64xf32, #tpu.memory_space<vmem>>) target(%dma_start3A_58 : memref<80x64xf32, #tpu.memory_space<hbm>>) target_semaphore(%arg8 : memref<!tpu.dma_semaphore, #tpu.memory_space<semaphore_mem>>)
    %dma_start3A_63 = arith.constant 3 : i32
    %dma_start3A_64 = arith.constant 3 : i32
    %dma_start3A_65 = arith.constant 0 : i32
    %dma_start3A_66 = arith.constant 0 : i32
    %dma_start3A_67 = tpu.memref_slice %arg6[%dma_start3A_64, %dma_start3A_65, %dma_start3A_66] : memref<5x80x64xf32, #tpu.memory_space<vmem>> -> memref<1x80x64xf32, #tpu.memory_space<vmem>>
    %dma_start3A_68 = tpu.memref_squeeze %dma_start3A_67 : memref<1x80x64xf32, #tpu.memory_space<vmem>> -> memref<80x64xf32, #tpu.memory_space<vmem>>
    %dma_start3A_69 = arith.constant 0 : i32
    %dma_start3A_70 = tpu.memref_slice %arg5[%dma_start3A_63, %dma_start3A_69] : memref<125x80xi32, #tpu.memory_space<vmem>> -> memref<1x80xi32, #tpu.memory_space<vmem>>
    %dma_start3A_71 = tpu.memref_squeeze %dma_start3A_70 : memref<1x80xi32, #tpu.memory_space<vmem>> -> memref<80xi32, #tpu.memory_space<vmem>>
    %dma_start3A_72 = arith.constant 0 : i32
    %dma_start3A_73 = arith.constant 0 : i32
    %dma_start3A_74 = tpu.memref_slice %arg2[%dma_start3A_72, %dma_start3A_73] : memref<40000x64xf32, #tpu.memory_space<hbm>> -> memref<40000x64xf32, #tpu.memory_space<hbm>>
    tpu.enqueue_indirect_dma source(%dma_start3A_74 : memref<40000x64xf32, #tpu.memory_space<hbm>>) target(%dma_start3A_68 : memref<80x64xf32, #tpu.memory_space<vmem>>) offsets(%dma_start3A_71 : memref<80xi32, #tpu.memory_space<vmem>>) semaphore(%arg7 : memref<!tpu.dma_semaphore, #tpu.memory_space<semaphore_mem>>)
    %dma_wait3A_75 = arith.constant 1 : i32
    %dma_wait3A_76 = arith.constant 1 : i32
    %dma_wait3A_77 = arith.constant 0 : i32
    %dma_wait3A_78 = arith.constant 0 : i32
    %dma_wait3A_79 = tpu.memref_slice %arg6[%dma_wait3A_76, %dma_wait3A_77, %dma_wait3A_78] : memref<5x80x64xf32, #tpu.memory_space<vmem>> -> memref<1x80x64xf32, #tpu.memory_space<vmem>>
    %dma_wait3A_80 = tpu.memref_squeeze %dma_wait3A_79 : memref<1x80x64xf32, #tpu.memory_space<vmem>> -> memref<80x64xf32, #tpu.memory_space<vmem>>
    %dma_wait3A_81 = arith.constant 0 : i32
    %dma_wait3A_82 = tpu.memref_slice %arg5[%dma_wait3A_75, %dma_wait3A_81] : memref<125x80xi32, #tpu.memory_space<vmem>> -> memref<1x80xi32, #tpu.memory_space<vmem>>
    %dma_wait3A_83 = tpu.memref_squeeze %dma_wait3A_82 : memref<1x80xi32, #tpu.memory_space<vmem>> -> memref<80xi32, #tpu.memory_space<vmem>>
    %dma_wait3A_84 = arith.constant 0 : i32
    %dma_wait3A_85 = arith.constant 0 : i32
    %dma_wait3A_86 = tpu.memref_slice %arg2[%dma_wait3A_84, %dma_wait3A_85] : memref<40000x64xf32, #tpu.memory_space<hbm>> -> memref<40000x64xf32, #tpu.memory_space<hbm>>
    tpu.wait_indirect_dma semaphore(%arg7 : memref<!tpu.dma_semaphore, #tpu.memory_space<semaphore_mem>>) src(%dma_wait3A_86 : memref<40000x64xf32, #tpu.memory_space<hbm>>) dst(%dma_wait3A_80 : memref<80x64xf32, #tpu.memory_space<vmem>>)
    %dma_start3A_87 = arith.constant 1 : i32
    %dma_start3A_88 = arith.constant 0 : i32
    %dma_start3A_89 = arith.constant 0 : i32
    %dma_start3A_90 = tpu.memref_slice %arg6[%dma_start3A_87, %dma_start3A_88, %dma_start3A_89] : memref<5x80x64xf32, #tpu.memory_space<vmem>> -> memref<1x80x64xf32, #tpu.memory_space<vmem>>
    %dma_start3A_91 = tpu.memref_squeeze %dma_start3A_90 : memref<1x80x64xf32, #tpu.memory_space<vmem>> -> memref<80x64xf32, #tpu.memory_space<vmem>>
    %dma_start3A_92 = arith.constant 80 : i32
    %dma_start3A_93 = arith.constant 0 : i32
    %dma_start3A_94 = tpu.memref_slice %arg4[%arg1, %arg0, %dma_start3A_92, %dma_start3A_93] : memref<16x2x10000x64xf32, #tpu.memory_space<hbm>> -> memref<1x1x80x64xf32, #tpu.memory_space<hbm>>
    %dma_start3A_95 = tpu.memref_squeeze %dma_start3A_94 : memref<1x1x80x64xf32, #tpu.memory_space<hbm>> -> memref<80x64xf32, #tpu.memory_space<hbm>>
    %dma_start3A_96 = arith.constant 80 : i32
    %dma_start3A_97 = arith.constant 0 : i32
    %dma_start3A_98 = tpu.memref_slice %arg4[%arg1, %arg0, %dma_start3A_96, %dma_start3A_97] : memref<16x2x10000x64xf32, #tpu.memory_space<hbm>> -> memref<1x1x80x64xf32, #tpu.memory_space<hbm>>
    %dma_start3A_99 = tpu.memref_squeeze %dma_start3A_98 : memref<1x1x80x64xf32, #tpu.memory_space<hbm>> -> memref<80x64xf32, #tpu.memory_space<hbm>>
    %dma_start3A_100 = arith.constant 0 : i32
    %dma_start3A_101 = arith.constant 0 : i32
    %dma_start3A_102 = tpu.memref_slice %arg6[%dma_start3A_87, %dma_start3A_100, %dma_start3A_101] : memref<5x80x64xf32, #tpu.memory_space<vmem>> -> memref<1x80x64xf32, #tpu.memory_space<vmem>>
    %dma_start3A_103 = tpu.memref_squeeze %dma_start3A_102 : memref<1x80x64xf32, #tpu.memory_space<vmem>> -> memref<80x64xf32, #tpu.memory_space<vmem>>
    tpu.enqueue_dma source(%dma_start3A_103 : memref<80x64xf32, #tpu.memory_space<vmem>>) target(%dma_start3A_99 : memref<80x64xf32, #tpu.memory_space<hbm>>) target_semaphore(%arg8 : memref<!tpu.dma_semaphore, #tpu.memory_space<semaphore_mem>>)
    %dma_start3A_104 = arith.constant 4 : i32
    %dma_start3A_105 = arith.constant 4 : i32
    %dma_start3A_106 = arith.constant 0 : i32
    %dma_start3A_107 = arith.constant 0 : i32
    %dma_start3A_108 = tpu.memref_slice %arg6[%dma_start3A_105, %dma_start3A_106, %dma_start3A_107] : memref<5x80x64xf32, #tpu.memory_space<vmem>> -> memref<1x80x64xf32, #tpu.memory_space<vmem>>
    %dma_start3A_109 = tpu.memref_squeeze %dma_start3A_108 : memref<1x80x64xf32, #tpu.memory_space<vmem>> -> memref<80x64xf32, #tpu.memory_space<vmem>>
    %dma_start3A_110 = arith.constant 0 : i32
    %dma_start3A_111 = tpu.memref_slice %arg5[%dma_start3A_104, %dma_start3A_110] : memref<125x80xi32, #tpu.memory_space<vmem>> -> memref<1x80xi32, #tpu.memory_space<vmem>>
    %dma_start3A_112 = tpu.memref_squeeze %dma_start3A_111 : memref<1x80xi32, #tpu.memory_space<vmem>> -> memref<80xi32, #tpu.memory_space<vmem>>
    %dma_start3A_113 = arith.constant 0 : i32
    %dma_start3A_114 = arith.constant 0 : i32
    %dma_start3A_115 = tpu.memref_slice %arg2[%dma_start3A_113, %dma_start3A_114] : memref<40000x64xf32, #tpu.memory_space<hbm>> -> memref<40000x64xf32, #tpu.memory_space<hbm>>
    tpu.enqueue_indirect_dma source(%dma_start3A_115 : memref<40000x64xf32, #tpu.memory_space<hbm>>) target(%dma_start3A_109 : memref<80x64xf32, #tpu.memory_space<vmem>>) offsets(%dma_start3A_112 : memref<80xi32, #tpu.memory_space<vmem>>) semaphore(%arg7 : memref<!tpu.dma_semaphore, #tpu.memory_space<semaphore_mem>>)
    %dma_wait3A_116 = arith.constant 2 : i32
    %dma_wait3A_117 = arith.constant 2 : i32
    %dma_wait3A_118 = arith.constant 0 : i32
    %dma_wait3A_119 = arith.constant 0 : i32
    %dma_wait3A_120 = tpu.memref_slice %arg6[%dma_wait3A_117, %dma_wait3A_118, %dma_wait3A_119] : memref<5x80x64xf32, #tpu.memory_space<vmem>> -> memref<1x80x64xf32, #tpu.memory_space<vmem>>
    %dma_wait3A_121 = tpu.memref_squeeze %dma_wait3A_120 : memref<1x80x64xf32, #tpu.memory_space<vmem>> -> memref<80x64xf32, #tpu.memory_space<vmem>>
    %dma_wait3A_122 = arith.constant 0 : i32
    %dma_wait3A_123 = tpu.memref_slice %arg5[%dma_wait3A_116, %dma_wait3A_122] : memref<125x80xi32, #tpu.memory_space<vmem>> -> memref<1x80xi32, #tpu.memory_space<vmem>>
    %dma_wait3A_124 = tpu.memref_squeeze %dma_wait3A_123 : memref<1x80xi32, #tpu.memory_space<vmem>> -> memref<80xi32, #tpu.memory_space<vmem>>
    %dma_wait3A_125 = arith.constant 0 : i32
    %dma_wait3A_126 = arith.constant 0 : i32
    %dma_wait3A_127 = tpu.memref_slice %arg2[%dma_wait3A_125, %dma_wait3A_126] : memref<40000x64xf32, #tpu.memory_space<hbm>> -> memref<40000x64xf32, #tpu.memory_space<hbm>>
    tpu.wait_indirect_dma semaphore(%arg7 : memref<!tpu.dma_semaphore, #tpu.memory_space<semaphore_mem>>) src(%dma_wait3A_127 : memref<40000x64xf32, #tpu.memory_space<hbm>>) dst(%dma_wait3A_121 : memref<80x64xf32, #tpu.memory_space<vmem>>)
    %dma_start3A_128 = arith.constant 2 : i32
    %dma_start3A_129 = arith.constant 0 : i32
    %dma_start3A_130 = arith.constant 0 : i32
    %dma_start3A_131 = tpu.memref_slice %arg6[%dma_start3A_128, %dma_start3A_129, %dma_start3A_130] : memref<5x80x64xf32, #tpu.memory_space<vmem>> -> memref<1x80x64xf32, #tpu.memory_space<vmem>>
    %dma_start3A_132 = tpu.memref_squeeze %dma_start3A_131 : memref<1x80x64xf32, #tpu.memory_space<vmem>> -> memref<80x64xf32, #tpu.memory_space<vmem>>
    %dma_start3A_133 = arith.constant 160 : i32
    %dma_start3A_134 = arith.constant 0 : i32
    %dma_start3A_135 = tpu.memref_slice %arg4[%arg1, %arg0, %dma_start3A_133, %dma_start3A_134] : memref<16x2x10000x64xf32, #tpu.memory_space<hbm>> -> memref<1x1x80x64xf32, #tpu.memory_space<hbm>>
    %dma_start3A_136 = tpu.memref_squeeze %dma_start3A_135 : memref<1x1x80x64xf32, #tpu.memory_space<hbm>> -> memref<80x64xf32, #tpu.memory_space<hbm>>
    %dma_start3A_137 = arith.constant 160 : i32
    %dma_start3A_138 = arith.constant 0 : i32
    %dma_start3A_139 = tpu.memref_slice %arg4[%arg1, %arg0, %dma_start3A_137, %dma_start3A_138] : memref<16x2x10000x64xf32, #tpu.memory_space<hbm>> -> memref<1x1x80x64xf32, #tpu.memory_space<hbm>>
    %dma_start3A_140 = tpu.memref_squeeze %dma_start3A_139 : memref<1x1x80x64xf32, #tpu.memory_space<hbm>> -> memref<80x64xf32, #tpu.memory_space<hbm>>
    %dma_start3A_141 = arith.constant 0 : i32
    %dma_start3A_142 = arith.constant 0 : i32
    %dma_start3A_143 = tpu.memref_slice %arg6[%dma_start3A_128, %dma_start3A_141, %dma_start3A_142] : memref<5x80x64xf32, #tpu.memory_space<vmem>> -> memref<1x80x64xf32, #tpu.memory_space<vmem>>
    %dma_start3A_144 = tpu.memref_squeeze %dma_start3A_143 : memref<1x80x64xf32, #tpu.memory_space<vmem>> -> memref<80x64xf32, #tpu.memory_space<vmem>>
    tpu.enqueue_dma source(%dma_start3A_144 : memref<80x64xf32, #tpu.memory_space<vmem>>) target(%dma_start3A_140 : memref<80x64xf32, #tpu.memory_space<hbm>>) target_semaphore(%arg8 : memref<!tpu.dma_semaphore, #tpu.memory_space<semaphore_mem>>)
    %dma_wait3A_145 = arith.constant 0 : i32
    %dma_wait3A_146 = arith.constant 0 : i32
    %dma_wait3A_147 = arith.constant 0 : i32
    %dma_wait3A_148 = tpu.memref_slice %arg6[%dma_wait3A_145, %dma_wait3A_146, %dma_wait3A_147] : memref<5x80x64xf32, #tpu.memory_space<vmem>> -> memref<1x80x64xf32, #tpu.memory_space<vmem>>
    %dma_wait3A_149 = tpu.memref_squeeze %dma_wait3A_148 : memref<1x80x64xf32, #tpu.memory_space<vmem>> -> memref<80x64xf32, #tpu.memory_space<vmem>>
    %dma_wait3A_150 = arith.constant 0 : i32
    %dma_wait3A_151 = arith.constant 0 : i32
    %dma_wait3A_152 = tpu.memref_slice %arg4[%arg1, %arg0, %dma_wait3A_150, %dma_wait3A_151] : memref<16x2x10000x64xf32, #tpu.memory_space<hbm>> -> memref<1x1x80x64xf32, #tpu.memory_space<hbm>>
    %dma_wait3A_153 = tpu.memref_squeeze %dma_wait3A_152 : memref<1x1x80x64xf32, #tpu.memory_space<hbm>> -> memref<80x64xf32, #tpu.memory_space<hbm>>
    %dma_wait3A_154 = arith.constant 0 : i32
    %dma_wait3A_155 = arith.constant 0 : i32
    %dma_wait3A_156 = tpu.memref_slice %arg4[%arg1, %arg0, %dma_wait3A_154, %dma_wait3A_155] : memref<16x2x10000x64xf32, #tpu.memory_space<hbm>> -> memref<1x1x80x64xf32, #tpu.memory_space<hbm>>
    %dma_wait3A_157 = tpu.memref_squeeze %dma_wait3A_156 : memref<1x1x80x64xf32, #tpu.memory_space<hbm>> -> memref<80x64xf32, #tpu.memory_space<hbm>>
    %dma_wait3A_158 = arith.constant 0 : i32
    %dma_wait3A_159 = arith.constant 0 : i32
    %dma_wait3A_160 = tpu.memref_slice %arg6[%dma_wait3A_145, %dma_wait3A_158, %dma_wait3A_159] : memref<5x80x64xf32, #tpu.memory_space<vmem>> -> memref<1x80x64xf32, #tpu.memory_space<vmem>>
    %dma_wait3A_161 = tpu.memref_squeeze %dma_wait3A_160 : memref<1x80x64xf32, #tpu.memory_space<vmem>> -> memref<80x64xf32, #tpu.memory_space<vmem>>
    tpu.wait_dma2 semaphore(%arg8 : memref<!tpu.dma_semaphore, #tpu.memory_space<semaphore_mem>>) src(%dma_wait3A_161 : memref<80x64xf32, #tpu.memory_space<vmem>>) dst(%dma_wait3A_157 : memref<80x64xf32, #tpu.memory_space<hbm>>)
    %dma_start3A_162 = arith.constant 5 : i32
    %dma_start3A_163 = arith.constant 0 : i32
    %dma_start3A_164 = arith.constant 0 : i32
    %dma_start3A_165 = arith.constant 0 : i32
    %dma_start3A_166 = tpu.memref_slice %arg6[%dma_start3A_163, %dma_start3A_164, %dma_start3A_165] : memref<5x80x64xf32, #tpu.memory_space<vmem>> -> memref<1x80x64xf32, #tpu.memory_space<vmem>>
    %dma_start3A_167 = tpu.memref_squeeze %dma_start3A_166 : memref<1x80x64xf32, #tpu.memory_space<vmem>> -> memref<80x64xf32, #tpu.memory_space<vmem>>
    %dma_start3A_168 = arith.constant 0 : i32
    %dma_start3A_169 = tpu.memref_slice %arg5[%dma_start3A_162, %dma_start3A_168] : memref<125x80xi32, #tpu.memory_space<vmem>> -> memref<1x80xi32, #tpu.memory_space<vmem>>
    %dma_start3A_170 = tpu.memref_squeeze %dma_start3A_169 : memref<1x80xi32, #tpu.memory_space<vmem>> -> memref<80xi32, #tpu.memory_space<vmem>>
    %dma_start3A_171 = arith.constant 0 : i32
    %dma_start3A_172 = arith.constant 0 : i32
    %dma_start3A_173 = tpu.memref_slice %arg2[%dma_start3A_171, %dma_start3A_172] : memref<40000x64xf32, #tpu.memory_space<hbm>> -> memref<40000x64xf32, #tpu.memory_space<hbm>>
    tpu.enqueue_indirect_dma source(%dma_start3A_173 : memref<40000x64xf32, #tpu.memory_space<hbm>>) target(%dma_start3A_167 : memref<80x64xf32, #tpu.memory_space<vmem>>) offsets(%dma_start3A_170 : memref<80xi32, #tpu.memory_space<vmem>>) semaphore(%arg7 : memref<!tpu.dma_semaphore, #tpu.memory_space<semaphore_mem>>)
    %dma_wait3A_174 = arith.constant 3 : i32
    %dma_wait3A_175 = arith.constant 3 : i32
    %dma_wait3A_176 = arith.constant 0 : i32
    %dma_wait3A_177 = arith.constant 0 : i32
    %dma_wait3A_178 = tpu.memref_slice %arg6[%dma_wait3A_175, %dma_wait3A_176, %dma_wait3A_177] : memref<5x80x64xf32, #tpu.memory_space<vmem>> -> memref<1x80x64xf32, #tpu.memory_space<vmem>>
    %dma_wait3A_179 = tpu.memref_squeeze %dma_wait3A_178 : memref<1x80x64xf32, #tpu.memory_space<vmem>> -> memref<80x64xf32, #tpu.memory_space<vmem>>
    %dma_wait3A_180 = arith.constant 0 : i32
    %dma_wait3A_181 = tpu.memref_slice %arg5[%dma_wait3A_174, %dma_wait3A_180] : memref<125x80xi32, #tpu.memory_space<vmem>> -> memref<1x80xi32, #tpu.memory_space<vmem>>
    %dma_wait3A_182 = tpu.memref_squeeze %dma_wait3A_181 : memref<1x80xi32, #tpu.memory_space<vmem>> -> memref<80xi32, #tpu.memory_space<vmem>>
    %dma_wait3A_183 = arith.constant 0 : i32
    %dma_wait3A_184 = arith.constant 0 : i32
    %dma_wait3A_185 = tpu.memref_slice %arg2[%dma_wait3A_183, %dma_wait3A_184] : memref<40000x64xf32, #tpu.memory_space<hbm>> -> memref<40000x64xf32, #tpu.memory_space<hbm>>
    tpu.wait_indirect_dma semaphore(%arg7 : memref<!tpu.dma_semaphore, #tpu.memory_space<semaphore_mem>>) src(%dma_wait3A_185 : memref<40000x64xf32, #tpu.memory_space<hbm>>) dst(%dma_wait3A_179 : memref<80x64xf32, #tpu.memory_space<vmem>>)
    %dma_start3A_186 = arith.constant 3 : i32
    %dma_start3A_187 = arith.constant 0 : i32
    %dma_start3A_188 = arith.constant 0 : i32
    %dma_start3A_189 = tpu.memref_slice %arg6[%dma_start3A_186, %dma_start3A_187, %dma_start3A_188] : memref<5x80x64xf32, #tpu.memory_space<vmem>> -> memref<1x80x64xf32, #tpu.memory_space<vmem>>
    %dma_start3A_190 = tpu.memref_squeeze %dma_start3A_189 : memref<1x80x64xf32, #tpu.memory_space<vmem>> -> memref<80x64xf32, #tpu.memory_space<vmem>>
    %dma_start3A_191 = arith.constant 240 : i32
    %dma_start3A_192 = arith.constant 0 : i32
    %dma_start3A_193 = tpu.memref_slice %arg4[%arg1, %arg0, %dma_start3A_191, %dma_start3A_192] : memref<16x2x10000x64xf32, #tpu.memory_space<hbm>> -> memref<1x1x80x64xf32, #tpu.memory_space<hbm>>
    %dma_start3A_194 = tpu.memref_squeeze %dma_start3A_193 : memref<1x1x80x64xf32, #tpu.memory_space<hbm>> -> memref<80x64xf32, #tpu.memory_space<hbm>>
    %dma_start3A_195 = arith.constant 240 : i32
    %dma_start3A_196 = arith.constant 0 : i32
    %dma_start3A_197 = tpu.memref_slice %arg4[%arg1, %arg0, %dma_start3A_195, %dma_start3A_196] : memref<16x2x10000x64xf32, #tpu.memory_space<hbm>> -> memref<1x1x80x64xf32, #tpu.memory_space<hbm>>
    %dma_start3A_198 = tpu.memref_squeeze %dma_start3A_197 : memref<1x1x80x64xf32, #tpu.memory_space<hbm>> -> memref<80x64xf32, #tpu.memory_space<hbm>>
    %dma_start3A_199 = arith.constant 0 : i32
    %dma_start3A_200 = arith.constant 0 : i32
    %dma_start3A_201 = tpu.memref_slice %arg6[%dma_start3A_186, %dma_start3A_199, %dma_start3A_200] : memref<5x80x64xf32, #tpu.memory_space<vmem>> -> memref<1x80x64xf32, #tpu.memory_space<vmem>>
    %dma_start3A_202 = tpu.memref_squeeze %dma_start3A_201 : memref<1x80x64xf32, #tpu.memory_space<vmem>> -> memref<80x64xf32, #tpu.memory_space<vmem>>
    tpu.enqueue_dma source(%dma_start3A_202 : memref<80x64xf32, #tpu.memory_space<vmem>>) target(%dma_start3A_198 : memref<80x64xf32, #tpu.memory_space<hbm>>) target_semaphore(%arg8 : memref<!tpu.dma_semaphore, #tpu.memory_space<semaphore_mem>>)
    %dma_wait3A_203 = arith.constant 1 : i32
    %dma_wait3A_204 = arith.constant 0 : i32
    %dma_wait3A_205 = arith.constant 0 : i32
    %dma_wait3A_206 = tpu.memref_slice %arg6[%dma_wait3A_203, %dma_wait3A_204, %dma_wait3A_205] : memref<5x80x64xf32, #tpu.memory_space<vmem>> -> memref<1x80x64xf32, #tpu.memory_space<vmem>>
    %dma_wait3A_207 = tpu.memref_squeeze %dma_wait3A_206 : memref<1x80x64xf32, #tpu.memory_space<vmem>> -> memref<80x64xf32, #tpu.memory_space<vmem>>
    %dma_wait3A_208 = arith.constant 80 : i32
    %dma_wait3A_209 = arith.constant 0 : i32
    %dma_wait3A_210 = tpu.memref_slice %arg4[%arg1, %arg0, %dma_wait3A_208, %dma_wait3A_209] : memref<16x2x10000x64xf32, #tpu.memory_space<hbm>> -> memref<1x1x80x64xf32, #tpu.memory_space<hbm>>
    %dma_wait3A_211 = tpu.memref_squeeze %dma_wait3A_210 : memref<1x1x80x64xf32, #tpu.memory_space<hbm>> -> memref<80x64xf32, #tpu.memory_space<hbm>>
    %dma_wait3A_212 = arith.constant 80 : i32
    %dma_wait3A_213 = arith.constant 0 : i32
    %dma_wait3A_214 = tpu.memref_slice %arg4[%arg1, %arg0, %dma_wait3A_212, %dma_wait3A_213] : memref<16x2x10000x64xf32, #tpu.memory_space<hbm>> -> memref<1x1x80x64xf32, #tpu.memory_space<hbm>>
    %dma_wait3A_215 = tpu.memref_squeeze %dma_wait3A_214 : memref<1x1x80x64xf32, #tpu.memory_space<hbm>> -> memref<80x64xf32, #tpu.memory_space<hbm>>
    %dma_wait3A_216 = arith.constant 0 : i32
    %dma_wait3A_217 = arith.constant 0 : i32
    %dma_wait3A_218 = tpu.memref_slice %arg6[%dma_wait3A_203, %dma_wait3A_216, %dma_wait3A_217] : memref<5x80x64xf32, #tpu.memory_space<vmem>> -> memref<1x80x64xf32, #tpu.memory_space<vmem>>
    %dma_wait3A_219 = tpu.memref_squeeze %dma_wait3A_218 : memref<1x80x64xf32, #tpu.memory_space<vmem>> -> memref<80x64xf32, #tpu.memory_space<vmem>>
    tpu.wait_dma2 semaphore(%arg8 : memref<!tpu.dma_semaphore, #tpu.memory_space<semaphore_mem>>) src(%dma_wait3A_219 : memref<80x64xf32, #tpu.memory_space<vmem>>) dst(%dma_wait3A_215 : memref<80x64xf32, #tpu.memory_space<hbm>>)
    %dma_start3A_220 = arith.constant 6 : i32
    %dma_start3A_221 = arith.constant 1 : i32
    %dma_start3A_222 = arith.constant 0 : i32
    %dma_start3A_223 = arith.constant 0 : i32
    %dma_start3A_224 = tpu.memref_slice %arg6[%dma_start3A_221, %dma_start3A_222, %dma_start3A_223] : memref<5x80x64xf32, #tpu.memory_space<vmem>> -> memref<1x80x64xf32, #tpu.memory_space<vmem>>
    %dma_start3A_225 = tpu.memref_squeeze %dma_start3A_224 : memref<1x80x64xf32, #tpu.memory_space<vmem>> -> memref<80x64xf32, #tpu.memory_space<vmem>>
    %dma_start3A_226 = arith.constant 0 : i32
    %dma_start3A_227 = tpu.memref_slice %arg5[%dma_start3A_220, %dma_start3A_226] : memref<125x80xi32, #tpu.memory_space<vmem>> -> memref<1x80xi32, #tpu.memory_space<vmem>>
    %dma_start3A_228 = tpu.memref_squeeze %dma_start3A_227 : memref<1x80xi32, #tpu.memory_space<vmem>> -> memref<80xi32, #tpu.memory_space<vmem>>
    %dma_start3A_229 = arith.constant 0 : i32
    %dma_start3A_230 = arith.constant 0 : i32
    %dma_start3A_231 = tpu.memref_slice %arg2[%dma_start3A_229, %dma_start3A_230] : memref<40000x64xf32, #tpu.memory_space<hbm>> -> memref<40000x64xf32, #tpu.memory_space<hbm>>
    tpu.enqueue_indirect_dma source(%dma_start3A_231 : memref<40000x64xf32, #tpu.memory_space<hbm>>) target(%dma_start3A_225 : memref<80x64xf32, #tpu.memory_space<vmem>>) offsets(%dma_start3A_228 : memref<80xi32, #tpu.memory_space<vmem>>) semaphore(%arg7 : memref<!tpu.dma_semaphore, #tpu.memory_space<semaphore_mem>>)
    %dma_wait3A_232 = arith.constant 4 : i32
    %dma_wait3A_233 = arith.constant 4 : i32
    %dma_wait3A_234 = arith.constant 0 : i32
    %dma_wait3A_235 = arith.constant 0 : i32
    %dma_wait3A_236 = tpu.memref_slice %arg6[%dma_wait3A_233, %dma_wait3A_234, %dma_wait3A_235] : memref<5x80x64xf32, #tpu.memory_space<vmem>> -> memref<1x80x64xf32, #tpu.memory_space<vmem>>
    %dma_wait3A_237 = tpu.memref_squeeze %dma_wait3A_236 : memref<1x80x64xf32, #tpu.memory_space<vmem>> -> memref<80x64xf32, #tpu.memory_space<vmem>>
    %dma_wait3A_238 = arith.constant 0 : i32
    %dma_wait3A_239 = tpu.memref_slice %arg5[%dma_wait3A_232, %dma_wait3A_238] : memref<125x80xi32, #tpu.memory_space<vmem>> -> memref<1x80xi32, #tpu.memory_space<vmem>>
    %dma_wait3A_240 = tpu.memref_squeeze %dma_wait3A_239 : memref<1x80xi32, #tpu.memory_space<vmem>> -> memref<80xi32, #tpu.memory_space<vmem>>
    %dma_wait3A_241 = arith.constant 0 : i32
    %dma_wait3A_242 = arith.constant 0 : i32
    %dma_wait3A_243 = tpu.memref_slice %arg2[%dma_wait3A_241, %dma_wait3A_242] : memref<40000x64xf32, #tpu.memory_space<hbm>> -> memref<40000x64xf32, #tpu.memory_space<hbm>>
    tpu.wait_indirect_dma semaphore(%arg7 : memref<!tpu.dma_semaphore, #tpu.memory_space<semaphore_mem>>) src(%dma_wait3A_243 : memref<40000x64xf32, #tpu.memory_space<hbm>>) dst(%dma_wait3A_237 : memref<80x64xf32, #tpu.memory_space<vmem>>)
    %dma_start3A_244 = arith.constant 4 : i32
    %dma_start3A_245 = arith.constant 0 : i32
    %dma_start3A_246 = arith.constant 0 : i32
    %dma_start3A_247 = tpu.memref_slice %arg6[%dma_start3A_244, %dma_start3A_245, %dma_start3A_246] : memref<5x80x64xf32, #tpu.memory_space<vmem>> -> memref<1x80x64xf32, #tpu.memory_space<vmem>>
    %dma_start3A_248 = tpu.memref_squeeze %dma_start3A_247 : memref<1x80x64xf32, #tpu.memory_space<vmem>> -> memref<80x64xf32, #tpu.memory_space<vmem>>
    %dma_start3A_249 = arith.constant 320 : i32
    %dma_start3A_250 = arith.constant 0 : i32
    %dma_start3A_251 = tpu.memref_slice %arg4[%arg1, %arg0, %dma_start3A_249, %dma_start3A_250] : memref<16x2x10000x64xf32, #tpu.memory_space<hbm>> -> memref<1x1x80x64xf32, #tpu.memory_space<hbm>>
    %dma_start3A_252 = tpu.memref_squeeze %dma_start3A_251 : memref<1x1x80x64xf32, #tpu.memory_space<hbm>> -> memref<80x64xf32, #tpu.memory_space<hbm>>
    %dma_start3A_253 = arith.constant 320 : i32
    %dma_start3A_254 = arith.constant 0 : i32
    %dma_start3A_255 = tpu.memref_slice %arg4[%arg1, %arg0, %dma_start3A_253, %dma_start3A_254] : memref<16x2x10000x64xf32, #tpu.memory_space<hbm>> -> memref<1x1x80x64xf32, #tpu.memory_space<hbm>>
    %dma_start3A_256 = tpu.memref_squeeze %dma_start3A_255 : memref<1x1x80x64xf32, #tpu.memory_space<hbm>> -> memref<80x64xf32, #tpu.memory_space<hbm>>
    %dma_start3A_257 = arith.constant 0 : i32
    %dma_start3A_258 = arith.constant 0 : i32
    %dma_start3A_259 = tpu.memref_slice %arg6[%dma_start3A_244, %dma_start3A_257, %dma_start3A_258] : memref<5x80x64xf32, #tpu.memory_space<vmem>> -> memref<1x80x64xf32, #tpu.memory_space<vmem>>
    %dma_start3A_260 = tpu.memref_squeeze %dma_start3A_259 : memref<1x80x64xf32, #tpu.memory_space<vmem>> -> memref<80x64xf32, #tpu.memory_space<vmem>>
    tpu.enqueue_dma source(%dma_start3A_260 : memref<80x64xf32, #tpu.memory_space<vmem>>) target(%dma_start3A_256 : memref<80x64xf32, #tpu.memory_space<hbm>>) target_semaphore(%arg8 : memref<!tpu.dma_semaphore, #tpu.memory_space<semaphore_mem>>)
    %dma_wait3A_261 = arith.constant 2 : i32
    %dma_wait3A_262 = arith.constant 0 : i32
    %dma_wait3A_263 = arith.constant 0 : i32
    %dma_wait3A_264 = tpu.memref_slice %arg6[%dma_wait3A_261, %dma_wait3A_262, %dma_wait3A_263] : memref<5x80x64xf32, #tpu.memory_space<vmem>> -> memref<1x80x64xf32, #tpu.memory_space<vmem>>
    %dma_wait3A_265 = tpu.memref_squeeze %dma_wait3A_264 : memref<1x80x64xf32, #tpu.memory_space<vmem>> -> memref<80x64xf32, #tpu.memory_space<vmem>>
    %dma_wait3A_266 = arith.constant 160 : i32
    %dma_wait3A_267 = arith.constant 0 : i32
    %dma_wait3A_268 = tpu.memref_slice %arg4[%arg1, %arg0, %dma_wait3A_266, %dma_wait3A_267] : memref<16x2x10000x64xf32, #tpu.memory_space<hbm>> -> memref<1x1x80x64xf32, #tpu.memory_space<hbm>>
    %dma_wait3A_269 = tpu.memref_squeeze %dma_wait3A_268 : memref<1x1x80x64xf32, #tpu.memory_space<hbm>> -> memref<80x64xf32, #tpu.memory_space<hbm>>
    %dma_wait3A_270 = arith.constant 160 : i32
    %dma_wait3A_271 = arith.constant 0 : i32
    %dma_wait3A_272 = tpu.memref_slice %arg4[%arg1, %arg0, %dma_wait3A_270, %dma_wait3A_271] : memref<16x2x10000x64xf32, #tpu.memory_space<hbm>> -> memref<1x1x80x64xf32, #tpu.memory_space<hbm>>
    %dma_wait3A_273 = tpu.memref_squeeze %dma_wait3A_272 : memref<1x1x80x64xf32, #tpu.memory_space<hbm>> -> memref<80x64xf32, #tpu.memory_space<hbm>>
    %dma_wait3A_274 = arith.constant 0 : i32
    %dma_wait3A_275 = arith.constant 0 : i32
    %dma_wait3A_276 = tpu.memref_slice %arg6[%dma_wait3A_261, %dma_wait3A_274, %dma_wait3A_275] : memref<5x80x64xf32, #tpu.memory_space<vmem>> -> memref<1x80x64xf32, #tpu.memory_space<vmem>>
    %dma_wait3A_277 = tpu.memref_squeeze %dma_wait3A_276 : memref<1x80x64xf32, #tpu.memory_space<vmem>> -> memref<80x64xf32, #tpu.memory_space<vmem>>
    tpu.wait_dma2 semaphore(%arg8 : memref<!tpu.dma_semaphore, #tpu.memory_space<semaphore_mem>>) src(%dma_wait3A_277 : memref<80x64xf32, #tpu.memory_space<vmem>>) dst(%dma_wait3A_273 : memref<80x64xf32, #tpu.memory_space<hbm>>)
    %dma_start3A_278 = arith.constant 7 : i32
    %dma_start3A_279 = arith.constant 2 : i32
    %dma_start3A_280 = arith.constant 0 : i32
    %dma_start3A_281 = arith.constant 0 : i32
    %dma_start3A_282 = tpu.memref_slice %arg6[%dma_start3A_279, %dma_start3A_280, %dma_start3A_281] : memref<5x80x64xf32, #tpu.memory_space<vmem>> -> memref<1x80x64xf32, #tpu.memory_space<vmem>>
    %dma_start3A_283 = tpu.memref_squeeze %dma_start3A_282 : memref<1x80x64xf32, #tpu.memory_space<vmem>> -> memref<80x64xf32, #tpu.memory_space<vmem>>
    %dma_start3A_284 = arith.constant 0 : i32
    %dma_start3A_285 = tpu.memref_slice %arg5[%dma_start3A_278, %dma_start3A_284] : memref<125x80xi32, #tpu.memory_space<vmem>> -> memref<1x80xi32, #tpu.memory_space<vmem>>
    %dma_start3A_286 = tpu.memref_squeeze %dma_start3A_285 : memref<1x80xi32, #tpu.memory_space<vmem>> -> memref<80xi32, #tpu.memory_space<vmem>>
    %dma_start3A_287 = arith.constant 0 : i32
    %dma_start3A_288 = arith.constant 0 : i32
    %dma_start3A_289 = tpu.memref_slice %arg2[%dma_start3A_287, %dma_start3A_288] : memref<40000x64xf32, #tpu.memory_space<hbm>> -> memref<40000x64xf32, #tpu.memory_space<hbm>>
    tpu.enqueue_indirect_dma source(%dma_start3A_289 : memref<40000x64xf32, #tpu.memory_space<hbm>>) target(%dma_start3A_283 : memref<80x64xf32, #tpu.memory_space<vmem>>) offsets(%dma_start3A_286 : memref<80xi32, #tpu.memory_space<vmem>>) semaphore(%arg7 : memref<!tpu.dma_semaphore, #tpu.memory_space<semaphore_mem>>)
    %scan3A = arith.constant 0 : i32
    %scan3A_290 = arith.constant 1 : i32
    %scan3A_291 = arith.constant 23 : i32
    %scan3A_292 = arith.addi %scan3A_290, %scan3A_291 : i32
    %scan3A_293 = arith.constant 1 : i32
    scf.for %scan3A_583 = %scan3A_290 to %scan3A_292 step %scan3A_293  : i32 {
      %mul3A = arith.constant 5 : i32
      %mul3A_584 = arith.muli %scan3A_583, %mul3A : i32
      %add3A = arith.constant 0 : i32
      %add3A_585 = arith.addi %mul3A_584, %add3A : i32
      %dma_wait3A_586 = arith.constant 0 : i32
      %dma_wait3A_587 = arith.constant 0 : i32
      %dma_wait3A_588 = arith.constant 0 : i32
      %dma_wait3A_589 = tpu.memref_slice %arg6[%dma_wait3A_586, %dma_wait3A_587, %dma_wait3A_588] : memref<5x80x64xf32, #tpu.memory_space<vmem>> -> memref<1x80x64xf32, #tpu.memory_space<vmem>>
      %dma_wait3A_590 = tpu.memref_squeeze %dma_wait3A_589 : memref<1x80x64xf32, #tpu.memory_space<vmem>> -> memref<80x64xf32, #tpu.memory_space<vmem>>
      %dma_wait3A_591 = arith.constant 0 : i32
      %dma_wait3A_592 = tpu.memref_slice %arg5[%add3A_585, %dma_wait3A_591] : memref<125x80xi32, #tpu.memory_space<vmem>> -> memref<1x80xi32, #tpu.memory_space<vmem>>
      %dma_wait3A_593 = tpu.memref_squeeze %dma_wait3A_592 : memref<1x80xi32, #tpu.memory_space<vmem>> -> memref<80xi32, #tpu.memory_space<vmem>>
      %dma_wait3A_594 = arith.constant 0 : i32
      %dma_wait3A_595 = arith.constant 0 : i32
      %dma_wait3A_596 = tpu.memref_slice %arg2[%dma_wait3A_594, %dma_wait3A_595] : memref<40000x64xf32, #tpu.memory_space<hbm>> -> memref<40000x64xf32, #tpu.memory_space<hbm>>
      tpu.wait_indirect_dma semaphore(%arg7 : memref<!tpu.dma_semaphore, #tpu.memory_space<semaphore_mem>>) src(%dma_wait3A_596 : memref<40000x64xf32, #tpu.memory_space<hbm>>) dst(%dma_wait3A_590 : memref<80x64xf32, #tpu.memory_space<vmem>>)
      %mul3A_597 = arith.constant 80 : i32
      %mul3A_598 = arith.muli %add3A_585, %mul3A_597 : i32
      %dma_start3A_599 = arith.constant 0 : i32
      %dma_start3A_600 = arith.constant 0 : i32
      %dma_start3A_601 = arith.constant 0 : i32
      %dma_start3A_602 = tpu.memref_slice %arg6[%dma_start3A_599, %dma_start3A_600, %dma_start3A_601] : memref<5x80x64xf32, #tpu.memory_space<vmem>> -> memref<1x80x64xf32, #tpu.memory_space<vmem>>
      %dma_start3A_603 = tpu.memref_squeeze %dma_start3A_602 : memref<1x80x64xf32, #tpu.memory_space<vmem>> -> memref<80x64xf32, #tpu.memory_space<vmem>>
      %dma_start3A_604 = arith.constant 0 : i32
      %dma_start3A_605 = tpu.memref_slice %arg4[%arg1, %arg0, %mul3A_598, %dma_start3A_604] : memref<16x2x10000x64xf32, #tpu.memory_space<hbm>> -> memref<1x1x80x64xf32, #tpu.memory_space<hbm>>
      %dma_start3A_606 = tpu.memref_squeeze %dma_start3A_605 : memref<1x1x80x64xf32, #tpu.memory_space<hbm>> -> memref<80x64xf32, #tpu.memory_space<hbm>>
      %dma_start3A_607 = arith.constant 0 : i32
      %dma_start3A_608 = tpu.memref_slice %arg4[%arg1, %arg0, %mul3A_598, %dma_start3A_607] : memref<16x2x10000x64xf32, #tpu.memory_space<hbm>> -> memref<1x1x80x64xf32, #tpu.memory_space<hbm>>
      %dma_start3A_609 = tpu.memref_squeeze %dma_start3A_608 : memref<1x1x80x64xf32, #tpu.memory_space<hbm>> -> memref<80x64xf32, #tpu.memory_space<hbm>>
      %dma_start3A_610 = arith.constant 0 : i32
      %dma_start3A_611 = arith.constant 0 : i32
      %dma_start3A_612 = tpu.memref_slice %arg6[%dma_start3A_599, %dma_start3A_610, %dma_start3A_611] : memref<5x80x64xf32, #tpu.memory_space<vmem>> -> memref<1x80x64xf32, #tpu.memory_space<vmem>>
      %dma_start3A_613 = tpu.memref_squeeze %dma_start3A_612 : memref<1x80x64xf32, #tpu.memory_space<vmem>> -> memref<80x64xf32, #tpu.memory_space<vmem>>
      tpu.enqueue_dma source(%dma_start3A_613 : memref<80x64xf32, #tpu.memory_space<vmem>>) target(%dma_start3A_609 : memref<80x64xf32, #tpu.memory_space<hbm>>) target_semaphore(%arg8 : memref<!tpu.dma_semaphore, #tpu.memory_space<semaphore_mem>>)
      %add3A_614 = arith.constant 3 : i32
      %add3A_615 = arith.addi %add3A_585, %add3A_614 : i32
      %sub3A = arith.constant 5 : i32
      %sub3A_616 = arith.subi %add3A_615, %sub3A : i32
      %mul3A_617 = arith.constant 80 : i32
      %mul3A_618 = arith.muli %sub3A_616, %mul3A_617 : i32
      %dma_wait3A_619 = arith.constant 3 : i32
      %dma_wait3A_620 = arith.constant 0 : i32
      %dma_wait3A_621 = arith.constant 0 : i32
      %dma_wait3A_622 = tpu.memref_slice %arg6[%dma_wait3A_619, %dma_wait3A_620, %dma_wait3A_621] : memref<5x80x64xf32, #tpu.memory_space<vmem>> -> memref<1x80x64xf32, #tpu.memory_space<vmem>>
      %dma_wait3A_623 = tpu.memref_squeeze %dma_wait3A_622 : memref<1x80x64xf32, #tpu.memory_space<vmem>> -> memref<80x64xf32, #tpu.memory_space<vmem>>
      %dma_wait3A_624 = arith.constant 0 : i32
      %dma_wait3A_625 = tpu.memref_slice %arg4[%arg1, %arg0, %mul3A_618, %dma_wait3A_624] : memref<16x2x10000x64xf32, #tpu.memory_space<hbm>> -> memref<1x1x80x64xf32, #tpu.memory_space<hbm>>
      %dma_wait3A_626 = tpu.memref_squeeze %dma_wait3A_625 : memref<1x1x80x64xf32, #tpu.memory_space<hbm>> -> memref<80x64xf32, #tpu.memory_space<hbm>>
      %dma_wait3A_627 = arith.constant 0 : i32
      %dma_wait3A_628 = tpu.memref_slice %arg4[%arg1, %arg0, %mul3A_618, %dma_wait3A_627] : memref<16x2x10000x64xf32, #tpu.memory_space<hbm>> -> memref<1x1x80x64xf32, #tpu.memory_space<hbm>>
      %dma_wait3A_629 = tpu.memref_squeeze %dma_wait3A_628 : memref<1x1x80x64xf32, #tpu.memory_space<hbm>> -> memref<80x64xf32, #tpu.memory_space<hbm>>
      %dma_wait3A_630 = arith.constant 0 : i32
      %dma_wait3A_631 = arith.constant 0 : i32
      %dma_wait3A_632 = tpu.memref_slice %arg6[%dma_wait3A_619, %dma_wait3A_630, %dma_wait3A_631] : memref<5x80x64xf32, #tpu.memory_space<vmem>> -> memref<1x80x64xf32, #tpu.memory_space<vmem>>
      %dma_wait3A_633 = tpu.memref_squeeze %dma_wait3A_632 : memref<1x80x64xf32, #tpu.memory_space<vmem>> -> memref<80x64xf32, #tpu.memory_space<vmem>>
      tpu.wait_dma2 semaphore(%arg8 : memref<!tpu.dma_semaphore, #tpu.memory_space<semaphore_mem>>) src(%dma_wait3A_633 : memref<80x64xf32, #tpu.memory_space<vmem>>) dst(%dma_wait3A_629 : memref<80x64xf32, #tpu.memory_space<hbm>>)
      %add3A_634 = arith.constant 3 : i32
      %add3A_635 = arith.addi %add3A_585, %add3A_634 : i32
      %dma_start3A_636 = arith.constant 3 : i32
      %dma_start3A_637 = arith.constant 0 : i32
      %dma_start3A_638 = arith.constant 0 : i32
      %dma_start3A_639 = tpu.memref_slice %arg6[%dma_start3A_636, %dma_start3A_637, %dma_start3A_638] : memref<5x80x64xf32, #tpu.memory_space<vmem>> -> memref<1x80x64xf32, #tpu.memory_space<vmem>>
      %dma_start3A_640 = tpu.memref_squeeze %dma_start3A_639 : memref<1x80x64xf32, #tpu.memory_space<vmem>> -> memref<80x64xf32, #tpu.memory_space<vmem>>
      %dma_start3A_641 = arith.constant 0 : i32
      %dma_start3A_642 = tpu.memref_slice %arg5[%add3A_635, %dma_start3A_641] : memref<125x80xi32, #tpu.memory_space<vmem>> -> memref<1x80xi32, #tpu.memory_space<vmem>>
      %dma_start3A_643 = tpu.memref_squeeze %dma_start3A_642 : memref<1x80xi32, #tpu.memory_space<vmem>> -> memref<80xi32, #tpu.memory_space<vmem>>
      %dma_start3A_644 = arith.constant 0 : i32
      %dma_start3A_645 = arith.constant 0 : i32
      %dma_start3A_646 = tpu.memref_slice %arg2[%dma_start3A_644, %dma_start3A_645] : memref<40000x64xf32, #tpu.memory_space<hbm>> -> memref<40000x64xf32, #tpu.memory_space<hbm>>
      tpu.enqueue_indirect_dma source(%dma_start3A_646 : memref<40000x64xf32, #tpu.memory_space<hbm>>) target(%dma_start3A_640 : memref<80x64xf32, #tpu.memory_space<vmem>>) offsets(%dma_start3A_643 : memref<80xi32, #tpu.memory_space<vmem>>) semaphore(%arg7 : memref<!tpu.dma_semaphore, #tpu.memory_space<semaphore_mem>>)
      %add3A_647 = arith.constant 1 : i32
      %add3A_648 = arith.addi %mul3A_584, %add3A_647 : i32
      %dma_wait3A_649 = arith.constant 1 : i32
      %dma_wait3A_650 = arith.constant 0 : i32
      %dma_wait3A_651 = arith.constant 0 : i32
      %dma_wait3A_652 = tpu.memref_slice %arg6[%dma_wait3A_649, %dma_wait3A_650, %dma_wait3A_651] : memref<5x80x64xf32, #tpu.memory_space<vmem>> -> memref<1x80x64xf32, #tpu.memory_space<vmem>>
      %dma_wait3A_653 = tpu.memref_squeeze %dma_wait3A_652 : memref<1x80x64xf32, #tpu.memory_space<vmem>> -> memref<80x64xf32, #tpu.memory_space<vmem>>
      %dma_wait3A_654 = arith.constant 0 : i32
      %dma_wait3A_655 = tpu.memref_slice %arg5[%add3A_648, %dma_wait3A_654] : memref<125x80xi32, #tpu.memory_space<vmem>> -> memref<1x80xi32, #tpu.memory_space<vmem>>
      %dma_wait3A_656 = tpu.memref_squeeze %dma_wait3A_655 : memref<1x80xi32, #tpu.memory_space<vmem>> -> memref<80xi32, #tpu.memory_space<vmem>>
      %dma_wait3A_657 = arith.constant 0 : i32
      %dma_wait3A_658 = arith.constant 0 : i32
      %dma_wait3A_659 = tpu.memref_slice %arg2[%dma_wait3A_657, %dma_wait3A_658] : memref<40000x64xf32, #tpu.memory_space<hbm>> -> memref<40000x64xf32, #tpu.memory_space<hbm>>
      tpu.wait_indirect_dma semaphore(%arg7 : memref<!tpu.dma_semaphore, #tpu.memory_space<semaphore_mem>>) src(%dma_wait3A_659 : memref<40000x64xf32, #tpu.memory_space<hbm>>) dst(%dma_wait3A_653 : memref<80x64xf32, #tpu.memory_space<vmem>>)
      %mul3A_660 = arith.constant 80 : i32
      %mul3A_661 = arith.muli %add3A_648, %mul3A_660 : i32
      %dma_start3A_662 = arith.constant 1 : i32
      %dma_start3A_663 = arith.constant 0 : i32
      %dma_start3A_664 = arith.constant 0 : i32
      %dma_start3A_665 = tpu.memref_slice %arg6[%dma_start3A_662, %dma_start3A_663, %dma_start3A_664] : memref<5x80x64xf32, #tpu.memory_space<vmem>> -> memref<1x80x64xf32, #tpu.memory_space<vmem>>
      %dma_start3A_666 = tpu.memref_squeeze %dma_start3A_665 : memref<1x80x64xf32, #tpu.memory_space<vmem>> -> memref<80x64xf32, #tpu.memory_space<vmem>>
      %dma_start3A_667 = arith.constant 0 : i32
      %dma_start3A_668 = tpu.memref_slice %arg4[%arg1, %arg0, %mul3A_661, %dma_start3A_667] : memref<16x2x10000x64xf32, #tpu.memory_space<hbm>> -> memref<1x1x80x64xf32, #tpu.memory_space<hbm>>
      %dma_start3A_669 = tpu.memref_squeeze %dma_start3A_668 : memref<1x1x80x64xf32, #tpu.memory_space<hbm>> -> memref<80x64xf32, #tpu.memory_space<hbm>>
      %dma_start3A_670 = arith.constant 0 : i32
      %dma_start3A_671 = tpu.memref_slice %arg4[%arg1, %arg0, %mul3A_661, %dma_start3A_670] : memref<16x2x10000x64xf32, #tpu.memory_space<hbm>> -> memref<1x1x80x64xf32, #tpu.memory_space<hbm>>
      %dma_start3A_672 = tpu.memref_squeeze %dma_start3A_671 : memref<1x1x80x64xf32, #tpu.memory_space<hbm>> -> memref<80x64xf32, #tpu.memory_space<hbm>>
      %dma_start3A_673 = arith.constant 0 : i32
      %dma_start3A_674 = arith.constant 0 : i32
      %dma_start3A_675 = tpu.memref_slice %arg6[%dma_start3A_662, %dma_start3A_673, %dma_start3A_674] : memref<5x80x64xf32, #tpu.memory_space<vmem>> -> memref<1x80x64xf32, #tpu.memory_space<vmem>>
      %dma_start3A_676 = tpu.memref_squeeze %dma_start3A_675 : memref<1x80x64xf32, #tpu.memory_space<vmem>> -> memref<80x64xf32, #tpu.memory_space<vmem>>
      tpu.enqueue_dma source(%dma_start3A_676 : memref<80x64xf32, #tpu.memory_space<vmem>>) target(%dma_start3A_672 : memref<80x64xf32, #tpu.memory_space<hbm>>) target_semaphore(%arg8 : memref<!tpu.dma_semaphore, #tpu.memory_space<semaphore_mem>>)
      %add3A_677 = arith.constant 3 : i32
      %add3A_678 = arith.addi %add3A_648, %add3A_677 : i32
      %sub3A_679 = arith.constant 5 : i32
      %sub3A_680 = arith.subi %add3A_678, %sub3A_679 : i32
      %mul3A_681 = arith.constant 80 : i32
      %mul3A_682 = arith.muli %sub3A_680, %mul3A_681 : i32
      %dma_wait3A_683 = arith.constant 4 : i32
      %dma_wait3A_684 = arith.constant 0 : i32
      %dma_wait3A_685 = arith.constant 0 : i32
      %dma_wait3A_686 = tpu.memref_slice %arg6[%dma_wait3A_683, %dma_wait3A_684, %dma_wait3A_685] : memref<5x80x64xf32, #tpu.memory_space<vmem>> -> memref<1x80x64xf32, #tpu.memory_space<vmem>>
      %dma_wait3A_687 = tpu.memref_squeeze %dma_wait3A_686 : memref<1x80x64xf32, #tpu.memory_space<vmem>> -> memref<80x64xf32, #tpu.memory_space<vmem>>
      %dma_wait3A_688 = arith.constant 0 : i32
      %dma_wait3A_689 = tpu.memref_slice %arg4[%arg1, %arg0, %mul3A_682, %dma_wait3A_688] : memref<16x2x10000x64xf32, #tpu.memory_space<hbm>> -> memref<1x1x80x64xf32, #tpu.memory_space<hbm>>
      %dma_wait3A_690 = tpu.memref_squeeze %dma_wait3A_689 : memref<1x1x80x64xf32, #tpu.memory_space<hbm>> -> memref<80x64xf32, #tpu.memory_space<hbm>>
      %dma_wait3A_691 = arith.constant 0 : i32
      %dma_wait3A_692 = tpu.memref_slice %arg4[%arg1, %arg0, %mul3A_682, %dma_wait3A_691] : memref<16x2x10000x64xf32, #tpu.memory_space<hbm>> -> memref<1x1x80x64xf32, #tpu.memory_space<hbm>>
      %dma_wait3A_693 = tpu.memref_squeeze %dma_wait3A_692 : memref<1x1x80x64xf32, #tpu.memory_space<hbm>> -> memref<80x64xf32, #tpu.memory_space<hbm>>
      %dma_wait3A_694 = arith.constant 0 : i32
      %dma_wait3A_695 = arith.constant 0 : i32
      %dma_wait3A_696 = tpu.memref_slice %arg6[%dma_wait3A_683, %dma_wait3A_694, %dma_wait3A_695] : memref<5x80x64xf32, #tpu.memory_space<vmem>> -> memref<1x80x64xf32, #tpu.memory_space<vmem>>
      %dma_wait3A_697 = tpu.memref_squeeze %dma_wait3A_696 : memref<1x80x64xf32, #tpu.memory_space<vmem>> -> memref<80x64xf32, #tpu.memory_space<vmem>>
      tpu.wait_dma2 semaphore(%arg8 : memref<!tpu.dma_semaphore, #tpu.memory_space<semaphore_mem>>) src(%dma_wait3A_697 : memref<80x64xf32, #tpu.memory_space<vmem>>) dst(%dma_wait3A_693 : memref<80x64xf32, #tpu.memory_space<hbm>>)
      %add3A_698 = arith.constant 3 : i32
      %add3A_699 = arith.addi %add3A_648, %add3A_698 : i32
      %dma_start3A_700 = arith.constant 4 : i32
      %dma_start3A_701 = arith.constant 0 : i32
      %dma_start3A_702 = arith.constant 0 : i32
      %dma_start3A_703 = tpu.memref_slice %arg6[%dma_start3A_700, %dma_start3A_701, %dma_start3A_702] : memref<5x80x64xf32, #tpu.memory_space<vmem>> -> memref<1x80x64xf32, #tpu.memory_space<vmem>>
      %dma_start3A_704 = tpu.memref_squeeze %dma_start3A_703 : memref<1x80x64xf32, #tpu.memory_space<vmem>> -> memref<80x64xf32, #tpu.memory_space<vmem>>
      %dma_start3A_705 = arith.constant 0 : i32
      %dma_start3A_706 = tpu.memref_slice %arg5[%add3A_699, %dma_start3A_705] : memref<125x80xi32, #tpu.memory_space<vmem>> -> memref<1x80xi32, #tpu.memory_space<vmem>>
      %dma_start3A_707 = tpu.memref_squeeze %dma_start3A_706 : memref<1x80xi32, #tpu.memory_space<vmem>> -> memref<80xi32, #tpu.memory_space<vmem>>
      %dma_start3A_708 = arith.constant 0 : i32
      %dma_start3A_709 = arith.constant 0 : i32
      %dma_start3A_710 = tpu.memref_slice %arg2[%dma_start3A_708, %dma_start3A_709] : memref<40000x64xf32, #tpu.memory_space<hbm>> -> memref<40000x64xf32, #tpu.memory_space<hbm>>
      tpu.enqueue_indirect_dma source(%dma_start3A_710 : memref<40000x64xf32, #tpu.memory_space<hbm>>) target(%dma_start3A_704 : memref<80x64xf32, #tpu.memory_space<vmem>>) offsets(%dma_start3A_707 : memref<80xi32, #tpu.memory_space<vmem>>) semaphore(%arg7 : memref<!tpu.dma_semaphore, #tpu.memory_space<semaphore_mem>>)
      %add3A_711 = arith.constant 2 : i32
      %add3A_712 = arith.addi %mul3A_584, %add3A_711 : i32
      %dma_wait3A_713 = arith.constant 2 : i32
      %dma_wait3A_714 = arith.constant 0 : i32
      %dma_wait3A_715 = arith.constant 0 : i32
      %dma_wait3A_716 = tpu.memref_slice %arg6[%dma_wait3A_713, %dma_wait3A_714, %dma_wait3A_715] : memref<5x80x64xf32, #tpu.memory_space<vmem>> -> memref<1x80x64xf32, #tpu.memory_space<vmem>>
      %dma_wait3A_717 = tpu.memref_squeeze %dma_wait3A_716 : memref<1x80x64xf32, #tpu.memory_space<vmem>> -> memref<80x64xf32, #tpu.memory_space<vmem>>
      %dma_wait3A_718 = arith.constant 0 : i32
      %dma_wait3A_719 = tpu.memref_slice %arg5[%add3A_712, %dma_wait3A_718] : memref<125x80xi32, #tpu.memory_space<vmem>> -> memref<1x80xi32, #tpu.memory_space<vmem>>
      %dma_wait3A_720 = tpu.memref_squeeze %dma_wait3A_719 : memref<1x80xi32, #tpu.memory_space<vmem>> -> memref<80xi32, #tpu.memory_space<vmem>>
      %dma_wait3A_721 = arith.constant 0 : i32
      %dma_wait3A_722 = arith.constant 0 : i32
      %dma_wait3A_723 = tpu.memref_slice %arg2[%dma_wait3A_721, %dma_wait3A_722] : memref<40000x64xf32, #tpu.memory_space<hbm>> -> memref<40000x64xf32, #tpu.memory_space<hbm>>
      tpu.wait_indirect_dma semaphore(%arg7 : memref<!tpu.dma_semaphore, #tpu.memory_space<semaphore_mem>>) src(%dma_wait3A_723 : memref<40000x64xf32, #tpu.memory_space<hbm>>) dst(%dma_wait3A_717 : memref<80x64xf32, #tpu.memory_space<vmem>>)
      %mul3A_724 = arith.constant 80 : i32
      %mul3A_725 = arith.muli %add3A_712, %mul3A_724 : i32
      %dma_start3A_726 = arith.constant 2 : i32
      %dma_start3A_727 = arith.constant 0 : i32
      %dma_start3A_728 = arith.constant 0 : i32
      %dma_start3A_729 = tpu.memref_slice %arg6[%dma_start3A_726, %dma_start3A_727, %dma_start3A_728] : memref<5x80x64xf32, #tpu.memory_space<vmem>> -> memref<1x80x64xf32, #tpu.memory_space<vmem>>
      %dma_start3A_730 = tpu.memref_squeeze %dma_start3A_729 : memref<1x80x64xf32, #tpu.memory_space<vmem>> -> memref<80x64xf32, #tpu.memory_space<vmem>>
      %dma_start3A_731 = arith.constant 0 : i32
      %dma_start3A_732 = tpu.memref_slice %arg4[%arg1, %arg0, %mul3A_725, %dma_start3A_731] : memref<16x2x10000x64xf32, #tpu.memory_space<hbm>> -> memref<1x1x80x64xf32, #tpu.memory_space<hbm>>
      %dma_start3A_733 = tpu.memref_squeeze %dma_start3A_732 : memref<1x1x80x64xf32, #tpu.memory_space<hbm>> -> memref<80x64xf32, #tpu.memory_space<hbm>>
      %dma_start3A_734 = arith.constant 0 : i32
      %dma_start3A_735 = tpu.memref_slice %arg4[%arg1, %arg0, %mul3A_725, %dma_start3A_734] : memref<16x2x10000x64xf32, #tpu.memory_space<hbm>> -> memref<1x1x80x64xf32, #tpu.memory_space<hbm>>
      %dma_start3A_736 = tpu.memref_squeeze %dma_start3A_735 : memref<1x1x80x64xf32, #tpu.memory_space<hbm>> -> memref<80x64xf32, #tpu.memory_space<hbm>>
      %dma_start3A_737 = arith.constant 0 : i32
      %dma_start3A_738 = arith.constant 0 : i32
      %dma_start3A_739 = tpu.memref_slice %arg6[%dma_start3A_726, %dma_start3A_737, %dma_start3A_738] : memref<5x80x64xf32, #tpu.memory_space<vmem>> -> memref<1x80x64xf32, #tpu.memory_space<vmem>>
      %dma_start3A_740 = tpu.memref_squeeze %dma_start3A_739 : memref<1x80x64xf32, #tpu.memory_space<vmem>> -> memref<80x64xf32, #tpu.memory_space<vmem>>
      tpu.enqueue_dma source(%dma_start3A_740 : memref<80x64xf32, #tpu.memory_space<vmem>>) target(%dma_start3A_736 : memref<80x64xf32, #tpu.memory_space<hbm>>) target_semaphore(%arg8 : memref<!tpu.dma_semaphore, #tpu.memory_space<semaphore_mem>>)
      %add3A_741 = arith.constant 3 : i32
      %add3A_742 = arith.addi %add3A_712, %add3A_741 : i32
      %sub3A_743 = arith.constant 5 : i32
      %sub3A_744 = arith.subi %add3A_742, %sub3A_743 : i32
      %mul3A_745 = arith.constant 80 : i32
      %mul3A_746 = arith.muli %sub3A_744, %mul3A_745 : i32
      %dma_wait3A_747 = arith.constant 0 : i32
      %dma_wait3A_748 = arith.constant 0 : i32
      %dma_wait3A_749 = arith.constant 0 : i32
      %dma_wait3A_750 = tpu.memref_slice %arg6[%dma_wait3A_747, %dma_wait3A_748, %dma_wait3A_749] : memref<5x80x64xf32, #tpu.memory_space<vmem>> -> memref<1x80x64xf32, #tpu.memory_space<vmem>>
      %dma_wait3A_751 = tpu.memref_squeeze %dma_wait3A_750 : memref<1x80x64xf32, #tpu.memory_space<vmem>> -> memref<80x64xf32, #tpu.memory_space<vmem>>
      %dma_wait3A_752 = arith.constant 0 : i32
      %dma_wait3A_753 = tpu.memref_slice %arg4[%arg1, %arg0, %mul3A_746, %dma_wait3A_752] : memref<16x2x10000x64xf32, #tpu.memory_space<hbm>> -> memref<1x1x80x64xf32, #tpu.memory_space<hbm>>
      %dma_wait3A_754 = tpu.memref_squeeze %dma_wait3A_753 : memref<1x1x80x64xf32, #tpu.memory_space<hbm>> -> memref<80x64xf32, #tpu.memory_space<hbm>>
      %dma_wait3A_755 = arith.constant 0 : i32
      %dma_wait3A_756 = tpu.memref_slice %arg4[%arg1, %arg0, %mul3A_746, %dma_wait3A_755] : memref<16x2x10000x64xf32, #tpu.memory_space<hbm>> -> memref<1x1x80x64xf32, #tpu.memory_space<hbm>>
      %dma_wait3A_757 = tpu.memref_squeeze %dma_wait3A_756 : memref<1x1x80x64xf32, #tpu.memory_space<hbm>> -> memref<80x64xf32, #tpu.memory_space<hbm>>
      %dma_wait3A_758 = arith.constant 0 : i32
      %dma_wait3A_759 = arith.constant 0 : i32
      %dma_wait3A_760 = tpu.memref_slice %arg6[%dma_wait3A_747, %dma_wait3A_758, %dma_wait3A_759] : memref<5x80x64xf32, #tpu.memory_space<vmem>> -> memref<1x80x64xf32, #tpu.memory_space<vmem>>
      %dma_wait3A_761 = tpu.memref_squeeze %dma_wait3A_760 : memref<1x80x64xf32, #tpu.memory_space<vmem>> -> memref<80x64xf32, #tpu.memory_space<vmem>>
      tpu.wait_dma2 semaphore(%arg8 : memref<!tpu.dma_semaphore, #tpu.memory_space<semaphore_mem>>) src(%dma_wait3A_761 : memref<80x64xf32, #tpu.memory_space<vmem>>) dst(%dma_wait3A_757 : memref<80x64xf32, #tpu.memory_space<hbm>>)
      %add3A_762 = arith.constant 3 : i32
      %add3A_763 = arith.addi %add3A_712, %add3A_762 : i32
      %dma_start3A_764 = arith.constant 0 : i32
      %dma_start3A_765 = arith.constant 0 : i32
      %dma_start3A_766 = arith.constant 0 : i32
      %dma_start3A_767 = tpu.memref_slice %arg6[%dma_start3A_764, %dma_start3A_765, %dma_start3A_766] : memref<5x80x64xf32, #tpu.memory_space<vmem>> -> memref<1x80x64xf32, #tpu.memory_space<vmem>>
      %dma_start3A_768 = tpu.memref_squeeze %dma_start3A_767 : memref<1x80x64xf32, #tpu.memory_space<vmem>> -> memref<80x64xf32, #tpu.memory_space<vmem>>
      %dma_start3A_769 = arith.constant 0 : i32
      %dma_start3A_770 = tpu.memref_slice %arg5[%add3A_763, %dma_start3A_769] : memref<125x80xi32, #tpu.memory_space<vmem>> -> memref<1x80xi32, #tpu.memory_space<vmem>>
      %dma_start3A_771 = tpu.memref_squeeze %dma_start3A_770 : memref<1x80xi32, #tpu.memory_space<vmem>> -> memref<80xi32, #tpu.memory_space<vmem>>
      %dma_start3A_772 = arith.constant 0 : i32
      %dma_start3A_773 = arith.constant 0 : i32
      %dma_start3A_774 = tpu.memref_slice %arg2[%dma_start3A_772, %dma_start3A_773] : memref<40000x64xf32, #tpu.memory_space<hbm>> -> memref<40000x64xf32, #tpu.memory_space<hbm>>
      tpu.enqueue_indirect_dma source(%dma_start3A_774 : memref<40000x64xf32, #tpu.memory_space<hbm>>) target(%dma_start3A_768 : memref<80x64xf32, #tpu.memory_space<vmem>>) offsets(%dma_start3A_771 : memref<80xi32, #tpu.memory_space<vmem>>) semaphore(%arg7 : memref<!tpu.dma_semaphore, #tpu.memory_space<semaphore_mem>>)
      %add3A_775 = arith.constant 3 : i32
      %add3A_776 = arith.addi %mul3A_584, %add3A_775 : i32
      %dma_wait3A_777 = arith.constant 3 : i32
      %dma_wait3A_778 = arith.constant 0 : i32
      %dma_wait3A_779 = arith.constant 0 : i32
      %dma_wait3A_780 = tpu.memref_slice %arg6[%dma_wait3A_777, %dma_wait3A_778, %dma_wait3A_779] : memref<5x80x64xf32, #tpu.memory_space<vmem>> -> memref<1x80x64xf32, #tpu.memory_space<vmem>>
      %dma_wait3A_781 = tpu.memref_squeeze %dma_wait3A_780 : memref<1x80x64xf32, #tpu.memory_space<vmem>> -> memref<80x64xf32, #tpu.memory_space<vmem>>
      %dma_wait3A_782 = arith.constant 0 : i32
      %dma_wait3A_783 = tpu.memref_slice %arg5[%add3A_776, %dma_wait3A_782] : memref<125x80xi32, #tpu.memory_space<vmem>> -> memref<1x80xi32, #tpu.memory_space<vmem>>
      %dma_wait3A_784 = tpu.memref_squeeze %dma_wait3A_783 : memref<1x80xi32, #tpu.memory_space<vmem>> -> memref<80xi32, #tpu.memory_space<vmem>>
      %dma_wait3A_785 = arith.constant 0 : i32
      %dma_wait3A_786 = arith.constant 0 : i32
      %dma_wait3A_787 = tpu.memref_slice %arg2[%dma_wait3A_785, %dma_wait3A_786] : memref<40000x64xf32, #tpu.memory_space<hbm>> -> memref<40000x64xf32, #tpu.memory_space<hbm>>
      tpu.wait_indirect_dma semaphore(%arg7 : memref<!tpu.dma_semaphore, #tpu.memory_space<semaphore_mem>>) src(%dma_wait3A_787 : memref<40000x64xf32, #tpu.memory_space<hbm>>) dst(%dma_wait3A_781 : memref<80x64xf32, #tpu.memory_space<vmem>>)
      %mul3A_788 = arith.constant 80 : i32
      %mul3A_789 = arith.muli %add3A_776, %mul3A_788 : i32
      %dma_start3A_790 = arith.constant 3 : i32
      %dma_start3A_791 = arith.constant 0 : i32
      %dma_start3A_792 = arith.constant 0 : i32
      %dma_start3A_793 = tpu.memref_slice %arg6[%dma_start3A_790, %dma_start3A_791, %dma_start3A_792] : memref<5x80x64xf32, #tpu.memory_space<vmem>> -> memref<1x80x64xf32, #tpu.memory_space<vmem>>
      %dma_start3A_794 = tpu.memref_squeeze %dma_start3A_793 : memref<1x80x64xf32, #tpu.memory_space<vmem>> -> memref<80x64xf32, #tpu.memory_space<vmem>>
      %dma_start3A_795 = arith.constant 0 : i32
      %dma_start3A_796 = tpu.memref_slice %arg4[%arg1, %arg0, %mul3A_789, %dma_start3A_795] : memref<16x2x10000x64xf32, #tpu.memory_space<hbm>> -> memref<1x1x80x64xf32, #tpu.memory_space<hbm>>
      %dma_start3A_797 = tpu.memref_squeeze %dma_start3A_796 : memref<1x1x80x64xf32, #tpu.memory_space<hbm>> -> memref<80x64xf32, #tpu.memory_space<hbm>>
      %dma_start3A_798 = arith.constant 0 : i32
      %dma_start3A_799 = tpu.memref_slice %arg4[%arg1, %arg0, %mul3A_789, %dma_start3A_798] : memref<16x2x10000x64xf32, #tpu.memory_space<hbm>> -> memref<1x1x80x64xf32, #tpu.memory_space<hbm>>
      %dma_start3A_800 = tpu.memref_squeeze %dma_start3A_799 : memref<1x1x80x64xf32, #tpu.memory_space<hbm>> -> memref<80x64xf32, #tpu.memory_space<hbm>>
      %dma_start3A_801 = arith.constant 0 : i32
      %dma_start3A_802 = arith.constant 0 : i32
      %dma_start3A_803 = tpu.memref_slice %arg6[%dma_start3A_790, %dma_start3A_801, %dma_start3A_802] : memref<5x80x64xf32, #tpu.memory_space<vmem>> -> memref<1x80x64xf32, #tpu.memory_space<vmem>>
      %dma_start3A_804 = tpu.memref_squeeze %dma_start3A_803 : memref<1x80x64xf32, #tpu.memory_space<vmem>> -> memref<80x64xf32, #tpu.memory_space<vmem>>
      tpu.enqueue_dma source(%dma_start3A_804 : memref<80x64xf32, #tpu.memory_space<vmem>>) target(%dma_start3A_800 : memref<80x64xf32, #tpu.memory_space<hbm>>) target_semaphore(%arg8 : memref<!tpu.dma_semaphore, #tpu.memory_space<semaphore_mem>>)
      %add3A_805 = arith.constant 3 : i32
      %add3A_806 = arith.addi %add3A_776, %add3A_805 : i32
      %sub3A_807 = arith.constant 5 : i32
      %sub3A_808 = arith.subi %add3A_806, %sub3A_807 : i32
      %mul3A_809 = arith.constant 80 : i32
      %mul3A_810 = arith.muli %sub3A_808, %mul3A_809 : i32
      %dma_wait3A_811 = arith.constant 1 : i32
      %dma_wait3A_812 = arith.constant 0 : i32
      %dma_wait3A_813 = arith.constant 0 : i32
      %dma_wait3A_814 = tpu.memref_slice %arg6[%dma_wait3A_811, %dma_wait3A_812, %dma_wait3A_813] : memref<5x80x64xf32, #tpu.memory_space<vmem>> -> memref<1x80x64xf32, #tpu.memory_space<vmem>>
      %dma_wait3A_815 = tpu.memref_squeeze %dma_wait3A_814 : memref<1x80x64xf32, #tpu.memory_space<vmem>> -> memref<80x64xf32, #tpu.memory_space<vmem>>
      %dma_wait3A_816 = arith.constant 0 : i32
      %dma_wait3A_817 = tpu.memref_slice %arg4[%arg1, %arg0, %mul3A_810, %dma_wait3A_816] : memref<16x2x10000x64xf32, #tpu.memory_space<hbm>> -> memref<1x1x80x64xf32, #tpu.memory_space<hbm>>
      %dma_wait3A_818 = tpu.memref_squeeze %dma_wait3A_817 : memref<1x1x80x64xf32, #tpu.memory_space<hbm>> -> memref<80x64xf32, #tpu.memory_space<hbm>>
      %dma_wait3A_819 = arith.constant 0 : i32
      %dma_wait3A_820 = tpu.memref_slice %arg4[%arg1, %arg0, %mul3A_810, %dma_wait3A_819] : memref<16x2x10000x64xf32, #tpu.memory_space<hbm>> -> memref<1x1x80x64xf32, #tpu.memory_space<hbm>>
      %dma_wait3A_821 = tpu.memref_squeeze %dma_wait3A_820 : memref<1x1x80x64xf32, #tpu.memory_space<hbm>> -> memref<80x64xf32, #tpu.memory_space<hbm>>
      %dma_wait3A_822 = arith.constant 0 : i32
      %dma_wait3A_823 = arith.constant 0 : i32
      %dma_wait3A_824 = tpu.memref_slice %arg6[%dma_wait3A_811, %dma_wait3A_822, %dma_wait3A_823] : memref<5x80x64xf32, #tpu.memory_space<vmem>> -> memref<1x80x64xf32, #tpu.memory_space<vmem>>
      %dma_wait3A_825 = tpu.memref_squeeze %dma_wait3A_824 : memref<1x80x64xf32, #tpu.memory_space<vmem>> -> memref<80x64xf32, #tpu.memory_space<vmem>>
      tpu.wait_dma2 semaphore(%arg8 : memref<!tpu.dma_semaphore, #tpu.memory_space<semaphore_mem>>) src(%dma_wait3A_825 : memref<80x64xf32, #tpu.memory_space<vmem>>) dst(%dma_wait3A_821 : memref<80x64xf32, #tpu.memory_space<hbm>>)
      %add3A_826 = arith.constant 3 : i32
      %add3A_827 = arith.addi %add3A_776, %add3A_826 : i32
      %dma_start3A_828 = arith.constant 1 : i32
      %dma_start3A_829 = arith.constant 0 : i32
      %dma_start3A_830 = arith.constant 0 : i32
      %dma_start3A_831 = tpu.memref_slice %arg6[%dma_start3A_828, %dma_start3A_829, %dma_start3A_830] : memref<5x80x64xf32, #tpu.memory_space<vmem>> -> memref<1x80x64xf32, #tpu.memory_space<vmem>>
      %dma_start3A_832 = tpu.memref_squeeze %dma_start3A_831 : memref<1x80x64xf32, #tpu.memory_space<vmem>> -> memref<80x64xf32, #tpu.memory_space<vmem>>
      %dma_start3A_833 = arith.constant 0 : i32
      %dma_start3A_834 = tpu.memref_slice %arg5[%add3A_827, %dma_start3A_833] : memref<125x80xi32, #tpu.memory_space<vmem>> -> memref<1x80xi32, #tpu.memory_space<vmem>>
      %dma_start3A_835 = tpu.memref_squeeze %dma_start3A_834 : memref<1x80xi32, #tpu.memory_space<vmem>> -> memref<80xi32, #tpu.memory_space<vmem>>
      %dma_start3A_836 = arith.constant 0 : i32
      %dma_start3A_837 = arith.constant 0 : i32
      %dma_start3A_838 = tpu.memref_slice %arg2[%dma_start3A_836, %dma_start3A_837] : memref<40000x64xf32, #tpu.memory_space<hbm>> -> memref<40000x64xf32, #tpu.memory_space<hbm>>
      tpu.enqueue_indirect_dma source(%dma_start3A_838 : memref<40000x64xf32, #tpu.memory_space<hbm>>) target(%dma_start3A_832 : memref<80x64xf32, #tpu.memory_space<vmem>>) offsets(%dma_start3A_835 : memref<80xi32, #tpu.memory_space<vmem>>) semaphore(%arg7 : memref<!tpu.dma_semaphore, #tpu.memory_space<semaphore_mem>>)
      %add3A_839 = arith.constant 4 : i32
      %add3A_840 = arith.addi %mul3A_584, %add3A_839 : i32
      %dma_wait3A_841 = arith.constant 4 : i32
      %dma_wait3A_842 = arith.constant 0 : i32
      %dma_wait3A_843 = arith.constant 0 : i32
      %dma_wait3A_844 = tpu.memref_slice %arg6[%dma_wait3A_841, %dma_wait3A_842, %dma_wait3A_843] : memref<5x80x64xf32, #tpu.memory_space<vmem>> -> memref<1x80x64xf32, #tpu.memory_space<vmem>>
      %dma_wait3A_845 = tpu.memref_squeeze %dma_wait3A_844 : memref<1x80x64xf32, #tpu.memory_space<vmem>> -> memref<80x64xf32, #tpu.memory_space<vmem>>
      %dma_wait3A_846 = arith.constant 0 : i32
      %dma_wait3A_847 = tpu.memref_slice %arg5[%add3A_840, %dma_wait3A_846] : memref<125x80xi32, #tpu.memory_space<vmem>> -> memref<1x80xi32, #tpu.memory_space<vmem>>
      %dma_wait3A_848 = tpu.memref_squeeze %dma_wait3A_847 : memref<1x80xi32, #tpu.memory_space<vmem>> -> memref<80xi32, #tpu.memory_space<vmem>>
      %dma_wait3A_849 = arith.constant 0 : i32
      %dma_wait3A_850 = arith.constant 0 : i32
      %dma_wait3A_851 = tpu.memref_slice %arg2[%dma_wait3A_849, %dma_wait3A_850] : memref<40000x64xf32, #tpu.memory_space<hbm>> -> memref<40000x64xf32, #tpu.memory_space<hbm>>
      tpu.wait_indirect_dma semaphore(%arg7 : memref<!tpu.dma_semaphore, #tpu.memory_space<semaphore_mem>>) src(%dma_wait3A_851 : memref<40000x64xf32, #tpu.memory_space<hbm>>) dst(%dma_wait3A_845 : memref<80x64xf32, #tpu.memory_space<vmem>>)
      %mul3A_852 = arith.constant 80 : i32
      %mul3A_853 = arith.muli %add3A_840, %mul3A_852 : i32
      %dma_start3A_854 = arith.constant 4 : i32
      %dma_start3A_855 = arith.constant 0 : i32
      %dma_start3A_856 = arith.constant 0 : i32
      %dma_start3A_857 = tpu.memref_slice %arg6[%dma_start3A_854, %dma_start3A_855, %dma_start3A_856] : memref<5x80x64xf32, #tpu.memory_space<vmem>> -> memref<1x80x64xf32, #tpu.memory_space<vmem>>
      %dma_start3A_858 = tpu.memref_squeeze %dma_start3A_857 : memref<1x80x64xf32, #tpu.memory_space<vmem>> -> memref<80x64xf32, #tpu.memory_space<vmem>>
      %dma_start3A_859 = arith.constant 0 : i32
      %dma_start3A_860 = tpu.memref_slice %arg4[%arg1, %arg0, %mul3A_853, %dma_start3A_859] : memref<16x2x10000x64xf32, #tpu.memory_space<hbm>> -> memref<1x1x80x64xf32, #tpu.memory_space<hbm>>
      %dma_start3A_861 = tpu.memref_squeeze %dma_start3A_860 : memref<1x1x80x64xf32, #tpu.memory_space<hbm>> -> memref<80x64xf32, #tpu.memory_space<hbm>>
      %dma_start3A_862 = arith.constant 0 : i32
      %dma_start3A_863 = tpu.memref_slice %arg4[%arg1, %arg0, %mul3A_853, %dma_start3A_862] : memref<16x2x10000x64xf32, #tpu.memory_space<hbm>> -> memref<1x1x80x64xf32, #tpu.memory_space<hbm>>
      %dma_start3A_864 = tpu.memref_squeeze %dma_start3A_863 : memref<1x1x80x64xf32, #tpu.memory_space<hbm>> -> memref<80x64xf32, #tpu.memory_space<hbm>>
      %dma_start3A_865 = arith.constant 0 : i32
      %dma_start3A_866 = arith.constant 0 : i32
      %dma_start3A_867 = tpu.memref_slice %arg6[%dma_start3A_854, %dma_start3A_865, %dma_start3A_866] : memref<5x80x64xf32, #tpu.memory_space<vmem>> -> memref<1x80x64xf32, #tpu.memory_space<vmem>>
      %dma_start3A_868 = tpu.memref_squeeze %dma_start3A_867 : memref<1x80x64xf32, #tpu.memory_space<vmem>> -> memref<80x64xf32, #tpu.memory_space<vmem>>
      tpu.enqueue_dma source(%dma_start3A_868 : memref<80x64xf32, #tpu.memory_space<vmem>>) target(%dma_start3A_864 : memref<80x64xf32, #tpu.memory_space<hbm>>) target_semaphore(%arg8 : memref<!tpu.dma_semaphore, #tpu.memory_space<semaphore_mem>>)
      %add3A_869 = arith.constant 3 : i32
      %add3A_870 = arith.addi %add3A_840, %add3A_869 : i32
      %sub3A_871 = arith.constant 5 : i32
      %sub3A_872 = arith.subi %add3A_870, %sub3A_871 : i32
      %mul3A_873 = arith.constant 80 : i32
      %mul3A_874 = arith.muli %sub3A_872, %mul3A_873 : i32
      %dma_wait3A_875 = arith.constant 2 : i32
      %dma_wait3A_876 = arith.constant 0 : i32
      %dma_wait3A_877 = arith.constant 0 : i32
      %dma_wait3A_878 = tpu.memref_slice %arg6[%dma_wait3A_875, %dma_wait3A_876, %dma_wait3A_877] : memref<5x80x64xf32, #tpu.memory_space<vmem>> -> memref<1x80x64xf32, #tpu.memory_space<vmem>>
      %dma_wait3A_879 = tpu.memref_squeeze %dma_wait3A_878 : memref<1x80x64xf32, #tpu.memory_space<vmem>> -> memref<80x64xf32, #tpu.memory_space<vmem>>
      %dma_wait3A_880 = arith.constant 0 : i32
      %dma_wait3A_881 = tpu.memref_slice %arg4[%arg1, %arg0, %mul3A_874, %dma_wait3A_880] : memref<16x2x10000x64xf32, #tpu.memory_space<hbm>> -> memref<1x1x80x64xf32, #tpu.memory_space<hbm>>
      %dma_wait3A_882 = tpu.memref_squeeze %dma_wait3A_881 : memref<1x1x80x64xf32, #tpu.memory_space<hbm>> -> memref<80x64xf32, #tpu.memory_space<hbm>>
      %dma_wait3A_883 = arith.constant 0 : i32
      %dma_wait3A_884 = tpu.memref_slice %arg4[%arg1, %arg0, %mul3A_874, %dma_wait3A_883] : memref<16x2x10000x64xf32, #tpu.memory_space<hbm>> -> memref<1x1x80x64xf32, #tpu.memory_space<hbm>>
      %dma_wait3A_885 = tpu.memref_squeeze %dma_wait3A_884 : memref<1x1x80x64xf32, #tpu.memory_space<hbm>> -> memref<80x64xf32, #tpu.memory_space<hbm>>
      %dma_wait3A_886 = arith.constant 0 : i32
      %dma_wait3A_887 = arith.constant 0 : i32
      %dma_wait3A_888 = tpu.memref_slice %arg6[%dma_wait3A_875, %dma_wait3A_886, %dma_wait3A_887] : memref<5x80x64xf32, #tpu.memory_space<vmem>> -> memref<1x80x64xf32, #tpu.memory_space<vmem>>
      %dma_wait3A_889 = tpu.memref_squeeze %dma_wait3A_888 : memref<1x80x64xf32, #tpu.memory_space<vmem>> -> memref<80x64xf32, #tpu.memory_space<vmem>>
      tpu.wait_dma2 semaphore(%arg8 : memref<!tpu.dma_semaphore, #tpu.memory_space<semaphore_mem>>) src(%dma_wait3A_889 : memref<80x64xf32, #tpu.memory_space<vmem>>) dst(%dma_wait3A_885 : memref<80x64xf32, #tpu.memory_space<hbm>>)
      %add3A_890 = arith.constant 3 : i32
      %add3A_891 = arith.addi %add3A_840, %add3A_890 : i32
      %dma_start3A_892 = arith.constant 2 : i32
      %dma_start3A_893 = arith.constant 0 : i32
      %dma_start3A_894 = arith.constant 0 : i32
      %dma_start3A_895 = tpu.memref_slice %arg6[%dma_start3A_892, %dma_start3A_893, %dma_start3A_894] : memref<5x80x64xf32, #tpu.memory_space<vmem>> -> memref<1x80x64xf32, #tpu.memory_space<vmem>>
      %dma_start3A_896 = tpu.memref_squeeze %dma_start3A_895 : memref<1x80x64xf32, #tpu.memory_space<vmem>> -> memref<80x64xf32, #tpu.memory_space<vmem>>
      %dma_start3A_897 = arith.constant 0 : i32
      %dma_start3A_898 = tpu.memref_slice %arg5[%add3A_891, %dma_start3A_897] : memref<125x80xi32, #tpu.memory_space<vmem>> -> memref<1x80xi32, #tpu.memory_space<vmem>>
      %dma_start3A_899 = tpu.memref_squeeze %dma_start3A_898 : memref<1x80xi32, #tpu.memory_space<vmem>> -> memref<80xi32, #tpu.memory_space<vmem>>
      %dma_start3A_900 = arith.constant 0 : i32
      %dma_start3A_901 = arith.constant 0 : i32
      %dma_start3A_902 = tpu.memref_slice %arg2[%dma_start3A_900, %dma_start3A_901] : memref<40000x64xf32, #tpu.memory_space<hbm>> -> memref<40000x64xf32, #tpu.memory_space<hbm>>
      tpu.enqueue_indirect_dma source(%dma_start3A_902 : memref<40000x64xf32, #tpu.memory_space<hbm>>) target(%dma_start3A_896 : memref<80x64xf32, #tpu.memory_space<vmem>>) offsets(%dma_start3A_899 : memref<80xi32, #tpu.memory_space<vmem>>) semaphore(%arg7 : memref<!tpu.dma_semaphore, #tpu.memory_space<semaphore_mem>>)
    }
    %scan3A_294 = arith.constant 23 : i32
    %dma_wait3A_295 = arith.constant 120 : i32
    %dma_wait3A_296 = arith.constant 0 : i32
    %dma_wait3A_297 = arith.constant 0 : i32
    %dma_wait3A_298 = arith.constant 0 : i32
    %dma_wait3A_299 = tpu.memref_slice %arg6[%dma_wait3A_296, %dma_wait3A_297, %dma_wait3A_298] : memref<5x80x64xf32, #tpu.memory_space<vmem>> -> memref<1x80x64xf32, #tpu.memory_space<vmem>>
    %dma_wait3A_300 = tpu.memref_squeeze %dma_wait3A_299 : memref<1x80x64xf32, #tpu.memory_space<vmem>> -> memref<80x64xf32, #tpu.memory_space<vmem>>
    %dma_wait3A_301 = arith.constant 0 : i32
    %dma_wait3A_302 = tpu.memref_slice %arg5[%dma_wait3A_295, %dma_wait3A_301] : memref<125x80xi32, #tpu.memory_space<vmem>> -> memref<1x80xi32, #tpu.memory_space<vmem>>
    %dma_wait3A_303 = tpu.memref_squeeze %dma_wait3A_302 : memref<1x80xi32, #tpu.memory_space<vmem>> -> memref<80xi32, #tpu.memory_space<vmem>>
    %dma_wait3A_304 = arith.constant 0 : i32
    %dma_wait3A_305 = arith.constant 0 : i32
    %dma_wait3A_306 = tpu.memref_slice %arg2[%dma_wait3A_304, %dma_wait3A_305] : memref<40000x64xf32, #tpu.memory_space<hbm>> -> memref<40000x64xf32, #tpu.memory_space<hbm>>
    tpu.wait_indirect_dma semaphore(%arg7 : memref<!tpu.dma_semaphore, #tpu.memory_space<semaphore_mem>>) src(%dma_wait3A_306 : memref<40000x64xf32, #tpu.memory_space<hbm>>) dst(%dma_wait3A_300 : memref<80x64xf32, #tpu.memory_space<vmem>>)
    %dma_start3A_307 = arith.constant 0 : i32
    %dma_start3A_308 = arith.constant 0 : i32
    %dma_start3A_309 = arith.constant 0 : i32
    %dma_start3A_310 = tpu.memref_slice %arg6[%dma_start3A_307, %dma_start3A_308, %dma_start3A_309] : memref<5x80x64xf32, #tpu.memory_space<vmem>> -> memref<1x80x64xf32, #tpu.memory_space<vmem>>
    %dma_start3A_311 = tpu.memref_squeeze %dma_start3A_310 : memref<1x80x64xf32, #tpu.memory_space<vmem>> -> memref<80x64xf32, #tpu.memory_space<vmem>>
    %dma_start3A_312 = arith.constant 9600 : i32
    %dma_start3A_313 = arith.constant 0 : i32
    %dma_start3A_314 = tpu.memref_slice %arg4[%arg1, %arg0, %dma_start3A_312, %dma_start3A_313] : memref<16x2x10000x64xf32, #tpu.memory_space<hbm>> -> memref<1x1x80x64xf32, #tpu.memory_space<hbm>>
    %dma_start3A_315 = tpu.memref_squeeze %dma_start3A_314 : memref<1x1x80x64xf32, #tpu.memory_space<hbm>> -> memref<80x64xf32, #tpu.memory_space<hbm>>
    %dma_start3A_316 = arith.constant 9600 : i32
    %dma_start3A_317 = arith.constant 0 : i32
    %dma_start3A_318 = tpu.memref_slice %arg4[%arg1, %arg0, %dma_start3A_316, %dma_start3A_317] : memref<16x2x10000x64xf32, #tpu.memory_space<hbm>> -> memref<1x1x80x64xf32, #tpu.memory_space<hbm>>
    %dma_start3A_319 = tpu.memref_squeeze %dma_start3A_318 : memref<1x1x80x64xf32, #tpu.memory_space<hbm>> -> memref<80x64xf32, #tpu.memory_space<hbm>>
    %dma_start3A_320 = arith.constant 0 : i32
    %dma_start3A_321 = arith.constant 0 : i32
    %dma_start3A_322 = tpu.memref_slice %arg6[%dma_start3A_307, %dma_start3A_320, %dma_start3A_321] : memref<5x80x64xf32, #tpu.memory_space<vmem>> -> memref<1x80x64xf32, #tpu.memory_space<vmem>>
    %dma_start3A_323 = tpu.memref_squeeze %dma_start3A_322 : memref<1x80x64xf32, #tpu.memory_space<vmem>> -> memref<80x64xf32, #tpu.memory_space<vmem>>
    tpu.enqueue_dma source(%dma_start3A_323 : memref<80x64xf32, #tpu.memory_space<vmem>>) target(%dma_start3A_319 : memref<80x64xf32, #tpu.memory_space<hbm>>) target_semaphore(%arg8 : memref<!tpu.dma_semaphore, #tpu.memory_space<semaphore_mem>>)
    %dma_wait3A_324 = arith.constant 3 : i32
    %dma_wait3A_325 = arith.constant 0 : i32
    %dma_wait3A_326 = arith.constant 0 : i32
    %dma_wait3A_327 = tpu.memref_slice %arg6[%dma_wait3A_324, %dma_wait3A_325, %dma_wait3A_326] : memref<5x80x64xf32, #tpu.memory_space<vmem>> -> memref<1x80x64xf32, #tpu.memory_space<vmem>>
    %dma_wait3A_328 = tpu.memref_squeeze %dma_wait3A_327 : memref<1x80x64xf32, #tpu.memory_space<vmem>> -> memref<80x64xf32, #tpu.memory_space<vmem>>
    %dma_wait3A_329 = arith.constant 9440 : i32
    %dma_wait3A_330 = arith.constant 0 : i32
    %dma_wait3A_331 = tpu.memref_slice %arg4[%arg1, %arg0, %dma_wait3A_329, %dma_wait3A_330] : memref<16x2x10000x64xf32, #tpu.memory_space<hbm>> -> memref<1x1x80x64xf32, #tpu.memory_space<hbm>>
    %dma_wait3A_332 = tpu.memref_squeeze %dma_wait3A_331 : memref<1x1x80x64xf32, #tpu.memory_space<hbm>> -> memref<80x64xf32, #tpu.memory_space<hbm>>
    %dma_wait3A_333 = arith.constant 9440 : i32
    %dma_wait3A_334 = arith.constant 0 : i32
    %dma_wait3A_335 = tpu.memref_slice %arg4[%arg1, %arg0, %dma_wait3A_333, %dma_wait3A_334] : memref<16x2x10000x64xf32, #tpu.memory_space<hbm>> -> memref<1x1x80x64xf32, #tpu.memory_space<hbm>>
    %dma_wait3A_336 = tpu.memref_squeeze %dma_wait3A_335 : memref<1x1x80x64xf32, #tpu.memory_space<hbm>> -> memref<80x64xf32, #tpu.memory_space<hbm>>
    %dma_wait3A_337 = arith.constant 0 : i32
    %dma_wait3A_338 = arith.constant 0 : i32
    %dma_wait3A_339 = tpu.memref_slice %arg6[%dma_wait3A_324, %dma_wait3A_337, %dma_wait3A_338] : memref<5x80x64xf32, #tpu.memory_space<vmem>> -> memref<1x80x64xf32, #tpu.memory_space<vmem>>
    %dma_wait3A_340 = tpu.memref_squeeze %dma_wait3A_339 : memref<1x80x64xf32, #tpu.memory_space<vmem>> -> memref<80x64xf32, #tpu.memory_space<vmem>>
    tpu.wait_dma2 semaphore(%arg8 : memref<!tpu.dma_semaphore, #tpu.memory_space<semaphore_mem>>) src(%dma_wait3A_340 : memref<80x64xf32, #tpu.memory_space<vmem>>) dst(%dma_wait3A_336 : memref<80x64xf32, #tpu.memory_space<hbm>>)
    %dma_start3A_341 = arith.constant 123 : i32
    %dma_start3A_342 = arith.constant 3 : i32
    %dma_start3A_343 = arith.constant 0 : i32
    %dma_start3A_344 = arith.constant 0 : i32
    %dma_start3A_345 = tpu.memref_slice %arg6[%dma_start3A_342, %dma_start3A_343, %dma_start3A_344] : memref<5x80x64xf32, #tpu.memory_space<vmem>> -> memref<1x80x64xf32, #tpu.memory_space<vmem>>
    %dma_start3A_346 = tpu.memref_squeeze %dma_start3A_345 : memref<1x80x64xf32, #tpu.memory_space<vmem>> -> memref<80x64xf32, #tpu.memory_space<vmem>>
    %dma_start3A_347 = arith.constant 0 : i32
    %dma_start3A_348 = tpu.memref_slice %arg5[%dma_start3A_341, %dma_start3A_347] : memref<125x80xi32, #tpu.memory_space<vmem>> -> memref<1x80xi32, #tpu.memory_space<vmem>>
    %dma_start3A_349 = tpu.memref_squeeze %dma_start3A_348 : memref<1x80xi32, #tpu.memory_space<vmem>> -> memref<80xi32, #tpu.memory_space<vmem>>
    %dma_start3A_350 = arith.constant 0 : i32
    %dma_start3A_351 = arith.constant 0 : i32
    %dma_start3A_352 = tpu.memref_slice %arg2[%dma_start3A_350, %dma_start3A_351] : memref<40000x64xf32, #tpu.memory_space<hbm>> -> memref<40000x64xf32, #tpu.memory_space<hbm>>
    tpu.enqueue_indirect_dma source(%dma_start3A_352 : memref<40000x64xf32, #tpu.memory_space<hbm>>) target(%dma_start3A_346 : memref<80x64xf32, #tpu.memory_space<vmem>>) offsets(%dma_start3A_349 : memref<80xi32, #tpu.memory_space<vmem>>) semaphore(%arg7 : memref<!tpu.dma_semaphore, #tpu.memory_space<semaphore_mem>>)
    %dma_wait3A_353 = arith.constant 121 : i32
    %dma_wait3A_354 = arith.constant 1 : i32
    %dma_wait3A_355 = arith.constant 0 : i32
    %dma_wait3A_356 = arith.constant 0 : i32
    %dma_wait3A_357 = tpu.memref_slice %arg6[%dma_wait3A_354, %dma_wait3A_355, %dma_wait3A_356] : memref<5x80x64xf32, #tpu.memory_space<vmem>> -> memref<1x80x64xf32, #tpu.memory_space<vmem>>
    %dma_wait3A_358 = tpu.memref_squeeze %dma_wait3A_357 : memref<1x80x64xf32, #tpu.memory_space<vmem>> -> memref<80x64xf32, #tpu.memory_space<vmem>>
    %dma_wait3A_359 = arith.constant 0 : i32
    %dma_wait3A_360 = tpu.memref_slice %arg5[%dma_wait3A_353, %dma_wait3A_359] : memref<125x80xi32, #tpu.memory_space<vmem>> -> memref<1x80xi32, #tpu.memory_space<vmem>>
    %dma_wait3A_361 = tpu.memref_squeeze %dma_wait3A_360 : memref<1x80xi32, #tpu.memory_space<vmem>> -> memref<80xi32, #tpu.memory_space<vmem>>
    %dma_wait3A_362 = arith.constant 0 : i32
    %dma_wait3A_363 = arith.constant 0 : i32
    %dma_wait3A_364 = tpu.memref_slice %arg2[%dma_wait3A_362, %dma_wait3A_363] : memref<40000x64xf32, #tpu.memory_space<hbm>> -> memref<40000x64xf32, #tpu.memory_space<hbm>>
    tpu.wait_indirect_dma semaphore(%arg7 : memref<!tpu.dma_semaphore, #tpu.memory_space<semaphore_mem>>) src(%dma_wait3A_364 : memref<40000x64xf32, #tpu.memory_space<hbm>>) dst(%dma_wait3A_358 : memref<80x64xf32, #tpu.memory_space<vmem>>)
    %dma_start3A_365 = arith.constant 1 : i32
    %dma_start3A_366 = arith.constant 0 : i32
    %dma_start3A_367 = arith.constant 0 : i32
    %dma_start3A_368 = tpu.memref_slice %arg6[%dma_start3A_365, %dma_start3A_366, %dma_start3A_367] : memref<5x80x64xf32, #tpu.memory_space<vmem>> -> memref<1x80x64xf32, #tpu.memory_space<vmem>>
    %dma_start3A_369 = tpu.memref_squeeze %dma_start3A_368 : memref<1x80x64xf32, #tpu.memory_space<vmem>> -> memref<80x64xf32, #tpu.memory_space<vmem>>
    %dma_start3A_370 = arith.constant 9680 : i32
    %dma_start3A_371 = arith.constant 0 : i32
    %dma_start3A_372 = tpu.memref_slice %arg4[%arg1, %arg0, %dma_start3A_370, %dma_start3A_371] : memref<16x2x10000x64xf32, #tpu.memory_space<hbm>> -> memref<1x1x80x64xf32, #tpu.memory_space<hbm>>
    %dma_start3A_373 = tpu.memref_squeeze %dma_start3A_372 : memref<1x1x80x64xf32, #tpu.memory_space<hbm>> -> memref<80x64xf32, #tpu.memory_space<hbm>>
    %dma_start3A_374 = arith.constant 9680 : i32
    %dma_start3A_375 = arith.constant 0 : i32
    %dma_start3A_376 = tpu.memref_slice %arg4[%arg1, %arg0, %dma_start3A_374, %dma_start3A_375] : memref<16x2x10000x64xf32, #tpu.memory_space<hbm>> -> memref<1x1x80x64xf32, #tpu.memory_space<hbm>>
    %dma_start3A_377 = tpu.memref_squeeze %dma_start3A_376 : memref<1x1x80x64xf32, #tpu.memory_space<hbm>> -> memref<80x64xf32, #tpu.memory_space<hbm>>
    %dma_start3A_378 = arith.constant 0 : i32
    %dma_start3A_379 = arith.constant 0 : i32
    %dma_start3A_380 = tpu.memref_slice %arg6[%dma_start3A_365, %dma_start3A_378, %dma_start3A_379] : memref<5x80x64xf32, #tpu.memory_space<vmem>> -> memref<1x80x64xf32, #tpu.memory_space<vmem>>
    %dma_start3A_381 = tpu.memref_squeeze %dma_start3A_380 : memref<1x80x64xf32, #tpu.memory_space<vmem>> -> memref<80x64xf32, #tpu.memory_space<vmem>>
    tpu.enqueue_dma source(%dma_start3A_381 : memref<80x64xf32, #tpu.memory_space<vmem>>) target(%dma_start3A_377 : memref<80x64xf32, #tpu.memory_space<hbm>>) target_semaphore(%arg8 : memref<!tpu.dma_semaphore, #tpu.memory_space<semaphore_mem>>)
    %dma_wait3A_382 = arith.constant 4 : i32
    %dma_wait3A_383 = arith.constant 0 : i32
    %dma_wait3A_384 = arith.constant 0 : i32
    %dma_wait3A_385 = tpu.memref_slice %arg6[%dma_wait3A_382, %dma_wait3A_383, %dma_wait3A_384] : memref<5x80x64xf32, #tpu.memory_space<vmem>> -> memref<1x80x64xf32, #tpu.memory_space<vmem>>
    %dma_wait3A_386 = tpu.memref_squeeze %dma_wait3A_385 : memref<1x80x64xf32, #tpu.memory_space<vmem>> -> memref<80x64xf32, #tpu.memory_space<vmem>>
    %dma_wait3A_387 = arith.constant 9520 : i32
    %dma_wait3A_388 = arith.constant 0 : i32
    %dma_wait3A_389 = tpu.memref_slice %arg4[%arg1, %arg0, %dma_wait3A_387, %dma_wait3A_388] : memref<16x2x10000x64xf32, #tpu.memory_space<hbm>> -> memref<1x1x80x64xf32, #tpu.memory_space<hbm>>
    %dma_wait3A_390 = tpu.memref_squeeze %dma_wait3A_389 : memref<1x1x80x64xf32, #tpu.memory_space<hbm>> -> memref<80x64xf32, #tpu.memory_space<hbm>>
    %dma_wait3A_391 = arith.constant 9520 : i32
    %dma_wait3A_392 = arith.constant 0 : i32
    %dma_wait3A_393 = tpu.memref_slice %arg4[%arg1, %arg0, %dma_wait3A_391, %dma_wait3A_392] : memref<16x2x10000x64xf32, #tpu.memory_space<hbm>> -> memref<1x1x80x64xf32, #tpu.memory_space<hbm>>
    %dma_wait3A_394 = tpu.memref_squeeze %dma_wait3A_393 : memref<1x1x80x64xf32, #tpu.memory_space<hbm>> -> memref<80x64xf32, #tpu.memory_space<hbm>>
    %dma_wait3A_395 = arith.constant 0 : i32
    %dma_wait3A_396 = arith.constant 0 : i32
    %dma_wait3A_397 = tpu.memref_slice %arg6[%dma_wait3A_382, %dma_wait3A_395, %dma_wait3A_396] : memref<5x80x64xf32, #tpu.memory_space<vmem>> -> memref<1x80x64xf32, #tpu.memory_space<vmem>>
    %dma_wait3A_398 = tpu.memref_squeeze %dma_wait3A_397 : memref<1x80x64xf32, #tpu.memory_space<vmem>> -> memref<80x64xf32, #tpu.memory_space<vmem>>
    tpu.wait_dma2 semaphore(%arg8 : memref<!tpu.dma_semaphore, #tpu.memory_space<semaphore_mem>>) src(%dma_wait3A_398 : memref<80x64xf32, #tpu.memory_space<vmem>>) dst(%dma_wait3A_394 : memref<80x64xf32, #tpu.memory_space<hbm>>)
    %dma_start3A_399 = arith.constant 124 : i32
    %dma_start3A_400 = arith.constant 4 : i32
    %dma_start3A_401 = arith.constant 0 : i32
    %dma_start3A_402 = arith.constant 0 : i32
    %dma_start3A_403 = tpu.memref_slice %arg6[%dma_start3A_400, %dma_start3A_401, %dma_start3A_402] : memref<5x80x64xf32, #tpu.memory_space<vmem>> -> memref<1x80x64xf32, #tpu.memory_space<vmem>>
    %dma_start3A_404 = tpu.memref_squeeze %dma_start3A_403 : memref<1x80x64xf32, #tpu.memory_space<vmem>> -> memref<80x64xf32, #tpu.memory_space<vmem>>
    %dma_start3A_405 = arith.constant 0 : i32
    %dma_start3A_406 = tpu.memref_slice %arg5[%dma_start3A_399, %dma_start3A_405] : memref<125x80xi32, #tpu.memory_space<vmem>> -> memref<1x80xi32, #tpu.memory_space<vmem>>
    %dma_start3A_407 = tpu.memref_squeeze %dma_start3A_406 : memref<1x80xi32, #tpu.memory_space<vmem>> -> memref<80xi32, #tpu.memory_space<vmem>>
    %dma_start3A_408 = arith.constant 0 : i32
    %dma_start3A_409 = arith.constant 0 : i32
    %dma_start3A_410 = tpu.memref_slice %arg2[%dma_start3A_408, %dma_start3A_409] : memref<40000x64xf32, #tpu.memory_space<hbm>> -> memref<40000x64xf32, #tpu.memory_space<hbm>>
    tpu.enqueue_indirect_dma source(%dma_start3A_410 : memref<40000x64xf32, #tpu.memory_space<hbm>>) target(%dma_start3A_404 : memref<80x64xf32, #tpu.memory_space<vmem>>) offsets(%dma_start3A_407 : memref<80xi32, #tpu.memory_space<vmem>>) semaphore(%arg7 : memref<!tpu.dma_semaphore, #tpu.memory_space<semaphore_mem>>)
    %dma_wait3A_411 = arith.constant 122 : i32
    %dma_wait3A_412 = arith.constant 2 : i32
    %dma_wait3A_413 = arith.constant 0 : i32
    %dma_wait3A_414 = arith.constant 0 : i32
    %dma_wait3A_415 = tpu.memref_slice %arg6[%dma_wait3A_412, %dma_wait3A_413, %dma_wait3A_414] : memref<5x80x64xf32, #tpu.memory_space<vmem>> -> memref<1x80x64xf32, #tpu.memory_space<vmem>>
    %dma_wait3A_416 = tpu.memref_squeeze %dma_wait3A_415 : memref<1x80x64xf32, #tpu.memory_space<vmem>> -> memref<80x64xf32, #tpu.memory_space<vmem>>
    %dma_wait3A_417 = arith.constant 0 : i32
    %dma_wait3A_418 = tpu.memref_slice %arg5[%dma_wait3A_411, %dma_wait3A_417] : memref<125x80xi32, #tpu.memory_space<vmem>> -> memref<1x80xi32, #tpu.memory_space<vmem>>
    %dma_wait3A_419 = tpu.memref_squeeze %dma_wait3A_418 : memref<1x80xi32, #tpu.memory_space<vmem>> -> memref<80xi32, #tpu.memory_space<vmem>>
    %dma_wait3A_420 = arith.constant 0 : i32
    %dma_wait3A_421 = arith.constant 0 : i32
    %dma_wait3A_422 = tpu.memref_slice %arg2[%dma_wait3A_420, %dma_wait3A_421] : memref<40000x64xf32, #tpu.memory_space<hbm>> -> memref<40000x64xf32, #tpu.memory_space<hbm>>
    tpu.wait_indirect_dma semaphore(%arg7 : memref<!tpu.dma_semaphore, #tpu.memory_space<semaphore_mem>>) src(%dma_wait3A_422 : memref<40000x64xf32, #tpu.memory_space<hbm>>) dst(%dma_wait3A_416 : memref<80x64xf32, #tpu.memory_space<vmem>>)
    %dma_start3A_423 = arith.constant 2 : i32
    %dma_start3A_424 = arith.constant 0 : i32
    %dma_start3A_425 = arith.constant 0 : i32
    %dma_start3A_426 = tpu.memref_slice %arg6[%dma_start3A_423, %dma_start3A_424, %dma_start3A_425] : memref<5x80x64xf32, #tpu.memory_space<vmem>> -> memref<1x80x64xf32, #tpu.memory_space<vmem>>
    %dma_start3A_427 = tpu.memref_squeeze %dma_start3A_426 : memref<1x80x64xf32, #tpu.memory_space<vmem>> -> memref<80x64xf32, #tpu.memory_space<vmem>>
    %dma_start3A_428 = arith.constant 9760 : i32
    %dma_start3A_429 = arith.constant 0 : i32
    %dma_start3A_430 = tpu.memref_slice %arg4[%arg1, %arg0, %dma_start3A_428, %dma_start3A_429] : memref<16x2x10000x64xf32, #tpu.memory_space<hbm>> -> memref<1x1x80x64xf32, #tpu.memory_space<hbm>>
    %dma_start3A_431 = tpu.memref_squeeze %dma_start3A_430 : memref<1x1x80x64xf32, #tpu.memory_space<hbm>> -> memref<80x64xf32, #tpu.memory_space<hbm>>
    %dma_start3A_432 = arith.constant 9760 : i32
    %dma_start3A_433 = arith.constant 0 : i32
    %dma_start3A_434 = tpu.memref_slice %arg4[%arg1, %arg0, %dma_start3A_432, %dma_start3A_433] : memref<16x2x10000x64xf32, #tpu.memory_space<hbm>> -> memref<1x1x80x64xf32, #tpu.memory_space<hbm>>
    %dma_start3A_435 = tpu.memref_squeeze %dma_start3A_434 : memref<1x1x80x64xf32, #tpu.memory_space<hbm>> -> memref<80x64xf32, #tpu.memory_space<hbm>>
    %dma_start3A_436 = arith.constant 0 : i32
    %dma_start3A_437 = arith.constant 0 : i32
    %dma_start3A_438 = tpu.memref_slice %arg6[%dma_start3A_423, %dma_start3A_436, %dma_start3A_437] : memref<5x80x64xf32, #tpu.memory_space<vmem>> -> memref<1x80x64xf32, #tpu.memory_space<vmem>>
    %dma_start3A_439 = tpu.memref_squeeze %dma_start3A_438 : memref<1x80x64xf32, #tpu.memory_space<vmem>> -> memref<80x64xf32, #tpu.memory_space<vmem>>
    tpu.enqueue_dma source(%dma_start3A_439 : memref<80x64xf32, #tpu.memory_space<vmem>>) target(%dma_start3A_435 : memref<80x64xf32, #tpu.memory_space<hbm>>) target_semaphore(%arg8 : memref<!tpu.dma_semaphore, #tpu.memory_space<semaphore_mem>>)
    %dma_wait3A_440 = arith.constant 123 : i32
    %dma_wait3A_441 = arith.constant 3 : i32
    %dma_wait3A_442 = arith.constant 0 : i32
    %dma_wait3A_443 = arith.constant 0 : i32
    %dma_wait3A_444 = tpu.memref_slice %arg6[%dma_wait3A_441, %dma_wait3A_442, %dma_wait3A_443] : memref<5x80x64xf32, #tpu.memory_space<vmem>> -> memref<1x80x64xf32, #tpu.memory_space<vmem>>
    %dma_wait3A_445 = tpu.memref_squeeze %dma_wait3A_444 : memref<1x80x64xf32, #tpu.memory_space<vmem>> -> memref<80x64xf32, #tpu.memory_space<vmem>>
    %dma_wait3A_446 = arith.constant 0 : i32
    %dma_wait3A_447 = tpu.memref_slice %arg5[%dma_wait3A_440, %dma_wait3A_446] : memref<125x80xi32, #tpu.memory_space<vmem>> -> memref<1x80xi32, #tpu.memory_space<vmem>>
    %dma_wait3A_448 = tpu.memref_squeeze %dma_wait3A_447 : memref<1x80xi32, #tpu.memory_space<vmem>> -> memref<80xi32, #tpu.memory_space<vmem>>
    %dma_wait3A_449 = arith.constant 0 : i32
    %dma_wait3A_450 = arith.constant 0 : i32
    %dma_wait3A_451 = tpu.memref_slice %arg2[%dma_wait3A_449, %dma_wait3A_450] : memref<40000x64xf32, #tpu.memory_space<hbm>> -> memref<40000x64xf32, #tpu.memory_space<hbm>>
    tpu.wait_indirect_dma semaphore(%arg7 : memref<!tpu.dma_semaphore, #tpu.memory_space<semaphore_mem>>) src(%dma_wait3A_451 : memref<40000x64xf32, #tpu.memory_space<hbm>>) dst(%dma_wait3A_445 : memref<80x64xf32, #tpu.memory_space<vmem>>)
    %dma_start3A_452 = arith.constant 3 : i32
    %dma_start3A_453 = arith.constant 0 : i32
    %dma_start3A_454 = arith.constant 0 : i32
    %dma_start3A_455 = tpu.memref_slice %arg6[%dma_start3A_452, %dma_start3A_453, %dma_start3A_454] : memref<5x80x64xf32, #tpu.memory_space<vmem>> -> memref<1x80x64xf32, #tpu.memory_space<vmem>>
    %dma_start3A_456 = tpu.memref_squeeze %dma_start3A_455 : memref<1x80x64xf32, #tpu.memory_space<vmem>> -> memref<80x64xf32, #tpu.memory_space<vmem>>
    %dma_start3A_457 = arith.constant 9840 : i32
    %dma_start3A_458 = arith.constant 0 : i32
    %dma_start3A_459 = tpu.memref_slice %arg4[%arg1, %arg0, %dma_start3A_457, %dma_start3A_458] : memref<16x2x10000x64xf32, #tpu.memory_space<hbm>> -> memref<1x1x80x64xf32, #tpu.memory_space<hbm>>
    %dma_start3A_460 = tpu.memref_squeeze %dma_start3A_459 : memref<1x1x80x64xf32, #tpu.memory_space<hbm>> -> memref<80x64xf32, #tpu.memory_space<hbm>>
    %dma_start3A_461 = arith.constant 9840 : i32
    %dma_start3A_462 = arith.constant 0 : i32
    %dma_start3A_463 = tpu.memref_slice %arg4[%arg1, %arg0, %dma_start3A_461, %dma_start3A_462] : memref<16x2x10000x64xf32, #tpu.memory_space<hbm>> -> memref<1x1x80x64xf32, #tpu.memory_space<hbm>>
    %dma_start3A_464 = tpu.memref_squeeze %dma_start3A_463 : memref<1x1x80x64xf32, #tpu.memory_space<hbm>> -> memref<80x64xf32, #tpu.memory_space<hbm>>
    %dma_start3A_465 = arith.constant 0 : i32
    %dma_start3A_466 = arith.constant 0 : i32
    %dma_start3A_467 = tpu.memref_slice %arg6[%dma_start3A_452, %dma_start3A_465, %dma_start3A_466] : memref<5x80x64xf32, #tpu.memory_space<vmem>> -> memref<1x80x64xf32, #tpu.memory_space<vmem>>
    %dma_start3A_468 = tpu.memref_squeeze %dma_start3A_467 : memref<1x80x64xf32, #tpu.memory_space<vmem>> -> memref<80x64xf32, #tpu.memory_space<vmem>>
    tpu.enqueue_dma source(%dma_start3A_468 : memref<80x64xf32, #tpu.memory_space<vmem>>) target(%dma_start3A_464 : memref<80x64xf32, #tpu.memory_space<hbm>>) target_semaphore(%arg8 : memref<!tpu.dma_semaphore, #tpu.memory_space<semaphore_mem>>)
    %dma_wait3A_469 = arith.constant 124 : i32
    %dma_wait3A_470 = arith.constant 4 : i32
    %dma_wait3A_471 = arith.constant 0 : i32
    %dma_wait3A_472 = arith.constant 0 : i32
    %dma_wait3A_473 = tpu.memref_slice %arg6[%dma_wait3A_470, %dma_wait3A_471, %dma_wait3A_472] : memref<5x80x64xf32, #tpu.memory_space<vmem>> -> memref<1x80x64xf32, #tpu.memory_space<vmem>>
    %dma_wait3A_474 = tpu.memref_squeeze %dma_wait3A_473 : memref<1x80x64xf32, #tpu.memory_space<vmem>> -> memref<80x64xf32, #tpu.memory_space<vmem>>
    %dma_wait3A_475 = arith.constant 0 : i32
    %dma_wait3A_476 = tpu.memref_slice %arg5[%dma_wait3A_469, %dma_wait3A_475] : memref<125x80xi32, #tpu.memory_space<vmem>> -> memref<1x80xi32, #tpu.memory_space<vmem>>
    %dma_wait3A_477 = tpu.memref_squeeze %dma_wait3A_476 : memref<1x80xi32, #tpu.memory_space<vmem>> -> memref<80xi32, #tpu.memory_space<vmem>>
    %dma_wait3A_478 = arith.constant 0 : i32
    %dma_wait3A_479 = arith.constant 0 : i32
    %dma_wait3A_480 = tpu.memref_slice %arg2[%dma_wait3A_478, %dma_wait3A_479] : memref<40000x64xf32, #tpu.memory_space<hbm>> -> memref<40000x64xf32, #tpu.memory_space<hbm>>
    tpu.wait_indirect_dma semaphore(%arg7 : memref<!tpu.dma_semaphore, #tpu.memory_space<semaphore_mem>>) src(%dma_wait3A_480 : memref<40000x64xf32, #tpu.memory_space<hbm>>) dst(%dma_wait3A_474 : memref<80x64xf32, #tpu.memory_space<vmem>>)
    %dma_start3A_481 = arith.constant 4 : i32
    %dma_start3A_482 = arith.constant 0 : i32
    %dma_start3A_483 = arith.constant 0 : i32
    %dma_start3A_484 = tpu.memref_slice %arg6[%dma_start3A_481, %dma_start3A_482, %dma_start3A_483] : memref<5x80x64xf32, #tpu.memory_space<vmem>> -> memref<1x80x64xf32, #tpu.memory_space<vmem>>
    %dma_start3A_485 = tpu.memref_squeeze %dma_start3A_484 : memref<1x80x64xf32, #tpu.memory_space<vmem>> -> memref<80x64xf32, #tpu.memory_space<vmem>>
    %dma_start3A_486 = arith.constant 9920 : i32
    %dma_start3A_487 = arith.constant 0 : i32
    %dma_start3A_488 = tpu.memref_slice %arg4[%arg1, %arg0, %dma_start3A_486, %dma_start3A_487] : memref<16x2x10000x64xf32, #tpu.memory_space<hbm>> -> memref<1x1x80x64xf32, #tpu.memory_space<hbm>>
    %dma_start3A_489 = tpu.memref_squeeze %dma_start3A_488 : memref<1x1x80x64xf32, #tpu.memory_space<hbm>> -> memref<80x64xf32, #tpu.memory_space<hbm>>
    %dma_start3A_490 = arith.constant 9920 : i32
    %dma_start3A_491 = arith.constant 0 : i32
    %dma_start3A_492 = tpu.memref_slice %arg4[%arg1, %arg0, %dma_start3A_490, %dma_start3A_491] : memref<16x2x10000x64xf32, #tpu.memory_space<hbm>> -> memref<1x1x80x64xf32, #tpu.memory_space<hbm>>
    %dma_start3A_493 = tpu.memref_squeeze %dma_start3A_492 : memref<1x1x80x64xf32, #tpu.memory_space<hbm>> -> memref<80x64xf32, #tpu.memory_space<hbm>>
    %dma_start3A_494 = arith.constant 0 : i32
    %dma_start3A_495 = arith.constant 0 : i32
    %dma_start3A_496 = tpu.memref_slice %arg6[%dma_start3A_481, %dma_start3A_494, %dma_start3A_495] : memref<5x80x64xf32, #tpu.memory_space<vmem>> -> memref<1x80x64xf32, #tpu.memory_space<vmem>>
    %dma_start3A_497 = tpu.memref_squeeze %dma_start3A_496 : memref<1x80x64xf32, #tpu.memory_space<vmem>> -> memref<80x64xf32, #tpu.memory_space<vmem>>
    tpu.enqueue_dma source(%dma_start3A_497 : memref<80x64xf32, #tpu.memory_space<vmem>>) target(%dma_start3A_493 : memref<80x64xf32, #tpu.memory_space<hbm>>) target_semaphore(%arg8 : memref<!tpu.dma_semaphore, #tpu.memory_space<semaphore_mem>>)
    %dma_wait3A_498 = arith.constant 0 : i32
    %dma_wait3A_499 = arith.constant 0 : i32
    %dma_wait3A_500 = arith.constant 0 : i32
    %dma_wait3A_501 = tpu.memref_slice %arg6[%dma_wait3A_498, %dma_wait3A_499, %dma_wait3A_500] : memref<5x80x64xf32, #tpu.memory_space<vmem>> -> memref<1x80x64xf32, #tpu.memory_space<vmem>>
    %dma_wait3A_502 = tpu.memref_squeeze %dma_wait3A_501 : memref<1x80x64xf32, #tpu.memory_space<vmem>> -> memref<80x64xf32, #tpu.memory_space<vmem>>
    %dma_wait3A_503 = arith.constant 9600 : i32
    %dma_wait3A_504 = arith.constant 0 : i32
    %dma_wait3A_505 = tpu.memref_slice %arg4[%arg1, %arg0, %dma_wait3A_503, %dma_wait3A_504] : memref<16x2x10000x64xf32, #tpu.memory_space<hbm>> -> memref<1x1x80x64xf32, #tpu.memory_space<hbm>>
    %dma_wait3A_506 = tpu.memref_squeeze %dma_wait3A_505 : memref<1x1x80x64xf32, #tpu.memory_space<hbm>> -> memref<80x64xf32, #tpu.memory_space<hbm>>
    %dma_wait3A_507 = arith.constant 9600 : i32
    %dma_wait3A_508 = arith.constant 0 : i32
    %dma_wait3A_509 = tpu.memref_slice %arg4[%arg1, %arg0, %dma_wait3A_507, %dma_wait3A_508] : memref<16x2x10000x64xf32, #tpu.memory_space<hbm>> -> memref<1x1x80x64xf32, #tpu.memory_space<hbm>>
    %dma_wait3A_510 = tpu.memref_squeeze %dma_wait3A_509 : memref<1x1x80x64xf32, #tpu.memory_space<hbm>> -> memref<80x64xf32, #tpu.memory_space<hbm>>
    %dma_wait3A_511 = arith.constant 0 : i32
    %dma_wait3A_512 = arith.constant 0 : i32
    %dma_wait3A_513 = tpu.memref_slice %arg6[%dma_wait3A_498, %dma_wait3A_511, %dma_wait3A_512] : memref<5x80x64xf32, #tpu.memory_space<vmem>> -> memref<1x80x64xf32, #tpu.memory_space<vmem>>
    %dma_wait3A_514 = tpu.memref_squeeze %dma_wait3A_513 : memref<1x80x64xf32, #tpu.memory_space<vmem>> -> memref<80x64xf32, #tpu.memory_space<vmem>>
    tpu.wait_dma2 semaphore(%arg8 : memref<!tpu.dma_semaphore, #tpu.memory_space<semaphore_mem>>) src(%dma_wait3A_514 : memref<80x64xf32, #tpu.memory_space<vmem>>) dst(%dma_wait3A_510 : memref<80x64xf32, #tpu.memory_space<hbm>>)
    %dma_wait3A_515 = arith.constant 1 : i32
    %dma_wait3A_516 = arith.constant 0 : i32
    %dma_wait3A_517 = arith.constant 0 : i32
    %dma_wait3A_518 = tpu.memref_slice %arg6[%dma_wait3A_515, %dma_wait3A_516, %dma_wait3A_517] : memref<5x80x64xf32, #tpu.memory_space<vmem>> -> memref<1x80x64xf32, #tpu.memory_space<vmem>>
    %dma_wait3A_519 = tpu.memref_squeeze %dma_wait3A_518 : memref<1x80x64xf32, #tpu.memory_space<vmem>> -> memref<80x64xf32, #tpu.memory_space<vmem>>
    %dma_wait3A_520 = arith.constant 9680 : i32
    %dma_wait3A_521 = arith.constant 0 : i32
    %dma_wait3A_522 = tpu.memref_slice %arg4[%arg1, %arg0, %dma_wait3A_520, %dma_wait3A_521] : memref<16x2x10000x64xf32, #tpu.memory_space<hbm>> -> memref<1x1x80x64xf32, #tpu.memory_space<hbm>>
    %dma_wait3A_523 = tpu.memref_squeeze %dma_wait3A_522 : memref<1x1x80x64xf32, #tpu.memory_space<hbm>> -> memref<80x64xf32, #tpu.memory_space<hbm>>
    %dma_wait3A_524 = arith.constant 9680 : i32
    %dma_wait3A_525 = arith.constant 0 : i32
    %dma_wait3A_526 = tpu.memref_slice %arg4[%arg1, %arg0, %dma_wait3A_524, %dma_wait3A_525] : memref<16x2x10000x64xf32, #tpu.memory_space<hbm>> -> memref<1x1x80x64xf32, #tpu.memory_space<hbm>>
    %dma_wait3A_527 = tpu.memref_squeeze %dma_wait3A_526 : memref<1x1x80x64xf32, #tpu.memory_space<hbm>> -> memref<80x64xf32, #tpu.memory_space<hbm>>
    %dma_wait3A_528 = arith.constant 0 : i32
    %dma_wait3A_529 = arith.constant 0 : i32
    %dma_wait3A_530 = tpu.memref_slice %arg6[%dma_wait3A_515, %dma_wait3A_528, %dma_wait3A_529] : memref<5x80x64xf32, #tpu.memory_space<vmem>> -> memref<1x80x64xf32, #tpu.memory_space<vmem>>
    %dma_wait3A_531 = tpu.memref_squeeze %dma_wait3A_530 : memref<1x80x64xf32, #tpu.memory_space<vmem>> -> memref<80x64xf32, #tpu.memory_space<vmem>>
    tpu.wait_dma2 semaphore(%arg8 : memref<!tpu.dma_semaphore, #tpu.memory_space<semaphore_mem>>) src(%dma_wait3A_531 : memref<80x64xf32, #tpu.memory_space<vmem>>) dst(%dma_wait3A_527 : memref<80x64xf32, #tpu.memory_space<hbm>>)
    %dma_wait3A_532 = arith.constant 2 : i32
    %dma_wait3A_533 = arith.constant 0 : i32
    %dma_wait3A_534 = arith.constant 0 : i32
    %dma_wait3A_535 = tpu.memref_slice %arg6[%dma_wait3A_532, %dma_wait3A_533, %dma_wait3A_534] : memref<5x80x64xf32, #tpu.memory_space<vmem>> -> memref<1x80x64xf32, #tpu.memory_space<vmem>>
    %dma_wait3A_536 = tpu.memref_squeeze %dma_wait3A_535 : memref<1x80x64xf32, #tpu.memory_space<vmem>> -> memref<80x64xf32, #tpu.memory_space<vmem>>
    %dma_wait3A_537 = arith.constant 9760 : i32
    %dma_wait3A_538 = arith.constant 0 : i32
    %dma_wait3A_539 = tpu.memref_slice %arg4[%arg1, %arg0, %dma_wait3A_537, %dma_wait3A_538] : memref<16x2x10000x64xf32, #tpu.memory_space<hbm>> -> memref<1x1x80x64xf32, #tpu.memory_space<hbm>>
    %dma_wait3A_540 = tpu.memref_squeeze %dma_wait3A_539 : memref<1x1x80x64xf32, #tpu.memory_space<hbm>> -> memref<80x64xf32, #tpu.memory_space<hbm>>
    %dma_wait3A_541 = arith.constant 9760 : i32
    %dma_wait3A_542 = arith.constant 0 : i32
    %dma_wait3A_543 = tpu.memref_slice %arg4[%arg1, %arg0, %dma_wait3A_541, %dma_wait3A_542] : memref<16x2x10000x64xf32, #tpu.memory_space<hbm>> -> memref<1x1x80x64xf32, #tpu.memory_space<hbm>>
    %dma_wait3A_544 = tpu.memref_squeeze %dma_wait3A_543 : memref<1x1x80x64xf32, #tpu.memory_space<hbm>> -> memref<80x64xf32, #tpu.memory_space<hbm>>
    %dma_wait3A_545 = arith.constant 0 : i32
    %dma_wait3A_546 = arith.constant 0 : i32
    %dma_wait3A_547 = tpu.memref_slice %arg6[%dma_wait3A_532, %dma_wait3A_545, %dma_wait3A_546] : memref<5x80x64xf32, #tpu.memory_space<vmem>> -> memref<1x80x64xf32, #tpu.memory_space<vmem>>
    %dma_wait3A_548 = tpu.memref_squeeze %dma_wait3A_547 : memref<1x80x64xf32, #tpu.memory_space<vmem>> -> memref<80x64xf32, #tpu.memory_space<vmem>>
    tpu.wait_dma2 semaphore(%arg8 : memref<!tpu.dma_semaphore, #tpu.memory_space<semaphore_mem>>) src(%dma_wait3A_548 : memref<80x64xf32, #tpu.memory_space<vmem>>) dst(%dma_wait3A_544 : memref<80x64xf32, #tpu.memory_space<hbm>>)
    %dma_wait3A_549 = arith.constant 3 : i32
    %dma_wait3A_550 = arith.constant 0 : i32
    %dma_wait3A_551 = arith.constant 0 : i32
    %dma_wait3A_552 = tpu.memref_slice %arg6[%dma_wait3A_549, %dma_wait3A_550, %dma_wait3A_551] : memref<5x80x64xf32, #tpu.memory_space<vmem>> -> memref<1x80x64xf32, #tpu.memory_space<vmem>>
    %dma_wait3A_553 = tpu.memref_squeeze %dma_wait3A_552 : memref<1x80x64xf32, #tpu.memory_space<vmem>> -> memref<80x64xf32, #tpu.memory_space<vmem>>
    %dma_wait3A_554 = arith.constant 9840 : i32
    %dma_wait3A_555 = arith.constant 0 : i32
    %dma_wait3A_556 = tpu.memref_slice %arg4[%arg1, %arg0, %dma_wait3A_554, %dma_wait3A_555] : memref<16x2x10000x64xf32, #tpu.memory_space<hbm>> -> memref<1x1x80x64xf32, #tpu.memory_space<hbm>>
    %dma_wait3A_557 = tpu.memref_squeeze %dma_wait3A_556 : memref<1x1x80x64xf32, #tpu.memory_space<hbm>> -> memref<80x64xf32, #tpu.memory_space<hbm>>
    %dma_wait3A_558 = arith.constant 9840 : i32
    %dma_wait3A_559 = arith.constant 0 : i32
    %dma_wait3A_560 = tpu.memref_slice %arg4[%arg1, %arg0, %dma_wait3A_558, %dma_wait3A_559] : memref<16x2x10000x64xf32, #tpu.memory_space<hbm>> -> memref<1x1x80x64xf32, #tpu.memory_space<hbm>>
    %dma_wait3A_561 = tpu.memref_squeeze %dma_wait3A_560 : memref<1x1x80x64xf32, #tpu.memory_space<hbm>> -> memref<80x64xf32, #tpu.memory_space<hbm>>
    %dma_wait3A_562 = arith.constant 0 : i32
    %dma_wait3A_563 = arith.constant 0 : i32
    %dma_wait3A_564 = tpu.memref_slice %arg6[%dma_wait3A_549, %dma_wait3A_562, %dma_wait3A_563] : memref<5x80x64xf32, #tpu.memory_space<vmem>> -> memref<1x80x64xf32, #tpu.memory_space<vmem>>
    %dma_wait3A_565 = tpu.memref_squeeze %dma_wait3A_564 : memref<1x80x64xf32, #tpu.memory_space<vmem>> -> memref<80x64xf32, #tpu.memory_space<vmem>>
    tpu.wait_dma2 semaphore(%arg8 : memref<!tpu.dma_semaphore, #tpu.memory_space<semaphore_mem>>) src(%dma_wait3A_565 : memref<80x64xf32, #tpu.memory_space<vmem>>) dst(%dma_wait3A_561 : memref<80x64xf32, #tpu.memory_space<hbm>>)
    %dma_wait3A_566 = arith.constant 4 : i32
    %dma_wait3A_567 = arith.constant 0 : i32
    %dma_wait3A_568 = arith.constant 0 : i32
    %dma_wait3A_569 = tpu.memref_slice %arg6[%dma_wait3A_566, %dma_wait3A_567, %dma_wait3A_568] : memref<5x80x64xf32, #tpu.memory_space<vmem>> -> memref<1x80x64xf32, #tpu.memory_space<vmem>>
    %dma_wait3A_570 = tpu.memref_squeeze %dma_wait3A_569 : memref<1x80x64xf32, #tpu.memory_space<vmem>> -> memref<80x64xf32, #tpu.memory_space<vmem>>
    %dma_wait3A_571 = arith.constant 9920 : i32
    %dma_wait3A_572 = arith.constant 0 : i32
    %dma_wait3A_573 = tpu.memref_slice %arg4[%arg1, %arg0, %dma_wait3A_571, %dma_wait3A_572] : memref<16x2x10000x64xf32, #tpu.memory_space<hbm>> -> memref<1x1x80x64xf32, #tpu.memory_space<hbm>>
    %dma_wait3A_574 = tpu.memref_squeeze %dma_wait3A_573 : memref<1x1x80x64xf32, #tpu.memory_space<hbm>> -> memref<80x64xf32, #tpu.memory_space<hbm>>
    %dma_wait3A_575 = arith.constant 9920 : i32
    %dma_wait3A_576 = arith.constant 0 : i32
    %dma_wait3A_577 = tpu.memref_slice %arg4[%arg1, %arg0, %dma_wait3A_575, %dma_wait3A_576] : memref<16x2x10000x64xf32, #tpu.memory_space<hbm>> -> memref<1x1x80x64xf32, #tpu.memory_space<hbm>>
    %dma_wait3A_578 = tpu.memref_squeeze %dma_wait3A_577 : memref<1x1x80x64xf32, #tpu.memory_space<hbm>> -> memref<80x64xf32, #tpu.memory_space<hbm>>
    %dma_wait3A_579 = arith.constant 0 : i32
    %dma_wait3A_580 = arith.constant 0 : i32
    %dma_wait3A_581 = tpu.memref_slice %arg6[%dma_wait3A_566, %dma_wait3A_579, %dma_wait3A_580] : memref<5x80x64xf32, #tpu.memory_space<vmem>> -> memref<1x80x64xf32, #tpu.memory_space<vmem>>
    %dma_wait3A_582 = tpu.memref_squeeze %dma_wait3A_581 : memref<1x80x64xf32, #tpu.memory_space<vmem>> -> memref<80x64xf32, #tpu.memory_space<vmem>>
    tpu.wait_dma2 semaphore(%arg8 : memref<!tpu.dma_semaphore, #tpu.memory_space<semaphore_mem>>) src(%dma_wait3A_582 : memref<80x64xf32, #tpu.memory_space<vmem>>) dst(%dma_wait3A_578 : memref<80x64xf32, #tpu.memory_space<hbm>>)
    return
  }
}

#map = affine_map<(d0, d1) -> (0, 0)>
#map1 = affine_map<(d0, d1) -> (0, 0, 0, 0)>
module attributes {stable_mosaic.version = 14 : i64} {
  func.func @_sc_gather_body(%arg0: i32, %arg1: i32, %arg2: memref<40000x64xf32, #tpu.memory_space<hbm>>, %arg3: memref<16x2x250x80xi32, #tpu.memory_space<hbm>>, %arg4: memref<16x2x10000x64xf32, #tpu.memory_space<hbm>>, %arg5: memref<125x80xi32, #tpu.memory_space<vmem>>, %arg6: memref<5x80x64xf32, #tpu.memory_space<vmem>>, %arg7: memref<!tpu.dma_semaphore, #tpu.memory_space<semaphore_mem>>, %arg8: memref<!tpu.dma_semaphore, #tpu.memory_space<semaphore_mem>>) attributes {dimension_semantics = [#tpu.dimension_semantics<core_parallel>, #tpu.dimension_semantics<subcore_parallel>], iteration_bounds = array<i64: 2, 16>, scalar_prefetch = 0 : i64, scratch_operands = 4 : i64, tpu.core_type = #tpu.core_type<sc_vector_subcore>, window_params = [{transform_indices = #map}, {transform_indices = #map1}, {transform_indices = #map1}]} {
    "tpu.region"() ({
      %run_scoped3A = tpu.sem_alloc : memref<!tpu.dma_semaphore, #tpu.memory_space<semaphore_mem>>
      %dma_start3A_583 = arith.constant 125 : i32
      %dma_start3A_584 = arith.constant 0 : i32
      %dma_start3A_585 = tpu.memref_slice %arg3[%arg1, %arg0, %dma_start3A_583, %dma_start3A_584] : memref<16x2x250x80xi32, #tpu.memory_space<hbm>> -> memref<1x1x125x80xi32, #tpu.memory_space<hbm>>
      %dma_start3A_586 = tpu.memref_squeeze %dma_start3A_585 : memref<1x1x125x80xi32, #tpu.memory_space<hbm>> -> memref<125x80xi32, #tpu.memory_space<hbm>>
      %dma_start3A_587 = arith.constant 125 : i32
      %dma_start3A_588 = arith.constant 0 : i32
      %dma_start3A_589 = tpu.memref_slice %arg3[%arg1, %arg0, %dma_start3A_587, %dma_start3A_588] : memref<16x2x250x80xi32, #tpu.memory_space<hbm>> -> memref<1x1x125x80xi32, #tpu.memory_space<hbm>>
      %dma_start3A_590 = tpu.memref_squeeze %dma_start3A_589 : memref<1x1x125x80xi32, #tpu.memory_space<hbm>> -> memref<125x80xi32, #tpu.memory_space<hbm>>
      tpu.enqueue_dma source(%dma_start3A_590 : memref<125x80xi32, #tpu.memory_space<hbm>>) target(%arg5 : memref<125x80xi32, #tpu.memory_space<vmem>>) target_semaphore(%run_scoped3A : memref<!tpu.dma_semaphore, #tpu.memory_space<semaphore_mem>>)
      %dma_wait3A_591 = arith.constant 125 : i32
      %dma_wait3A_592 = arith.constant 0 : i32
      %dma_wait3A_593 = tpu.memref_slice %arg3[%arg1, %arg0, %dma_wait3A_591, %dma_wait3A_592] : memref<16x2x250x80xi32, #tpu.memory_space<hbm>> -> memref<1x1x125x80xi32, #tpu.memory_space<hbm>>
      %dma_wait3A_594 = tpu.memref_squeeze %dma_wait3A_593 : memref<1x1x125x80xi32, #tpu.memory_space<hbm>> -> memref<125x80xi32, #tpu.memory_space<hbm>>
      %dma_wait3A_595 = arith.constant 125 : i32
      %dma_wait3A_596 = arith.constant 0 : i32
      %dma_wait3A_597 = tpu.memref_slice %arg3[%arg1, %arg0, %dma_wait3A_595, %dma_wait3A_596] : memref<16x2x250x80xi32, #tpu.memory_space<hbm>> -> memref<1x1x125x80xi32, #tpu.memory_space<hbm>>
      %dma_wait3A_598 = tpu.memref_squeeze %dma_wait3A_597 : memref<1x1x125x80xi32, #tpu.memory_space<hbm>> -> memref<125x80xi32, #tpu.memory_space<hbm>>
      tpu.wait_dma2 semaphore(%run_scoped3A : memref<!tpu.dma_semaphore, #tpu.memory_space<semaphore_mem>>) src(%dma_wait3A_598 : memref<125x80xi32, #tpu.memory_space<hbm>>) dst(%arg5 : memref<125x80xi32, #tpu.memory_space<vmem>>)
      tpu.yield
    }) : () -> ()
    %dma_start3A = arith.constant 0 : i32
    %dma_start3A_0 = arith.constant 0 : i32
    %dma_start3A_1 = arith.constant 0 : i32
    %dma_start3A_2 = arith.constant 0 : i32
    %dma_start3A_3 = tpu.memref_slice %arg6[%dma_start3A_0, %dma_start3A_1, %dma_start3A_2] : memref<5x80x64xf32, #tpu.memory_space<vmem>> -> memref<1x80x64xf32, #tpu.memory_space<vmem>>
    %dma_start3A_4 = tpu.memref_squeeze %dma_start3A_3 : memref<1x80x64xf32, #tpu.memory_space<vmem>> -> memref<80x64xf32, #tpu.memory_space<vmem>>
    %dma_start3A_5 = arith.constant 0 : i32
    %dma_start3A_6 = tpu.memref_slice %arg5[%dma_start3A, %dma_start3A_5] : memref<125x80xi32, #tpu.memory_space<vmem>> -> memref<1x80xi32, #tpu.memory_space<vmem>>
    %dma_start3A_7 = tpu.memref_squeeze %dma_start3A_6 : memref<1x80xi32, #tpu.memory_space<vmem>> -> memref<80xi32, #tpu.memory_space<vmem>>
    %dma_start3A_8 = arith.constant 0 : i32
    %dma_start3A_9 = arith.constant 0 : i32
    %dma_start3A_10 = tpu.memref_slice %arg2[%dma_start3A_8, %dma_start3A_9] : memref<40000x64xf32, #tpu.memory_space<hbm>> -> memref<40000x64xf32, #tpu.memory_space<hbm>>
    tpu.enqueue_indirect_dma source(%dma_start3A_10 : memref<40000x64xf32, #tpu.memory_space<hbm>>) target(%dma_start3A_4 : memref<80x64xf32, #tpu.memory_space<vmem>>) offsets(%dma_start3A_7 : memref<80xi32, #tpu.memory_space<vmem>>) semaphore(%arg7 : memref<!tpu.dma_semaphore, #tpu.memory_space<semaphore_mem>>)
    %dma_start3A_11 = arith.constant 1 : i32
    %dma_start3A_12 = arith.constant 1 : i32
    %dma_start3A_13 = arith.constant 0 : i32
    %dma_start3A_14 = arith.constant 0 : i32
    %dma_start3A_15 = tpu.memref_slice %arg6[%dma_start3A_12, %dma_start3A_13, %dma_start3A_14] : memref<5x80x64xf32, #tpu.memory_space<vmem>> -> memref<1x80x64xf32, #tpu.memory_space<vmem>>
    %dma_start3A_16 = tpu.memref_squeeze %dma_start3A_15 : memref<1x80x64xf32, #tpu.memory_space<vmem>> -> memref<80x64xf32, #tpu.memory_space<vmem>>
    %dma_start3A_17 = arith.constant 0 : i32
    %dma_start3A_18 = tpu.memref_slice %arg5[%dma_start3A_11, %dma_start3A_17] : memref<125x80xi32, #tpu.memory_space<vmem>> -> memref<1x80xi32, #tpu.memory_space<vmem>>
    %dma_start3A_19 = tpu.memref_squeeze %dma_start3A_18 : memref<1x80xi32, #tpu.memory_space<vmem>> -> memref<80xi32, #tpu.memory_space<vmem>>
    %dma_start3A_20 = arith.constant 0 : i32
    %dma_start3A_21 = arith.constant 0 : i32
    %dma_start3A_22 = tpu.memref_slice %arg2[%dma_start3A_20, %dma_start3A_21] : memref<40000x64xf32, #tpu.memory_space<hbm>> -> memref<40000x64xf32, #tpu.memory_space<hbm>>
    tpu.enqueue_indirect_dma source(%dma_start3A_22 : memref<40000x64xf32, #tpu.memory_space<hbm>>) target(%dma_start3A_16 : memref<80x64xf32, #tpu.memory_space<vmem>>) offsets(%dma_start3A_19 : memref<80xi32, #tpu.memory_space<vmem>>) semaphore(%arg7 : memref<!tpu.dma_semaphore, #tpu.memory_space<semaphore_mem>>)
    %dma_start3A_23 = arith.constant 2 : i32
    %dma_start3A_24 = arith.constant 2 : i32
    %dma_start3A_25 = arith.constant 0 : i32
    %dma_start3A_26 = arith.constant 0 : i32
    %dma_start3A_27 = tpu.memref_slice %arg6[%dma_start3A_24, %dma_start3A_25, %dma_start3A_26] : memref<5x80x64xf32, #tpu.memory_space<vmem>> -> memref<1x80x64xf32, #tpu.memory_space<vmem>>
    %dma_start3A_28 = tpu.memref_squeeze %dma_start3A_27 : memref<1x80x64xf32, #tpu.memory_space<vmem>> -> memref<80x64xf32, #tpu.memory_space<vmem>>
    %dma_start3A_29 = arith.constant 0 : i32
    %dma_start3A_30 = tpu.memref_slice %arg5[%dma_start3A_23, %dma_start3A_29] : memref<125x80xi32, #tpu.memory_space<vmem>> -> memref<1x80xi32, #tpu.memory_space<vmem>>
    %dma_start3A_31 = tpu.memref_squeeze %dma_start3A_30 : memref<1x80xi32, #tpu.memory_space<vmem>> -> memref<80xi32, #tpu.memory_space<vmem>>
    %dma_start3A_32 = arith.constant 0 : i32
    %dma_start3A_33 = arith.constant 0 : i32
    %dma_start3A_34 = tpu.memref_slice %arg2[%dma_start3A_32, %dma_start3A_33] : memref<40000x64xf32, #tpu.memory_space<hbm>> -> memref<40000x64xf32, #tpu.memory_space<hbm>>
    tpu.enqueue_indirect_dma source(%dma_start3A_34 : memref<40000x64xf32, #tpu.memory_space<hbm>>) target(%dma_start3A_28 : memref<80x64xf32, #tpu.memory_space<vmem>>) offsets(%dma_start3A_31 : memref<80xi32, #tpu.memory_space<vmem>>) semaphore(%arg7 : memref<!tpu.dma_semaphore, #tpu.memory_space<semaphore_mem>>)
    %dma_wait3A = arith.constant 0 : i32
    %dma_wait3A_35 = arith.constant 0 : i32
    %dma_wait3A_36 = arith.constant 0 : i32
    %dma_wait3A_37 = arith.constant 0 : i32
    %dma_wait3A_38 = tpu.memref_slice %arg6[%dma_wait3A_35, %dma_wait3A_36, %dma_wait3A_37] : memref<5x80x64xf32, #tpu.memory_space<vmem>> -> memref<1x80x64xf32, #tpu.memory_space<vmem>>
    %dma_wait3A_39 = tpu.memref_squeeze %dma_wait3A_38 : memref<1x80x64xf32, #tpu.memory_space<vmem>> -> memref<80x64xf32, #tpu.memory_space<vmem>>
    %dma_wait3A_40 = arith.constant 0 : i32
    %dma_wait3A_41 = tpu.memref_slice %arg5[%dma_wait3A, %dma_wait3A_40] : memref<125x80xi32, #tpu.memory_space<vmem>> -> memref<1x80xi32, #tpu.memory_space<vmem>>
    %dma_wait3A_42 = tpu.memref_squeeze %dma_wait3A_41 : memref<1x80xi32, #tpu.memory_space<vmem>> -> memref<80xi32, #tpu.memory_space<vmem>>
    %dma_wait3A_43 = arith.constant 0 : i32
    %dma_wait3A_44 = arith.constant 0 : i32
    %dma_wait3A_45 = tpu.memref_slice %arg2[%dma_wait3A_43, %dma_wait3A_44] : memref<40000x64xf32, #tpu.memory_space<hbm>> -> memref<40000x64xf32, #tpu.memory_space<hbm>>
    tpu.wait_indirect_dma semaphore(%arg7 : memref<!tpu.dma_semaphore, #tpu.memory_space<semaphore_mem>>) src(%dma_wait3A_45 : memref<40000x64xf32, #tpu.memory_space<hbm>>) dst(%dma_wait3A_39 : memref<80x64xf32, #tpu.memory_space<vmem>>)
    %dma_start3A_46 = arith.constant 0 : i32
    %dma_start3A_47 = arith.constant 0 : i32
    %dma_start3A_48 = arith.constant 0 : i32
    %dma_start3A_49 = tpu.memref_slice %arg6[%dma_start3A_46, %dma_start3A_47, %dma_start3A_48] : memref<5x80x64xf32, #tpu.memory_space<vmem>> -> memref<1x80x64xf32, #tpu.memory_space<vmem>>
    %dma_start3A_50 = tpu.memref_squeeze %dma_start3A_49 : memref<1x80x64xf32, #tpu.memory_space<vmem>> -> memref<80x64xf32, #tpu.memory_space<vmem>>
    %dma_start3A_51 = arith.constant 0 : i32
    %dma_start3A_52 = arith.constant 0 : i32
    %dma_start3A_53 = tpu.memref_slice %arg4[%arg1, %arg0, %dma_start3A_51, %dma_start3A_52] : memref<16x2x10000x64xf32, #tpu.memory_space<hbm>> -> memref<1x1x80x64xf32, #tpu.memory_space<hbm>>
    %dma_start3A_54 = tpu.memref_squeeze %dma_start3A_53 : memref<1x1x80x64xf32, #tpu.memory_space<hbm>> -> memref<80x64xf32, #tpu.memory_space<hbm>>
    %dma_start3A_55 = arith.constant 0 : i32
    %dma_start3A_56 = arith.constant 0 : i32
    %dma_start3A_57 = tpu.memref_slice %arg4[%arg1, %arg0, %dma_start3A_55, %dma_start3A_56] : memref<16x2x10000x64xf32, #tpu.memory_space<hbm>> -> memref<1x1x80x64xf32, #tpu.memory_space<hbm>>
    %dma_start3A_58 = tpu.memref_squeeze %dma_start3A_57 : memref<1x1x80x64xf32, #tpu.memory_space<hbm>> -> memref<80x64xf32, #tpu.memory_space<hbm>>
    %dma_start3A_59 = arith.constant 0 : i32
    %dma_start3A_60 = arith.constant 0 : i32
    %dma_start3A_61 = tpu.memref_slice %arg6[%dma_start3A_46, %dma_start3A_59, %dma_start3A_60] : memref<5x80x64xf32, #tpu.memory_space<vmem>> -> memref<1x80x64xf32, #tpu.memory_space<vmem>>
    %dma_start3A_62 = tpu.memref_squeeze %dma_start3A_61 : memref<1x80x64xf32, #tpu.memory_space<vmem>> -> memref<80x64xf32, #tpu.memory_space<vmem>>
    tpu.enqueue_dma source(%dma_start3A_62 : memref<80x64xf32, #tpu.memory_space<vmem>>) target(%dma_start3A_58 : memref<80x64xf32, #tpu.memory_space<hbm>>) target_semaphore(%arg8 : memref<!tpu.dma_semaphore, #tpu.memory_space<semaphore_mem>>)
    %dma_start3A_63 = arith.constant 3 : i32
    %dma_start3A_64 = arith.constant 3 : i32
    %dma_start3A_65 = arith.constant 0 : i32
    %dma_start3A_66 = arith.constant 0 : i32
    %dma_start3A_67 = tpu.memref_slice %arg6[%dma_start3A_64, %dma_start3A_65, %dma_start3A_66] : memref<5x80x64xf32, #tpu.memory_space<vmem>> -> memref<1x80x64xf32, #tpu.memory_space<vmem>>
    %dma_start3A_68 = tpu.memref_squeeze %dma_start3A_67 : memref<1x80x64xf32, #tpu.memory_space<vmem>> -> memref<80x64xf32, #tpu.memory_space<vmem>>
    %dma_start3A_69 = arith.constant 0 : i32
    %dma_start3A_70 = tpu.memref_slice %arg5[%dma_start3A_63, %dma_start3A_69] : memref<125x80xi32, #tpu.memory_space<vmem>> -> memref<1x80xi32, #tpu.memory_space<vmem>>
    %dma_start3A_71 = tpu.memref_squeeze %dma_start3A_70 : memref<1x80xi32, #tpu.memory_space<vmem>> -> memref<80xi32, #tpu.memory_space<vmem>>
    %dma_start3A_72 = arith.constant 0 : i32
    %dma_start3A_73 = arith.constant 0 : i32
    %dma_start3A_74 = tpu.memref_slice %arg2[%dma_start3A_72, %dma_start3A_73] : memref<40000x64xf32, #tpu.memory_space<hbm>> -> memref<40000x64xf32, #tpu.memory_space<hbm>>
    tpu.enqueue_indirect_dma source(%dma_start3A_74 : memref<40000x64xf32, #tpu.memory_space<hbm>>) target(%dma_start3A_68 : memref<80x64xf32, #tpu.memory_space<vmem>>) offsets(%dma_start3A_71 : memref<80xi32, #tpu.memory_space<vmem>>) semaphore(%arg7 : memref<!tpu.dma_semaphore, #tpu.memory_space<semaphore_mem>>)
    %dma_wait3A_75 = arith.constant 1 : i32
    %dma_wait3A_76 = arith.constant 1 : i32
    %dma_wait3A_77 = arith.constant 0 : i32
    %dma_wait3A_78 = arith.constant 0 : i32
    %dma_wait3A_79 = tpu.memref_slice %arg6[%dma_wait3A_76, %dma_wait3A_77, %dma_wait3A_78] : memref<5x80x64xf32, #tpu.memory_space<vmem>> -> memref<1x80x64xf32, #tpu.memory_space<vmem>>
    %dma_wait3A_80 = tpu.memref_squeeze %dma_wait3A_79 : memref<1x80x64xf32, #tpu.memory_space<vmem>> -> memref<80x64xf32, #tpu.memory_space<vmem>>
    %dma_wait3A_81 = arith.constant 0 : i32
    %dma_wait3A_82 = tpu.memref_slice %arg5[%dma_wait3A_75, %dma_wait3A_81] : memref<125x80xi32, #tpu.memory_space<vmem>> -> memref<1x80xi32, #tpu.memory_space<vmem>>
    %dma_wait3A_83 = tpu.memref_squeeze %dma_wait3A_82 : memref<1x80xi32, #tpu.memory_space<vmem>> -> memref<80xi32, #tpu.memory_space<vmem>>
    %dma_wait3A_84 = arith.constant 0 : i32
    %dma_wait3A_85 = arith.constant 0 : i32
    %dma_wait3A_86 = tpu.memref_slice %arg2[%dma_wait3A_84, %dma_wait3A_85] : memref<40000x64xf32, #tpu.memory_space<hbm>> -> memref<40000x64xf32, #tpu.memory_space<hbm>>
    tpu.wait_indirect_dma semaphore(%arg7 : memref<!tpu.dma_semaphore, #tpu.memory_space<semaphore_mem>>) src(%dma_wait3A_86 : memref<40000x64xf32, #tpu.memory_space<hbm>>) dst(%dma_wait3A_80 : memref<80x64xf32, #tpu.memory_space<vmem>>)
    %dma_start3A_87 = arith.constant 1 : i32
    %dma_start3A_88 = arith.constant 0 : i32
    %dma_start3A_89 = arith.constant 0 : i32
    %dma_start3A_90 = tpu.memref_slice %arg6[%dma_start3A_87, %dma_start3A_88, %dma_start3A_89] : memref<5x80x64xf32, #tpu.memory_space<vmem>> -> memref<1x80x64xf32, #tpu.memory_space<vmem>>
    %dma_start3A_91 = tpu.memref_squeeze %dma_start3A_90 : memref<1x80x64xf32, #tpu.memory_space<vmem>> -> memref<80x64xf32, #tpu.memory_space<vmem>>
    %dma_start3A_92 = arith.constant 80 : i32
    %dma_start3A_93 = arith.constant 0 : i32
    %dma_start3A_94 = tpu.memref_slice %arg4[%arg1, %arg0, %dma_start3A_92, %dma_start3A_93] : memref<16x2x10000x64xf32, #tpu.memory_space<hbm>> -> memref<1x1x80x64xf32, #tpu.memory_space<hbm>>
    %dma_start3A_95 = tpu.memref_squeeze %dma_start3A_94 : memref<1x1x80x64xf32, #tpu.memory_space<hbm>> -> memref<80x64xf32, #tpu.memory_space<hbm>>
    %dma_start3A_96 = arith.constant 80 : i32
    %dma_start3A_97 = arith.constant 0 : i32
    %dma_start3A_98 = tpu.memref_slice %arg4[%arg1, %arg0, %dma_start3A_96, %dma_start3A_97] : memref<16x2x10000x64xf32, #tpu.memory_space<hbm>> -> memref<1x1x80x64xf32, #tpu.memory_space<hbm>>
    %dma_start3A_99 = tpu.memref_squeeze %dma_start3A_98 : memref<1x1x80x64xf32, #tpu.memory_space<hbm>> -> memref<80x64xf32, #tpu.memory_space<hbm>>
    %dma_start3A_100 = arith.constant 0 : i32
    %dma_start3A_101 = arith.constant 0 : i32
    %dma_start3A_102 = tpu.memref_slice %arg6[%dma_start3A_87, %dma_start3A_100, %dma_start3A_101] : memref<5x80x64xf32, #tpu.memory_space<vmem>> -> memref<1x80x64xf32, #tpu.memory_space<vmem>>
    %dma_start3A_103 = tpu.memref_squeeze %dma_start3A_102 : memref<1x80x64xf32, #tpu.memory_space<vmem>> -> memref<80x64xf32, #tpu.memory_space<vmem>>
    tpu.enqueue_dma source(%dma_start3A_103 : memref<80x64xf32, #tpu.memory_space<vmem>>) target(%dma_start3A_99 : memref<80x64xf32, #tpu.memory_space<hbm>>) target_semaphore(%arg8 : memref<!tpu.dma_semaphore, #tpu.memory_space<semaphore_mem>>)
    %dma_start3A_104 = arith.constant 4 : i32
    %dma_start3A_105 = arith.constant 4 : i32
    %dma_start3A_106 = arith.constant 0 : i32
    %dma_start3A_107 = arith.constant 0 : i32
    %dma_start3A_108 = tpu.memref_slice %arg6[%dma_start3A_105, %dma_start3A_106, %dma_start3A_107] : memref<5x80x64xf32, #tpu.memory_space<vmem>> -> memref<1x80x64xf32, #tpu.memory_space<vmem>>
    %dma_start3A_109 = tpu.memref_squeeze %dma_start3A_108 : memref<1x80x64xf32, #tpu.memory_space<vmem>> -> memref<80x64xf32, #tpu.memory_space<vmem>>
    %dma_start3A_110 = arith.constant 0 : i32
    %dma_start3A_111 = tpu.memref_slice %arg5[%dma_start3A_104, %dma_start3A_110] : memref<125x80xi32, #tpu.memory_space<vmem>> -> memref<1x80xi32, #tpu.memory_space<vmem>>
    %dma_start3A_112 = tpu.memref_squeeze %dma_start3A_111 : memref<1x80xi32, #tpu.memory_space<vmem>> -> memref<80xi32, #tpu.memory_space<vmem>>
    %dma_start3A_113 = arith.constant 0 : i32
    %dma_start3A_114 = arith.constant 0 : i32
    %dma_start3A_115 = tpu.memref_slice %arg2[%dma_start3A_113, %dma_start3A_114] : memref<40000x64xf32, #tpu.memory_space<hbm>> -> memref<40000x64xf32, #tpu.memory_space<hbm>>
    tpu.enqueue_indirect_dma source(%dma_start3A_115 : memref<40000x64xf32, #tpu.memory_space<hbm>>) target(%dma_start3A_109 : memref<80x64xf32, #tpu.memory_space<vmem>>) offsets(%dma_start3A_112 : memref<80xi32, #tpu.memory_space<vmem>>) semaphore(%arg7 : memref<!tpu.dma_semaphore, #tpu.memory_space<semaphore_mem>>)
    %dma_wait3A_116 = arith.constant 2 : i32
    %dma_wait3A_117 = arith.constant 2 : i32
    %dma_wait3A_118 = arith.constant 0 : i32
    %dma_wait3A_119 = arith.constant 0 : i32
    %dma_wait3A_120 = tpu.memref_slice %arg6[%dma_wait3A_117, %dma_wait3A_118, %dma_wait3A_119] : memref<5x80x64xf32, #tpu.memory_space<vmem>> -> memref<1x80x64xf32, #tpu.memory_space<vmem>>
    %dma_wait3A_121 = tpu.memref_squeeze %dma_wait3A_120 : memref<1x80x64xf32, #tpu.memory_space<vmem>> -> memref<80x64xf32, #tpu.memory_space<vmem>>
    %dma_wait3A_122 = arith.constant 0 : i32
    %dma_wait3A_123 = tpu.memref_slice %arg5[%dma_wait3A_116, %dma_wait3A_122] : memref<125x80xi32, #tpu.memory_space<vmem>> -> memref<1x80xi32, #tpu.memory_space<vmem>>
    %dma_wait3A_124 = tpu.memref_squeeze %dma_wait3A_123 : memref<1x80xi32, #tpu.memory_space<vmem>> -> memref<80xi32, #tpu.memory_space<vmem>>
    %dma_wait3A_125 = arith.constant 0 : i32
    %dma_wait3A_126 = arith.constant 0 : i32
    %dma_wait3A_127 = tpu.memref_slice %arg2[%dma_wait3A_125, %dma_wait3A_126] : memref<40000x64xf32, #tpu.memory_space<hbm>> -> memref<40000x64xf32, #tpu.memory_space<hbm>>
    tpu.wait_indirect_dma semaphore(%arg7 : memref<!tpu.dma_semaphore, #tpu.memory_space<semaphore_mem>>) src(%dma_wait3A_127 : memref<40000x64xf32, #tpu.memory_space<hbm>>) dst(%dma_wait3A_121 : memref<80x64xf32, #tpu.memory_space<vmem>>)
    %dma_start3A_128 = arith.constant 2 : i32
    %dma_start3A_129 = arith.constant 0 : i32
    %dma_start3A_130 = arith.constant 0 : i32
    %dma_start3A_131 = tpu.memref_slice %arg6[%dma_start3A_128, %dma_start3A_129, %dma_start3A_130] : memref<5x80x64xf32, #tpu.memory_space<vmem>> -> memref<1x80x64xf32, #tpu.memory_space<vmem>>
    %dma_start3A_132 = tpu.memref_squeeze %dma_start3A_131 : memref<1x80x64xf32, #tpu.memory_space<vmem>> -> memref<80x64xf32, #tpu.memory_space<vmem>>
    %dma_start3A_133 = arith.constant 160 : i32
    %dma_start3A_134 = arith.constant 0 : i32
    %dma_start3A_135 = tpu.memref_slice %arg4[%arg1, %arg0, %dma_start3A_133, %dma_start3A_134] : memref<16x2x10000x64xf32, #tpu.memory_space<hbm>> -> memref<1x1x80x64xf32, #tpu.memory_space<hbm>>
    %dma_start3A_136 = tpu.memref_squeeze %dma_start3A_135 : memref<1x1x80x64xf32, #tpu.memory_space<hbm>> -> memref<80x64xf32, #tpu.memory_space<hbm>>
    %dma_start3A_137 = arith.constant 160 : i32
    %dma_start3A_138 = arith.constant 0 : i32
    %dma_start3A_139 = tpu.memref_slice %arg4[%arg1, %arg0, %dma_start3A_137, %dma_start3A_138] : memref<16x2x10000x64xf32, #tpu.memory_space<hbm>> -> memref<1x1x80x64xf32, #tpu.memory_space<hbm>>
    %dma_start3A_140 = tpu.memref_squeeze %dma_start3A_139 : memref<1x1x80x64xf32, #tpu.memory_space<hbm>> -> memref<80x64xf32, #tpu.memory_space<hbm>>
    %dma_start3A_141 = arith.constant 0 : i32
    %dma_start3A_142 = arith.constant 0 : i32
    %dma_start3A_143 = tpu.memref_slice %arg6[%dma_start3A_128, %dma_start3A_141, %dma_start3A_142] : memref<5x80x64xf32, #tpu.memory_space<vmem>> -> memref<1x80x64xf32, #tpu.memory_space<vmem>>
    %dma_start3A_144 = tpu.memref_squeeze %dma_start3A_143 : memref<1x80x64xf32, #tpu.memory_space<vmem>> -> memref<80x64xf32, #tpu.memory_space<vmem>>
    tpu.enqueue_dma source(%dma_start3A_144 : memref<80x64xf32, #tpu.memory_space<vmem>>) target(%dma_start3A_140 : memref<80x64xf32, #tpu.memory_space<hbm>>) target_semaphore(%arg8 : memref<!tpu.dma_semaphore, #tpu.memory_space<semaphore_mem>>)
    %dma_wait3A_145 = arith.constant 0 : i32
    %dma_wait3A_146 = arith.constant 0 : i32
    %dma_wait3A_147 = arith.constant 0 : i32
    %dma_wait3A_148 = tpu.memref_slice %arg6[%dma_wait3A_145, %dma_wait3A_146, %dma_wait3A_147] : memref<5x80x64xf32, #tpu.memory_space<vmem>> -> memref<1x80x64xf32, #tpu.memory_space<vmem>>
    %dma_wait3A_149 = tpu.memref_squeeze %dma_wait3A_148 : memref<1x80x64xf32, #tpu.memory_space<vmem>> -> memref<80x64xf32, #tpu.memory_space<vmem>>
    %dma_wait3A_150 = arith.constant 0 : i32
    %dma_wait3A_151 = arith.constant 0 : i32
    %dma_wait3A_152 = tpu.memref_slice %arg4[%arg1, %arg0, %dma_wait3A_150, %dma_wait3A_151] : memref<16x2x10000x64xf32, #tpu.memory_space<hbm>> -> memref<1x1x80x64xf32, #tpu.memory_space<hbm>>
    %dma_wait3A_153 = tpu.memref_squeeze %dma_wait3A_152 : memref<1x1x80x64xf32, #tpu.memory_space<hbm>> -> memref<80x64xf32, #tpu.memory_space<hbm>>
    %dma_wait3A_154 = arith.constant 0 : i32
    %dma_wait3A_155 = arith.constant 0 : i32
    %dma_wait3A_156 = tpu.memref_slice %arg4[%arg1, %arg0, %dma_wait3A_154, %dma_wait3A_155] : memref<16x2x10000x64xf32, #tpu.memory_space<hbm>> -> memref<1x1x80x64xf32, #tpu.memory_space<hbm>>
    %dma_wait3A_157 = tpu.memref_squeeze %dma_wait3A_156 : memref<1x1x80x64xf32, #tpu.memory_space<hbm>> -> memref<80x64xf32, #tpu.memory_space<hbm>>
    %dma_wait3A_158 = arith.constant 0 : i32
    %dma_wait3A_159 = arith.constant 0 : i32
    %dma_wait3A_160 = tpu.memref_slice %arg6[%dma_wait3A_145, %dma_wait3A_158, %dma_wait3A_159] : memref<5x80x64xf32, #tpu.memory_space<vmem>> -> memref<1x80x64xf32, #tpu.memory_space<vmem>>
    %dma_wait3A_161 = tpu.memref_squeeze %dma_wait3A_160 : memref<1x80x64xf32, #tpu.memory_space<vmem>> -> memref<80x64xf32, #tpu.memory_space<vmem>>
    tpu.wait_dma2 semaphore(%arg8 : memref<!tpu.dma_semaphore, #tpu.memory_space<semaphore_mem>>) src(%dma_wait3A_161 : memref<80x64xf32, #tpu.memory_space<vmem>>) dst(%dma_wait3A_157 : memref<80x64xf32, #tpu.memory_space<hbm>>)
    %dma_start3A_162 = arith.constant 5 : i32
    %dma_start3A_163 = arith.constant 0 : i32
    %dma_start3A_164 = arith.constant 0 : i32
    %dma_start3A_165 = arith.constant 0 : i32
    %dma_start3A_166 = tpu.memref_slice %arg6[%dma_start3A_163, %dma_start3A_164, %dma_start3A_165] : memref<5x80x64xf32, #tpu.memory_space<vmem>> -> memref<1x80x64xf32, #tpu.memory_space<vmem>>
    %dma_start3A_167 = tpu.memref_squeeze %dma_start3A_166 : memref<1x80x64xf32, #tpu.memory_space<vmem>> -> memref<80x64xf32, #tpu.memory_space<vmem>>
    %dma_start3A_168 = arith.constant 0 : i32
    %dma_start3A_169 = tpu.memref_slice %arg5[%dma_start3A_162, %dma_start3A_168] : memref<125x80xi32, #tpu.memory_space<vmem>> -> memref<1x80xi32, #tpu.memory_space<vmem>>
    %dma_start3A_170 = tpu.memref_squeeze %dma_start3A_169 : memref<1x80xi32, #tpu.memory_space<vmem>> -> memref<80xi32, #tpu.memory_space<vmem>>
    %dma_start3A_171 = arith.constant 0 : i32
    %dma_start3A_172 = arith.constant 0 : i32
    %dma_start3A_173 = tpu.memref_slice %arg2[%dma_start3A_171, %dma_start3A_172] : memref<40000x64xf32, #tpu.memory_space<hbm>> -> memref<40000x64xf32, #tpu.memory_space<hbm>>
    tpu.enqueue_indirect_dma source(%dma_start3A_173 : memref<40000x64xf32, #tpu.memory_space<hbm>>) target(%dma_start3A_167 : memref<80x64xf32, #tpu.memory_space<vmem>>) offsets(%dma_start3A_170 : memref<80xi32, #tpu.memory_space<vmem>>) semaphore(%arg7 : memref<!tpu.dma_semaphore, #tpu.memory_space<semaphore_mem>>)
    %dma_wait3A_174 = arith.constant 3 : i32
    %dma_wait3A_175 = arith.constant 3 : i32
    %dma_wait3A_176 = arith.constant 0 : i32
    %dma_wait3A_177 = arith.constant 0 : i32
    %dma_wait3A_178 = tpu.memref_slice %arg6[%dma_wait3A_175, %dma_wait3A_176, %dma_wait3A_177] : memref<5x80x64xf32, #tpu.memory_space<vmem>> -> memref<1x80x64xf32, #tpu.memory_space<vmem>>
    %dma_wait3A_179 = tpu.memref_squeeze %dma_wait3A_178 : memref<1x80x64xf32, #tpu.memory_space<vmem>> -> memref<80x64xf32, #tpu.memory_space<vmem>>
    %dma_wait3A_180 = arith.constant 0 : i32
    %dma_wait3A_181 = tpu.memref_slice %arg5[%dma_wait3A_174, %dma_wait3A_180] : memref<125x80xi32, #tpu.memory_space<vmem>> -> memref<1x80xi32, #tpu.memory_space<vmem>>
    %dma_wait3A_182 = tpu.memref_squeeze %dma_wait3A_181 : memref<1x80xi32, #tpu.memory_space<vmem>> -> memref<80xi32, #tpu.memory_space<vmem>>
    %dma_wait3A_183 = arith.constant 0 : i32
    %dma_wait3A_184 = arith.constant 0 : i32
    %dma_wait3A_185 = tpu.memref_slice %arg2[%dma_wait3A_183, %dma_wait3A_184] : memref<40000x64xf32, #tpu.memory_space<hbm>> -> memref<40000x64xf32, #tpu.memory_space<hbm>>
    tpu.wait_indirect_dma semaphore(%arg7 : memref<!tpu.dma_semaphore, #tpu.memory_space<semaphore_mem>>) src(%dma_wait3A_185 : memref<40000x64xf32, #tpu.memory_space<hbm>>) dst(%dma_wait3A_179 : memref<80x64xf32, #tpu.memory_space<vmem>>)
    %dma_start3A_186 = arith.constant 3 : i32
    %dma_start3A_187 = arith.constant 0 : i32
    %dma_start3A_188 = arith.constant 0 : i32
    %dma_start3A_189 = tpu.memref_slice %arg6[%dma_start3A_186, %dma_start3A_187, %dma_start3A_188] : memref<5x80x64xf32, #tpu.memory_space<vmem>> -> memref<1x80x64xf32, #tpu.memory_space<vmem>>
    %dma_start3A_190 = tpu.memref_squeeze %dma_start3A_189 : memref<1x80x64xf32, #tpu.memory_space<vmem>> -> memref<80x64xf32, #tpu.memory_space<vmem>>
    %dma_start3A_191 = arith.constant 240 : i32
    %dma_start3A_192 = arith.constant 0 : i32
    %dma_start3A_193 = tpu.memref_slice %arg4[%arg1, %arg0, %dma_start3A_191, %dma_start3A_192] : memref<16x2x10000x64xf32, #tpu.memory_space<hbm>> -> memref<1x1x80x64xf32, #tpu.memory_space<hbm>>
    %dma_start3A_194 = tpu.memref_squeeze %dma_start3A_193 : memref<1x1x80x64xf32, #tpu.memory_space<hbm>> -> memref<80x64xf32, #tpu.memory_space<hbm>>
    %dma_start3A_195 = arith.constant 240 : i32
    %dma_start3A_196 = arith.constant 0 : i32
    %dma_start3A_197 = tpu.memref_slice %arg4[%arg1, %arg0, %dma_start3A_195, %dma_start3A_196] : memref<16x2x10000x64xf32, #tpu.memory_space<hbm>> -> memref<1x1x80x64xf32, #tpu.memory_space<hbm>>
    %dma_start3A_198 = tpu.memref_squeeze %dma_start3A_197 : memref<1x1x80x64xf32, #tpu.memory_space<hbm>> -> memref<80x64xf32, #tpu.memory_space<hbm>>
    %dma_start3A_199 = arith.constant 0 : i32
    %dma_start3A_200 = arith.constant 0 : i32
    %dma_start3A_201 = tpu.memref_slice %arg6[%dma_start3A_186, %dma_start3A_199, %dma_start3A_200] : memref<5x80x64xf32, #tpu.memory_space<vmem>> -> memref<1x80x64xf32, #tpu.memory_space<vmem>>
    %dma_start3A_202 = tpu.memref_squeeze %dma_start3A_201 : memref<1x80x64xf32, #tpu.memory_space<vmem>> -> memref<80x64xf32, #tpu.memory_space<vmem>>
    tpu.enqueue_dma source(%dma_start3A_202 : memref<80x64xf32, #tpu.memory_space<vmem>>) target(%dma_start3A_198 : memref<80x64xf32, #tpu.memory_space<hbm>>) target_semaphore(%arg8 : memref<!tpu.dma_semaphore, #tpu.memory_space<semaphore_mem>>)
    %dma_wait3A_203 = arith.constant 1 : i32
    %dma_wait3A_204 = arith.constant 0 : i32
    %dma_wait3A_205 = arith.constant 0 : i32
    %dma_wait3A_206 = tpu.memref_slice %arg6[%dma_wait3A_203, %dma_wait3A_204, %dma_wait3A_205] : memref<5x80x64xf32, #tpu.memory_space<vmem>> -> memref<1x80x64xf32, #tpu.memory_space<vmem>>
    %dma_wait3A_207 = tpu.memref_squeeze %dma_wait3A_206 : memref<1x80x64xf32, #tpu.memory_space<vmem>> -> memref<80x64xf32, #tpu.memory_space<vmem>>
    %dma_wait3A_208 = arith.constant 80 : i32
    %dma_wait3A_209 = arith.constant 0 : i32
    %dma_wait3A_210 = tpu.memref_slice %arg4[%arg1, %arg0, %dma_wait3A_208, %dma_wait3A_209] : memref<16x2x10000x64xf32, #tpu.memory_space<hbm>> -> memref<1x1x80x64xf32, #tpu.memory_space<hbm>>
    %dma_wait3A_211 = tpu.memref_squeeze %dma_wait3A_210 : memref<1x1x80x64xf32, #tpu.memory_space<hbm>> -> memref<80x64xf32, #tpu.memory_space<hbm>>
    %dma_wait3A_212 = arith.constant 80 : i32
    %dma_wait3A_213 = arith.constant 0 : i32
    %dma_wait3A_214 = tpu.memref_slice %arg4[%arg1, %arg0, %dma_wait3A_212, %dma_wait3A_213] : memref<16x2x10000x64xf32, #tpu.memory_space<hbm>> -> memref<1x1x80x64xf32, #tpu.memory_space<hbm>>
    %dma_wait3A_215 = tpu.memref_squeeze %dma_wait3A_214 : memref<1x1x80x64xf32, #tpu.memory_space<hbm>> -> memref<80x64xf32, #tpu.memory_space<hbm>>
    %dma_wait3A_216 = arith.constant 0 : i32
    %dma_wait3A_217 = arith.constant 0 : i32
    %dma_wait3A_218 = tpu.memref_slice %arg6[%dma_wait3A_203, %dma_wait3A_216, %dma_wait3A_217] : memref<5x80x64xf32, #tpu.memory_space<vmem>> -> memref<1x80x64xf32, #tpu.memory_space<vmem>>
    %dma_wait3A_219 = tpu.memref_squeeze %dma_wait3A_218 : memref<1x80x64xf32, #tpu.memory_space<vmem>> -> memref<80x64xf32, #tpu.memory_space<vmem>>
    tpu.wait_dma2 semaphore(%arg8 : memref<!tpu.dma_semaphore, #tpu.memory_space<semaphore_mem>>) src(%dma_wait3A_219 : memref<80x64xf32, #tpu.memory_space<vmem>>) dst(%dma_wait3A_215 : memref<80x64xf32, #tpu.memory_space<hbm>>)
    %dma_start3A_220 = arith.constant 6 : i32
    %dma_start3A_221 = arith.constant 1 : i32
    %dma_start3A_222 = arith.constant 0 : i32
    %dma_start3A_223 = arith.constant 0 : i32
    %dma_start3A_224 = tpu.memref_slice %arg6[%dma_start3A_221, %dma_start3A_222, %dma_start3A_223] : memref<5x80x64xf32, #tpu.memory_space<vmem>> -> memref<1x80x64xf32, #tpu.memory_space<vmem>>
    %dma_start3A_225 = tpu.memref_squeeze %dma_start3A_224 : memref<1x80x64xf32, #tpu.memory_space<vmem>> -> memref<80x64xf32, #tpu.memory_space<vmem>>
    %dma_start3A_226 = arith.constant 0 : i32
    %dma_start3A_227 = tpu.memref_slice %arg5[%dma_start3A_220, %dma_start3A_226] : memref<125x80xi32, #tpu.memory_space<vmem>> -> memref<1x80xi32, #tpu.memory_space<vmem>>
    %dma_start3A_228 = tpu.memref_squeeze %dma_start3A_227 : memref<1x80xi32, #tpu.memory_space<vmem>> -> memref<80xi32, #tpu.memory_space<vmem>>
    %dma_start3A_229 = arith.constant 0 : i32
    %dma_start3A_230 = arith.constant 0 : i32
    %dma_start3A_231 = tpu.memref_slice %arg2[%dma_start3A_229, %dma_start3A_230] : memref<40000x64xf32, #tpu.memory_space<hbm>> -> memref<40000x64xf32, #tpu.memory_space<hbm>>
    tpu.enqueue_indirect_dma source(%dma_start3A_231 : memref<40000x64xf32, #tpu.memory_space<hbm>>) target(%dma_start3A_225 : memref<80x64xf32, #tpu.memory_space<vmem>>) offsets(%dma_start3A_228 : memref<80xi32, #tpu.memory_space<vmem>>) semaphore(%arg7 : memref<!tpu.dma_semaphore, #tpu.memory_space<semaphore_mem>>)
    %dma_wait3A_232 = arith.constant 4 : i32
    %dma_wait3A_233 = arith.constant 4 : i32
    %dma_wait3A_234 = arith.constant 0 : i32
    %dma_wait3A_235 = arith.constant 0 : i32
    %dma_wait3A_236 = tpu.memref_slice %arg6[%dma_wait3A_233, %dma_wait3A_234, %dma_wait3A_235] : memref<5x80x64xf32, #tpu.memory_space<vmem>> -> memref<1x80x64xf32, #tpu.memory_space<vmem>>
    %dma_wait3A_237 = tpu.memref_squeeze %dma_wait3A_236 : memref<1x80x64xf32, #tpu.memory_space<vmem>> -> memref<80x64xf32, #tpu.memory_space<vmem>>
    %dma_wait3A_238 = arith.constant 0 : i32
    %dma_wait3A_239 = tpu.memref_slice %arg5[%dma_wait3A_232, %dma_wait3A_238] : memref<125x80xi32, #tpu.memory_space<vmem>> -> memref<1x80xi32, #tpu.memory_space<vmem>>
    %dma_wait3A_240 = tpu.memref_squeeze %dma_wait3A_239 : memref<1x80xi32, #tpu.memory_space<vmem>> -> memref<80xi32, #tpu.memory_space<vmem>>
    %dma_wait3A_241 = arith.constant 0 : i32
    %dma_wait3A_242 = arith.constant 0 : i32
    %dma_wait3A_243 = tpu.memref_slice %arg2[%dma_wait3A_241, %dma_wait3A_242] : memref<40000x64xf32, #tpu.memory_space<hbm>> -> memref<40000x64xf32, #tpu.memory_space<hbm>>
    tpu.wait_indirect_dma semaphore(%arg7 : memref<!tpu.dma_semaphore, #tpu.memory_space<semaphore_mem>>) src(%dma_wait3A_243 : memref<40000x64xf32, #tpu.memory_space<hbm>>) dst(%dma_wait3A_237 : memref<80x64xf32, #tpu.memory_space<vmem>>)
    %dma_start3A_244 = arith.constant 4 : i32
    %dma_start3A_245 = arith.constant 0 : i32
    %dma_start3A_246 = arith.constant 0 : i32
    %dma_start3A_247 = tpu.memref_slice %arg6[%dma_start3A_244, %dma_start3A_245, %dma_start3A_246] : memref<5x80x64xf32, #tpu.memory_space<vmem>> -> memref<1x80x64xf32, #tpu.memory_space<vmem>>
    %dma_start3A_248 = tpu.memref_squeeze %dma_start3A_247 : memref<1x80x64xf32, #tpu.memory_space<vmem>> -> memref<80x64xf32, #tpu.memory_space<vmem>>
    %dma_start3A_249 = arith.constant 320 : i32
    %dma_start3A_250 = arith.constant 0 : i32
    %dma_start3A_251 = tpu.memref_slice %arg4[%arg1, %arg0, %dma_start3A_249, %dma_start3A_250] : memref<16x2x10000x64xf32, #tpu.memory_space<hbm>> -> memref<1x1x80x64xf32, #tpu.memory_space<hbm>>
    %dma_start3A_252 = tpu.memref_squeeze %dma_start3A_251 : memref<1x1x80x64xf32, #tpu.memory_space<hbm>> -> memref<80x64xf32, #tpu.memory_space<hbm>>
    %dma_start3A_253 = arith.constant 320 : i32
    %dma_start3A_254 = arith.constant 0 : i32
    %dma_start3A_255 = tpu.memref_slice %arg4[%arg1, %arg0, %dma_start3A_253, %dma_start3A_254] : memref<16x2x10000x64xf32, #tpu.memory_space<hbm>> -> memref<1x1x80x64xf32, #tpu.memory_space<hbm>>
    %dma_start3A_256 = tpu.memref_squeeze %dma_start3A_255 : memref<1x1x80x64xf32, #tpu.memory_space<hbm>> -> memref<80x64xf32, #tpu.memory_space<hbm>>
    %dma_start3A_257 = arith.constant 0 : i32
    %dma_start3A_258 = arith.constant 0 : i32
    %dma_start3A_259 = tpu.memref_slice %arg6[%dma_start3A_244, %dma_start3A_257, %dma_start3A_258] : memref<5x80x64xf32, #tpu.memory_space<vmem>> -> memref<1x80x64xf32, #tpu.memory_space<vmem>>
    %dma_start3A_260 = tpu.memref_squeeze %dma_start3A_259 : memref<1x80x64xf32, #tpu.memory_space<vmem>> -> memref<80x64xf32, #tpu.memory_space<vmem>>
    tpu.enqueue_dma source(%dma_start3A_260 : memref<80x64xf32, #tpu.memory_space<vmem>>) target(%dma_start3A_256 : memref<80x64xf32, #tpu.memory_space<hbm>>) target_semaphore(%arg8 : memref<!tpu.dma_semaphore, #tpu.memory_space<semaphore_mem>>)
    %dma_wait3A_261 = arith.constant 2 : i32
    %dma_wait3A_262 = arith.constant 0 : i32
    %dma_wait3A_263 = arith.constant 0 : i32
    %dma_wait3A_264 = tpu.memref_slice %arg6[%dma_wait3A_261, %dma_wait3A_262, %dma_wait3A_263] : memref<5x80x64xf32, #tpu.memory_space<vmem>> -> memref<1x80x64xf32, #tpu.memory_space<vmem>>
    %dma_wait3A_265 = tpu.memref_squeeze %dma_wait3A_264 : memref<1x80x64xf32, #tpu.memory_space<vmem>> -> memref<80x64xf32, #tpu.memory_space<vmem>>
    %dma_wait3A_266 = arith.constant 160 : i32
    %dma_wait3A_267 = arith.constant 0 : i32
    %dma_wait3A_268 = tpu.memref_slice %arg4[%arg1, %arg0, %dma_wait3A_266, %dma_wait3A_267] : memref<16x2x10000x64xf32, #tpu.memory_space<hbm>> -> memref<1x1x80x64xf32, #tpu.memory_space<hbm>>
    %dma_wait3A_269 = tpu.memref_squeeze %dma_wait3A_268 : memref<1x1x80x64xf32, #tpu.memory_space<hbm>> -> memref<80x64xf32, #tpu.memory_space<hbm>>
    %dma_wait3A_270 = arith.constant 160 : i32
    %dma_wait3A_271 = arith.constant 0 : i32
    %dma_wait3A_272 = tpu.memref_slice %arg4[%arg1, %arg0, %dma_wait3A_270, %dma_wait3A_271] : memref<16x2x10000x64xf32, #tpu.memory_space<hbm>> -> memref<1x1x80x64xf32, #tpu.memory_space<hbm>>
    %dma_wait3A_273 = tpu.memref_squeeze %dma_wait3A_272 : memref<1x1x80x64xf32, #tpu.memory_space<hbm>> -> memref<80x64xf32, #tpu.memory_space<hbm>>
    %dma_wait3A_274 = arith.constant 0 : i32
    %dma_wait3A_275 = arith.constant 0 : i32
    %dma_wait3A_276 = tpu.memref_slice %arg6[%dma_wait3A_261, %dma_wait3A_274, %dma_wait3A_275] : memref<5x80x64xf32, #tpu.memory_space<vmem>> -> memref<1x80x64xf32, #tpu.memory_space<vmem>>
    %dma_wait3A_277 = tpu.memref_squeeze %dma_wait3A_276 : memref<1x80x64xf32, #tpu.memory_space<vmem>> -> memref<80x64xf32, #tpu.memory_space<vmem>>
    tpu.wait_dma2 semaphore(%arg8 : memref<!tpu.dma_semaphore, #tpu.memory_space<semaphore_mem>>) src(%dma_wait3A_277 : memref<80x64xf32, #tpu.memory_space<vmem>>) dst(%dma_wait3A_273 : memref<80x64xf32, #tpu.memory_space<hbm>>)
    %dma_start3A_278 = arith.constant 7 : i32
    %dma_start3A_279 = arith.constant 2 : i32
    %dma_start3A_280 = arith.constant 0 : i32
    %dma_start3A_281 = arith.constant 0 : i32
    %dma_start3A_282 = tpu.memref_slice %arg6[%dma_start3A_279, %dma_start3A_280, %dma_start3A_281] : memref<5x80x64xf32, #tpu.memory_space<vmem>> -> memref<1x80x64xf32, #tpu.memory_space<vmem>>
    %dma_start3A_283 = tpu.memref_squeeze %dma_start3A_282 : memref<1x80x64xf32, #tpu.memory_space<vmem>> -> memref<80x64xf32, #tpu.memory_space<vmem>>
    %dma_start3A_284 = arith.constant 0 : i32
    %dma_start3A_285 = tpu.memref_slice %arg5[%dma_start3A_278, %dma_start3A_284] : memref<125x80xi32, #tpu.memory_space<vmem>> -> memref<1x80xi32, #tpu.memory_space<vmem>>
    %dma_start3A_286 = tpu.memref_squeeze %dma_start3A_285 : memref<1x80xi32, #tpu.memory_space<vmem>> -> memref<80xi32, #tpu.memory_space<vmem>>
    %dma_start3A_287 = arith.constant 0 : i32
    %dma_start3A_288 = arith.constant 0 : i32
    %dma_start3A_289 = tpu.memref_slice %arg2[%dma_start3A_287, %dma_start3A_288] : memref<40000x64xf32, #tpu.memory_space<hbm>> -> memref<40000x64xf32, #tpu.memory_space<hbm>>
    tpu.enqueue_indirect_dma source(%dma_start3A_289 : memref<40000x64xf32, #tpu.memory_space<hbm>>) target(%dma_start3A_283 : memref<80x64xf32, #tpu.memory_space<vmem>>) offsets(%dma_start3A_286 : memref<80xi32, #tpu.memory_space<vmem>>) semaphore(%arg7 : memref<!tpu.dma_semaphore, #tpu.memory_space<semaphore_mem>>)
    %scan3A = arith.constant 0 : i32
    %scan3A_290 = arith.constant 1 : i32
    %scan3A_291 = arith.constant 23 : i32
    %scan3A_292 = arith.addi %scan3A_290, %scan3A_291 : i32
    %scan3A_293 = arith.constant 1 : i32
    scf.for %scan3A_583 = %scan3A_290 to %scan3A_292 step %scan3A_293  : i32 {
      %mul3A = arith.constant 5 : i32
      %mul3A_584 = arith.muli %scan3A_583, %mul3A : i32
      %add3A = arith.constant 0 : i32
      %add3A_585 = arith.addi %mul3A_584, %add3A : i32
      %dma_wait3A_586 = arith.constant 0 : i32
      %dma_wait3A_587 = arith.constant 0 : i32
      %dma_wait3A_588 = arith.constant 0 : i32
      %dma_wait3A_589 = tpu.memref_slice %arg6[%dma_wait3A_586, %dma_wait3A_587, %dma_wait3A_588] : memref<5x80x64xf32, #tpu.memory_space<vmem>> -> memref<1x80x64xf32, #tpu.memory_space<vmem>>
      %dma_wait3A_590 = tpu.memref_squeeze %dma_wait3A_589 : memref<1x80x64xf32, #tpu.memory_space<vmem>> -> memref<80x64xf32, #tpu.memory_space<vmem>>
      %dma_wait3A_591 = arith.constant 0 : i32
      %dma_wait3A_592 = tpu.memref_slice %arg5[%add3A_585, %dma_wait3A_591] : memref<125x80xi32, #tpu.memory_space<vmem>> -> memref<1x80xi32, #tpu.memory_space<vmem>>
      %dma_wait3A_593 = tpu.memref_squeeze %dma_wait3A_592 : memref<1x80xi32, #tpu.memory_space<vmem>> -> memref<80xi32, #tpu.memory_space<vmem>>
      %dma_wait3A_594 = arith.constant 0 : i32
      %dma_wait3A_595 = arith.constant 0 : i32
      %dma_wait3A_596 = tpu.memref_slice %arg2[%dma_wait3A_594, %dma_wait3A_595] : memref<40000x64xf32, #tpu.memory_space<hbm>> -> memref<40000x64xf32, #tpu.memory_space<hbm>>
      tpu.wait_indirect_dma semaphore(%arg7 : memref<!tpu.dma_semaphore, #tpu.memory_space<semaphore_mem>>) src(%dma_wait3A_596 : memref<40000x64xf32, #tpu.memory_space<hbm>>) dst(%dma_wait3A_590 : memref<80x64xf32, #tpu.memory_space<vmem>>)
      %mul3A_597 = arith.constant 80 : i32
      %mul3A_598 = arith.muli %add3A_585, %mul3A_597 : i32
      %dma_start3A_599 = arith.constant 0 : i32
      %dma_start3A_600 = arith.constant 0 : i32
      %dma_start3A_601 = arith.constant 0 : i32
      %dma_start3A_602 = tpu.memref_slice %arg6[%dma_start3A_599, %dma_start3A_600, %dma_start3A_601] : memref<5x80x64xf32, #tpu.memory_space<vmem>> -> memref<1x80x64xf32, #tpu.memory_space<vmem>>
      %dma_start3A_603 = tpu.memref_squeeze %dma_start3A_602 : memref<1x80x64xf32, #tpu.memory_space<vmem>> -> memref<80x64xf32, #tpu.memory_space<vmem>>
      %dma_start3A_604 = arith.constant 0 : i32
      %dma_start3A_605 = tpu.memref_slice %arg4[%arg1, %arg0, %mul3A_598, %dma_start3A_604] : memref<16x2x10000x64xf32, #tpu.memory_space<hbm>> -> memref<1x1x80x64xf32, #tpu.memory_space<hbm>>
      %dma_start3A_606 = tpu.memref_squeeze %dma_start3A_605 : memref<1x1x80x64xf32, #tpu.memory_space<hbm>> -> memref<80x64xf32, #tpu.memory_space<hbm>>
      %dma_start3A_607 = arith.constant 0 : i32
      %dma_start3A_608 = tpu.memref_slice %arg4[%arg1, %arg0, %mul3A_598, %dma_start3A_607] : memref<16x2x10000x64xf32, #tpu.memory_space<hbm>> -> memref<1x1x80x64xf32, #tpu.memory_space<hbm>>
      %dma_start3A_609 = tpu.memref_squeeze %dma_start3A_608 : memref<1x1x80x64xf32, #tpu.memory_space<hbm>> -> memref<80x64xf32, #tpu.memory_space<hbm>>
      %dma_start3A_610 = arith.constant 0 : i32
      %dma_start3A_611 = arith.constant 0 : i32
      %dma_start3A_612 = tpu.memref_slice %arg6[%dma_start3A_599, %dma_start3A_610, %dma_start3A_611] : memref<5x80x64xf32, #tpu.memory_space<vmem>> -> memref<1x80x64xf32, #tpu.memory_space<vmem>>
      %dma_start3A_613 = tpu.memref_squeeze %dma_start3A_612 : memref<1x80x64xf32, #tpu.memory_space<vmem>> -> memref<80x64xf32, #tpu.memory_space<vmem>>
      tpu.enqueue_dma source(%dma_start3A_613 : memref<80x64xf32, #tpu.memory_space<vmem>>) target(%dma_start3A_609 : memref<80x64xf32, #tpu.memory_space<hbm>>) target_semaphore(%arg8 : memref<!tpu.dma_semaphore, #tpu.memory_space<semaphore_mem>>)
      %add3A_614 = arith.constant 3 : i32
      %add3A_615 = arith.addi %add3A_585, %add3A_614 : i32
      %sub3A = arith.constant 5 : i32
      %sub3A_616 = arith.subi %add3A_615, %sub3A : i32
      %mul3A_617 = arith.constant 80 : i32
      %mul3A_618 = arith.muli %sub3A_616, %mul3A_617 : i32
      %dma_wait3A_619 = arith.constant 3 : i32
      %dma_wait3A_620 = arith.constant 0 : i32
      %dma_wait3A_621 = arith.constant 0 : i32
      %dma_wait3A_622 = tpu.memref_slice %arg6[%dma_wait3A_619, %dma_wait3A_620, %dma_wait3A_621] : memref<5x80x64xf32, #tpu.memory_space<vmem>> -> memref<1x80x64xf32, #tpu.memory_space<vmem>>
      %dma_wait3A_623 = tpu.memref_squeeze %dma_wait3A_622 : memref<1x80x64xf32, #tpu.memory_space<vmem>> -> memref<80x64xf32, #tpu.memory_space<vmem>>
      %dma_wait3A_624 = arith.constant 0 : i32
      %dma_wait3A_625 = tpu.memref_slice %arg4[%arg1, %arg0, %mul3A_618, %dma_wait3A_624] : memref<16x2x10000x64xf32, #tpu.memory_space<hbm>> -> memref<1x1x80x64xf32, #tpu.memory_space<hbm>>
      %dma_wait3A_626 = tpu.memref_squeeze %dma_wait3A_625 : memref<1x1x80x64xf32, #tpu.memory_space<hbm>> -> memref<80x64xf32, #tpu.memory_space<hbm>>
      %dma_wait3A_627 = arith.constant 0 : i32
      %dma_wait3A_628 = tpu.memref_slice %arg4[%arg1, %arg0, %mul3A_618, %dma_wait3A_627] : memref<16x2x10000x64xf32, #tpu.memory_space<hbm>> -> memref<1x1x80x64xf32, #tpu.memory_space<hbm>>
      %dma_wait3A_629 = tpu.memref_squeeze %dma_wait3A_628 : memref<1x1x80x64xf32, #tpu.memory_space<hbm>> -> memref<80x64xf32, #tpu.memory_space<hbm>>
      %dma_wait3A_630 = arith.constant 0 : i32
      %dma_wait3A_631 = arith.constant 0 : i32
      %dma_wait3A_632 = tpu.memref_slice %arg6[%dma_wait3A_619, %dma_wait3A_630, %dma_wait3A_631] : memref<5x80x64xf32, #tpu.memory_space<vmem>> -> memref<1x80x64xf32, #tpu.memory_space<vmem>>
      %dma_wait3A_633 = tpu.memref_squeeze %dma_wait3A_632 : memref<1x80x64xf32, #tpu.memory_space<vmem>> -> memref<80x64xf32, #tpu.memory_space<vmem>>
      tpu.wait_dma2 semaphore(%arg8 : memref<!tpu.dma_semaphore, #tpu.memory_space<semaphore_mem>>) src(%dma_wait3A_633 : memref<80x64xf32, #tpu.memory_space<vmem>>) dst(%dma_wait3A_629 : memref<80x64xf32, #tpu.memory_space<hbm>>)
      %add3A_634 = arith.constant 3 : i32
      %add3A_635 = arith.addi %add3A_585, %add3A_634 : i32
      %dma_start3A_636 = arith.constant 3 : i32
      %dma_start3A_637 = arith.constant 0 : i32
      %dma_start3A_638 = arith.constant 0 : i32
      %dma_start3A_639 = tpu.memref_slice %arg6[%dma_start3A_636, %dma_start3A_637, %dma_start3A_638] : memref<5x80x64xf32, #tpu.memory_space<vmem>> -> memref<1x80x64xf32, #tpu.memory_space<vmem>>
      %dma_start3A_640 = tpu.memref_squeeze %dma_start3A_639 : memref<1x80x64xf32, #tpu.memory_space<vmem>> -> memref<80x64xf32, #tpu.memory_space<vmem>>
      %dma_start3A_641 = arith.constant 0 : i32
      %dma_start3A_642 = tpu.memref_slice %arg5[%add3A_635, %dma_start3A_641] : memref<125x80xi32, #tpu.memory_space<vmem>> -> memref<1x80xi32, #tpu.memory_space<vmem>>
      %dma_start3A_643 = tpu.memref_squeeze %dma_start3A_642 : memref<1x80xi32, #tpu.memory_space<vmem>> -> memref<80xi32, #tpu.memory_space<vmem>>
      %dma_start3A_644 = arith.constant 0 : i32
      %dma_start3A_645 = arith.constant 0 : i32
      %dma_start3A_646 = tpu.memref_slice %arg2[%dma_start3A_644, %dma_start3A_645] : memref<40000x64xf32, #tpu.memory_space<hbm>> -> memref<40000x64xf32, #tpu.memory_space<hbm>>
      tpu.enqueue_indirect_dma source(%dma_start3A_646 : memref<40000x64xf32, #tpu.memory_space<hbm>>) target(%dma_start3A_640 : memref<80x64xf32, #tpu.memory_space<vmem>>) offsets(%dma_start3A_643 : memref<80xi32, #tpu.memory_space<vmem>>) semaphore(%arg7 : memref<!tpu.dma_semaphore, #tpu.memory_space<semaphore_mem>>)
      %add3A_647 = arith.constant 1 : i32
      %add3A_648 = arith.addi %mul3A_584, %add3A_647 : i32
      %dma_wait3A_649 = arith.constant 1 : i32
      %dma_wait3A_650 = arith.constant 0 : i32
      %dma_wait3A_651 = arith.constant 0 : i32
      %dma_wait3A_652 = tpu.memref_slice %arg6[%dma_wait3A_649, %dma_wait3A_650, %dma_wait3A_651] : memref<5x80x64xf32, #tpu.memory_space<vmem>> -> memref<1x80x64xf32, #tpu.memory_space<vmem>>
      %dma_wait3A_653 = tpu.memref_squeeze %dma_wait3A_652 : memref<1x80x64xf32, #tpu.memory_space<vmem>> -> memref<80x64xf32, #tpu.memory_space<vmem>>
      %dma_wait3A_654 = arith.constant 0 : i32
      %dma_wait3A_655 = tpu.memref_slice %arg5[%add3A_648, %dma_wait3A_654] : memref<125x80xi32, #tpu.memory_space<vmem>> -> memref<1x80xi32, #tpu.memory_space<vmem>>
      %dma_wait3A_656 = tpu.memref_squeeze %dma_wait3A_655 : memref<1x80xi32, #tpu.memory_space<vmem>> -> memref<80xi32, #tpu.memory_space<vmem>>
      %dma_wait3A_657 = arith.constant 0 : i32
      %dma_wait3A_658 = arith.constant 0 : i32
      %dma_wait3A_659 = tpu.memref_slice %arg2[%dma_wait3A_657, %dma_wait3A_658] : memref<40000x64xf32, #tpu.memory_space<hbm>> -> memref<40000x64xf32, #tpu.memory_space<hbm>>
      tpu.wait_indirect_dma semaphore(%arg7 : memref<!tpu.dma_semaphore, #tpu.memory_space<semaphore_mem>>) src(%dma_wait3A_659 : memref<40000x64xf32, #tpu.memory_space<hbm>>) dst(%dma_wait3A_653 : memref<80x64xf32, #tpu.memory_space<vmem>>)
      %mul3A_660 = arith.constant 80 : i32
      %mul3A_661 = arith.muli %add3A_648, %mul3A_660 : i32
      %dma_start3A_662 = arith.constant 1 : i32
      %dma_start3A_663 = arith.constant 0 : i32
      %dma_start3A_664 = arith.constant 0 : i32
      %dma_start3A_665 = tpu.memref_slice %arg6[%dma_start3A_662, %dma_start3A_663, %dma_start3A_664] : memref<5x80x64xf32, #tpu.memory_space<vmem>> -> memref<1x80x64xf32, #tpu.memory_space<vmem>>
      %dma_start3A_666 = tpu.memref_squeeze %dma_start3A_665 : memref<1x80x64xf32, #tpu.memory_space<vmem>> -> memref<80x64xf32, #tpu.memory_space<vmem>>
      %dma_start3A_667 = arith.constant 0 : i32
      %dma_start3A_668 = tpu.memref_slice %arg4[%arg1, %arg0, %mul3A_661, %dma_start3A_667] : memref<16x2x10000x64xf32, #tpu.memory_space<hbm>> -> memref<1x1x80x64xf32, #tpu.memory_space<hbm>>
      %dma_start3A_669 = tpu.memref_squeeze %dma_start3A_668 : memref<1x1x80x64xf32, #tpu.memory_space<hbm>> -> memref<80x64xf32, #tpu.memory_space<hbm>>
      %dma_start3A_670 = arith.constant 0 : i32
      %dma_start3A_671 = tpu.memref_slice %arg4[%arg1, %arg0, %mul3A_661, %dma_start3A_670] : memref<16x2x10000x64xf32, #tpu.memory_space<hbm>> -> memref<1x1x80x64xf32, #tpu.memory_space<hbm>>
      %dma_start3A_672 = tpu.memref_squeeze %dma_start3A_671 : memref<1x1x80x64xf32, #tpu.memory_space<hbm>> -> memref<80x64xf32, #tpu.memory_space<hbm>>
      %dma_start3A_673 = arith.constant 0 : i32
      %dma_start3A_674 = arith.constant 0 : i32
      %dma_start3A_675 = tpu.memref_slice %arg6[%dma_start3A_662, %dma_start3A_673, %dma_start3A_674] : memref<5x80x64xf32, #tpu.memory_space<vmem>> -> memref<1x80x64xf32, #tpu.memory_space<vmem>>
      %dma_start3A_676 = tpu.memref_squeeze %dma_start3A_675 : memref<1x80x64xf32, #tpu.memory_space<vmem>> -> memref<80x64xf32, #tpu.memory_space<vmem>>
      tpu.enqueue_dma source(%dma_start3A_676 : memref<80x64xf32, #tpu.memory_space<vmem>>) target(%dma_start3A_672 : memref<80x64xf32, #tpu.memory_space<hbm>>) target_semaphore(%arg8 : memref<!tpu.dma_semaphore, #tpu.memory_space<semaphore_mem>>)
      %add3A_677 = arith.constant 3 : i32
      %add3A_678 = arith.addi %add3A_648, %add3A_677 : i32
      %sub3A_679 = arith.constant 5 : i32
      %sub3A_680 = arith.subi %add3A_678, %sub3A_679 : i32
      %mul3A_681 = arith.constant 80 : i32
      %mul3A_682 = arith.muli %sub3A_680, %mul3A_681 : i32
      %dma_wait3A_683 = arith.constant 4 : i32
      %dma_wait3A_684 = arith.constant 0 : i32
      %dma_wait3A_685 = arith.constant 0 : i32
      %dma_wait3A_686 = tpu.memref_slice %arg6[%dma_wait3A_683, %dma_wait3A_684, %dma_wait3A_685] : memref<5x80x64xf32, #tpu.memory_space<vmem>> -> memref<1x80x64xf32, #tpu.memory_space<vmem>>
      %dma_wait3A_687 = tpu.memref_squeeze %dma_wait3A_686 : memref<1x80x64xf32, #tpu.memory_space<vmem>> -> memref<80x64xf32, #tpu.memory_space<vmem>>
      %dma_wait3A_688 = arith.constant 0 : i32
      %dma_wait3A_689 = tpu.memref_slice %arg4[%arg1, %arg0, %mul3A_682, %dma_wait3A_688] : memref<16x2x10000x64xf32, #tpu.memory_space<hbm>> -> memref<1x1x80x64xf32, #tpu.memory_space<hbm>>
      %dma_wait3A_690 = tpu.memref_squeeze %dma_wait3A_689 : memref<1x1x80x64xf32, #tpu.memory_space<hbm>> -> memref<80x64xf32, #tpu.memory_space<hbm>>
      %dma_wait3A_691 = arith.constant 0 : i32
      %dma_wait3A_692 = tpu.memref_slice %arg4[%arg1, %arg0, %mul3A_682, %dma_wait3A_691] : memref<16x2x10000x64xf32, #tpu.memory_space<hbm>> -> memref<1x1x80x64xf32, #tpu.memory_space<hbm>>
      %dma_wait3A_693 = tpu.memref_squeeze %dma_wait3A_692 : memref<1x1x80x64xf32, #tpu.memory_space<hbm>> -> memref<80x64xf32, #tpu.memory_space<hbm>>
      %dma_wait3A_694 = arith.constant 0 : i32
      %dma_wait3A_695 = arith.constant 0 : i32
      %dma_wait3A_696 = tpu.memref_slice %arg6[%dma_wait3A_683, %dma_wait3A_694, %dma_wait3A_695] : memref<5x80x64xf32, #tpu.memory_space<vmem>> -> memref<1x80x64xf32, #tpu.memory_space<vmem>>
      %dma_wait3A_697 = tpu.memref_squeeze %dma_wait3A_696 : memref<1x80x64xf32, #tpu.memory_space<vmem>> -> memref<80x64xf32, #tpu.memory_space<vmem>>
      tpu.wait_dma2 semaphore(%arg8 : memref<!tpu.dma_semaphore, #tpu.memory_space<semaphore_mem>>) src(%dma_wait3A_697 : memref<80x64xf32, #tpu.memory_space<vmem>>) dst(%dma_wait3A_693 : memref<80x64xf32, #tpu.memory_space<hbm>>)
      %add3A_698 = arith.constant 3 : i32
      %add3A_699 = arith.addi %add3A_648, %add3A_698 : i32
      %dma_start3A_700 = arith.constant 4 : i32
      %dma_start3A_701 = arith.constant 0 : i32
      %dma_start3A_702 = arith.constant 0 : i32
      %dma_start3A_703 = tpu.memref_slice %arg6[%dma_start3A_700, %dma_start3A_701, %dma_start3A_702] : memref<5x80x64xf32, #tpu.memory_space<vmem>> -> memref<1x80x64xf32, #tpu.memory_space<vmem>>
      %dma_start3A_704 = tpu.memref_squeeze %dma_start3A_703 : memref<1x80x64xf32, #tpu.memory_space<vmem>> -> memref<80x64xf32, #tpu.memory_space<vmem>>
      %dma_start3A_705 = arith.constant 0 : i32
      %dma_start3A_706 = tpu.memref_slice %arg5[%add3A_699, %dma_start3A_705] : memref<125x80xi32, #tpu.memory_space<vmem>> -> memref<1x80xi32, #tpu.memory_space<vmem>>
      %dma_start3A_707 = tpu.memref_squeeze %dma_start3A_706 : memref<1x80xi32, #tpu.memory_space<vmem>> -> memref<80xi32, #tpu.memory_space<vmem>>
      %dma_start3A_708 = arith.constant 0 : i32
      %dma_start3A_709 = arith.constant 0 : i32
      %dma_start3A_710 = tpu.memref_slice %arg2[%dma_start3A_708, %dma_start3A_709] : memref<40000x64xf32, #tpu.memory_space<hbm>> -> memref<40000x64xf32, #tpu.memory_space<hbm>>
      tpu.enqueue_indirect_dma source(%dma_start3A_710 : memref<40000x64xf32, #tpu.memory_space<hbm>>) target(%dma_start3A_704 : memref<80x64xf32, #tpu.memory_space<vmem>>) offsets(%dma_start3A_707 : memref<80xi32, #tpu.memory_space<vmem>>) semaphore(%arg7 : memref<!tpu.dma_semaphore, #tpu.memory_space<semaphore_mem>>)
      %add3A_711 = arith.constant 2 : i32
      %add3A_712 = arith.addi %mul3A_584, %add3A_711 : i32
      %dma_wait3A_713 = arith.constant 2 : i32
      %dma_wait3A_714 = arith.constant 0 : i32
      %dma_wait3A_715 = arith.constant 0 : i32
      %dma_wait3A_716 = tpu.memref_slice %arg6[%dma_wait3A_713, %dma_wait3A_714, %dma_wait3A_715] : memref<5x80x64xf32, #tpu.memory_space<vmem>> -> memref<1x80x64xf32, #tpu.memory_space<vmem>>
      %dma_wait3A_717 = tpu.memref_squeeze %dma_wait3A_716 : memref<1x80x64xf32, #tpu.memory_space<vmem>> -> memref<80x64xf32, #tpu.memory_space<vmem>>
      %dma_wait3A_718 = arith.constant 0 : i32
      %dma_wait3A_719 = tpu.memref_slice %arg5[%add3A_712, %dma_wait3A_718] : memref<125x80xi32, #tpu.memory_space<vmem>> -> memref<1x80xi32, #tpu.memory_space<vmem>>
      %dma_wait3A_720 = tpu.memref_squeeze %dma_wait3A_719 : memref<1x80xi32, #tpu.memory_space<vmem>> -> memref<80xi32, #tpu.memory_space<vmem>>
      %dma_wait3A_721 = arith.constant 0 : i32
      %dma_wait3A_722 = arith.constant 0 : i32
      %dma_wait3A_723 = tpu.memref_slice %arg2[%dma_wait3A_721, %dma_wait3A_722] : memref<40000x64xf32, #tpu.memory_space<hbm>> -> memref<40000x64xf32, #tpu.memory_space<hbm>>
      tpu.wait_indirect_dma semaphore(%arg7 : memref<!tpu.dma_semaphore, #tpu.memory_space<semaphore_mem>>) src(%dma_wait3A_723 : memref<40000x64xf32, #tpu.memory_space<hbm>>) dst(%dma_wait3A_717 : memref<80x64xf32, #tpu.memory_space<vmem>>)
      %mul3A_724 = arith.constant 80 : i32
      %mul3A_725 = arith.muli %add3A_712, %mul3A_724 : i32
      %dma_start3A_726 = arith.constant 2 : i32
      %dma_start3A_727 = arith.constant 0 : i32
      %dma_start3A_728 = arith.constant 0 : i32
      %dma_start3A_729 = tpu.memref_slice %arg6[%dma_start3A_726, %dma_start3A_727, %dma_start3A_728] : memref<5x80x64xf32, #tpu.memory_space<vmem>> -> memref<1x80x64xf32, #tpu.memory_space<vmem>>
      %dma_start3A_730 = tpu.memref_squeeze %dma_start3A_729 : memref<1x80x64xf32, #tpu.memory_space<vmem>> -> memref<80x64xf32, #tpu.memory_space<vmem>>
      %dma_start3A_731 = arith.constant 0 : i32
      %dma_start3A_732 = tpu.memref_slice %arg4[%arg1, %arg0, %mul3A_725, %dma_start3A_731] : memref<16x2x10000x64xf32, #tpu.memory_space<hbm>> -> memref<1x1x80x64xf32, #tpu.memory_space<hbm>>
      %dma_start3A_733 = tpu.memref_squeeze %dma_start3A_732 : memref<1x1x80x64xf32, #tpu.memory_space<hbm>> -> memref<80x64xf32, #tpu.memory_space<hbm>>
      %dma_start3A_734 = arith.constant 0 : i32
      %dma_start3A_735 = tpu.memref_slice %arg4[%arg1, %arg0, %mul3A_725, %dma_start3A_734] : memref<16x2x10000x64xf32, #tpu.memory_space<hbm>> -> memref<1x1x80x64xf32, #tpu.memory_space<hbm>>
      %dma_start3A_736 = tpu.memref_squeeze %dma_start3A_735 : memref<1x1x80x64xf32, #tpu.memory_space<hbm>> -> memref<80x64xf32, #tpu.memory_space<hbm>>
      %dma_start3A_737 = arith.constant 0 : i32
      %dma_start3A_738 = arith.constant 0 : i32
      %dma_start3A_739 = tpu.memref_slice %arg6[%dma_start3A_726, %dma_start3A_737, %dma_start3A_738] : memref<5x80x64xf32, #tpu.memory_space<vmem>> -> memref<1x80x64xf32, #tpu.memory_space<vmem>>
      %dma_start3A_740 = tpu.memref_squeeze %dma_start3A_739 : memref<1x80x64xf32, #tpu.memory_space<vmem>> -> memref<80x64xf32, #tpu.memory_space<vmem>>
      tpu.enqueue_dma source(%dma_start3A_740 : memref<80x64xf32, #tpu.memory_space<vmem>>) target(%dma_start3A_736 : memref<80x64xf32, #tpu.memory_space<hbm>>) target_semaphore(%arg8 : memref<!tpu.dma_semaphore, #tpu.memory_space<semaphore_mem>>)
      %add3A_741 = arith.constant 3 : i32
      %add3A_742 = arith.addi %add3A_712, %add3A_741 : i32
      %sub3A_743 = arith.constant 5 : i32
      %sub3A_744 = arith.subi %add3A_742, %sub3A_743 : i32
      %mul3A_745 = arith.constant 80 : i32
      %mul3A_746 = arith.muli %sub3A_744, %mul3A_745 : i32
      %dma_wait3A_747 = arith.constant 0 : i32
      %dma_wait3A_748 = arith.constant 0 : i32
      %dma_wait3A_749 = arith.constant 0 : i32
      %dma_wait3A_750 = tpu.memref_slice %arg6[%dma_wait3A_747, %dma_wait3A_748, %dma_wait3A_749] : memref<5x80x64xf32, #tpu.memory_space<vmem>> -> memref<1x80x64xf32, #tpu.memory_space<vmem>>
      %dma_wait3A_751 = tpu.memref_squeeze %dma_wait3A_750 : memref<1x80x64xf32, #tpu.memory_space<vmem>> -> memref<80x64xf32, #tpu.memory_space<vmem>>
      %dma_wait3A_752 = arith.constant 0 : i32
      %dma_wait3A_753 = tpu.memref_slice %arg4[%arg1, %arg0, %mul3A_746, %dma_wait3A_752] : memref<16x2x10000x64xf32, #tpu.memory_space<hbm>> -> memref<1x1x80x64xf32, #tpu.memory_space<hbm>>
      %dma_wait3A_754 = tpu.memref_squeeze %dma_wait3A_753 : memref<1x1x80x64xf32, #tpu.memory_space<hbm>> -> memref<80x64xf32, #tpu.memory_space<hbm>>
      %dma_wait3A_755 = arith.constant 0 : i32
      %dma_wait3A_756 = tpu.memref_slice %arg4[%arg1, %arg0, %mul3A_746, %dma_wait3A_755] : memref<16x2x10000x64xf32, #tpu.memory_space<hbm>> -> memref<1x1x80x64xf32, #tpu.memory_space<hbm>>
      %dma_wait3A_757 = tpu.memref_squeeze %dma_wait3A_756 : memref<1x1x80x64xf32, #tpu.memory_space<hbm>> -> memref<80x64xf32, #tpu.memory_space<hbm>>
      %dma_wait3A_758 = arith.constant 0 : i32
      %dma_wait3A_759 = arith.constant 0 : i32
      %dma_wait3A_760 = tpu.memref_slice %arg6[%dma_wait3A_747, %dma_wait3A_758, %dma_wait3A_759] : memref<5x80x64xf32, #tpu.memory_space<vmem>> -> memref<1x80x64xf32, #tpu.memory_space<vmem>>
      %dma_wait3A_761 = tpu.memref_squeeze %dma_wait3A_760 : memref<1x80x64xf32, #tpu.memory_space<vmem>> -> memref<80x64xf32, #tpu.memory_space<vmem>>
      tpu.wait_dma2 semaphore(%arg8 : memref<!tpu.dma_semaphore, #tpu.memory_space<semaphore_mem>>) src(%dma_wait3A_761 : memref<80x64xf32, #tpu.memory_space<vmem>>) dst(%dma_wait3A_757 : memref<80x64xf32, #tpu.memory_space<hbm>>)
      %add3A_762 = arith.constant 3 : i32
      %add3A_763 = arith.addi %add3A_712, %add3A_762 : i32
      %dma_start3A_764 = arith.constant 0 : i32
      %dma_start3A_765 = arith.constant 0 : i32
      %dma_start3A_766 = arith.constant 0 : i32
      %dma_start3A_767 = tpu.memref_slice %arg6[%dma_start3A_764, %dma_start3A_765, %dma_start3A_766] : memref<5x80x64xf32, #tpu.memory_space<vmem>> -> memref<1x80x64xf32, #tpu.memory_space<vmem>>
      %dma_start3A_768 = tpu.memref_squeeze %dma_start3A_767 : memref<1x80x64xf32, #tpu.memory_space<vmem>> -> memref<80x64xf32, #tpu.memory_space<vmem>>
      %dma_start3A_769 = arith.constant 0 : i32
      %dma_start3A_770 = tpu.memref_slice %arg5[%add3A_763, %dma_start3A_769] : memref<125x80xi32, #tpu.memory_space<vmem>> -> memref<1x80xi32, #tpu.memory_space<vmem>>
      %dma_start3A_771 = tpu.memref_squeeze %dma_start3A_770 : memref<1x80xi32, #tpu.memory_space<vmem>> -> memref<80xi32, #tpu.memory_space<vmem>>
      %dma_start3A_772 = arith.constant 0 : i32
      %dma_start3A_773 = arith.constant 0 : i32
      %dma_start3A_774 = tpu.memref_slice %arg2[%dma_start3A_772, %dma_start3A_773] : memref<40000x64xf32, #tpu.memory_space<hbm>> -> memref<40000x64xf32, #tpu.memory_space<hbm>>
      tpu.enqueue_indirect_dma source(%dma_start3A_774 : memref<40000x64xf32, #tpu.memory_space<hbm>>) target(%dma_start3A_768 : memref<80x64xf32, #tpu.memory_space<vmem>>) offsets(%dma_start3A_771 : memref<80xi32, #tpu.memory_space<vmem>>) semaphore(%arg7 : memref<!tpu.dma_semaphore, #tpu.memory_space<semaphore_mem>>)
      %add3A_775 = arith.constant 3 : i32
      %add3A_776 = arith.addi %mul3A_584, %add3A_775 : i32
      %dma_wait3A_777 = arith.constant 3 : i32
      %dma_wait3A_778 = arith.constant 0 : i32
      %dma_wait3A_779 = arith.constant 0 : i32
      %dma_wait3A_780 = tpu.memref_slice %arg6[%dma_wait3A_777, %dma_wait3A_778, %dma_wait3A_779] : memref<5x80x64xf32, #tpu.memory_space<vmem>> -> memref<1x80x64xf32, #tpu.memory_space<vmem>>
      %dma_wait3A_781 = tpu.memref_squeeze %dma_wait3A_780 : memref<1x80x64xf32, #tpu.memory_space<vmem>> -> memref<80x64xf32, #tpu.memory_space<vmem>>
      %dma_wait3A_782 = arith.constant 0 : i32
      %dma_wait3A_783 = tpu.memref_slice %arg5[%add3A_776, %dma_wait3A_782] : memref<125x80xi32, #tpu.memory_space<vmem>> -> memref<1x80xi32, #tpu.memory_space<vmem>>
      %dma_wait3A_784 = tpu.memref_squeeze %dma_wait3A_783 : memref<1x80xi32, #tpu.memory_space<vmem>> -> memref<80xi32, #tpu.memory_space<vmem>>
      %dma_wait3A_785 = arith.constant 0 : i32
      %dma_wait3A_786 = arith.constant 0 : i32
      %dma_wait3A_787 = tpu.memref_slice %arg2[%dma_wait3A_785, %dma_wait3A_786] : memref<40000x64xf32, #tpu.memory_space<hbm>> -> memref<40000x64xf32, #tpu.memory_space<hbm>>
      tpu.wait_indirect_dma semaphore(%arg7 : memref<!tpu.dma_semaphore, #tpu.memory_space<semaphore_mem>>) src(%dma_wait3A_787 : memref<40000x64xf32, #tpu.memory_space<hbm>>) dst(%dma_wait3A_781 : memref<80x64xf32, #tpu.memory_space<vmem>>)
      %mul3A_788 = arith.constant 80 : i32
      %mul3A_789 = arith.muli %add3A_776, %mul3A_788 : i32
      %dma_start3A_790 = arith.constant 3 : i32
      %dma_start3A_791 = arith.constant 0 : i32
      %dma_start3A_792 = arith.constant 0 : i32
      %dma_start3A_793 = tpu.memref_slice %arg6[%dma_start3A_790, %dma_start3A_791, %dma_start3A_792] : memref<5x80x64xf32, #tpu.memory_space<vmem>> -> memref<1x80x64xf32, #tpu.memory_space<vmem>>
      %dma_start3A_794 = tpu.memref_squeeze %dma_start3A_793 : memref<1x80x64xf32, #tpu.memory_space<vmem>> -> memref<80x64xf32, #tpu.memory_space<vmem>>
      %dma_start3A_795 = arith.constant 0 : i32
      %dma_start3A_796 = tpu.memref_slice %arg4[%arg1, %arg0, %mul3A_789, %dma_start3A_795] : memref<16x2x10000x64xf32, #tpu.memory_space<hbm>> -> memref<1x1x80x64xf32, #tpu.memory_space<hbm>>
      %dma_start3A_797 = tpu.memref_squeeze %dma_start3A_796 : memref<1x1x80x64xf32, #tpu.memory_space<hbm>> -> memref<80x64xf32, #tpu.memory_space<hbm>>
      %dma_start3A_798 = arith.constant 0 : i32
      %dma_start3A_799 = tpu.memref_slice %arg4[%arg1, %arg0, %mul3A_789, %dma_start3A_798] : memref<16x2x10000x64xf32, #tpu.memory_space<hbm>> -> memref<1x1x80x64xf32, #tpu.memory_space<hbm>>
      %dma_start3A_800 = tpu.memref_squeeze %dma_start3A_799 : memref<1x1x80x64xf32, #tpu.memory_space<hbm>> -> memref<80x64xf32, #tpu.memory_space<hbm>>
      %dma_start3A_801 = arith.constant 0 : i32
      %dma_start3A_802 = arith.constant 0 : i32
      %dma_start3A_803 = tpu.memref_slice %arg6[%dma_start3A_790, %dma_start3A_801, %dma_start3A_802] : memref<5x80x64xf32, #tpu.memory_space<vmem>> -> memref<1x80x64xf32, #tpu.memory_space<vmem>>
      %dma_start3A_804 = tpu.memref_squeeze %dma_start3A_803 : memref<1x80x64xf32, #tpu.memory_space<vmem>> -> memref<80x64xf32, #tpu.memory_space<vmem>>
      tpu.enqueue_dma source(%dma_start3A_804 : memref<80x64xf32, #tpu.memory_space<vmem>>) target(%dma_start3A_800 : memref<80x64xf32, #tpu.memory_space<hbm>>) target_semaphore(%arg8 : memref<!tpu.dma_semaphore, #tpu.memory_space<semaphore_mem>>)
      %add3A_805 = arith.constant 3 : i32
      %add3A_806 = arith.addi %add3A_776, %add3A_805 : i32
      %sub3A_807 = arith.constant 5 : i32
      %sub3A_808 = arith.subi %add3A_806, %sub3A_807 : i32
      %mul3A_809 = arith.constant 80 : i32
      %mul3A_810 = arith.muli %sub3A_808, %mul3A_809 : i32
      %dma_wait3A_811 = arith.constant 1 : i32
      %dma_wait3A_812 = arith.constant 0 : i32
      %dma_wait3A_813 = arith.constant 0 : i32
      %dma_wait3A_814 = tpu.memref_slice %arg6[%dma_wait3A_811, %dma_wait3A_812, %dma_wait3A_813] : memref<5x80x64xf32, #tpu.memory_space<vmem>> -> memref<1x80x64xf32, #tpu.memory_space<vmem>>
      %dma_wait3A_815 = tpu.memref_squeeze %dma_wait3A_814 : memref<1x80x64xf32, #tpu.memory_space<vmem>> -> memref<80x64xf32, #tpu.memory_space<vmem>>
      %dma_wait3A_816 = arith.constant 0 : i32
      %dma_wait3A_817 = tpu.memref_slice %arg4[%arg1, %arg0, %mul3A_810, %dma_wait3A_816] : memref<16x2x10000x64xf32, #tpu.memory_space<hbm>> -> memref<1x1x80x64xf32, #tpu.memory_space<hbm>>
      %dma_wait3A_818 = tpu.memref_squeeze %dma_wait3A_817 : memref<1x1x80x64xf32, #tpu.memory_space<hbm>> -> memref<80x64xf32, #tpu.memory_space<hbm>>
      %dma_wait3A_819 = arith.constant 0 : i32
      %dma_wait3A_820 = tpu.memref_slice %arg4[%arg1, %arg0, %mul3A_810, %dma_wait3A_819] : memref<16x2x10000x64xf32, #tpu.memory_space<hbm>> -> memref<1x1x80x64xf32, #tpu.memory_space<hbm>>
      %dma_wait3A_821 = tpu.memref_squeeze %dma_wait3A_820 : memref<1x1x80x64xf32, #tpu.memory_space<hbm>> -> memref<80x64xf32, #tpu.memory_space<hbm>>
      %dma_wait3A_822 = arith.constant 0 : i32
      %dma_wait3A_823 = arith.constant 0 : i32
      %dma_wait3A_824 = tpu.memref_slice %arg6[%dma_wait3A_811, %dma_wait3A_822, %dma_wait3A_823] : memref<5x80x64xf32, #tpu.memory_space<vmem>> -> memref<1x80x64xf32, #tpu.memory_space<vmem>>
      %dma_wait3A_825 = tpu.memref_squeeze %dma_wait3A_824 : memref<1x80x64xf32, #tpu.memory_space<vmem>> -> memref<80x64xf32, #tpu.memory_space<vmem>>
      tpu.wait_dma2 semaphore(%arg8 : memref<!tpu.dma_semaphore, #tpu.memory_space<semaphore_mem>>) src(%dma_wait3A_825 : memref<80x64xf32, #tpu.memory_space<vmem>>) dst(%dma_wait3A_821 : memref<80x64xf32, #tpu.memory_space<hbm>>)
      %add3A_826 = arith.constant 3 : i32
      %add3A_827 = arith.addi %add3A_776, %add3A_826 : i32
      %dma_start3A_828 = arith.constant 1 : i32
      %dma_start3A_829 = arith.constant 0 : i32
      %dma_start3A_830 = arith.constant 0 : i32
      %dma_start3A_831 = tpu.memref_slice %arg6[%dma_start3A_828, %dma_start3A_829, %dma_start3A_830] : memref<5x80x64xf32, #tpu.memory_space<vmem>> -> memref<1x80x64xf32, #tpu.memory_space<vmem>>
      %dma_start3A_832 = tpu.memref_squeeze %dma_start3A_831 : memref<1x80x64xf32, #tpu.memory_space<vmem>> -> memref<80x64xf32, #tpu.memory_space<vmem>>
      %dma_start3A_833 = arith.constant 0 : i32
      %dma_start3A_834 = tpu.memref_slice %arg5[%add3A_827, %dma_start3A_833] : memref<125x80xi32, #tpu.memory_space<vmem>> -> memref<1x80xi32, #tpu.memory_space<vmem>>
      %dma_start3A_835 = tpu.memref_squeeze %dma_start3A_834 : memref<1x80xi32, #tpu.memory_space<vmem>> -> memref<80xi32, #tpu.memory_space<vmem>>
      %dma_start3A_836 = arith.constant 0 : i32
      %dma_start3A_837 = arith.constant 0 : i32
      %dma_start3A_838 = tpu.memref_slice %arg2[%dma_start3A_836, %dma_start3A_837] : memref<40000x64xf32, #tpu.memory_space<hbm>> -> memref<40000x64xf32, #tpu.memory_space<hbm>>
      tpu.enqueue_indirect_dma source(%dma_start3A_838 : memref<40000x64xf32, #tpu.memory_space<hbm>>) target(%dma_start3A_832 : memref<80x64xf32, #tpu.memory_space<vmem>>) offsets(%dma_start3A_835 : memref<80xi32, #tpu.memory_space<vmem>>) semaphore(%arg7 : memref<!tpu.dma_semaphore, #tpu.memory_space<semaphore_mem>>)
      %add3A_839 = arith.constant 4 : i32
      %add3A_840 = arith.addi %mul3A_584, %add3A_839 : i32
      %dma_wait3A_841 = arith.constant 4 : i32
      %dma_wait3A_842 = arith.constant 0 : i32
      %dma_wait3A_843 = arith.constant 0 : i32
      %dma_wait3A_844 = tpu.memref_slice %arg6[%dma_wait3A_841, %dma_wait3A_842, %dma_wait3A_843] : memref<5x80x64xf32, #tpu.memory_space<vmem>> -> memref<1x80x64xf32, #tpu.memory_space<vmem>>
      %dma_wait3A_845 = tpu.memref_squeeze %dma_wait3A_844 : memref<1x80x64xf32, #tpu.memory_space<vmem>> -> memref<80x64xf32, #tpu.memory_space<vmem>>
      %dma_wait3A_846 = arith.constant 0 : i32
      %dma_wait3A_847 = tpu.memref_slice %arg5[%add3A_840, %dma_wait3A_846] : memref<125x80xi32, #tpu.memory_space<vmem>> -> memref<1x80xi32, #tpu.memory_space<vmem>>
      %dma_wait3A_848 = tpu.memref_squeeze %dma_wait3A_847 : memref<1x80xi32, #tpu.memory_space<vmem>> -> memref<80xi32, #tpu.memory_space<vmem>>
      %dma_wait3A_849 = arith.constant 0 : i32
      %dma_wait3A_850 = arith.constant 0 : i32
      %dma_wait3A_851 = tpu.memref_slice %arg2[%dma_wait3A_849, %dma_wait3A_850] : memref<40000x64xf32, #tpu.memory_space<hbm>> -> memref<40000x64xf32, #tpu.memory_space<hbm>>
      tpu.wait_indirect_dma semaphore(%arg7 : memref<!tpu.dma_semaphore, #tpu.memory_space<semaphore_mem>>) src(%dma_wait3A_851 : memref<40000x64xf32, #tpu.memory_space<hbm>>) dst(%dma_wait3A_845 : memref<80x64xf32, #tpu.memory_space<vmem>>)
      %mul3A_852 = arith.constant 80 : i32
      %mul3A_853 = arith.muli %add3A_840, %mul3A_852 : i32
      %dma_start3A_854 = arith.constant 4 : i32
      %dma_start3A_855 = arith.constant 0 : i32
      %dma_start3A_856 = arith.constant 0 : i32
      %dma_start3A_857 = tpu.memref_slice %arg6[%dma_start3A_854, %dma_start3A_855, %dma_start3A_856] : memref<5x80x64xf32, #tpu.memory_space<vmem>> -> memref<1x80x64xf32, #tpu.memory_space<vmem>>
      %dma_start3A_858 = tpu.memref_squeeze %dma_start3A_857 : memref<1x80x64xf32, #tpu.memory_space<vmem>> -> memref<80x64xf32, #tpu.memory_space<vmem>>
      %dma_start3A_859 = arith.constant 0 : i32
      %dma_start3A_860 = tpu.memref_slice %arg4[%arg1, %arg0, %mul3A_853, %dma_start3A_859] : memref<16x2x10000x64xf32, #tpu.memory_space<hbm>> -> memref<1x1x80x64xf32, #tpu.memory_space<hbm>>
      %dma_start3A_861 = tpu.memref_squeeze %dma_start3A_860 : memref<1x1x80x64xf32, #tpu.memory_space<hbm>> -> memref<80x64xf32, #tpu.memory_space<hbm>>
      %dma_start3A_862 = arith.constant 0 : i32
      %dma_start3A_863 = tpu.memref_slice %arg4[%arg1, %arg0, %mul3A_853, %dma_start3A_862] : memref<16x2x10000x64xf32, #tpu.memory_space<hbm>> -> memref<1x1x80x64xf32, #tpu.memory_space<hbm>>
      %dma_start3A_864 = tpu.memref_squeeze %dma_start3A_863 : memref<1x1x80x64xf32, #tpu.memory_space<hbm>> -> memref<80x64xf32, #tpu.memory_space<hbm>>
      %dma_start3A_865 = arith.constant 0 : i32
      %dma_start3A_866 = arith.constant 0 : i32
      %dma_start3A_867 = tpu.memref_slice %arg6[%dma_start3A_854, %dma_start3A_865, %dma_start3A_866] : memref<5x80x64xf32, #tpu.memory_space<vmem>> -> memref<1x80x64xf32, #tpu.memory_space<vmem>>
      %dma_start3A_868 = tpu.memref_squeeze %dma_start3A_867 : memref<1x80x64xf32, #tpu.memory_space<vmem>> -> memref<80x64xf32, #tpu.memory_space<vmem>>
      tpu.enqueue_dma source(%dma_start3A_868 : memref<80x64xf32, #tpu.memory_space<vmem>>) target(%dma_start3A_864 : memref<80x64xf32, #tpu.memory_space<hbm>>) target_semaphore(%arg8 : memref<!tpu.dma_semaphore, #tpu.memory_space<semaphore_mem>>)
      %add3A_869 = arith.constant 3 : i32
      %add3A_870 = arith.addi %add3A_840, %add3A_869 : i32
      %sub3A_871 = arith.constant 5 : i32
      %sub3A_872 = arith.subi %add3A_870, %sub3A_871 : i32
      %mul3A_873 = arith.constant 80 : i32
      %mul3A_874 = arith.muli %sub3A_872, %mul3A_873 : i32
      %dma_wait3A_875 = arith.constant 2 : i32
      %dma_wait3A_876 = arith.constant 0 : i32
      %dma_wait3A_877 = arith.constant 0 : i32
      %dma_wait3A_878 = tpu.memref_slice %arg6[%dma_wait3A_875, %dma_wait3A_876, %dma_wait3A_877] : memref<5x80x64xf32, #tpu.memory_space<vmem>> -> memref<1x80x64xf32, #tpu.memory_space<vmem>>
      %dma_wait3A_879 = tpu.memref_squeeze %dma_wait3A_878 : memref<1x80x64xf32, #tpu.memory_space<vmem>> -> memref<80x64xf32, #tpu.memory_space<vmem>>
      %dma_wait3A_880 = arith.constant 0 : i32
      %dma_wait3A_881 = tpu.memref_slice %arg4[%arg1, %arg0, %mul3A_874, %dma_wait3A_880] : memref<16x2x10000x64xf32, #tpu.memory_space<hbm>> -> memref<1x1x80x64xf32, #tpu.memory_space<hbm>>
      %dma_wait3A_882 = tpu.memref_squeeze %dma_wait3A_881 : memref<1x1x80x64xf32, #tpu.memory_space<hbm>> -> memref<80x64xf32, #tpu.memory_space<hbm>>
      %dma_wait3A_883 = arith.constant 0 : i32
      %dma_wait3A_884 = tpu.memref_slice %arg4[%arg1, %arg0, %mul3A_874, %dma_wait3A_883] : memref<16x2x10000x64xf32, #tpu.memory_space<hbm>> -> memref<1x1x80x64xf32, #tpu.memory_space<hbm>>
      %dma_wait3A_885 = tpu.memref_squeeze %dma_wait3A_884 : memref<1x1x80x64xf32, #tpu.memory_space<hbm>> -> memref<80x64xf32, #tpu.memory_space<hbm>>
      %dma_wait3A_886 = arith.constant 0 : i32
      %dma_wait3A_887 = arith.constant 0 : i32
      %dma_wait3A_888 = tpu.memref_slice %arg6[%dma_wait3A_875, %dma_wait3A_886, %dma_wait3A_887] : memref<5x80x64xf32, #tpu.memory_space<vmem>> -> memref<1x80x64xf32, #tpu.memory_space<vmem>>
      %dma_wait3A_889 = tpu.memref_squeeze %dma_wait3A_888 : memref<1x80x64xf32, #tpu.memory_space<vmem>> -> memref<80x64xf32, #tpu.memory_space<vmem>>
      tpu.wait_dma2 semaphore(%arg8 : memref<!tpu.dma_semaphore, #tpu.memory_space<semaphore_mem>>) src(%dma_wait3A_889 : memref<80x64xf32, #tpu.memory_space<vmem>>) dst(%dma_wait3A_885 : memref<80x64xf32, #tpu.memory_space<hbm>>)
      %add3A_890 = arith.constant 3 : i32
      %add3A_891 = arith.addi %add3A_840, %add3A_890 : i32
      %dma_start3A_892 = arith.constant 2 : i32
      %dma_start3A_893 = arith.constant 0 : i32
      %dma_start3A_894 = arith.constant 0 : i32
      %dma_start3A_895 = tpu.memref_slice %arg6[%dma_start3A_892, %dma_start3A_893, %dma_start3A_894] : memref<5x80x64xf32, #tpu.memory_space<vmem>> -> memref<1x80x64xf32, #tpu.memory_space<vmem>>
      %dma_start3A_896 = tpu.memref_squeeze %dma_start3A_895 : memref<1x80x64xf32, #tpu.memory_space<vmem>> -> memref<80x64xf32, #tpu.memory_space<vmem>>
      %dma_start3A_897 = arith.constant 0 : i32
      %dma_start3A_898 = tpu.memref_slice %arg5[%add3A_891, %dma_start3A_897] : memref<125x80xi32, #tpu.memory_space<vmem>> -> memref<1x80xi32, #tpu.memory_space<vmem>>
      %dma_start3A_899 = tpu.memref_squeeze %dma_start3A_898 : memref<1x80xi32, #tpu.memory_space<vmem>> -> memref<80xi32, #tpu.memory_space<vmem>>
      %dma_start3A_900 = arith.constant 0 : i32
      %dma_start3A_901 = arith.constant 0 : i32
      %dma_start3A_902 = tpu.memref_slice %arg2[%dma_start3A_900, %dma_start3A_901] : memref<40000x64xf32, #tpu.memory_space<hbm>> -> memref<40000x64xf32, #tpu.memory_space<hbm>>
      tpu.enqueue_indirect_dma source(%dma_start3A_902 : memref<40000x64xf32, #tpu.memory_space<hbm>>) target(%dma_start3A_896 : memref<80x64xf32, #tpu.memory_space<vmem>>) offsets(%dma_start3A_899 : memref<80xi32, #tpu.memory_space<vmem>>) semaphore(%arg7 : memref<!tpu.dma_semaphore, #tpu.memory_space<semaphore_mem>>)
    }
    %scan3A_294 = arith.constant 23 : i32
    %dma_wait3A_295 = arith.constant 120 : i32
    %dma_wait3A_296 = arith.constant 0 : i32
    %dma_wait3A_297 = arith.constant 0 : i32
    %dma_wait3A_298 = arith.constant 0 : i32
    %dma_wait3A_299 = tpu.memref_slice %arg6[%dma_wait3A_296, %dma_wait3A_297, %dma_wait3A_298] : memref<5x80x64xf32, #tpu.memory_space<vmem>> -> memref<1x80x64xf32, #tpu.memory_space<vmem>>
    %dma_wait3A_300 = tpu.memref_squeeze %dma_wait3A_299 : memref<1x80x64xf32, #tpu.memory_space<vmem>> -> memref<80x64xf32, #tpu.memory_space<vmem>>
    %dma_wait3A_301 = arith.constant 0 : i32
    %dma_wait3A_302 = tpu.memref_slice %arg5[%dma_wait3A_295, %dma_wait3A_301] : memref<125x80xi32, #tpu.memory_space<vmem>> -> memref<1x80xi32, #tpu.memory_space<vmem>>
    %dma_wait3A_303 = tpu.memref_squeeze %dma_wait3A_302 : memref<1x80xi32, #tpu.memory_space<vmem>> -> memref<80xi32, #tpu.memory_space<vmem>>
    %dma_wait3A_304 = arith.constant 0 : i32
    %dma_wait3A_305 = arith.constant 0 : i32
    %dma_wait3A_306 = tpu.memref_slice %arg2[%dma_wait3A_304, %dma_wait3A_305] : memref<40000x64xf32, #tpu.memory_space<hbm>> -> memref<40000x64xf32, #tpu.memory_space<hbm>>
    tpu.wait_indirect_dma semaphore(%arg7 : memref<!tpu.dma_semaphore, #tpu.memory_space<semaphore_mem>>) src(%dma_wait3A_306 : memref<40000x64xf32, #tpu.memory_space<hbm>>) dst(%dma_wait3A_300 : memref<80x64xf32, #tpu.memory_space<vmem>>)
    %dma_start3A_307 = arith.constant 0 : i32
    %dma_start3A_308 = arith.constant 0 : i32
    %dma_start3A_309 = arith.constant 0 : i32
    %dma_start3A_310 = tpu.memref_slice %arg6[%dma_start3A_307, %dma_start3A_308, %dma_start3A_309] : memref<5x80x64xf32, #tpu.memory_space<vmem>> -> memref<1x80x64xf32, #tpu.memory_space<vmem>>
    %dma_start3A_311 = tpu.memref_squeeze %dma_start3A_310 : memref<1x80x64xf32, #tpu.memory_space<vmem>> -> memref<80x64xf32, #tpu.memory_space<vmem>>
    %dma_start3A_312 = arith.constant 9600 : i32
    %dma_start3A_313 = arith.constant 0 : i32
    %dma_start3A_314 = tpu.memref_slice %arg4[%arg1, %arg0, %dma_start3A_312, %dma_start3A_313] : memref<16x2x10000x64xf32, #tpu.memory_space<hbm>> -> memref<1x1x80x64xf32, #tpu.memory_space<hbm>>
    %dma_start3A_315 = tpu.memref_squeeze %dma_start3A_314 : memref<1x1x80x64xf32, #tpu.memory_space<hbm>> -> memref<80x64xf32, #tpu.memory_space<hbm>>
    %dma_start3A_316 = arith.constant 9600 : i32
    %dma_start3A_317 = arith.constant 0 : i32
    %dma_start3A_318 = tpu.memref_slice %arg4[%arg1, %arg0, %dma_start3A_316, %dma_start3A_317] : memref<16x2x10000x64xf32, #tpu.memory_space<hbm>> -> memref<1x1x80x64xf32, #tpu.memory_space<hbm>>
    %dma_start3A_319 = tpu.memref_squeeze %dma_start3A_318 : memref<1x1x80x64xf32, #tpu.memory_space<hbm>> -> memref<80x64xf32, #tpu.memory_space<hbm>>
    %dma_start3A_320 = arith.constant 0 : i32
    %dma_start3A_321 = arith.constant 0 : i32
    %dma_start3A_322 = tpu.memref_slice %arg6[%dma_start3A_307, %dma_start3A_320, %dma_start3A_321] : memref<5x80x64xf32, #tpu.memory_space<vmem>> -> memref<1x80x64xf32, #tpu.memory_space<vmem>>
    %dma_start3A_323 = tpu.memref_squeeze %dma_start3A_322 : memref<1x80x64xf32, #tpu.memory_space<vmem>> -> memref<80x64xf32, #tpu.memory_space<vmem>>
    tpu.enqueue_dma source(%dma_start3A_323 : memref<80x64xf32, #tpu.memory_space<vmem>>) target(%dma_start3A_319 : memref<80x64xf32, #tpu.memory_space<hbm>>) target_semaphore(%arg8 : memref<!tpu.dma_semaphore, #tpu.memory_space<semaphore_mem>>)
    %dma_wait3A_324 = arith.constant 3 : i32
    %dma_wait3A_325 = arith.constant 0 : i32
    %dma_wait3A_326 = arith.constant 0 : i32
    %dma_wait3A_327 = tpu.memref_slice %arg6[%dma_wait3A_324, %dma_wait3A_325, %dma_wait3A_326] : memref<5x80x64xf32, #tpu.memory_space<vmem>> -> memref<1x80x64xf32, #tpu.memory_space<vmem>>
    %dma_wait3A_328 = tpu.memref_squeeze %dma_wait3A_327 : memref<1x80x64xf32, #tpu.memory_space<vmem>> -> memref<80x64xf32, #tpu.memory_space<vmem>>
    %dma_wait3A_329 = arith.constant 9440 : i32
    %dma_wait3A_330 = arith.constant 0 : i32
    %dma_wait3A_331 = tpu.memref_slice %arg4[%arg1, %arg0, %dma_wait3A_329, %dma_wait3A_330] : memref<16x2x10000x64xf32, #tpu.memory_space<hbm>> -> memref<1x1x80x64xf32, #tpu.memory_space<hbm>>
    %dma_wait3A_332 = tpu.memref_squeeze %dma_wait3A_331 : memref<1x1x80x64xf32, #tpu.memory_space<hbm>> -> memref<80x64xf32, #tpu.memory_space<hbm>>
    %dma_wait3A_333 = arith.constant 9440 : i32
    %dma_wait3A_334 = arith.constant 0 : i32
    %dma_wait3A_335 = tpu.memref_slice %arg4[%arg1, %arg0, %dma_wait3A_333, %dma_wait3A_334] : memref<16x2x10000x64xf32, #tpu.memory_space<hbm>> -> memref<1x1x80x64xf32, #tpu.memory_space<hbm>>
    %dma_wait3A_336 = tpu.memref_squeeze %dma_wait3A_335 : memref<1x1x80x64xf32, #tpu.memory_space<hbm>> -> memref<80x64xf32, #tpu.memory_space<hbm>>
    %dma_wait3A_337 = arith.constant 0 : i32
    %dma_wait3A_338 = arith.constant 0 : i32
    %dma_wait3A_339 = tpu.memref_slice %arg6[%dma_wait3A_324, %dma_wait3A_337, %dma_wait3A_338] : memref<5x80x64xf32, #tpu.memory_space<vmem>> -> memref<1x80x64xf32, #tpu.memory_space<vmem>>
    %dma_wait3A_340 = tpu.memref_squeeze %dma_wait3A_339 : memref<1x80x64xf32, #tpu.memory_space<vmem>> -> memref<80x64xf32, #tpu.memory_space<vmem>>
    tpu.wait_dma2 semaphore(%arg8 : memref<!tpu.dma_semaphore, #tpu.memory_space<semaphore_mem>>) src(%dma_wait3A_340 : memref<80x64xf32, #tpu.memory_space<vmem>>) dst(%dma_wait3A_336 : memref<80x64xf32, #tpu.memory_space<hbm>>)
    %dma_start3A_341 = arith.constant 123 : i32
    %dma_start3A_342 = arith.constant 3 : i32
    %dma_start3A_343 = arith.constant 0 : i32
    %dma_start3A_344 = arith.constant 0 : i32
    %dma_start3A_345 = tpu.memref_slice %arg6[%dma_start3A_342, %dma_start3A_343, %dma_start3A_344] : memref<5x80x64xf32, #tpu.memory_space<vmem>> -> memref<1x80x64xf32, #tpu.memory_space<vmem>>
    %dma_start3A_346 = tpu.memref_squeeze %dma_start3A_345 : memref<1x80x64xf32, #tpu.memory_space<vmem>> -> memref<80x64xf32, #tpu.memory_space<vmem>>
    %dma_start3A_347 = arith.constant 0 : i32
    %dma_start3A_348 = tpu.memref_slice %arg5[%dma_start3A_341, %dma_start3A_347] : memref<125x80xi32, #tpu.memory_space<vmem>> -> memref<1x80xi32, #tpu.memory_space<vmem>>
    %dma_start3A_349 = tpu.memref_squeeze %dma_start3A_348 : memref<1x80xi32, #tpu.memory_space<vmem>> -> memref<80xi32, #tpu.memory_space<vmem>>
    %dma_start3A_350 = arith.constant 0 : i32
    %dma_start3A_351 = arith.constant 0 : i32
    %dma_start3A_352 = tpu.memref_slice %arg2[%dma_start3A_350, %dma_start3A_351] : memref<40000x64xf32, #tpu.memory_space<hbm>> -> memref<40000x64xf32, #tpu.memory_space<hbm>>
    tpu.enqueue_indirect_dma source(%dma_start3A_352 : memref<40000x64xf32, #tpu.memory_space<hbm>>) target(%dma_start3A_346 : memref<80x64xf32, #tpu.memory_space<vmem>>) offsets(%dma_start3A_349 : memref<80xi32, #tpu.memory_space<vmem>>) semaphore(%arg7 : memref<!tpu.dma_semaphore, #tpu.memory_space<semaphore_mem>>)
    %dma_wait3A_353 = arith.constant 121 : i32
    %dma_wait3A_354 = arith.constant 1 : i32
    %dma_wait3A_355 = arith.constant 0 : i32
    %dma_wait3A_356 = arith.constant 0 : i32
    %dma_wait3A_357 = tpu.memref_slice %arg6[%dma_wait3A_354, %dma_wait3A_355, %dma_wait3A_356] : memref<5x80x64xf32, #tpu.memory_space<vmem>> -> memref<1x80x64xf32, #tpu.memory_space<vmem>>
    %dma_wait3A_358 = tpu.memref_squeeze %dma_wait3A_357 : memref<1x80x64xf32, #tpu.memory_space<vmem>> -> memref<80x64xf32, #tpu.memory_space<vmem>>
    %dma_wait3A_359 = arith.constant 0 : i32
    %dma_wait3A_360 = tpu.memref_slice %arg5[%dma_wait3A_353, %dma_wait3A_359] : memref<125x80xi32, #tpu.memory_space<vmem>> -> memref<1x80xi32, #tpu.memory_space<vmem>>
    %dma_wait3A_361 = tpu.memref_squeeze %dma_wait3A_360 : memref<1x80xi32, #tpu.memory_space<vmem>> -> memref<80xi32, #tpu.memory_space<vmem>>
    %dma_wait3A_362 = arith.constant 0 : i32
    %dma_wait3A_363 = arith.constant 0 : i32
    %dma_wait3A_364 = tpu.memref_slice %arg2[%dma_wait3A_362, %dma_wait3A_363] : memref<40000x64xf32, #tpu.memory_space<hbm>> -> memref<40000x64xf32, #tpu.memory_space<hbm>>
    tpu.wait_indirect_dma semaphore(%arg7 : memref<!tpu.dma_semaphore, #tpu.memory_space<semaphore_mem>>) src(%dma_wait3A_364 : memref<40000x64xf32, #tpu.memory_space<hbm>>) dst(%dma_wait3A_358 : memref<80x64xf32, #tpu.memory_space<vmem>>)
    %dma_start3A_365 = arith.constant 1 : i32
    %dma_start3A_366 = arith.constant 0 : i32
    %dma_start3A_367 = arith.constant 0 : i32
    %dma_start3A_368 = tpu.memref_slice %arg6[%dma_start3A_365, %dma_start3A_366, %dma_start3A_367] : memref<5x80x64xf32, #tpu.memory_space<vmem>> -> memref<1x80x64xf32, #tpu.memory_space<vmem>>
    %dma_start3A_369 = tpu.memref_squeeze %dma_start3A_368 : memref<1x80x64xf32, #tpu.memory_space<vmem>> -> memref<80x64xf32, #tpu.memory_space<vmem>>
    %dma_start3A_370 = arith.constant 9680 : i32
    %dma_start3A_371 = arith.constant 0 : i32
    %dma_start3A_372 = tpu.memref_slice %arg4[%arg1, %arg0, %dma_start3A_370, %dma_start3A_371] : memref<16x2x10000x64xf32, #tpu.memory_space<hbm>> -> memref<1x1x80x64xf32, #tpu.memory_space<hbm>>
    %dma_start3A_373 = tpu.memref_squeeze %dma_start3A_372 : memref<1x1x80x64xf32, #tpu.memory_space<hbm>> -> memref<80x64xf32, #tpu.memory_space<hbm>>
    %dma_start3A_374 = arith.constant 9680 : i32
    %dma_start3A_375 = arith.constant 0 : i32
    %dma_start3A_376 = tpu.memref_slice %arg4[%arg1, %arg0, %dma_start3A_374, %dma_start3A_375] : memref<16x2x10000x64xf32, #tpu.memory_space<hbm>> -> memref<1x1x80x64xf32, #tpu.memory_space<hbm>>
    %dma_start3A_377 = tpu.memref_squeeze %dma_start3A_376 : memref<1x1x80x64xf32, #tpu.memory_space<hbm>> -> memref<80x64xf32, #tpu.memory_space<hbm>>
    %dma_start3A_378 = arith.constant 0 : i32
    %dma_start3A_379 = arith.constant 0 : i32
    %dma_start3A_380 = tpu.memref_slice %arg6[%dma_start3A_365, %dma_start3A_378, %dma_start3A_379] : memref<5x80x64xf32, #tpu.memory_space<vmem>> -> memref<1x80x64xf32, #tpu.memory_space<vmem>>
    %dma_start3A_381 = tpu.memref_squeeze %dma_start3A_380 : memref<1x80x64xf32, #tpu.memory_space<vmem>> -> memref<80x64xf32, #tpu.memory_space<vmem>>
    tpu.enqueue_dma source(%dma_start3A_381 : memref<80x64xf32, #tpu.memory_space<vmem>>) target(%dma_start3A_377 : memref<80x64xf32, #tpu.memory_space<hbm>>) target_semaphore(%arg8 : memref<!tpu.dma_semaphore, #tpu.memory_space<semaphore_mem>>)
    %dma_wait3A_382 = arith.constant 4 : i32
    %dma_wait3A_383 = arith.constant 0 : i32
    %dma_wait3A_384 = arith.constant 0 : i32
    %dma_wait3A_385 = tpu.memref_slice %arg6[%dma_wait3A_382, %dma_wait3A_383, %dma_wait3A_384] : memref<5x80x64xf32, #tpu.memory_space<vmem>> -> memref<1x80x64xf32, #tpu.memory_space<vmem>>
    %dma_wait3A_386 = tpu.memref_squeeze %dma_wait3A_385 : memref<1x80x64xf32, #tpu.memory_space<vmem>> -> memref<80x64xf32, #tpu.memory_space<vmem>>
    %dma_wait3A_387 = arith.constant 9520 : i32
    %dma_wait3A_388 = arith.constant 0 : i32
    %dma_wait3A_389 = tpu.memref_slice %arg4[%arg1, %arg0, %dma_wait3A_387, %dma_wait3A_388] : memref<16x2x10000x64xf32, #tpu.memory_space<hbm>> -> memref<1x1x80x64xf32, #tpu.memory_space<hbm>>
    %dma_wait3A_390 = tpu.memref_squeeze %dma_wait3A_389 : memref<1x1x80x64xf32, #tpu.memory_space<hbm>> -> memref<80x64xf32, #tpu.memory_space<hbm>>
    %dma_wait3A_391 = arith.constant 9520 : i32
    %dma_wait3A_392 = arith.constant 0 : i32
    %dma_wait3A_393 = tpu.memref_slice %arg4[%arg1, %arg0, %dma_wait3A_391, %dma_wait3A_392] : memref<16x2x10000x64xf32, #tpu.memory_space<hbm>> -> memref<1x1x80x64xf32, #tpu.memory_space<hbm>>
    %dma_wait3A_394 = tpu.memref_squeeze %dma_wait3A_393 : memref<1x1x80x64xf32, #tpu.memory_space<hbm>> -> memref<80x64xf32, #tpu.memory_space<hbm>>
    %dma_wait3A_395 = arith.constant 0 : i32
    %dma_wait3A_396 = arith.constant 0 : i32
    %dma_wait3A_397 = tpu.memref_slice %arg6[%dma_wait3A_382, %dma_wait3A_395, %dma_wait3A_396] : memref<5x80x64xf32, #tpu.memory_space<vmem>> -> memref<1x80x64xf32, #tpu.memory_space<vmem>>
    %dma_wait3A_398 = tpu.memref_squeeze %dma_wait3A_397 : memref<1x80x64xf32, #tpu.memory_space<vmem>> -> memref<80x64xf32, #tpu.memory_space<vmem>>
    tpu.wait_dma2 semaphore(%arg8 : memref<!tpu.dma_semaphore, #tpu.memory_space<semaphore_mem>>) src(%dma_wait3A_398 : memref<80x64xf32, #tpu.memory_space<vmem>>) dst(%dma_wait3A_394 : memref<80x64xf32, #tpu.memory_space<hbm>>)
    %dma_start3A_399 = arith.constant 124 : i32
    %dma_start3A_400 = arith.constant 4 : i32
    %dma_start3A_401 = arith.constant 0 : i32
    %dma_start3A_402 = arith.constant 0 : i32
    %dma_start3A_403 = tpu.memref_slice %arg6[%dma_start3A_400, %dma_start3A_401, %dma_start3A_402] : memref<5x80x64xf32, #tpu.memory_space<vmem>> -> memref<1x80x64xf32, #tpu.memory_space<vmem>>
    %dma_start3A_404 = tpu.memref_squeeze %dma_start3A_403 : memref<1x80x64xf32, #tpu.memory_space<vmem>> -> memref<80x64xf32, #tpu.memory_space<vmem>>
    %dma_start3A_405 = arith.constant 0 : i32
    %dma_start3A_406 = tpu.memref_slice %arg5[%dma_start3A_399, %dma_start3A_405] : memref<125x80xi32, #tpu.memory_space<vmem>> -> memref<1x80xi32, #tpu.memory_space<vmem>>
    %dma_start3A_407 = tpu.memref_squeeze %dma_start3A_406 : memref<1x80xi32, #tpu.memory_space<vmem>> -> memref<80xi32, #tpu.memory_space<vmem>>
    %dma_start3A_408 = arith.constant 0 : i32
    %dma_start3A_409 = arith.constant 0 : i32
    %dma_start3A_410 = tpu.memref_slice %arg2[%dma_start3A_408, %dma_start3A_409] : memref<40000x64xf32, #tpu.memory_space<hbm>> -> memref<40000x64xf32, #tpu.memory_space<hbm>>
    tpu.enqueue_indirect_dma source(%dma_start3A_410 : memref<40000x64xf32, #tpu.memory_space<hbm>>) target(%dma_start3A_404 : memref<80x64xf32, #tpu.memory_space<vmem>>) offsets(%dma_start3A_407 : memref<80xi32, #tpu.memory_space<vmem>>) semaphore(%arg7 : memref<!tpu.dma_semaphore, #tpu.memory_space<semaphore_mem>>)
    %dma_wait3A_411 = arith.constant 122 : i32
    %dma_wait3A_412 = arith.constant 2 : i32
    %dma_wait3A_413 = arith.constant 0 : i32
    %dma_wait3A_414 = arith.constant 0 : i32
    %dma_wait3A_415 = tpu.memref_slice %arg6[%dma_wait3A_412, %dma_wait3A_413, %dma_wait3A_414] : memref<5x80x64xf32, #tpu.memory_space<vmem>> -> memref<1x80x64xf32, #tpu.memory_space<vmem>>
    %dma_wait3A_416 = tpu.memref_squeeze %dma_wait3A_415 : memref<1x80x64xf32, #tpu.memory_space<vmem>> -> memref<80x64xf32, #tpu.memory_space<vmem>>
    %dma_wait3A_417 = arith.constant 0 : i32
    %dma_wait3A_418 = tpu.memref_slice %arg5[%dma_wait3A_411, %dma_wait3A_417] : memref<125x80xi32, #tpu.memory_space<vmem>> -> memref<1x80xi32, #tpu.memory_space<vmem>>
    %dma_wait3A_419 = tpu.memref_squeeze %dma_wait3A_418 : memref<1x80xi32, #tpu.memory_space<vmem>> -> memref<80xi32, #tpu.memory_space<vmem>>
    %dma_wait3A_420 = arith.constant 0 : i32
    %dma_wait3A_421 = arith.constant 0 : i32
    %dma_wait3A_422 = tpu.memref_slice %arg2[%dma_wait3A_420, %dma_wait3A_421] : memref<40000x64xf32, #tpu.memory_space<hbm>> -> memref<40000x64xf32, #tpu.memory_space<hbm>>
    tpu.wait_indirect_dma semaphore(%arg7 : memref<!tpu.dma_semaphore, #tpu.memory_space<semaphore_mem>>) src(%dma_wait3A_422 : memref<40000x64xf32, #tpu.memory_space<hbm>>) dst(%dma_wait3A_416 : memref<80x64xf32, #tpu.memory_space<vmem>>)
    %dma_start3A_423 = arith.constant 2 : i32
    %dma_start3A_424 = arith.constant 0 : i32
    %dma_start3A_425 = arith.constant 0 : i32
    %dma_start3A_426 = tpu.memref_slice %arg6[%dma_start3A_423, %dma_start3A_424, %dma_start3A_425] : memref<5x80x64xf32, #tpu.memory_space<vmem>> -> memref<1x80x64xf32, #tpu.memory_space<vmem>>
    %dma_start3A_427 = tpu.memref_squeeze %dma_start3A_426 : memref<1x80x64xf32, #tpu.memory_space<vmem>> -> memref<80x64xf32, #tpu.memory_space<vmem>>
    %dma_start3A_428 = arith.constant 9760 : i32
    %dma_start3A_429 = arith.constant 0 : i32
    %dma_start3A_430 = tpu.memref_slice %arg4[%arg1, %arg0, %dma_start3A_428, %dma_start3A_429] : memref<16x2x10000x64xf32, #tpu.memory_space<hbm>> -> memref<1x1x80x64xf32, #tpu.memory_space<hbm>>
    %dma_start3A_431 = tpu.memref_squeeze %dma_start3A_430 : memref<1x1x80x64xf32, #tpu.memory_space<hbm>> -> memref<80x64xf32, #tpu.memory_space<hbm>>
    %dma_start3A_432 = arith.constant 9760 : i32
    %dma_start3A_433 = arith.constant 0 : i32
    %dma_start3A_434 = tpu.memref_slice %arg4[%arg1, %arg0, %dma_start3A_432, %dma_start3A_433] : memref<16x2x10000x64xf32, #tpu.memory_space<hbm>> -> memref<1x1x80x64xf32, #tpu.memory_space<hbm>>
    %dma_start3A_435 = tpu.memref_squeeze %dma_start3A_434 : memref<1x1x80x64xf32, #tpu.memory_space<hbm>> -> memref<80x64xf32, #tpu.memory_space<hbm>>
    %dma_start3A_436 = arith.constant 0 : i32
    %dma_start3A_437 = arith.constant 0 : i32
    %dma_start3A_438 = tpu.memref_slice %arg6[%dma_start3A_423, %dma_start3A_436, %dma_start3A_437] : memref<5x80x64xf32, #tpu.memory_space<vmem>> -> memref<1x80x64xf32, #tpu.memory_space<vmem>>
    %dma_start3A_439 = tpu.memref_squeeze %dma_start3A_438 : memref<1x80x64xf32, #tpu.memory_space<vmem>> -> memref<80x64xf32, #tpu.memory_space<vmem>>
    tpu.enqueue_dma source(%dma_start3A_439 : memref<80x64xf32, #tpu.memory_space<vmem>>) target(%dma_start3A_435 : memref<80x64xf32, #tpu.memory_space<hbm>>) target_semaphore(%arg8 : memref<!tpu.dma_semaphore, #tpu.memory_space<semaphore_mem>>)
    %dma_wait3A_440 = arith.constant 123 : i32
    %dma_wait3A_441 = arith.constant 3 : i32
    %dma_wait3A_442 = arith.constant 0 : i32
    %dma_wait3A_443 = arith.constant 0 : i32
    %dma_wait3A_444 = tpu.memref_slice %arg6[%dma_wait3A_441, %dma_wait3A_442, %dma_wait3A_443] : memref<5x80x64xf32, #tpu.memory_space<vmem>> -> memref<1x80x64xf32, #tpu.memory_space<vmem>>
    %dma_wait3A_445 = tpu.memref_squeeze %dma_wait3A_444 : memref<1x80x64xf32, #tpu.memory_space<vmem>> -> memref<80x64xf32, #tpu.memory_space<vmem>>
    %dma_wait3A_446 = arith.constant 0 : i32
    %dma_wait3A_447 = tpu.memref_slice %arg5[%dma_wait3A_440, %dma_wait3A_446] : memref<125x80xi32, #tpu.memory_space<vmem>> -> memref<1x80xi32, #tpu.memory_space<vmem>>
    %dma_wait3A_448 = tpu.memref_squeeze %dma_wait3A_447 : memref<1x80xi32, #tpu.memory_space<vmem>> -> memref<80xi32, #tpu.memory_space<vmem>>
    %dma_wait3A_449 = arith.constant 0 : i32
    %dma_wait3A_450 = arith.constant 0 : i32
    %dma_wait3A_451 = tpu.memref_slice %arg2[%dma_wait3A_449, %dma_wait3A_450] : memref<40000x64xf32, #tpu.memory_space<hbm>> -> memref<40000x64xf32, #tpu.memory_space<hbm>>
    tpu.wait_indirect_dma semaphore(%arg7 : memref<!tpu.dma_semaphore, #tpu.memory_space<semaphore_mem>>) src(%dma_wait3A_451 : memref<40000x64xf32, #tpu.memory_space<hbm>>) dst(%dma_wait3A_445 : memref<80x64xf32, #tpu.memory_space<vmem>>)
    %dma_start3A_452 = arith.constant 3 : i32
    %dma_start3A_453 = arith.constant 0 : i32
    %dma_start3A_454 = arith.constant 0 : i32
    %dma_start3A_455 = tpu.memref_slice %arg6[%dma_start3A_452, %dma_start3A_453, %dma_start3A_454] : memref<5x80x64xf32, #tpu.memory_space<vmem>> -> memref<1x80x64xf32, #tpu.memory_space<vmem>>
    %dma_start3A_456 = tpu.memref_squeeze %dma_start3A_455 : memref<1x80x64xf32, #tpu.memory_space<vmem>> -> memref<80x64xf32, #tpu.memory_space<vmem>>
    %dma_start3A_457 = arith.constant 9840 : i32
    %dma_start3A_458 = arith.constant 0 : i32
    %dma_start3A_459 = tpu.memref_slice %arg4[%arg1, %arg0, %dma_start3A_457, %dma_start3A_458] : memref<16x2x10000x64xf32, #tpu.memory_space<hbm>> -> memref<1x1x80x64xf32, #tpu.memory_space<hbm>>
    %dma_start3A_460 = tpu.memref_squeeze %dma_start3A_459 : memref<1x1x80x64xf32, #tpu.memory_space<hbm>> -> memref<80x64xf32, #tpu.memory_space<hbm>>
    %dma_start3A_461 = arith.constant 9840 : i32
    %dma_start3A_462 = arith.constant 0 : i32
    %dma_start3A_463 = tpu.memref_slice %arg4[%arg1, %arg0, %dma_start3A_461, %dma_start3A_462] : memref<16x2x10000x64xf32, #tpu.memory_space<hbm>> -> memref<1x1x80x64xf32, #tpu.memory_space<hbm>>
    %dma_start3A_464 = tpu.memref_squeeze %dma_start3A_463 : memref<1x1x80x64xf32, #tpu.memory_space<hbm>> -> memref<80x64xf32, #tpu.memory_space<hbm>>
    %dma_start3A_465 = arith.constant 0 : i32
    %dma_start3A_466 = arith.constant 0 : i32
    %dma_start3A_467 = tpu.memref_slice %arg6[%dma_start3A_452, %dma_start3A_465, %dma_start3A_466] : memref<5x80x64xf32, #tpu.memory_space<vmem>> -> memref<1x80x64xf32, #tpu.memory_space<vmem>>
    %dma_start3A_468 = tpu.memref_squeeze %dma_start3A_467 : memref<1x80x64xf32, #tpu.memory_space<vmem>> -> memref<80x64xf32, #tpu.memory_space<vmem>>
    tpu.enqueue_dma source(%dma_start3A_468 : memref<80x64xf32, #tpu.memory_space<vmem>>) target(%dma_start3A_464 : memref<80x64xf32, #tpu.memory_space<hbm>>) target_semaphore(%arg8 : memref<!tpu.dma_semaphore, #tpu.memory_space<semaphore_mem>>)
    %dma_wait3A_469 = arith.constant 124 : i32
    %dma_wait3A_470 = arith.constant 4 : i32
    %dma_wait3A_471 = arith.constant 0 : i32
    %dma_wait3A_472 = arith.constant 0 : i32
    %dma_wait3A_473 = tpu.memref_slice %arg6[%dma_wait3A_470, %dma_wait3A_471, %dma_wait3A_472] : memref<5x80x64xf32, #tpu.memory_space<vmem>> -> memref<1x80x64xf32, #tpu.memory_space<vmem>>
    %dma_wait3A_474 = tpu.memref_squeeze %dma_wait3A_473 : memref<1x80x64xf32, #tpu.memory_space<vmem>> -> memref<80x64xf32, #tpu.memory_space<vmem>>
    %dma_wait3A_475 = arith.constant 0 : i32
    %dma_wait3A_476 = tpu.memref_slice %arg5[%dma_wait3A_469, %dma_wait3A_475] : memref<125x80xi32, #tpu.memory_space<vmem>> -> memref<1x80xi32, #tpu.memory_space<vmem>>
    %dma_wait3A_477 = tpu.memref_squeeze %dma_wait3A_476 : memref<1x80xi32, #tpu.memory_space<vmem>> -> memref<80xi32, #tpu.memory_space<vmem>>
    %dma_wait3A_478 = arith.constant 0 : i32
    %dma_wait3A_479 = arith.constant 0 : i32
    %dma_wait3A_480 = tpu.memref_slice %arg2[%dma_wait3A_478, %dma_wait3A_479] : memref<40000x64xf32, #tpu.memory_space<hbm>> -> memref<40000x64xf32, #tpu.memory_space<hbm>>
    tpu.wait_indirect_dma semaphore(%arg7 : memref<!tpu.dma_semaphore, #tpu.memory_space<semaphore_mem>>) src(%dma_wait3A_480 : memref<40000x64xf32, #tpu.memory_space<hbm>>) dst(%dma_wait3A_474 : memref<80x64xf32, #tpu.memory_space<vmem>>)
    %dma_start3A_481 = arith.constant 4 : i32
    %dma_start3A_482 = arith.constant 0 : i32
    %dma_start3A_483 = arith.constant 0 : i32
    %dma_start3A_484 = tpu.memref_slice %arg6[%dma_start3A_481, %dma_start3A_482, %dma_start3A_483] : memref<5x80x64xf32, #tpu.memory_space<vmem>> -> memref<1x80x64xf32, #tpu.memory_space<vmem>>
    %dma_start3A_485 = tpu.memref_squeeze %dma_start3A_484 : memref<1x80x64xf32, #tpu.memory_space<vmem>> -> memref<80x64xf32, #tpu.memory_space<vmem>>
    %dma_start3A_486 = arith.constant 9920 : i32
    %dma_start3A_487 = arith.constant 0 : i32
    %dma_start3A_488 = tpu.memref_slice %arg4[%arg1, %arg0, %dma_start3A_486, %dma_start3A_487] : memref<16x2x10000x64xf32, #tpu.memory_space<hbm>> -> memref<1x1x80x64xf32, #tpu.memory_space<hbm>>
    %dma_start3A_489 = tpu.memref_squeeze %dma_start3A_488 : memref<1x1x80x64xf32, #tpu.memory_space<hbm>> -> memref<80x64xf32, #tpu.memory_space<hbm>>
    %dma_start3A_490 = arith.constant 9920 : i32
    %dma_start3A_491 = arith.constant 0 : i32
    %dma_start3A_492 = tpu.memref_slice %arg4[%arg1, %arg0, %dma_start3A_490, %dma_start3A_491] : memref<16x2x10000x64xf32, #tpu.memory_space<hbm>> -> memref<1x1x80x64xf32, #tpu.memory_space<hbm>>
    %dma_start3A_493 = tpu.memref_squeeze %dma_start3A_492 : memref<1x1x80x64xf32, #tpu.memory_space<hbm>> -> memref<80x64xf32, #tpu.memory_space<hbm>>
    %dma_start3A_494 = arith.constant 0 : i32
    %dma_start3A_495 = arith.constant 0 : i32
    %dma_start3A_496 = tpu.memref_slice %arg6[%dma_start3A_481, %dma_start3A_494, %dma_start3A_495] : memref<5x80x64xf32, #tpu.memory_space<vmem>> -> memref<1x80x64xf32, #tpu.memory_space<vmem>>
    %dma_start3A_497 = tpu.memref_squeeze %dma_start3A_496 : memref<1x80x64xf32, #tpu.memory_space<vmem>> -> memref<80x64xf32, #tpu.memory_space<vmem>>
    tpu.enqueue_dma source(%dma_start3A_497 : memref<80x64xf32, #tpu.memory_space<vmem>>) target(%dma_start3A_493 : memref<80x64xf32, #tpu.memory_space<hbm>>) target_semaphore(%arg8 : memref<!tpu.dma_semaphore, #tpu.memory_space<semaphore_mem>>)
    %dma_wait3A_498 = arith.constant 0 : i32
    %dma_wait3A_499 = arith.constant 0 : i32
    %dma_wait3A_500 = arith.constant 0 : i32
    %dma_wait3A_501 = tpu.memref_slice %arg6[%dma_wait3A_498, %dma_wait3A_499, %dma_wait3A_500] : memref<5x80x64xf32, #tpu.memory_space<vmem>> -> memref<1x80x64xf32, #tpu.memory_space<vmem>>
    %dma_wait3A_502 = tpu.memref_squeeze %dma_wait3A_501 : memref<1x80x64xf32, #tpu.memory_space<vmem>> -> memref<80x64xf32, #tpu.memory_space<vmem>>
    %dma_wait3A_503 = arith.constant 9600 : i32
    %dma_wait3A_504 = arith.constant 0 : i32
    %dma_wait3A_505 = tpu.memref_slice %arg4[%arg1, %arg0, %dma_wait3A_503, %dma_wait3A_504] : memref<16x2x10000x64xf32, #tpu.memory_space<hbm>> -> memref<1x1x80x64xf32, #tpu.memory_space<hbm>>
    %dma_wait3A_506 = tpu.memref_squeeze %dma_wait3A_505 : memref<1x1x80x64xf32, #tpu.memory_space<hbm>> -> memref<80x64xf32, #tpu.memory_space<hbm>>
    %dma_wait3A_507 = arith.constant 9600 : i32
    %dma_wait3A_508 = arith.constant 0 : i32
    %dma_wait3A_509 = tpu.memref_slice %arg4[%arg1, %arg0, %dma_wait3A_507, %dma_wait3A_508] : memref<16x2x10000x64xf32, #tpu.memory_space<hbm>> -> memref<1x1x80x64xf32, #tpu.memory_space<hbm>>
    %dma_wait3A_510 = tpu.memref_squeeze %dma_wait3A_509 : memref<1x1x80x64xf32, #tpu.memory_space<hbm>> -> memref<80x64xf32, #tpu.memory_space<hbm>>
    %dma_wait3A_511 = arith.constant 0 : i32
    %dma_wait3A_512 = arith.constant 0 : i32
    %dma_wait3A_513 = tpu.memref_slice %arg6[%dma_wait3A_498, %dma_wait3A_511, %dma_wait3A_512] : memref<5x80x64xf32, #tpu.memory_space<vmem>> -> memref<1x80x64xf32, #tpu.memory_space<vmem>>
    %dma_wait3A_514 = tpu.memref_squeeze %dma_wait3A_513 : memref<1x80x64xf32, #tpu.memory_space<vmem>> -> memref<80x64xf32, #tpu.memory_space<vmem>>
    tpu.wait_dma2 semaphore(%arg8 : memref<!tpu.dma_semaphore, #tpu.memory_space<semaphore_mem>>) src(%dma_wait3A_514 : memref<80x64xf32, #tpu.memory_space<vmem>>) dst(%dma_wait3A_510 : memref<80x64xf32, #tpu.memory_space<hbm>>)
    %dma_wait3A_515 = arith.constant 1 : i32
    %dma_wait3A_516 = arith.constant 0 : i32
    %dma_wait3A_517 = arith.constant 0 : i32
    %dma_wait3A_518 = tpu.memref_slice %arg6[%dma_wait3A_515, %dma_wait3A_516, %dma_wait3A_517] : memref<5x80x64xf32, #tpu.memory_space<vmem>> -> memref<1x80x64xf32, #tpu.memory_space<vmem>>
    %dma_wait3A_519 = tpu.memref_squeeze %dma_wait3A_518 : memref<1x80x64xf32, #tpu.memory_space<vmem>> -> memref<80x64xf32, #tpu.memory_space<vmem>>
    %dma_wait3A_520 = arith.constant 9680 : i32
    %dma_wait3A_521 = arith.constant 0 : i32
    %dma_wait3A_522 = tpu.memref_slice %arg4[%arg1, %arg0, %dma_wait3A_520, %dma_wait3A_521] : memref<16x2x10000x64xf32, #tpu.memory_space<hbm>> -> memref<1x1x80x64xf32, #tpu.memory_space<hbm>>
    %dma_wait3A_523 = tpu.memref_squeeze %dma_wait3A_522 : memref<1x1x80x64xf32, #tpu.memory_space<hbm>> -> memref<80x64xf32, #tpu.memory_space<hbm>>
    %dma_wait3A_524 = arith.constant 9680 : i32
    %dma_wait3A_525 = arith.constant 0 : i32
    %dma_wait3A_526 = tpu.memref_slice %arg4[%arg1, %arg0, %dma_wait3A_524, %dma_wait3A_525] : memref<16x2x10000x64xf32, #tpu.memory_space<hbm>> -> memref<1x1x80x64xf32, #tpu.memory_space<hbm>>
    %dma_wait3A_527 = tpu.memref_squeeze %dma_wait3A_526 : memref<1x1x80x64xf32, #tpu.memory_space<hbm>> -> memref<80x64xf32, #tpu.memory_space<hbm>>
    %dma_wait3A_528 = arith.constant 0 : i32
    %dma_wait3A_529 = arith.constant 0 : i32
    %dma_wait3A_530 = tpu.memref_slice %arg6[%dma_wait3A_515, %dma_wait3A_528, %dma_wait3A_529] : memref<5x80x64xf32, #tpu.memory_space<vmem>> -> memref<1x80x64xf32, #tpu.memory_space<vmem>>
    %dma_wait3A_531 = tpu.memref_squeeze %dma_wait3A_530 : memref<1x80x64xf32, #tpu.memory_space<vmem>> -> memref<80x64xf32, #tpu.memory_space<vmem>>
    tpu.wait_dma2 semaphore(%arg8 : memref<!tpu.dma_semaphore, #tpu.memory_space<semaphore_mem>>) src(%dma_wait3A_531 : memref<80x64xf32, #tpu.memory_space<vmem>>) dst(%dma_wait3A_527 : memref<80x64xf32, #tpu.memory_space<hbm>>)
    %dma_wait3A_532 = arith.constant 2 : i32
    %dma_wait3A_533 = arith.constant 0 : i32
    %dma_wait3A_534 = arith.constant 0 : i32
    %dma_wait3A_535 = tpu.memref_slice %arg6[%dma_wait3A_532, %dma_wait3A_533, %dma_wait3A_534] : memref<5x80x64xf32, #tpu.memory_space<vmem>> -> memref<1x80x64xf32, #tpu.memory_space<vmem>>
    %dma_wait3A_536 = tpu.memref_squeeze %dma_wait3A_535 : memref<1x80x64xf32, #tpu.memory_space<vmem>> -> memref<80x64xf32, #tpu.memory_space<vmem>>
    %dma_wait3A_537 = arith.constant 9760 : i32
    %dma_wait3A_538 = arith.constant 0 : i32
    %dma_wait3A_539 = tpu.memref_slice %arg4[%arg1, %arg0, %dma_wait3A_537, %dma_wait3A_538] : memref<16x2x10000x64xf32, #tpu.memory_space<hbm>> -> memref<1x1x80x64xf32, #tpu.memory_space<hbm>>
    %dma_wait3A_540 = tpu.memref_squeeze %dma_wait3A_539 : memref<1x1x80x64xf32, #tpu.memory_space<hbm>> -> memref<80x64xf32, #tpu.memory_space<hbm>>
    %dma_wait3A_541 = arith.constant 9760 : i32
    %dma_wait3A_542 = arith.constant 0 : i32
    %dma_wait3A_543 = tpu.memref_slice %arg4[%arg1, %arg0, %dma_wait3A_541, %dma_wait3A_542] : memref<16x2x10000x64xf32, #tpu.memory_space<hbm>> -> memref<1x1x80x64xf32, #tpu.memory_space<hbm>>
    %dma_wait3A_544 = tpu.memref_squeeze %dma_wait3A_543 : memref<1x1x80x64xf32, #tpu.memory_space<hbm>> -> memref<80x64xf32, #tpu.memory_space<hbm>>
    %dma_wait3A_545 = arith.constant 0 : i32
    %dma_wait3A_546 = arith.constant 0 : i32
    %dma_wait3A_547 = tpu.memref_slice %arg6[%dma_wait3A_532, %dma_wait3A_545, %dma_wait3A_546] : memref<5x80x64xf32, #tpu.memory_space<vmem>> -> memref<1x80x64xf32, #tpu.memory_space<vmem>>
    %dma_wait3A_548 = tpu.memref_squeeze %dma_wait3A_547 : memref<1x80x64xf32, #tpu.memory_space<vmem>> -> memref<80x64xf32, #tpu.memory_space<vmem>>
    tpu.wait_dma2 semaphore(%arg8 : memref<!tpu.dma_semaphore, #tpu.memory_space<semaphore_mem>>) src(%dma_wait3A_548 : memref<80x64xf32, #tpu.memory_space<vmem>>) dst(%dma_wait3A_544 : memref<80x64xf32, #tpu.memory_space<hbm>>)
    %dma_wait3A_549 = arith.constant 3 : i32
    %dma_wait3A_550 = arith.constant 0 : i32
    %dma_wait3A_551 = arith.constant 0 : i32
    %dma_wait3A_552 = tpu.memref_slice %arg6[%dma_wait3A_549, %dma_wait3A_550, %dma_wait3A_551] : memref<5x80x64xf32, #tpu.memory_space<vmem>> -> memref<1x80x64xf32, #tpu.memory_space<vmem>>
    %dma_wait3A_553 = tpu.memref_squeeze %dma_wait3A_552 : memref<1x80x64xf32, #tpu.memory_space<vmem>> -> memref<80x64xf32, #tpu.memory_space<vmem>>
    %dma_wait3A_554 = arith.constant 9840 : i32
    %dma_wait3A_555 = arith.constant 0 : i32
    %dma_wait3A_556 = tpu.memref_slice %arg4[%arg1, %arg0, %dma_wait3A_554, %dma_wait3A_555] : memref<16x2x10000x64xf32, #tpu.memory_space<hbm>> -> memref<1x1x80x64xf32, #tpu.memory_space<hbm>>
    %dma_wait3A_557 = tpu.memref_squeeze %dma_wait3A_556 : memref<1x1x80x64xf32, #tpu.memory_space<hbm>> -> memref<80x64xf32, #tpu.memory_space<hbm>>
    %dma_wait3A_558 = arith.constant 9840 : i32
    %dma_wait3A_559 = arith.constant 0 : i32
    %dma_wait3A_560 = tpu.memref_slice %arg4[%arg1, %arg0, %dma_wait3A_558, %dma_wait3A_559] : memref<16x2x10000x64xf32, #tpu.memory_space<hbm>> -> memref<1x1x80x64xf32, #tpu.memory_space<hbm>>
    %dma_wait3A_561 = tpu.memref_squeeze %dma_wait3A_560 : memref<1x1x80x64xf32, #tpu.memory_space<hbm>> -> memref<80x64xf32, #tpu.memory_space<hbm>>
    %dma_wait3A_562 = arith.constant 0 : i32
    %dma_wait3A_563 = arith.constant 0 : i32
    %dma_wait3A_564 = tpu.memref_slice %arg6[%dma_wait3A_549, %dma_wait3A_562, %dma_wait3A_563] : memref<5x80x64xf32, #tpu.memory_space<vmem>> -> memref<1x80x64xf32, #tpu.memory_space<vmem>>
    %dma_wait3A_565 = tpu.memref_squeeze %dma_wait3A_564 : memref<1x80x64xf32, #tpu.memory_space<vmem>> -> memref<80x64xf32, #tpu.memory_space<vmem>>
    tpu.wait_dma2 semaphore(%arg8 : memref<!tpu.dma_semaphore, #tpu.memory_space<semaphore_mem>>) src(%dma_wait3A_565 : memref<80x64xf32, #tpu.memory_space<vmem>>) dst(%dma_wait3A_561 : memref<80x64xf32, #tpu.memory_space<hbm>>)
    %dma_wait3A_566 = arith.constant 4 : i32
    %dma_wait3A_567 = arith.constant 0 : i32
    %dma_wait3A_568 = arith.constant 0 : i32
    %dma_wait3A_569 = tpu.memref_slice %arg6[%dma_wait3A_566, %dma_wait3A_567, %dma_wait3A_568] : memref<5x80x64xf32, #tpu.memory_space<vmem>> -> memref<1x80x64xf32, #tpu.memory_space<vmem>>
    %dma_wait3A_570 = tpu.memref_squeeze %dma_wait3A_569 : memref<1x80x64xf32, #tpu.memory_space<vmem>> -> memref<80x64xf32, #tpu.memory_space<vmem>>
    %dma_wait3A_571 = arith.constant 9920 : i32
    %dma_wait3A_572 = arith.constant 0 : i32
    %dma_wait3A_573 = tpu.memref_slice %arg4[%arg1, %arg0, %dma_wait3A_571, %dma_wait3A_572] : memref<16x2x10000x64xf32, #tpu.memory_space<hbm>> -> memref<1x1x80x64xf32, #tpu.memory_space<hbm>>
    %dma_wait3A_574 = tpu.memref_squeeze %dma_wait3A_573 : memref<1x1x80x64xf32, #tpu.memory_space<hbm>> -> memref<80x64xf32, #tpu.memory_space<hbm>>
    %dma_wait3A_575 = arith.constant 9920 : i32
    %dma_wait3A_576 = arith.constant 0 : i32
    %dma_wait3A_577 = tpu.memref_slice %arg4[%arg1, %arg0, %dma_wait3A_575, %dma_wait3A_576] : memref<16x2x10000x64xf32, #tpu.memory_space<hbm>> -> memref<1x1x80x64xf32, #tpu.memory_space<hbm>>
    %dma_wait3A_578 = tpu.memref_squeeze %dma_wait3A_577 : memref<1x1x80x64xf32, #tpu.memory_space<hbm>> -> memref<80x64xf32, #tpu.memory_space<hbm>>
    %dma_wait3A_579 = arith.constant 0 : i32
    %dma_wait3A_580 = arith.constant 0 : i32
    %dma_wait3A_581 = tpu.memref_slice %arg6[%dma_wait3A_566, %dma_wait3A_579, %dma_wait3A_580] : memref<5x80x64xf32, #tpu.memory_space<vmem>> -> memref<1x80x64xf32, #tpu.memory_space<vmem>>
    %dma_wait3A_582 = tpu.memref_squeeze %dma_wait3A_581 : memref<1x80x64xf32, #tpu.memory_space<vmem>> -> memref<80x64xf32, #tpu.memory_space<vmem>>
    tpu.wait_dma2 semaphore(%arg8 : memref<!tpu.dma_semaphore, #tpu.memory_space<semaphore_mem>>) src(%dma_wait3A_582 : memref<80x64xf32, #tpu.memory_space<vmem>>) dst(%dma_wait3A_578 : memref<80x64xf32, #tpu.memory_space<hbm>>)
    return
  }
}

module attributes {stable_mosaic.version = 14 : i64} {
  func.func @_precompute_body(%arg0: i32, %arg1: memref<2000x2x64xf32, #tpu.memory_space<vmem>>, %arg2: memref<2000x2x3xf32, #tpu.memory_space<vmem>>, %arg3: memref<6x128xf32, #tpu.memory_space<vmem>>, %arg4: memref<128x128xf32, #tpu.memory_space<vmem>>, %arg5: memref<128x128xf32, #tpu.memory_space<vmem>>, %arg6: memref<1x128xf32, #tpu.memory_space<vmem>>, %arg7: memref<2000x128xf32, #tpu.memory_space<vmem>>, %arg8: memref<2000x128xf32, #tpu.memory_space<vmem>>) attributes {dimension_semantics = [#tpu.dimension_semantics<arbitrary>], iteration_bounds = array<i64: 10>, scalar_prefetch = 0 : i64, scratch_operands = 0 : i64, tpu.core_type = #tpu.core_type<tc>, window_params = [{transform_indices = @transform_0, window_bounds = array<i64: 2000, 2, 64>}, {transform_indices = @transform_1, window_bounds = array<i64: 2000, 2, 3>}, {pipeline_mode = #tpu.pipeline_mode<synchronous>, transform_indices = @transform_2, window_bounds = array<i64: 6, 128>}, {pipeline_mode = #tpu.pipeline_mode<synchronous>, transform_indices = @transform_3, window_bounds = array<i64: 128, 128>}, {pipeline_mode = #tpu.pipeline_mode<synchronous>, transform_indices = @transform_4, window_bounds = array<i64: 128, 128>}, {pipeline_mode = #tpu.pipeline_mode<synchronous>, transform_indices = @transform_5, window_bounds = array<i64: 1, 128>}, {transform_indices = @transform_6, window_bounds = array<i64: 2000, 128>}, {transform_indices = @transform_7, window_bounds = array<i64: 2000, 128>}]} {
    %get3A = arith.constant 0 : index
    %get3A_0 = arith.constant 0 : index
    %get3A_1 = arith.constant 0 : index
    %get3A_2 = vector.load %arg1[%get3A, %get3A_0, %get3A_1] : memref<2000x2x64xf32, #tpu.memory_space<vmem>>, vector<2000x1x64xf32>
    %get3A_3 = vector.shape_cast %get3A_2 : vector<2000x1x64xf32> to vector<2000x64xf32>
    %get3A_4 = arith.constant 0 : index
    %get3A_5 = arith.constant 1 : index
    %get3A_6 = arith.constant 0 : index
    %get3A_7 = vector.load %arg1[%get3A_4, %get3A_5, %get3A_6] : memref<2000x2x64xf32, #tpu.memory_space<vmem>>, vector<2000x1x64xf32>
    %get3A_8 = vector.shape_cast %get3A_7 : vector<2000x1x64xf32> to vector<2000x64xf32>
    %get3A_9 = arith.constant 0 : index
    %get3A_10 = arith.constant 0 : index
    %get3A_11 = arith.constant 0 : index
    %get3A_12 = vector.load %arg2[%get3A_9, %get3A_10, %get3A_11] : memref<2000x2x3xf32, #tpu.memory_space<vmem>>, vector<2000x1x3xf32>
    %get3A_13 = vector.shape_cast %get3A_12 : vector<2000x1x3xf32> to vector<2000x3xf32>
    %get3A_14 = arith.constant 0 : index
    %get3A_15 = arith.constant 1 : index
    %get3A_16 = arith.constant 0 : index
    %get3A_17 = vector.load %arg2[%get3A_14, %get3A_15, %get3A_16] : memref<2000x2x3xf32, #tpu.memory_space<vmem>>, vector<2000x1x3xf32>
    %get3A_18 = vector.shape_cast %get3A_17 : vector<2000x1x3xf32> to vector<2000x3xf32>
    %get3A_19 = arith.constant 0 : index
    %get3A_20 = arith.constant 0 : index
    %get3A_21 = vector.load %arg3[%get3A_19, %get3A_20] : memref<6x128xf32, #tpu.memory_space<vmem>>, vector<3x128xf32>
    %dot_general3A = arith.constant dense<0.000000e+00> : vector<2000x128xf32>
    %dot_general3A_22 = tpu.matmul %get3A_13, %get3A_21, %dot_general3A {dimension_numbers = #tpu.dot_dimension_numbers<[1], [0], [0], [1], [0, 0, 1, 1], [], []>, transpose_lhs_hint = false} : vector<2000x3xf32>, vector<3x128xf32>, vector<2000x128xf32> -> vector<2000x128xf32>
    %get3A_23 = arith.constant 3 : index
    %get3A_24 = arith.constant 0 : index
    %get3A_25 = vector.load %arg3[%get3A_23, %get3A_24] : memref<6x128xf32, #tpu.memory_space<vmem>>, vector<3x128xf32>
    %dot_general3A_26 = arith.constant dense<0.000000e+00> : vector<2000x128xf32>
    %dot_general3A_27 = tpu.matmul %get3A_18, %get3A_25, %dot_general3A_26 {dimension_numbers = #tpu.dot_dimension_numbers<[1], [0], [0], [1], [0, 0, 1, 1], [], []>, transpose_lhs_hint = false} : vector<2000x3xf32>, vector<3x128xf32>, vector<2000x128xf32> -> vector<2000x128xf32>
    %add3A = arith.addf %dot_general3A_22, %dot_general3A_27 : vector<2000x128xf32>
    %get3A_28 = arith.constant 0 : index
    %get3A_29 = arith.constant 0 : index
    %get3A_30 = vector.load %arg5[%get3A_28, %get3A_29] : memref<128x128xf32, #tpu.memory_space<vmem>>, vector<64x128xf32>
    %dot_general3A_31 = arith.constant dense<0.000000e+00> : vector<2000x128xf32>
    %dot_general3A_32 = tpu.matmul %get3A_3, %get3A_30, %dot_general3A_31 {dimension_numbers = #tpu.dot_dimension_numbers<[1], [0], [0], [1], [0, 0, 1, 1], [], []>, transpose_lhs_hint = false} : vector<2000x64xf32>, vector<64x128xf32>, vector<2000x128xf32> -> vector<2000x128xf32>
    %get3A_33 = arith.constant 64 : index
    %get3A_34 = arith.constant 0 : index
    %get3A_35 = vector.load %arg5[%get3A_33, %get3A_34] : memref<128x128xf32, #tpu.memory_space<vmem>>, vector<64x128xf32>
    %dot_general3A_36 = arith.constant dense<0.000000e+00> : vector<2000x128xf32>
    %dot_general3A_37 = tpu.matmul %get3A_8, %get3A_35, %dot_general3A_36 {dimension_numbers = #tpu.dot_dimension_numbers<[1], [0], [0], [1], [0, 0, 1, 1], [], []>, transpose_lhs_hint = false} : vector<2000x64xf32>, vector<64x128xf32>, vector<2000x128xf32> -> vector<2000x128xf32>
    %add3A_38 = arith.addf %dot_general3A_32, %dot_general3A_37 : vector<2000x128xf32>
    %add3A_39 = arith.addf %add3A_38, %add3A : vector<2000x128xf32>
    %swap3A = arith.constant 0 : index
    %swap3A_40 = arith.constant 0 : index
    %swap3A_41 = vector.load %arg7[%swap3A, %swap3A_40] : memref<2000x128xf32, #tpu.memory_space<vmem>>, vector<2000x128xf32>
    tpu.vector_store %arg7[%swap3A, %swap3A_40], %add3A_39 {strides = array<i32>} : memref<2000x128xf32, #tpu.memory_space<vmem>>, vector<2000x128xf32>,
    %get3A_42 = arith.constant 0 : index
    %get3A_43 = arith.constant 0 : index
    %get3A_44 = vector.load %arg4[%get3A_42, %get3A_43] : memref<128x128xf32, #tpu.memory_space<vmem>>, vector<64x128xf32>
    %dot_general3A_45 = arith.constant dense<0.000000e+00> : vector<2000x128xf32>
    %dot_general3A_46 = tpu.matmul %get3A_3, %get3A_44, %dot_general3A_45 {dimension_numbers = #tpu.dot_dimension_numbers<[1], [0], [0], [1], [0, 0, 1, 1], [], []>, transpose_lhs_hint = false} : vector<2000x64xf32>, vector<64x128xf32>, vector<2000x128xf32> -> vector<2000x128xf32>
    %get3A_47 = arith.constant 64 : index
    %get3A_48 = arith.constant 0 : index
    %get3A_49 = vector.load %arg4[%get3A_47, %get3A_48] : memref<128x128xf32, #tpu.memory_space<vmem>>, vector<64x128xf32>
    %dot_general3A_50 = arith.constant dense<0.000000e+00> : vector<2000x128xf32>
    %dot_general3A_51 = tpu.matmul %get3A_8, %get3A_49, %dot_general3A_50 {dimension_numbers = #tpu.dot_dimension_numbers<[1], [0], [0], [1], [0, 0, 1, 1], [], []>, transpose_lhs_hint = false} : vector<2000x64xf32>, vector<64x128xf32>, vector<2000x128xf32> -> vector<2000x128xf32>
    %add3A_52 = arith.addf %dot_general3A_46, %dot_general3A_51 : vector<2000x128xf32>
    %sub3A = arith.subf %add3A_52, %add3A : vector<2000x128xf32>
    %get3A_53 = arith.constant 0 : index
    %get3A_54 = arith.constant 0 : index
    %get3A_55 = vector.load %arg6[%get3A_53, %get3A_54] : memref<1x128xf32, #tpu.memory_space<vmem>>, vector<1x128xf32>
    %add3A_56 = vector.broadcast %get3A_55 : vector<1x128xf32> to vector<2000x128xf32>
    %add3A_57 = arith.addf %sub3A, %add3A_56 : vector<2000x128xf32>
    %swap3A_58 = arith.constant 0 : index
    %swap3A_59 = arith.constant 0 : index
    %swap3A_60 = vector.load %arg8[%swap3A_58, %swap3A_59] : memref<2000x128xf32, #tpu.memory_space<vmem>>, vector<2000x128xf32>
    tpu.vector_store %arg8[%swap3A_58, %swap3A_59], %add3A_57 {strides = array<i32>} : memref<2000x128xf32, #tpu.memory_space<vmem>>, vector<2000x128xf32>,
    return
  }
  func.func @transform_0(%arg0: i32) -> (i32, i32, i32) {
    %c0_i32 = arith.constant 0 : i32
    %c0_i32_0 = arith.constant 0 : i32
    %c0_i32_1 = arith.constant 0 : i32
    return %arg0, %c0_i32, %c0_i32_0 : i32, i32, i32
  }
  func.func @transform_1(%arg0: i32) -> (i32, i32, i32) {
    %c0_i32 = arith.constant 0 : i32
    %c0_i32_0 = arith.constant 0 : i32
    %c0_i32_1 = arith.constant 0 : i32
    return %arg0, %c0_i32, %c0_i32_0 : i32, i32, i32
  }
  func.func @transform_2(%arg0: i32) -> (i32, i32) {
    %c0_i32 = arith.constant 0 : i32
    %c0_i32_0 = arith.constant 0 : i32
    %c0_i32_1 = arith.constant 0 : i32
    return %c0_i32, %c0_i32_0 : i32, i32
  }
  func.func @transform_3(%arg0: i32) -> (i32, i32) {
    %c0_i32 = arith.constant 0 : i32
    %c0_i32_0 = arith.constant 0 : i32
    %c0_i32_1 = arith.constant 0 : i32
    return %c0_i32, %c0_i32_0 : i32, i32
  }
  func.func @transform_4(%arg0: i32) -> (i32, i32) {
    %c0_i32 = arith.constant 0 : i32
    %c0_i32_0 = arith.constant 0 : i32
    %c0_i32_1 = arith.constant 0 : i32
    return %c0_i32, %c0_i32_0 : i32, i32
  }
  func.func @transform_5(%arg0: i32) -> (i32, i32) {
    %c0_i32 = arith.constant 0 : i32
    %c0_i32_0 = arith.constant 0 : i32
    %c0_i32_1 = arith.constant 0 : i32
    return %c0_i32, %c0_i32_0 : i32, i32
  }
  func.func @transform_6(%arg0: i32) -> (i32, i32) {
    %c0_i32 = arith.constant 0 : i32
    %c0_i32_0 = arith.constant 0 : i32
    return %arg0, %c0_i32 : i32, i32
  }
  func.func @transform_7(%arg0: i32) -> (i32, i32) {
    %c0_i32 = arith.constant 0 : i32
    %c0_i32_0 = arith.constant 0 : i32
    return %arg0, %c0_i32 : i32, i32
  }
}

module attributes {stable_mosaic.version = 14 : i64} {
  func.func @_stats_body(%arg0: i32, %arg1: i32, %arg2: memref<1x1x5000x128xf32, #tpu.memory_space<vmem>>, %arg3: memref<5000x128xf32, #tpu.memory_space<vmem>>, %arg4: memref<128x64xf32, #tpu.memory_space<vmem>>, %arg5: memref<1x5000xf32, #tpu.memory_space<vmem>>, %arg6: memref<1x64xf32, #tpu.memory_space<vmem>>, %arg7: memref<1x64xf32, #tpu.memory_space<vmem>>, %arg8: memref<1x128xf32, #tpu.memory_space<vmem>>, %arg9: memref<1x128xf32, #tpu.memory_space<vmem>>) attributes {dimension_semantics = [#tpu.dimension_semantics<arbitrary>, #tpu.dimension_semantics<arbitrary>], iteration_bounds = array<i64: 2, 16>, scalar_prefetch = 0 : i64, scratch_operands = 2 : i64, tpu.core_type = #tpu.core_type<tc>, window_params = [{transform_indices = @transform_0, window_bounds = array<i64: 1, 1, 5000, 128>}, {transform_indices = @transform_1, window_bounds = array<i64: 5000, 128>}, {pipeline_mode = #tpu.pipeline_mode<synchronous>, transform_indices = @transform_2, window_bounds = array<i64: 128, 64>}, {pipeline_mode = #tpu.pipeline_mode<synchronous>, transform_indices = @transform_3, window_bounds = array<i64: 1, 5000>}, {pipeline_mode = #tpu.pipeline_mode<synchronous>, transform_indices = @transform_4, window_bounds = array<i64: 1, 64>}, {pipeline_mode = #tpu.pipeline_mode<synchronous>, transform_indices = @transform_5, window_bounds = array<i64: 1, 64>}]} {
    %get3A = arith.constant 0 : index
    %get3A_0 = arith.constant 0 : index
    %get3A_1 = arith.constant 0 : index
    %get3A_2 = arith.constant 0 : index
    %get3A_3 = vector.load %arg2[%get3A, %get3A_0, %get3A_1, %get3A_2] : memref<1x1x5000x128xf32, #tpu.memory_space<vmem>>, vector<1x1x5000x128xf32>
    %get3A_4 = vector.shape_cast %get3A_3 : vector<1x1x5000x128xf32> to vector<5000x128xf32>
    %get3A_5 = arith.constant 0 : index
    %get3A_6 = arith.constant 0 : index
    %get3A_7 = vector.load %arg3[%get3A_5, %get3A_6] : memref<5000x128xf32, #tpu.memory_space<vmem>>, vector<5000x128xf32>
    %add3A = arith.addf %get3A_4, %get3A_7 : vector<5000x128xf32>
    %get3A_8 = arith.constant 0 : index
    %get3A_9 = arith.constant 0 : index
    %get3A_10 = vector.load %arg5[%get3A_8, %get3A_9] : memref<1x5000xf32, #tpu.memory_space<vmem>>, vector<1x5000xf32>
    %dot_general3A = arith.constant dense<0.000000e+00> : vector<1x128xf32>
    %dot_general3A_11 = tpu.matmul %get3A_10, %add3A, %dot_general3A {dimension_numbers = #tpu.dot_dimension_numbers<[1], [0], [0], [1], [0, 0, 1, 1], [], []>, transpose_lhs_hint = false} : vector<1x5000xf32>, vector<5000x128xf32>, vector<1x128xf32> -> vector<1x128xf32>
    %mul3A = arith.mulf %add3A, %add3A : vector<5000x128xf32>
    %dot_general3A_12 = arith.constant dense<0.000000e+00> : vector<1x128xf32>
    %dot_general3A_13 = tpu.matmul %get3A_10, %mul3A, %dot_general3A_12 {dimension_numbers = #tpu.dot_dimension_numbers<[1], [0], [0], [1], [0, 0, 1, 1], [], []>, transpose_lhs_hint = false} : vector<1x5000xf32>, vector<5000x128xf32>, vector<1x128xf32> -> vector<1x128xf32>
    %eq3A = arith.constant 0 : i32
    %eq3A_14 = arith.cmpi eq, %arg1, %eq3A : i32
    %eq3A_15 = arith.constant 0 : i32
    %eq3A_16 = arith.cmpi eq, %arg0, %eq3A_15 : i32
    %and3A = arith.andi %eq3A_14, %eq3A_16 : i1
    %convert_element_type3A = arith.extui %and3A : i1 to i32
    %cond3A = arith.constant 0 : i32
    %cond3A_17 = arith.cmpi ne, %convert_element_type3A, %cond3A : i32
    scf.if %cond3A_17 {
      %swap3A = arith.constant 0 : index
      %swap3A_35 = arith.constant 0 : index
      %swap3A_36 = vector.load %arg8[%swap3A, %swap3A_35] : memref<1x128xf32, #tpu.memory_space<vmem>>, vector<1x128xf32>
      tpu.vector_store %arg8[%swap3A, %swap3A_35], %dot_general3A_11 {strides = array<i32>} : memref<1x128xf32, #tpu.memory_space<vmem>>, vector<1x128xf32>,
      %swap3A_37 = arith.constant 0 : index
      %swap3A_38 = arith.constant 0 : index
      %swap3A_39 = vector.load %arg9[%swap3A_37, %swap3A_38] : memref<1x128xf32, #tpu.memory_space<vmem>>, vector<1x128xf32>
      tpu.vector_store %arg9[%swap3A_37, %swap3A_38], %dot_general3A_13 {strides = array<i32>} : memref<1x128xf32, #tpu.memory_space<vmem>>, vector<1x128xf32>,
    } else {
    }
    %eq3A_18 = arith.constant 0 : i32
    %eq3A_19 = arith.cmpi eq, %arg1, %eq3A_18 : i32
    %eq3A_20 = arith.constant 0 : i32
    %eq3A_21 = arith.cmpi eq, %arg0, %eq3A_20 : i32
    %and3A_22 = arith.andi %eq3A_19, %eq3A_21 : i1
    %not3A = arith.constant true
    %not3A_23 = arith.xori %and3A_22, %not3A : i1
    %convert_element_type3A_24 = arith.extui %not3A_23 : i1 to i32
    %cond3A_25 = arith.constant 0 : i32
    %cond3A_26 = arith.cmpi ne, %convert_element_type3A_24, %cond3A_25 : i32
    scf.if %cond3A_26 {
      %get3A_35 = arith.constant 0 : index
      %get3A_36 = arith.constant 0 : index
      %get3A_37 = vector.load %arg8[%get3A_35, %get3A_36] : memref<1x128xf32, #tpu.memory_space<vmem>>, vector<1x128xf32>
      %add3A_38 = arith.addf %get3A_37, %dot_general3A_11 : vector<1x128xf32>
      %swap3A = arith.constant 0 : index
      %swap3A_39 = arith.constant 0 : index
      %swap3A_40 = vector.load %arg8[%swap3A, %swap3A_39] : memref<1x128xf32, #tpu.memory_space<vmem>>, vector<1x128xf32>
      tpu.vector_store %arg8[%swap3A, %swap3A_39], %add3A_38 {strides = array<i32>} : memref<1x128xf32, #tpu.memory_space<vmem>>, vector<1x128xf32>,
      %get3A_41 = arith.constant 0 : index
      %get3A_42 = arith.constant 0 : index
      %get3A_43 = vector.load %arg9[%get3A_41, %get3A_42] : memref<1x128xf32, #tpu.memory_space<vmem>>, vector<1x128xf32>
      %add3A_44 = arith.addf %get3A_43, %dot_general3A_13 : vector<1x128xf32>
      %swap3A_45 = arith.constant 0 : index
      %swap3A_46 = arith.constant 0 : index
      %swap3A_47 = vector.load %arg9[%swap3A_45, %swap3A_46] : memref<1x128xf32, #tpu.memory_space<vmem>>, vector<1x128xf32>
      tpu.vector_store %arg9[%swap3A_45, %swap3A_46], %add3A_44 {strides = array<i32>} : memref<1x128xf32, #tpu.memory_space<vmem>>, vector<1x128xf32>,
    } else {
    }
    %eq3A_27 = arith.constant 1 : i32
    %eq3A_28 = arith.cmpi eq, %arg0, %eq3A_27 : i32
    %eq3A_29 = arith.constant 15 : i32
    %eq3A_30 = arith.cmpi eq, %arg1, %eq3A_29 : i32
    %and3A_31 = arith.andi %eq3A_28, %eq3A_30 : i1
    %convert_element_type3A_32 = arith.extui %and3A_31 : i1 to i32
    %cond3A_33 = arith.constant 0 : i32
    %cond3A_34 = arith.cmpi ne, %convert_element_type3A_32, %cond3A_33 : i32
    scf.if %cond3A_34 {
      %get3A_35 = arith.constant 0 : index
      %get3A_36 = arith.constant 0 : index
      %get3A_37 = vector.load %arg4[%get3A_35, %get3A_36] : memref<128x64xf32, #tpu.memory_space<vmem>>, vector<128x64xf32>
      %get3A_38 = arith.constant 0 : index
      %get3A_39 = arith.constant 0 : index
      %get3A_40 = vector.load %arg8[%get3A_38, %get3A_39] : memref<1x128xf32, #tpu.memory_space<vmem>>, vector<1x128xf32>
      %dot_general3A_41 = arith.constant dense<0.000000e+00> : vector<1x64xf32>
      %dot_general3A_42 = tpu.matmul %get3A_40, %get3A_37, %dot_general3A_41 {dimension_numbers = #tpu.dot_dimension_numbers<[1], [0], [0], [1], [0, 0, 1, 1], [], []>, transpose_lhs_hint = false} : vector<1x128xf32>, vector<128x64xf32>, vector<1x64xf32> -> vector<1x64xf32>
      %swap3A = arith.constant 0 : index
      %swap3A_43 = arith.constant 0 : index
      %swap3A_44 = vector.load %arg6[%swap3A, %swap3A_43] : memref<1x64xf32, #tpu.memory_space<vmem>>, vector<1x64xf32>
      tpu.vector_store %arg6[%swap3A, %swap3A_43], %dot_general3A_42 {strides = array<i32>} : memref<1x64xf32, #tpu.memory_space<vmem>>, vector<1x64xf32>,
      %get3A_45 = arith.constant 0 : index
      %get3A_46 = arith.constant 0 : index
      %get3A_47 = vector.load %arg9[%get3A_45, %get3A_46] : memref<1x128xf32, #tpu.memory_space<vmem>>, vector<1x128xf32>
      %dot_general3A_48 = arith.constant dense<0.000000e+00> : vector<1x64xf32>
      %dot_general3A_49 = tpu.matmul %get3A_47, %get3A_37, %dot_general3A_48 {dimension_numbers = #tpu.dot_dimension_numbers<[1], [0], [0], [1], [0, 0, 1, 1], [], []>, transpose_lhs_hint = false} : vector<1x128xf32>, vector<128x64xf32>, vector<1x64xf32> -> vector<1x64xf32>
      %swap3A_50 = arith.constant 0 : index
      %swap3A_51 = arith.constant 0 : index
      %swap3A_52 = vector.load %arg7[%swap3A_50, %swap3A_51] : memref<1x64xf32, #tpu.memory_space<vmem>>, vector<1x64xf32>
      tpu.vector_store %arg7[%swap3A_50, %swap3A_51], %dot_general3A_49 {strides = array<i32>} : memref<1x64xf32, #tpu.memory_space<vmem>>, vector<1x64xf32>,
    } else {
    }
    return
  }
  func.func @transform_0(%arg0: i32, %arg1: i32) -> (i32, i32, i32, i32) {
    %c0_i32 = arith.constant 0 : i32
    %c0_i32_0 = arith.constant 0 : i32
    %c0_i32_1 = arith.constant 0 : i32
    return %arg1, %arg0, %c0_i32, %c0_i32_0 : i32, i32, i32, i32
  }
  func.func @transform_1(%arg0: i32, %arg1: i32) -> (i32, i32) {
    %mul3A = arith.constant 2 : i32
    %mul3A_0 = arith.muli %mul3A, %arg0 : i32
    %add3A = arith.constant 0 : i32
    %add3A_1 = arith.addi %mul3A_0, %add3A : i32
    %c0_i32 = arith.constant 0 : i32
    %c0_i32_2 = arith.constant 0 : i32
    return %add3A_1, %c0_i32 : i32, i32
  }
  func.func @transform_2(%arg0: i32, %arg1: i32) -> (i32, i32) {
    %c0_i32 = arith.constant 0 : i32
    %c0_i32_0 = arith.constant 0 : i32
    %c0_i32_1 = arith.constant 0 : i32
    return %c0_i32, %c0_i32_0 : i32, i32
  }
  func.func @transform_3(%arg0: i32, %arg1: i32) -> (i32, i32) {
    %c0_i32 = arith.constant 0 : i32
    %c0_i32_0 = arith.constant 0 : i32
    %c0_i32_1 = arith.constant 0 : i32
    return %c0_i32, %c0_i32_0 : i32, i32
  }
  func.func @transform_4(%arg0: i32, %arg1: i32) -> (i32, i32) {
    %c0_i32 = arith.constant 0 : i32
    %c0_i32_0 = arith.constant 0 : i32
    %c0_i32_1 = arith.constant 0 : i32
    return %c0_i32, %c0_i32_0 : i32, i32
  }
  func.func @transform_5(%arg0: i32, %arg1: i32) -> (i32, i32) {
    %c0_i32 = arith.constant 0 : i32
    %c0_i32_0 = arith.constant 0 : i32
    %c0_i32_1 = arith.constant 0 : i32
    return %c0_i32, %c0_i32_0 : i32, i32
  }
}

module attributes {stable_mosaic.version = 14 : i64} {
  func.func @_stats_body(%arg0: i32, %arg1: i32, %arg2: memref<1x1x5000x128xf32, #tpu.memory_space<vmem>>, %arg3: memref<5000x128xf32, #tpu.memory_space<vmem>>, %arg4: memref<128x64xf32, #tpu.memory_space<vmem>>, %arg5: memref<1x5000xf32, #tpu.memory_space<vmem>>, %arg6: memref<1x64xf32, #tpu.memory_space<vmem>>, %arg7: memref<1x64xf32, #tpu.memory_space<vmem>>, %arg8: memref<1x128xf32, #tpu.memory_space<vmem>>, %arg9: memref<1x128xf32, #tpu.memory_space<vmem>>) attributes {dimension_semantics = [#tpu.dimension_semantics<arbitrary>, #tpu.dimension_semantics<arbitrary>], iteration_bounds = array<i64: 2, 16>, scalar_prefetch = 0 : i64, scratch_operands = 2 : i64, tpu.core_type = #tpu.core_type<tc>, window_params = [{transform_indices = @transform_0, window_bounds = array<i64: 1, 1, 5000, 128>}, {transform_indices = @transform_1, window_bounds = array<i64: 5000, 128>}, {pipeline_mode = #tpu.pipeline_mode<synchronous>, transform_indices = @transform_2, window_bounds = array<i64: 128, 64>}, {pipeline_mode = #tpu.pipeline_mode<synchronous>, transform_indices = @transform_3, window_bounds = array<i64: 1, 5000>}, {pipeline_mode = #tpu.pipeline_mode<synchronous>, transform_indices = @transform_4, window_bounds = array<i64: 1, 64>}, {pipeline_mode = #tpu.pipeline_mode<synchronous>, transform_indices = @transform_5, window_bounds = array<i64: 1, 64>}]} {
    %get3A = arith.constant 0 : index
    %get3A_0 = arith.constant 0 : index
    %get3A_1 = arith.constant 0 : index
    %get3A_2 = arith.constant 0 : index
    %get3A_3 = vector.load %arg2[%get3A, %get3A_0, %get3A_1, %get3A_2] : memref<1x1x5000x128xf32, #tpu.memory_space<vmem>>, vector<1x1x5000x128xf32>
    %get3A_4 = vector.shape_cast %get3A_3 : vector<1x1x5000x128xf32> to vector<5000x128xf32>
    %get3A_5 = arith.constant 0 : index
    %get3A_6 = arith.constant 0 : index
    %get3A_7 = vector.load %arg3[%get3A_5, %get3A_6] : memref<5000x128xf32, #tpu.memory_space<vmem>>, vector<5000x128xf32>
    %add3A = arith.addf %get3A_4, %get3A_7 : vector<5000x128xf32>
    %get3A_8 = arith.constant 0 : index
    %get3A_9 = arith.constant 0 : index
    %get3A_10 = vector.load %arg5[%get3A_8, %get3A_9] : memref<1x5000xf32, #tpu.memory_space<vmem>>, vector<1x5000xf32>
    %dot_general3A = arith.constant dense<0.000000e+00> : vector<1x128xf32>
    %dot_general3A_11 = tpu.matmul %get3A_10, %add3A, %dot_general3A {dimension_numbers = #tpu.dot_dimension_numbers<[1], [0], [0], [1], [0, 0, 1, 1], [], []>, transpose_lhs_hint = false} : vector<1x5000xf32>, vector<5000x128xf32>, vector<1x128xf32> -> vector<1x128xf32>
    %mul3A = arith.mulf %add3A, %add3A : vector<5000x128xf32>
    %dot_general3A_12 = arith.constant dense<0.000000e+00> : vector<1x128xf32>
    %dot_general3A_13 = tpu.matmul %get3A_10, %mul3A, %dot_general3A_12 {dimension_numbers = #tpu.dot_dimension_numbers<[1], [0], [0], [1], [0, 0, 1, 1], [], []>, transpose_lhs_hint = false} : vector<1x5000xf32>, vector<5000x128xf32>, vector<1x128xf32> -> vector<1x128xf32>
    %eq3A = arith.constant 0 : i32
    %eq3A_14 = arith.cmpi eq, %arg1, %eq3A : i32
    %eq3A_15 = arith.constant 0 : i32
    %eq3A_16 = arith.cmpi eq, %arg0, %eq3A_15 : i32
    %and3A = arith.andi %eq3A_14, %eq3A_16 : i1
    %convert_element_type3A = arith.extui %and3A : i1 to i32
    %cond3A = arith.constant 0 : i32
    %cond3A_17 = arith.cmpi ne, %convert_element_type3A, %cond3A : i32
    scf.if %cond3A_17 {
      %swap3A = arith.constant 0 : index
      %swap3A_35 = arith.constant 0 : index
      %swap3A_36 = vector.load %arg8[%swap3A, %swap3A_35] : memref<1x128xf32, #tpu.memory_space<vmem>>, vector<1x128xf32>
      tpu.vector_store %arg8[%swap3A, %swap3A_35], %dot_general3A_11 {strides = array<i32>} : memref<1x128xf32, #tpu.memory_space<vmem>>, vector<1x128xf32>,
      %swap3A_37 = arith.constant 0 : index
      %swap3A_38 = arith.constant 0 : index
      %swap3A_39 = vector.load %arg9[%swap3A_37, %swap3A_38] : memref<1x128xf32, #tpu.memory_space<vmem>>, vector<1x128xf32>
      tpu.vector_store %arg9[%swap3A_37, %swap3A_38], %dot_general3A_13 {strides = array<i32>} : memref<1x128xf32, #tpu.memory_space<vmem>>, vector<1x128xf32>,
    } else {
    }
    %eq3A_18 = arith.constant 0 : i32
    %eq3A_19 = arith.cmpi eq, %arg1, %eq3A_18 : i32
    %eq3A_20 = arith.constant 0 : i32
    %eq3A_21 = arith.cmpi eq, %arg0, %eq3A_20 : i32
    %and3A_22 = arith.andi %eq3A_19, %eq3A_21 : i1
    %not3A = arith.constant true
    %not3A_23 = arith.xori %and3A_22, %not3A : i1
    %convert_element_type3A_24 = arith.extui %not3A_23 : i1 to i32
    %cond3A_25 = arith.constant 0 : i32
    %cond3A_26 = arith.cmpi ne, %convert_element_type3A_24, %cond3A_25 : i32
    scf.if %cond3A_26 {
      %get3A_35 = arith.constant 0 : index
      %get3A_36 = arith.constant 0 : index
      %get3A_37 = vector.load %arg8[%get3A_35, %get3A_36] : memref<1x128xf32, #tpu.memory_space<vmem>>, vector<1x128xf32>
      %add3A_38 = arith.addf %get3A_37, %dot_general3A_11 : vector<1x128xf32>
      %swap3A = arith.constant 0 : index
      %swap3A_39 = arith.constant 0 : index
      %swap3A_40 = vector.load %arg8[%swap3A, %swap3A_39] : memref<1x128xf32, #tpu.memory_space<vmem>>, vector<1x128xf32>
      tpu.vector_store %arg8[%swap3A, %swap3A_39], %add3A_38 {strides = array<i32>} : memref<1x128xf32, #tpu.memory_space<vmem>>, vector<1x128xf32>,
      %get3A_41 = arith.constant 0 : index
      %get3A_42 = arith.constant 0 : index
      %get3A_43 = vector.load %arg9[%get3A_41, %get3A_42] : memref<1x128xf32, #tpu.memory_space<vmem>>, vector<1x128xf32>
      %add3A_44 = arith.addf %get3A_43, %dot_general3A_13 : vector<1x128xf32>
      %swap3A_45 = arith.constant 0 : index
      %swap3A_46 = arith.constant 0 : index
      %swap3A_47 = vector.load %arg9[%swap3A_45, %swap3A_46] : memref<1x128xf32, #tpu.memory_space<vmem>>, vector<1x128xf32>
      tpu.vector_store %arg9[%swap3A_45, %swap3A_46], %add3A_44 {strides = array<i32>} : memref<1x128xf32, #tpu.memory_space<vmem>>, vector<1x128xf32>,
    } else {
    }
    %eq3A_27 = arith.constant 1 : i32
    %eq3A_28 = arith.cmpi eq, %arg0, %eq3A_27 : i32
    %eq3A_29 = arith.constant 15 : i32
    %eq3A_30 = arith.cmpi eq, %arg1, %eq3A_29 : i32
    %and3A_31 = arith.andi %eq3A_28, %eq3A_30 : i1
    %convert_element_type3A_32 = arith.extui %and3A_31 : i1 to i32
    %cond3A_33 = arith.constant 0 : i32
    %cond3A_34 = arith.cmpi ne, %convert_element_type3A_32, %cond3A_33 : i32
    scf.if %cond3A_34 {
      %get3A_35 = arith.constant 0 : index
      %get3A_36 = arith.constant 0 : index
      %get3A_37 = vector.load %arg4[%get3A_35, %get3A_36] : memref<128x64xf32, #tpu.memory_space<vmem>>, vector<128x64xf32>
      %get3A_38 = arith.constant 0 : index
      %get3A_39 = arith.constant 0 : index
      %get3A_40 = vector.load %arg8[%get3A_38, %get3A_39] : memref<1x128xf32, #tpu.memory_space<vmem>>, vector<1x128xf32>
      %dot_general3A_41 = arith.constant dense<0.000000e+00> : vector<1x64xf32>
      %dot_general3A_42 = tpu.matmul %get3A_40, %get3A_37, %dot_general3A_41 {dimension_numbers = #tpu.dot_dimension_numbers<[1], [0], [0], [1], [0, 0, 1, 1], [], []>, transpose_lhs_hint = false} : vector<1x128xf32>, vector<128x64xf32>, vector<1x64xf32> -> vector<1x64xf32>
      %swap3A = arith.constant 0 : index
      %swap3A_43 = arith.constant 0 : index
      %swap3A_44 = vector.load %arg6[%swap3A, %swap3A_43] : memref<1x64xf32, #tpu.memory_space<vmem>>, vector<1x64xf32>
      tpu.vector_store %arg6[%swap3A, %swap3A_43], %dot_general3A_42 {strides = array<i32>} : memref<1x64xf32, #tpu.memory_space<vmem>>, vector<1x64xf32>,
      %get3A_45 = arith.constant 0 : index
      %get3A_46 = arith.constant 0 : index
      %get3A_47 = vector.load %arg9[%get3A_45, %get3A_46] : memref<1x128xf32, #tpu.memory_space<vmem>>, vector<1x128xf32>
      %dot_general3A_48 = arith.constant dense<0.000000e+00> : vector<1x64xf32>
      %dot_general3A_49 = tpu.matmul %get3A_47, %get3A_37, %dot_general3A_48 {dimension_numbers = #tpu.dot_dimension_numbers<[1], [0], [0], [1], [0, 0, 1, 1], [], []>, transpose_lhs_hint = false} : vector<1x128xf32>, vector<128x64xf32>, vector<1x64xf32> -> vector<1x64xf32>
      %swap3A_50 = arith.constant 0 : index
      %swap3A_51 = arith.constant 0 : index
      %swap3A_52 = vector.load %arg7[%swap3A_50, %swap3A_51] : memref<1x64xf32, #tpu.memory_space<vmem>>, vector<1x64xf32>
      tpu.vector_store %arg7[%swap3A_50, %swap3A_51], %dot_general3A_49 {strides = array<i32>} : memref<1x64xf32, #tpu.memory_space<vmem>>, vector<1x64xf32>,
    } else {
    }
    return
  }
  func.func @transform_0(%arg0: i32, %arg1: i32) -> (i32, i32, i32, i32) {
    %c0_i32 = arith.constant 0 : i32
    %c0_i32_0 = arith.constant 0 : i32
    %c0_i32_1 = arith.constant 0 : i32
    return %arg1, %arg0, %c0_i32, %c0_i32_0 : i32, i32, i32, i32
  }
  func.func @transform_1(%arg0: i32, %arg1: i32) -> (i32, i32) {
    %mul3A = arith.constant 2 : i32
    %mul3A_0 = arith.muli %mul3A, %arg0 : i32
    %add3A = arith.constant 1 : i32
    %add3A_1 = arith.addi %mul3A_0, %add3A : i32
    %c0_i32 = arith.constant 0 : i32
    %c0_i32_2 = arith.constant 0 : i32
    return %add3A_1, %c0_i32 : i32, i32
  }
  func.func @transform_2(%arg0: i32, %arg1: i32) -> (i32, i32) {
    %c0_i32 = arith.constant 0 : i32
    %c0_i32_0 = arith.constant 0 : i32
    %c0_i32_1 = arith.constant 0 : i32
    return %c0_i32, %c0_i32_0 : i32, i32
  }
  func.func @transform_3(%arg0: i32, %arg1: i32) -> (i32, i32) {
    %c0_i32 = arith.constant 0 : i32
    %c0_i32_0 = arith.constant 0 : i32
    %c0_i32_1 = arith.constant 0 : i32
    return %c0_i32, %c0_i32_0 : i32, i32
  }
  func.func @transform_4(%arg0: i32, %arg1: i32) -> (i32, i32) {
    %c0_i32 = arith.constant 0 : i32
    %c0_i32_0 = arith.constant 0 : i32
    %c0_i32_1 = arith.constant 0 : i32
    return %c0_i32, %c0_i32_0 : i32, i32
  }
  func.func @transform_5(%arg0: i32, %arg1: i32) -> (i32, i32) {
    %c0_i32 = arith.constant 0 : i32
    %c0_i32_0 = arith.constant 0 : i32
    %c0_i32_1 = arith.constant 0 : i32
    return %c0_i32, %c0_i32_0 : i32, i32
  }
}

module attributes {stable_mosaic.version = 14 : i64} {
  func.func @_apply_body(%arg0: i32, %arg1: i32, %arg2: i32, %arg3: memref<1x1x5000x128xf32, #tpu.memory_space<vmem>>, %arg4: memref<1x1x5000x128xf32, #tpu.memory_space<vmem>>, %arg5: memref<5000x128xf32, #tpu.memory_space<vmem>>, %arg6: memref<1x64xf32, #tpu.memory_space<vmem>>, %arg7: memref<1x64xf32, #tpu.memory_space<vmem>>, %arg8: memref<1x64xf32, #tpu.memory_space<vmem>>, %arg9: memref<1x64xf32, #tpu.memory_space<vmem>>, %arg10: memref<1x64xf32, #tpu.memory_space<vmem>>, %arg11: memref<1x64xf32, #tpu.memory_space<vmem>>, %arg12: memref<64x128xf32, #tpu.memory_space<vmem>>, %arg13: memref<128x128xf32, #tpu.memory_space<vmem>>, %arg14: memref<1x128xf32, #tpu.memory_space<vmem>>, %arg15: memref<5000x128xf32, #tpu.memory_space<vmem>>, %arg16: memref<5000x128xf32, #tpu.memory_space<vmem>>, %arg17: memref<5000x128xf32, #tpu.memory_space<vmem>>, %arg18: memref<128x128xbf16, #tpu.memory_space<vmem>>) attributes {dimension_semantics = [#tpu.dimension_semantics<arbitrary>, #tpu.dimension_semantics<arbitrary>, #tpu.dimension_semantics<arbitrary>], iteration_bounds = array<i64: 2, 2, 16>, scalar_prefetch = 0 : i64, scratch_operands = 3 : i64, tpu.core_type = #tpu.core_type<tc>, window_params = [{transform_indices = @transform_0, window_bounds = array<i64: 1, 1, 5000, 128>}, {transform_indices = @transform_1, window_bounds = array<i64: 1, 1, 5000, 128>}, {transform_indices = @transform_2, window_bounds = array<i64: 5000, 128>}, {pipeline_mode = #tpu.pipeline_mode<synchronous>, transform_indices = @transform_3, window_bounds = array<i64: 1, 64>}, {pipeline_mode = #tpu.pipeline_mode<synchronous>, transform_indices = @transform_4, window_bounds = array<i64: 1, 64>}, {pipeline_mode = #tpu.pipeline_mode<synchronous>, transform_indices = @transform_5, window_bounds = array<i64: 1, 64>}, {pipeline_mode = #tpu.pipeline_mode<synchronous>, transform_indices = @transform_6, window_bounds = array<i64: 1, 64>}, {pipeline_mode = #tpu.pipeline_mode<synchronous>, transform_indices = @transform_7, window_bounds = array<i64: 1, 64>}, {pipeline_mode = #tpu.pipeline_mode<synchronous>, transform_indices = @transform_8, window_bounds = array<i64: 1, 64>}, {pipeline_mode = #tpu.pipeline_mode<synchronous>, transform_indices = @transform_9, window_bounds = array<i64: 64, 128>}, {pipeline_mode = #tpu.pipeline_mode<synchronous>, transform_indices = @transform_10, window_bounds = array<i64: 128, 128>}, {pipeline_mode = #tpu.pipeline_mode<synchronous>, transform_indices = @transform_11, window_bounds = array<i64: 1, 128>}, {transform_indices = @transform_12, window_bounds = array<i64: 5000, 128>}]} {
    %mul3A = arith.constant 2 : i32
    %mul3A_0 = arith.muli %arg0, %mul3A : i32
    %mul3A_1 = arith.constant 16 : i32
    %mul3A_2 = arith.muli %mul3A_0, %mul3A_1 : i32
    %mul3A_3 = arith.constant 16 : i32
    %mul3A_4 = arith.muli %arg1, %mul3A_3 : i32
    %add3A = arith.addi %mul3A_2, %mul3A_4 : i32
    %add3A_5 = arith.addi %add3A, %arg2 : i32
    %eq3A = arith.constant 0 : i32
    %eq3A_6 = arith.cmpi eq, %add3A_5, %eq3A : i32
    %convert_element_type3A = arith.extui %eq3A_6 : i1 to i32
    %cond3A = arith.constant 0 : i32
    %cond3A_7 = arith.cmpi ne, %convert_element_type3A, %cond3A : i32
    scf.if %cond3A_7 {
      %get3A_51 = arith.constant 0 : index
      %get3A_52 = arith.constant 0 : index
      %get3A_53 = vector.load %arg6[%get3A_51, %get3A_52] : memref<1x64xf32, #tpu.memory_space<vmem>>, vector<1x64xf32>
      %get3A_54 = arith.constant 0 : index
      %get3A_55 = arith.constant 0 : index
      %get3A_56 = vector.load %arg8[%get3A_54, %get3A_55] : memref<1x64xf32, #tpu.memory_space<vmem>>, vector<1x64xf32>
      %add3A_57 = arith.addf %get3A_53, %get3A_56 : vector<1x64xf32>
      %mul3A_58 = arith.constant 1.562500e-06 : f32
      %mul3A_59 = vector.broadcast %mul3A_58 : f32 to vector<1x64xf32>
      %mul3A_60 = arith.mulf %add3A_57, %mul3A_59 : vector<1x64xf32>
      %get3A_61 = arith.constant 0 : index
      %get3A_62 = arith.constant 0 : index
      %get3A_63 = vector.load %arg7[%get3A_61, %get3A_62] : memref<1x64xf32, #tpu.memory_space<vmem>>, vector<1x64xf32>
      %get3A_64 = arith.constant 0 : index
      %get3A_65 = arith.constant 0 : index
      %get3A_66 = vector.load %arg9[%get3A_64, %get3A_65] : memref<1x64xf32, #tpu.memory_space<vmem>>, vector<1x64xf32>
      %add3A_67 = arith.addf %get3A_63, %get3A_66 : vector<1x64xf32>
      %mul3A_68 = arith.constant 1.562500e-06 : f32
      %mul3A_69 = vector.broadcast %mul3A_68 : f32 to vector<1x64xf32>
      %mul3A_70 = arith.mulf %add3A_67, %mul3A_69 : vector<1x64xf32>
      %mul3A_71 = arith.mulf %mul3A_60, %mul3A_60 : vector<1x64xf32>
      %sub3A = arith.subf %mul3A_70, %mul3A_71 : vector<1x64xf32>
      %get3A_72 = arith.constant 0 : index
      %get3A_73 = arith.constant 0 : index
      %get3A_74 = vector.load %arg10[%get3A_72, %get3A_73] : memref<1x64xf32, #tpu.memory_space<vmem>>, vector<1x64xf32>
      %add3A_75 = arith.constant 9.99999974E-6 : f32
      %add3A_76 = vector.broadcast %add3A_75 : f32 to vector<1x64xf32>
      %add3A_77 = arith.addf %sub3A, %add3A_76 : vector<1x64xf32>
      %rsqrt3A = math.rsqrt %add3A_77 : vector<1x64xf32>
      %mul3A_78 = arith.mulf %get3A_74, %rsqrt3A : vector<1x64xf32>
      %get3A_79 = arith.constant 0 : index
      %get3A_80 = arith.constant 0 : index
      %get3A_81 = vector.load %arg12[%get3A_79, %get3A_80] : memref<64x128xf32, #tpu.memory_space<vmem>>, vector<64x128xf32>
      %dot_general3A_82 = arith.constant dense<0.000000e+00> : vector<1x128xf32>
      %dot_general3A_83 = tpu.matmul %mul3A_78, %get3A_81, %dot_general3A_82 {dimension_numbers = #tpu.dot_dimension_numbers<[1], [0], [0], [1], [0, 0, 1, 1], [], []>, transpose_lhs_hint = false} : vector<1x64xf32>, vector<64x128xf32>, vector<1x128xf32> -> vector<1x128xf32>
      %transpose3A = tpu.transpose %dot_general3A_83, [1, 0] : vector<1x128xf32> -> vector<128x1xf32>
      %get3A_84 = arith.constant 0 : index
      %get3A_85 = arith.constant 0 : index
      %get3A_86 = vector.load %arg13[%get3A_84, %get3A_85] : memref<128x128xf32, #tpu.memory_space<vmem>>, vector<128x128xf32>
      %mul3A_87 = vector.broadcast %transpose3A : vector<128x1xf32> to vector<128x128xf32>
      %mul3A_88 = arith.mulf %mul3A_87, %get3A_86 : vector<128x128xf32>
      %convert_element_type3A_89 = arith.truncf %mul3A_88 : vector<128x128xf32> to vector<128x128xbf16>
      %swap3A = arith.constant 0 : index
      %swap3A_90 = arith.constant 0 : index
      %swap3A_91 = vector.load %arg18[%swap3A, %swap3A_90] : memref<128x128xbf16, #tpu.memory_space<vmem>>, vector<128x128xbf16>
      tpu.vector_store %arg18[%swap3A, %swap3A_90], %convert_element_type3A_89 {strides = array<i32>} : memref<128x128xbf16, #tpu.memory_space<vmem>>, vector<128x128xbf16>,
    } else {
    }
    %eq3A_8 = arith.constant 0 : i32
    %eq3A_9 = arith.cmpi eq, %arg2, %eq3A_8 : i32
    %convert_element_type3A_10 = arith.extui %eq3A_9 : i1 to i32
    %cond3A_11 = arith.constant 0 : i32
    %cond3A_12 = arith.cmpi ne, %convert_element_type3A_10, %cond3A_11 : i32
    scf.if %cond3A_12 {
      %get3A_51 = arith.constant 0 : index
      %get3A_52 = arith.constant 0 : index
      %get3A_53 = vector.load %arg6[%get3A_51, %get3A_52] : memref<1x64xf32, #tpu.memory_space<vmem>>, vector<1x64xf32>
      %get3A_54 = arith.constant 0 : index
      %get3A_55 = arith.constant 0 : index
      %get3A_56 = vector.load %arg8[%get3A_54, %get3A_55] : memref<1x64xf32, #tpu.memory_space<vmem>>, vector<1x64xf32>
      %add3A_57 = arith.addf %get3A_53, %get3A_56 : vector<1x64xf32>
      %mul3A_58 = arith.constant 1.562500e-06 : f32
      %mul3A_59 = vector.broadcast %mul3A_58 : f32 to vector<1x64xf32>
      %mul3A_60 = arith.mulf %add3A_57, %mul3A_59 : vector<1x64xf32>
      %get3A_61 = arith.constant 0 : index
      %get3A_62 = arith.constant 0 : index
      %get3A_63 = vector.load %arg7[%get3A_61, %get3A_62] : memref<1x64xf32, #tpu.memory_space<vmem>>, vector<1x64xf32>
      %get3A_64 = arith.constant 0 : index
      %get3A_65 = arith.constant 0 : index
      %get3A_66 = vector.load %arg9[%get3A_64, %get3A_65] : memref<1x64xf32, #tpu.memory_space<vmem>>, vector<1x64xf32>
      %add3A_67 = arith.addf %get3A_63, %get3A_66 : vector<1x64xf32>
      %mul3A_68 = arith.constant 1.562500e-06 : f32
      %mul3A_69 = vector.broadcast %mul3A_68 : f32 to vector<1x64xf32>
      %mul3A_70 = arith.mulf %add3A_67, %mul3A_69 : vector<1x64xf32>
      %mul3A_71 = arith.mulf %mul3A_60, %mul3A_60 : vector<1x64xf32>
      %sub3A = arith.subf %mul3A_70, %mul3A_71 : vector<1x64xf32>
      %get3A_72 = arith.constant 0 : index
      %get3A_73 = arith.constant 0 : index
      %get3A_74 = vector.load %arg10[%get3A_72, %get3A_73] : memref<1x64xf32, #tpu.memory_space<vmem>>, vector<1x64xf32>
      %add3A_75 = arith.constant 9.99999974E-6 : f32
      %add3A_76 = vector.broadcast %add3A_75 : f32 to vector<1x64xf32>
      %add3A_77 = arith.addf %sub3A, %add3A_76 : vector<1x64xf32>
      %rsqrt3A = math.rsqrt %add3A_77 : vector<1x64xf32>
      %mul3A_78 = arith.mulf %get3A_74, %rsqrt3A : vector<1x64xf32>
      %get3A_79 = arith.constant 0 : index
      %get3A_80 = arith.constant 0 : index
      %get3A_81 = vector.load %arg11[%get3A_79, %get3A_80] : memref<1x64xf32, #tpu.memory_space<vmem>>, vector<1x64xf32>
      %mul3A_82 = arith.mulf %mul3A_60, %mul3A_78 : vector<1x64xf32>
      %sub3A_83 = arith.subf %get3A_81, %mul3A_82 : vector<1x64xf32>
      %get3A_84 = arith.constant 0 : index
      %get3A_85 = arith.constant 0 : index
      %get3A_86 = vector.load %arg12[%get3A_84, %get3A_85] : memref<64x128xf32, #tpu.memory_space<vmem>>, vector<64x128xf32>
      %div3A = arith.divf %sub3A_83, %mul3A_78 : vector<1x64xf32>
      %dot_general3A_87 = arith.constant dense<0.000000e+00> : vector<1x128xf32>
      %dot_general3A_88 = tpu.matmul %div3A, %get3A_86, %dot_general3A_87 {dimension_numbers = #tpu.dot_dimension_numbers<[1], [0], [0], [1], [0, 0, 1, 1], [], []>, transpose_lhs_hint = false} : vector<1x64xf32>, vector<64x128xf32>, vector<1x128xf32> -> vector<1x128xf32>
      %get3A_89 = arith.constant 0 : index
      %get3A_90 = arith.constant 0 : index
      %get3A_91 = vector.load %arg5[%get3A_89, %get3A_90] : memref<5000x128xf32, #tpu.memory_space<vmem>>, vector<5000x128xf32>
      %add3A_92 = vector.broadcast %dot_general3A_88 : vector<1x128xf32> to vector<5000x128xf32>
      %add3A_93 = arith.addf %get3A_91, %add3A_92 : vector<5000x128xf32>
      %swap3A = arith.constant 0 : index
      %swap3A_94 = arith.constant 0 : index
      %swap3A_95 = vector.load %arg17[%swap3A, %swap3A_94] : memref<5000x128xf32, #tpu.memory_space<vmem>>, vector<5000x128xf32>
      tpu.vector_store %arg17[%swap3A, %swap3A_94], %add3A_93 {strides = array<i32>} : memref<5000x128xf32, #tpu.memory_space<vmem>>, vector<5000x128xf32>,
    } else {
    }
    %eq3A_13 = arith.constant 0 : i32
    %eq3A_14 = arith.cmpi eq, %arg0, %eq3A_13 : i32
    %get3A = arith.constant 0 : index
    %get3A_15 = arith.constant 0 : index
    %get3A_16 = arith.constant 0 : index
    %get3A_17 = arith.constant 0 : index
    %get3A_18 = vector.load %arg3[%get3A, %get3A_15, %get3A_16, %get3A_17] : memref<1x1x5000x128xf32, #tpu.memory_space<vmem>>, vector<1x1x5000x128xf32>
    %get3A_19 = vector.shape_cast %get3A_18 : vector<1x1x5000x128xf32> to vector<5000x128xf32>
    %get3A_20 = arith.constant 0 : index
    %get3A_21 = arith.constant 0 : index
    %get3A_22 = arith.constant 0 : index
    %get3A_23 = arith.constant 0 : index
    %get3A_24 = vector.load %arg4[%get3A_20, %get3A_21, %get3A_22, %get3A_23] : memref<1x1x5000x128xf32, #tpu.memory_space<vmem>>, vector<1x1x5000x128xf32>
    %get3A_25 = vector.shape_cast %get3A_24 : vector<1x1x5000x128xf32> to vector<5000x128xf32>
    %select_n3A = arith.select %eq3A_14, %get3A_19, %get3A_25 : vector<5000x128xf32>
    %get3A_26 = arith.constant 0 : index
    %get3A_27 = arith.constant 0 : index
    %get3A_28 = vector.load %arg17[%get3A_26, %get3A_27] : memref<5000x128xf32, #tpu.memory_space<vmem>>, vector<5000x128xf32>
    %add3A_29 = arith.addf %select_n3A, %get3A_28 : vector<5000x128xf32>
    %max3A = arith.constant 0.000000e+00 : f32
    %max3A_30 = vector.broadcast %max3A : f32 to vector<5000x128xf32>
    %max3A_31 = arith.maximumf %add3A_29, %max3A_30 : vector<5000x128xf32>
    %convert_element_type3A_32 = arith.truncf %max3A_31 : vector<5000x128xf32> to vector<5000x128xbf16>
    %get3A_33 = arith.constant 0 : index
    %get3A_34 = arith.constant 0 : index
    %get3A_35 = vector.load %arg18[%get3A_33, %get3A_34] : memref<128x128xbf16, #tpu.memory_space<vmem>>, vector<128x128xbf16>
    %dot_general3A = arith.constant dense<0.000000e+00> : vector<5000x128xf32>
    %dot_general3A_36 = tpu.matmul %convert_element_type3A_32, %get3A_35, %dot_general3A {dimension_numbers = #tpu.dot_dimension_numbers<[1], [0], [0], [1], [0, 0, 1, 1], [], []>, transpose_lhs_hint = false} : vector<5000x128xbf16>, vector<128x128xbf16>, vector<5000x128xf32> -> vector<5000x128xf32>
    %eq3A_37 = arith.constant 0 : i32
    %eq3A_38 = arith.cmpi eq, %arg2, %eq3A_37 : i32
    %convert_element_type3A_39 = arith.extui %eq3A_38 : i1 to i32
    %cond3A_40 = arith.constant 0 : i32
    %cond3A_41 = arith.cmpi ne, %convert_element_type3A_39, %cond3A_40 : i32
    scf.if %cond3A_41 {
      %swap3A = arith.constant 0 : index
      %swap3A_51 = arith.constant 0 : index
      %swap3A_52 = vector.load %arg16[%swap3A, %swap3A_51] : memref<5000x128xf32, #tpu.memory_space<vmem>>, vector<5000x128xf32>
      tpu.vector_store %arg16[%swap3A, %swap3A_51], %dot_general3A_36 {strides = array<i32>} : memref<5000x128xf32, #tpu.memory_space<vmem>>, vector<5000x128xf32>,
    } else {
    }
    %ne3A = arith.constant 0 : i32
    %ne3A_42 = arith.cmpi ne, %arg2, %ne3A : i32
    %convert_element_type3A_43 = arith.extui %ne3A_42 : i1 to i32
    %cond3A_44 = arith.constant 0 : i32
    %cond3A_45 = arith.cmpi ne, %convert_element_type3A_43, %cond3A_44 : i32
    scf.if %cond3A_45 {
      %get3A_51 = arith.constant 0 : index
      %get3A_52 = arith.constant 0 : index
      %get3A_53 = vector.load %arg16[%get3A_51, %get3A_52] : memref<5000x128xf32, #tpu.memory_space<vmem>>, vector<5000x128xf32>
      %max3A_54 = arith.maximumf %get3A_53, %dot_general3A_36 : vector<5000x128xf32>
      %swap3A = arith.constant 0 : index
      %swap3A_55 = arith.constant 0 : index
      %swap3A_56 = vector.load %arg16[%swap3A, %swap3A_55] : memref<5000x128xf32, #tpu.memory_space<vmem>>, vector<5000x128xf32>
      tpu.vector_store %arg16[%swap3A, %swap3A_55], %max3A_54 {strides = array<i32>} : memref<5000x128xf32, #tpu.memory_space<vmem>>, vector<5000x128xf32>,
    } else {
    }
    %eq3A_46 = arith.constant 15 : i32
    %eq3A_47 = arith.cmpi eq, %arg2, %eq3A_46 : i32
    %convert_element_type3A_48 = arith.extui %eq3A_47 : i1 to i32
    %cond3A_49 = arith.constant 0 : i32
    %cond3A_50 = arith.cmpi ne, %convert_element_type3A_48, %cond3A_49 : i32
    scf.if %cond3A_50 {
      %get3A_51 = arith.constant 0 : index
      %get3A_52 = arith.constant 0 : index
      %get3A_53 = vector.load %arg16[%get3A_51, %get3A_52] : memref<5000x128xf32, #tpu.memory_space<vmem>>, vector<5000x128xf32>
      %get3A_54 = arith.constant 0 : index
      %get3A_55 = arith.constant 0 : index
      %get3A_56 = vector.load %arg14[%get3A_54, %get3A_55] : memref<1x128xf32, #tpu.memory_space<vmem>>, vector<1x128xf32>
      %add3A_57 = vector.broadcast %get3A_56 : vector<1x128xf32> to vector<5000x128xf32>
      %add3A_58 = arith.addf %get3A_53, %add3A_57 : vector<5000x128xf32>
      %swap3A = arith.constant 0 : index
      %swap3A_59 = arith.constant 0 : index
      %swap3A_60 = vector.load %arg15[%swap3A, %swap3A_59] : memref<5000x128xf32, #tpu.memory_space<vmem>>, vector<5000x128xf32>
      tpu.vector_store %arg15[%swap3A, %swap3A_59], %add3A_58 {strides = array<i32>} : memref<5000x128xf32, #tpu.memory_space<vmem>>, vector<5000x128xf32>,
    } else {
    }
    return
  }
  func.func @transform_0(%arg0: i32, %arg1: i32, %arg2: i32) -> (i32, i32, i32, i32) {
    %eq3A = arith.constant 0 : i32
    %eq3A_0 = arith.cmpi eq, %arg0, %eq3A : i32
    %jit3A = arith.constant 15 : i32
    %select_n3A = arith.select %eq3A_0, %arg2, %jit3A : i32
    %eq3A_1 = arith.constant 0 : i32
    %eq3A_2 = arith.cmpi eq, %arg0, %eq3A_1 : i32
    %jit3A_3 = arith.constant 1 : i32
    %select_n3A_4 = arith.select %eq3A_2, %arg1, %jit3A_3 : i32
    %c0_i32 = arith.constant 0 : i32
    %c0_i32_5 = arith.constant 0 : i32
    %c0_i32_6 = arith.constant 0 : i32
    return %select_n3A, %select_n3A_4, %c0_i32, %c0_i32_5 : i32, i32, i32, i32
  }
  func.func @transform_1(%arg0: i32, %arg1: i32, %arg2: i32) -> (i32, i32, i32, i32) {
    %eq3A = arith.constant 0 : i32
    %eq3A_0 = arith.cmpi eq, %arg0, %eq3A : i32
    %jit3A = arith.constant 0 : i32
    %select_n3A = arith.select %eq3A_0, %jit3A, %arg2 : i32
    %eq3A_1 = arith.constant 0 : i32
    %eq3A_2 = arith.cmpi eq, %arg0, %eq3A_1 : i32
    %jit3A_3 = arith.constant 0 : i32
    %select_n3A_4 = arith.select %eq3A_2, %jit3A_3, %arg1 : i32
    %c0_i32 = arith.constant 0 : i32
    %c0_i32_5 = arith.constant 0 : i32
    %c0_i32_6 = arith.constant 0 : i32
    return %select_n3A, %select_n3A_4, %c0_i32, %c0_i32_5 : i32, i32, i32, i32
  }
  func.func @transform_2(%arg0: i32, %arg1: i32, %arg2: i32) -> (i32, i32) {
    %mul3A = arith.constant 2 : i32
    %mul3A_0 = arith.muli %mul3A, %arg1 : i32
    %add3A = arith.addi %mul3A_0, %arg0 : i32
    %c0_i32 = arith.constant 0 : i32
    %c0_i32_1 = arith.constant 0 : i32
    return %add3A, %c0_i32 : i32, i32
  }
  func.func @transform_3(%arg0: i32, %arg1: i32, %arg2: i32) -> (i32, i32) {
    %c0_i32 = arith.constant 0 : i32
    %c0_i32_0 = arith.constant 0 : i32
    %c0_i32_1 = arith.constant 0 : i32
    return %c0_i32, %c0_i32_0 : i32, i32
  }
  func.func @transform_4(%arg0: i32, %arg1: i32, %arg2: i32) -> (i32, i32) {
    %c0_i32 = arith.constant 0 : i32
    %c0_i32_0 = arith.constant 0 : i32
    %c0_i32_1 = arith.constant 0 : i32
    return %c0_i32, %c0_i32_0 : i32, i32
  }
  func.func @transform_5(%arg0: i32, %arg1: i32, %arg2: i32) -> (i32, i32) {
    %c0_i32 = arith.constant 0 : i32
    %c0_i32_0 = arith.constant 0 : i32
    %c0_i32_1 = arith.constant 0 : i32
    return %c0_i32, %c0_i32_0 : i32, i32
  }
  func.func @transform_6(%arg0: i32, %arg1: i32, %arg2: i32) -> (i32, i32) {
    %c0_i32 = arith.constant 0 : i32
    %c0_i32_0 = arith.constant 0 : i32
    %c0_i32_1 = arith.constant 0 : i32
    return %c0_i32, %c0_i32_0 : i32, i32
  }
  func.func @transform_7(%arg0: i32, %arg1: i32, %arg2: i32) -> (i32, i32) {
    %c0_i32 = arith.constant 0 : i32
    %c0_i32_0 = arith.constant 0 : i32
    %c0_i32_1 = arith.constant 0 : i32
    return %c0_i32, %c0_i32_0 : i32, i32
  }
  func.func @transform_8(%arg0: i32, %arg1: i32, %arg2: i32) -> (i32, i32) {
    %c0_i32 = arith.constant 0 : i32
    %c0_i32_0 = arith.constant 0 : i32
    %c0_i32_1 = arith.constant 0 : i32
    return %c0_i32, %c0_i32_0 : i32, i32
  }
  func.func @transform_9(%arg0: i32, %arg1: i32, %arg2: i32) -> (i32, i32) {
    %c0_i32 = arith.constant 0 : i32
    %c0_i32_0 = arith.constant 0 : i32
    %c0_i32_1 = arith.constant 0 : i32
    return %c0_i32, %c0_i32_0 : i32, i32
  }
  func.func @transform_10(%arg0: i32, %arg1: i32, %arg2: i32) -> (i32, i32) {
    %c0_i32 = arith.constant 0 : i32
    %c0_i32_0 = arith.constant 0 : i32
    %c0_i32_1 = arith.constant 0 : i32
    return %c0_i32, %c0_i32_0 : i32, i32
  }
  func.func @transform_11(%arg0: i32, %arg1: i32, %arg2: i32) -> (i32, i32) {
    %c0_i32 = arith.constant 0 : i32
    %c0_i32_0 = arith.constant 0 : i32
    %c0_i32_1 = arith.constant 0 : i32
    return %c0_i32, %c0_i32_0 : i32, i32
  }
  func.func @transform_12(%arg0: i32, %arg1: i32, %arg2: i32) -> (i32, i32) {
    %mul3A = arith.constant 2 : i32
    %mul3A_0 = arith.muli %mul3A, %arg1 : i32
    %add3A = arith.addi %mul3A_0, %arg0 : i32
    %c0_i32 = arith.constant 0 : i32
    %c0_i32_1 = arith.constant 0 : i32
    return %add3A, %c0_i32 : i32, i32
  }
}

</mosaic_0001>

<sc_bundles>
// kernel: kernel.11.cloned.1.call-start
scs
__scs_entry_jumppad:
0x0: {  	(pc) =	sbr.rel $0x88, $3  }
0x1: {  	(tag) =	ssettag $0x0;
	lr =	simm.s32 $0x1  }
0x2: {  	[smem:$0x3F98] =	sst lr;
	_ =	strace $0xD0000000  }
0x3: {  	_ = 	snop  }
0x4: {  	_ = 	snop  }
0x5: {  	_ = 	snop  }
0x6: {  	_ = 	snop  }
0x7: {  	_ = 	snop  }
__scs_overlays_trampoline_lowered:
0x8: {  	[smem:$0x3FA7] =	sst s0  }
0x9: {  	[smem:$0x3FA8] =	sst s1  }
0xa: {  	[smem:$0x3FA9] =	sst s2  }
0xb: {  	[smem:$0x3FAA] =	sst s3  }
0xc: {  	[smem:$0x3FAB] =	sst s4  }
0xd: {  	[smem:$0x3FAC] =	sst s5  }
0xe: {  	[smem:$0x3FAD] =	sst s6  }
0xf: {  	[smem:$0x3FAE] =	sst s7  }
0x10: {  	[smem:$0x3FAF] =	sst s8  }
0x11: {  	[smem:$0x3FB0] =	sst s9;
	s0 =	simm.s32 @!p0 $0x0  }
0x12: {  	s1 =	sld [smem:$0x3F96];
	s0 =	simm.s32 @p0 $0x1  }
0x13: {  	[smem:$0x3FB1] =	sst s0;
	s0 =	simm.s32 @!p1 $0x0  }
0x14: {  	s2 =	sld [smem:$0x3F95];
	s0 =	simm.s32 @p1 $0x1  }
0x15: {  	[smem:$0x3FB2] =	sst s0;
	s0 =	simm.s32 @!p2 $0x0  }
0x16: {  	s3 =	sld [smem:$0x3FDB];
	s0 =	simm.s32 @p2 $0x1  }
0x17: {  	s4 =	simm.s32 $0x1BF5;
	[smem:$0x3FB4] =	sst s0  }
0x18: {  	s0 =	sld [smem:$0x3F97];
	_ =	swait.ge [sflag:s4], $0x0  }
0x19: {  	s7 =	sld [smem:$0x3F98]  }
0x1a: {  	s8 =	sadd.s32 $0xFFFFE003, lr  }
0x1b: {  	s9 =	sadd.s32 $0xFFFFFEF7, lr;
	s5 =	simm.s32 $0xFFFFFFFF;
	p2 =	slt.u32 s8, $0xFFFFF086  }
0x1c: {  	p1 =	slt.u32 s9, $0xF7A;
	s5 =	simm.s32 @!p2 $0x0  }
0x1d: {  	s5 =	simm.s32 @p1 $0x1;
	p0 =	seq.s32 s7, s2  }
0x1e: {  	s7 =	smul.u32 @!p0 $0xF7A, s2;
	p2 =	seq.s32 @!p0 s5, $0x0  }
0x1f: {  	s9 =	smul.u32 $0xF7A, s1;
	s8 =	simm.s32 @!p0 $0x1BF5;
	p2 =	por !p2, p0  }
0x20: {  	[sflag:s8] =	ssyncset.s32 @!p0 $0xFFFFF086;
	s6 =	sadd.s32 @!p0 s3, s7;
	s7 =	simm.s32 @!p0 $0x108  }
0x21: {  	s3 =	sadd.s32 s3, s9;
	s6 =	sadd.s32 @!p0 $0x88, s6;
	s7 =	simm.s32 @p2 $0x1082  }
0x22: {  	[simem:s7], [sflag:s8] =	dma.local @!p0 [hbm:s6], $0xF7A  }
0x23: {  	s9 =	sor.u32 $0xD0000000, s2;
	s6 =	simm.s32 $0x108;
	_ =	swait.ge @!p0 [sflag:s8], $0x0  }
0x24: {  	s3 =	sadd.s32 $0x88, s3;
	s6 =	simm.s32 @!p1 $0x1082;
	[sflag:s4] =	ssyncset.s32 $0xFFFFF086  }
0x25: {  	[simem:s6], [sflag:s4] =	dma.local [hbm:s3], $0xF7A  }
0x26: {  	[smem:$0x3F98] =	sst s1;
	(tag) =	ssettag s2;
	_ =	strace s9  }
0x27: {  	s1 =	sld [smem:$0x3FA8]  }
0x28: {  	s2 =	sld [smem:$0x3FA9]  }
0x29: {  	s4 =	sld [smem:$0x3FAB]  }
0x2a: {  	p0 =	seq.s32 s5, $0x0;
	s5 =	sld [smem:$0x3FAC]  }
0x2b: {  	s6 =	sld [smem:$0x3FAD]  }
0x2c: {  	s7 =	sld [smem:$0x3FAE]  }
0x2d: {  	s3 =	simm.s32 $0x108;
	s8 =	sld [smem:$0x3FAF]  }
0x2e: {  	s3 =	simm.s32 @!p0 $0x1082;
	s9 =	sld [smem:$0x3FB0]  }
0x2f: {  	lr =	sadd.s32 s0, s3;
	s0 =	sld [smem:$0x3FA7]  }
0x30: {  	s3 =	sld [smem:$0x3FAA]  }
0x31: {  	[smem:$0x3FB3] =	sst s10  }
0x32: {  	s10 =	sld [smem:$0x3FB1];
	_ =	sdelay $0x3  }
0x33: {  	p0 =	seq.s32 s10, $0x1;
	s10 =	sld [smem:$0x3FB3];
	_ =	sdelay $0x3  }
0x34: {  	[smem:$0x3FB3] =	sst s10  }
0x35: {  	s10 =	sld [smem:$0x3FB2];
	_ =	sdelay $0x3  }
0x36: {  	p1 =	seq.s32 s10, $0x1;
	s10 =	sld [smem:$0x3FB3];
	_ =	sdelay $0x3  }
0x37: {  	[smem:$0x3FB3] =	sst s10  }
0x38: {  	s10 =	sld [smem:$0x3FB4]  }
0x39: {  	_ = 	snop;
	(pc) =	sbr.ind lr, $3  }
0x3a: {  	_ = 	snop  }
0x3b: {  	_ = 	snop  }
0x3c: {  	p2 =	seq.s32 s10, $0x1;
	s10 =	sld [smem:$0x3FB3]  }
0x3d: {  	_ =	shalt  }
0x3e: {  	_ =	shalt  }
0x3f: {  	_ =	shalt  }
0x40: {  	_ =	shalt  }
0x41: {  	_ =	shalt  }
0x42: {  	_ =	shalt  }
0x43: {  	_ =	shalt  }
0x44: {  	_ =	shalt  }
0x45: {  	_ =	shalt  }
0x46: {  	_ =	shalt  }
0x47: {  	_ =	shalt  }
0x48: {  	_ =	shalt  }
0x49: {  	_ =	shalt  }
0x4a: {  	_ =	shalt  }
0x4b: {  	_ =	shalt  }
0x4c: {  	_ =	shalt  }
0x4d: {  	_ =	shalt  }
0x4e: {  	_ =	shalt  }
0x4f: {  	_ =	shalt  }
0x50: {  	_ =	shalt  }
0x51: {  	_ =	shalt  }
0x52: {  	_ =	shalt  }
0x53: {  	_ =	shalt  }
0x54: {  	_ =	shalt  }
0x55: {  	_ =	shalt  }
0x56: {  	_ =	shalt  }
0x57: {  	_ =	shalt  }
0x58: {  	_ =	shalt  }
0x59: {  	_ =	shalt  }
0x5a: {  	_ =	shalt  }
0x5b: {  	_ =	shalt  }
0x5c: {  	_ =	shalt  }
0x5d: {  	_ =	shalt  }
0x5e: {  	_ =	shalt  }
0x5f: {  	_ =	shalt  }
0x60: {  	_ =	shalt  }
0x61: {  	_ =	shalt  }
0x62: {  	_ =	shalt  }
0x63: {  	_ =	shalt  }
0x64: {  	_ =	shalt  }
0x65: {  	_ =	shalt  }
0x66: {  	_ =	shalt  }
0x67: {  	_ =	shalt  }
0x68: {  	_ =	shalt  }
0x69: {  	_ =	shalt  }
0x6a: {  	_ =	shalt  }
0x6b: {  	_ =	shalt  }
0x6c: {  	_ =	shalt  }
0x6d: {  	_ =	shalt  }
0x6e: {  	_ =	shalt  }
0x6f: {  	_ =	shalt  }
0x70: {  	_ =	shalt  }
0x71: {  	_ =	shalt  }
0x72: {  	_ =	shalt  }
0x73: {  	_ =	shalt  }
0x74: {  	_ =	shalt  }
0x75: {  	_ =	shalt  }
0x76: {  	_ =	shalt  }
0x77: {  	_ =	shalt  }
0x78: {  	_ =	shalt  }
0x79: {  	_ =	shalt  }
0x7a: {  	_ =	shalt  }
0x7b: {  	_ =	shalt  }
0x7c: {  	_ =	shalt  }
0x7d: {  	_ =	shalt  }
0x7e: {  	_ =	shalt  }
0x7f: {  	_ =	shalt  }
0x80: {  	_ =	shalt  }
0x81: {  	_ =	shalt  }
0x82: {  	_ =	shalt  }
0x83: {  	_ =	shalt  }
0x84: {  	_ =	shalt  }
0x85: {  	_ =	shalt  }
0x86: {  	_ =	shalt  }
0x87: {  	_ =	shalt  }
.Lfunc_end0:
.L_simem_size_0:
called_computation.1_lowered:
.L_overlay_start_0:
0x88: {  	s2 =	sld [smem:$0x3FD9]  }
0x89: {  	s3 =	sld [smem:$0x3FFE];
	_ =	sdelay $0x1  }
0x8a: {  	s1 =	srdreg.scid  }
0x8b: {  	s0 =	sand.u32 $0x1, s1  }
0x8c: {  	s17 =	sshll.u32 s0, $0xA;
	s2 =	sadd.s32 s3, s2  }
0x8d: {  	s2 =	sadd.s32 s2, s17  }
0x8e: {  	[smem:$0x3FBF] =	sst s2  }
0x8f: {  	_ = 	snop  }
0x90: {  	s18 =	sld [smem:$0x3FD0];
	(tm) =	ssettm $0x1  }
0x91: {  	s19 =	sld [smem:$0x3FFB];
	_ =	sdelay $0x3  }
0x92: {  	_ =	strace s19  }
0x93: {  	s2 =	sld [smem:$0x3FFC];
	_ =	sdelay $0x3  }
0x94: {  	_ =	strace s2  }
0x95: {  	s2 =	sld [smem:$0x3FFD];
	_ =	sdelay $0x3  }
0x96: {  	_ =	strace s2  }
0x97: {  	_ =	strace $0x8FFFFFFF  }
0x98: {  	s20 =	sld [smem:$0x3FDB];
	_ =	sdelay $0x1  }
0x99: {  	s4 =	simm.s32 $_scs_section_size  }
0x9a: {  	s5 =	simm.s32 $_size__tile_overlayer_lowered;
	s6 =	simm.s32 $_tile_overlayer_lowered  }
0x9b: {  	s7 =	simm.s32 $0x1BFF;
	s21 =	sshll.u32 s6, $0x1;
	s4 =	sadd.s32 s4, s20  }
0x9c: {  	s22 =	simm.s32 $0x0;
	s5 =	sshll.u32 s5, $0x1;
	s6 =	sadd.s32 s21, s4  }
0x9d: {  	[timem:s22], [sflag:s7] =	dma.local [hbm:s6], s5  }
0x9e: {  	_ =	swait.ge [sflag:s7], s5  }
0x9f: {  	s5 =	ssub.s32 $0x0, s5;
	[sflag:s7] =	ssyncset.done $0x0  }
0xa0: {  	[sflag:s7] =	ssyncadd.s32 s5;
	_ =	sdelay $0x1  }
0xa1: {  	s23 =	simm.s32 $0x1B8B  }
0xa2: {  	_ =	swait.ge [sflag:s23], $0x1  }
0xa3: {  	[sflag:s23] =	ssyncset.done $0x0  }
0xa4: {  	[sflag:s23] =	ssyncadd.s32 $0xFFFFFFFF  }
0xa5: {  	s5 =	sld [smem:$0x0]  }
0xa6: {  	s6 =	sand.u32 $0xFFFFFFFE, s1  }
0xa7: {  	p0 =	sne.s32 s1, s6  }
0xa8: {  	s6 =	sshll.u32 @p0 s6, $0xE  }
0xa9: {  	s6 =	sadd.s32 @p0 $0x11B8D, s6;
	s7 =	sshll.u32 @p0 s5, $0x11  }
0xaa: {  	s6 =	sor.u32 @p0 s7, s6  }
0xab: {  	[sflag:s6] =	ssyncadd.remote.s32 @p0 $0x1;
	_ =	sdelay $0x1  }
0xac: {  	s6 =	simm.s32 @p0 $0x1B8D  }
0xad: {  	_ =	swait.eq @p0 [sflag:s6], $0x1  }
0xae: {  	[sflag:s6] =	ssyncadd.s32 @p0 $0xFFFFFFFF  }
0xaf: {  	s7 =	sshll.u32 @!p0 s1, $0xE  }
0xb0: {  	s7 =	sor.u32 @!p0 $0x4000, s7;
	s6 =	simm.s32 @!p0 $0x1B8D  }
0xb1: {  	s5 =	sshll.u32 @!p0 s5, $0x11;
	s7 =	sadd.s32 @!p0 $0x11B8D, s7;
	_ =	swait.eq @!p0 [sflag:s6], $0x1  }
0xb2: {  	s5 =	sor.u32 @!p0 s5, s7;
	[sflag:s6] =	ssyncadd.s32 @!p0 $0xFFFFFFFF  }
0xb3: {  	s25 =	simm.s32 $0x1B8E;
	s24 =	sld [smem:$0x3FFE];
	[sflag:s5] =	ssyncadd.remote.s32 @!p0 $0x1  }
0xb4: {  	s26 =	simm.s32 $execute0_lowered;
	[smem:$0x3FD2] =	sst s25  }
0xb5: {  	s6 =	sshll.u32 s26, $0x1;
	_ =	strace $0x80000049;
	[dreg:$0x1] =	wrdreg $0xFFFFFFFF  }
0xb6: {  	s28 =	simm.s32 $_size_execute0_lowered;
	s4 =	sadd.s32 s4, s6;
	[dreg:$0x0] =	wrdreg $0x0  }
0xb7: {  	s6 =	sshll.u32 s28, $0x1;
	[dreg:$0x2] =	wrdreg s4  }
0xb8: {  	[dreg:$0x3] =	wrdreg s6  }
0xb9: {  	[dreg:$0x4] =	wrdreg $0xC0  }
0xba: {  	_ =	task [dreg:s22], $0x5FFFF  }
0xbb: {  	[dreg:$0x1] =	wrdreg $0xFFFFFFFF  }
0xbc: {  	[dreg:$0x0] =	wrdreg $0x60  }
0xbd: {  	[dreg:$0x2] =	wrdreg s18  }
0xbe: {  	[dreg:$0x3] =	wrdreg s24  }
0xbf: {  	[dreg:$0x4] =	wrdreg $0xA  }
0xc0: {  	_ =	task.clear_ibuf [dreg:s22], $0x5FFFF;
	_ =	strace $0x90000049  }
0xc1: {  	s29 =	simm.s32 $0xA;
	_ =	strace $0x8000004B  }
0xc2: {  	_ =	swait.ge [sflag:s29], $0x1  }
0xc3: {  	[sflag:s29] =	ssyncadd.s32 $0xFFFFFFFF  }
0xc4: {  	_ =	strace $0x9000004B  }
0xc5: {  	_ =	sfence  }
0xc6: {  	s30 =	sld [smem:$0x0];
	_ =	sdelay $0x2  }
0xc7: {  	s31 =	sshll.u32 s1, $0xD;
	s1 =	sshrl.u32 s1, $0x2  }
0xc8: {  	s4 =	sand.u32 $0x4000, s31;
	s1 =	sadd.s32 s1, s30  }
0xc9: {  	s0 =	sor.u32 s4, s0;
	s1 =	sshll.u32 s1, $0x11  }
0xca: {  	s0 =	sor.u32 s1, s0  }
0xcb: {  	s0 =	sadd.s32 $0x8F2B, s0  }
0xcc: {  	[sflag:s0] =	ssyncadd.remote.s32 $0x1  }
0xcd: {  	_ =	sfence.sel $0xFFFF  }
0xce: {  	[dreg:$0x0] =	wrdreg $0xFFFFFFFF;
	(pc) =	sbr.abs _section_cstart, $3  }
0xcf: {  	[dreg:$0x1] =	wrdreg $0xFFFFFFFF  }
0xd0: {  	_ =	task.clear_ibuf [dreg:s22], $0x2FFFF;
	_ =	strace $0x9FFFFFFF  }
0xd1: {  	(tm) =	ssettm $0x7FFFFFFF  }
tec
execute0_lowered:
.L_overlay_start_1:
0x0: {  	(tag) =	ssettag $0x1  }
0x1: {  	s0 =	srdreg.scid  }
0x2: {  	s4 =	stileid.u32;
	s2 =	rddreg [dreg:$0x0]  }
0x3: {  	s5 =	rddreg [dreg:$0x1];
	s3 =	simm.s32 $0x0;
	s1 =	smul.u32 $0x9C40, s4  }
0x4: {  	s28 =	simm.s32 $0x4F10;
	s0 =	sand.u32 $0x1, s0;
	s7 =	smul.u32 $0x138800, s4  }
0x5: {  	s29 =	simm.s32 $0x1;
	s31 =	simm.s32 $0x6310;
	s6 =	smul.u32 $0x4E20, s0  }
0x6: {  	[smem:$0x7FF] =	sst s3;
	s8 =	smul.u32 $0x9C400, s0;
	s0 =	ssub.s32 $0x2, s0  }
0x7: {  	s4 =	sadd.s32 $0x3BFC00, s5;
	_ =	strace $0x8000004A;
	s15 =	sshrl.u32 s0, $0x1  }
0x8: {  	s1 =	sadd.s32 s1, s6;
	s12 =	sadd.s32 s8, s7;
	s0 =	ssub.s32 s0, s15  }
0x9: {  	s1 =	sshrl.u32 s1, $0x3;
	s8 =	sshrl.u32 s12, $0x3;
	s22 =	sadd.s32 $0xB400, s12  }
0xa: {  	s23 =	sadd.s32 $0xA000, s12;
	s24 =	sadd.s32 $0x8C00, s12;
	s1 =	sadd.s32 s5, s1  }
0xb: {  	s25 =	sadd.s32 $0x7800, s12;
	s5 =	sadd.s32 s4, s8;
	s1 =	sadd.s32 $0x13B6E2, s1  }
0xc: {  	s26 =	sshrl.u32 s24, $0x3;
	s16 =	sadd.s32 $0x280, s5;
	[dreg:$0x3] =	wrdreg s1  }
0xd: {  	s30 =	sshrl.u32 s25, $0x3;
	s17 =	sadd.s32 $0x500, s5;
	[dreg:$0x4] =	wrdreg s16  }
0xe: {  	s24 =	simm.s32 $0x2710;
	s18 =	sadd.s32 $0x780, s5;
	[dreg:$0x5] =	wrdreg s17  }
0xf: {  	s25 =	simm.s32 $0x3B10;
	s19 =	sadd.s32 $0xA00, s5;
	[dreg:$0x6] =	wrdreg s18  }
0x10: {  	s20 =	sadd.s32 $0x12C00, s5;
	s21 =	sadd.s32 $0x12E80, s5;
	[dreg:$0x7] =	wrdreg s19  }
0x11: {  	s13 =	sadd.s32 $0x13100, s5;
	s14 =	sadd.s32 $0x13380, s5;
	[dreg:$0x8] =	wrdreg s20  }
0x12: {  	s15 =	sadd.s32 $0x13600, s5;
	[dreg:$0x9] =	wrdreg s21;
	s1 =	sshrl.u32 s22, $0x3  }
0x13: {  	s16 =	smax.u32 s0, $0x1;
	s0 =	sshrl.u32 s23, $0x3;
	s19 =	sadd.s32 s26, s4  }
0x14: {  	s20 =	sadd.s32 s30, s4;
	s21 =	sadd.s32 $0x6400, s12;
	s22 =	simm.s32 $0x3  }
0x15: {  	s23 =	simm.s32 $0x50;
	s26 =	simm.s32 $0x2;
	s17 =	sadd.s32 s1, s4  }
0x16: {  	s18 =	sadd.s32 s0, s4;
	s0 =	simm.s32 $0x7710;
	s1 =	simm.s32 $0x0  }
.LBB2_1:
0x17: {  	s6 =	rddreg [dreg:$0x3]  }
0x18: {  	[tilespmem:s3], [sflag:$0x3] =	stream.linear.gather [hbm4b:s6+s3], $0x2710, $0x38;
	[tilespmem:$0x8B10] =	vst v63  }
0x19: {  	_ =	swait.ge [sflag:s22], $0x2710  }
0x1a: {  	[sflag:s22] =	ssyncset.done $0x0  }
0x1b: {  	[sflag:s22] =	ssyncadd.s32 $0xFFFFD8F0  }
0x1c: {  	[tilespmem:s24], [sflag:$0x1] =	stream.indirect.gather [hbm4b:s2+s23], $0x40, s3, s23, $0xb8;
	[tilespmem:$0x8B10] =	vst v63  }
0x1d: {  	_ = 	snop  }
0x1e: {  	[tilespmem:s25], [sflag:$0x1] =	stream.indirect.gather [hbm4b:s2+s23], $0x40, s23, s23, $0xb8;
	[tilespmem:$0x8B10] =	vst v63  }
0x1f: {  	s10 =	simm.s32 $0xA0  }
0x20: {  	[tilespmem:s28], [sflag:$0x1] =	stream.indirect.gather [hbm4b:s2+s23], $0x40, s10, s23, $0xb8;
	[tilespmem:$0x8B10] =	vst v63  }
0x21: {  	_ =	swait.ge [sflag:s29], $0x1400  }
0x22: {  	[sflag:s29] =	ssyncset.done $0x0  }
0x23: {  	[sflag:s29] =	ssyncadd.s32 $0xFFFFEC00  }
0x24: {  	[hbm4b:s5+s3] =	stream.linear.scatter [tilespmem:s24], [sflag:$0x2], $0x1400, $0x38;
	[tilespmem:$0x8B10] =	vst v63  }
0x25: {  	s11 =	simm.s32 $0xF0  }
0x26: {  	[tilespmem:s31], [sflag:$0x1] =	stream.indirect.gather [hbm4b:s2+s23], $0x40, s11, s23, $0xb8;
	[tilespmem:$0x8B10] =	vst v63  }
0x27: {  	_ =	swait.ge [sflag:s29], $0x1400  }
0x28: {  	[sflag:s29] =	ssyncset.done $0x0  }
0x29: {  	s12 =	rddreg [dreg:$0x4];
	[sflag:s29] =	ssyncadd.s32 $0xFFFFEC00  }
0x2a: {  	[hbm4b:s12+s3] =	stream.linear.scatter [tilespmem:s25], [sflag:$0x2], $0x1400, $0x38;
	[tilespmem:$0x8B10] =	vst v63  }
0x2b: {  	s7 =	simm.s32 $0x140  }
0x2c: {  	[tilespmem:s0], [sflag:$0x1] =	stream.indirect.gather [hbm4b:s2+s23], $0x40, s7, s23, $0xb8;
	[tilespmem:$0x8B10] =	vst v63  }
0x2d: {  	_ =	swait.ge [sflag:s29], $0x1400  }
0x2e: {  	[sflag:s29] =	ssyncset.done $0x0  }
0x2f: {  	s8 =	rddreg [dreg:$0x5];
	[sflag:s29] =	ssyncadd.s32 $0xFFFFEC00  }
0x30: {  	[hbm4b:s8+s3] =	stream.linear.scatter [tilespmem:s28], [sflag:$0x2], $0x1400, $0x38;
	[tilespmem:$0x8B10] =	vst v63  }
0x31: {  	_ =	swait.ge [sflag:s26], $0x1400  }
0x32: {  	[sflag:s26] =	ssyncset.done $0x0  }
0x33: {  	s9 =	simm.s32 $0x190;
	[sflag:s26] =	ssyncadd.s32 $0xFFFFEC00  }
0x34: {  	[tilespmem:s24], [sflag:$0x1] =	stream.indirect.gather [hbm4b:s2+s23], $0x40, s9, s23, $0xb8;
	[tilespmem:$0x8B10] =	vst v63  }
0x35: {  	_ =	swait.ge [sflag:s29], $0x1400  }
0x36: {  	[sflag:s29] =	ssyncset.done $0x0  }
0x37: {  	s10 =	rddreg [dreg:$0x6];
	[sflag:s29] =	ssyncadd.s32 $0xFFFFEC00  }
0x38: {  	[hbm4b:s10+s3] =	stream.linear.scatter [tilespmem:s31], [sflag:$0x2], $0x1400, $0x38;
	[tilespmem:$0x8B10] =	vst v63  }
0x39: {  	_ =	swait.ge [sflag:s26], $0x1400  }
0x3a: {  	[sflag:s26] =	ssyncset.done $0x0  }
0x3b: {  	s11 =	simm.s32 $0x1E0;
	[sflag:s26] =	ssyncadd.s32 $0xFFFFEC00  }
0x3c: {  	[tilespmem:s25], [sflag:$0x1] =	stream.indirect.gather [hbm4b:s2+s23], $0x40, s11, s23, $0xb8;
	[tilespmem:$0x8B10] =	vst v63  }
0x3d: {  	_ =	swait.ge [sflag:s29], $0x1400  }
0x3e: {  	[sflag:s29] =	ssyncset.done $0x0  }
0x3f: {  	s12 =	rddreg [dreg:$0x7];
	[sflag:s29] =	ssyncadd.s32 $0xFFFFEC00  }
0x40: {  	[hbm4b:s12+s3] =	stream.linear.scatter [tilespmem:s0], [sflag:$0x2], $0x1400, $0x38;
	[tilespmem:$0x8B10] =	vst v63  }
0x41: {  	_ =	swait.ge [sflag:s26], $0x1400  }
0x42: {  	[sflag:s26] =	ssyncset.done $0x0  }
0x43: {  	s7 =	simm.s32 $0x230;
	[sflag:s26] =	ssyncadd.s32 $0xFFFFEC00  }
0x44: {  	[tilespmem:s28], [sflag:$0x1] =	stream.indirect.gather [hbm4b:s2+s23], $0x40, s7, s23, $0xb8;
	[tilespmem:$0x8B10] =	vst v63  }
0x45: {  	_ =	swait.ge [sflag:s29], $0x1400  }
0x46: {  	s8 =	sshrl.u32 s21, $0x3;
	[sflag:s29] =	ssyncset.done $0x0  }
0x47: {  	s6 =	sadd.s32 s4, s8;
	[sflag:s29] =	ssyncadd.s32 $0xFFFFEC00  }
0x48: {  	[hbm4b:s6+s3] =	stream.linear.scatter [tilespmem:s24], [sflag:$0x2], $0x1400, $0x38;
	[tilespmem:$0x8B10] =	vst v63  }
0x49: {  	_ =	swait.ge [sflag:s26], $0x1400  }
0x4a: {  	[sflag:s26] =	ssyncset.done $0x0  }
0x4b: {  	s9 =	simm.s32 $0x280;
	[sflag:s26] =	ssyncadd.s32 $0xFFFFEC00  }
0x4c: {  	[tilespmem:s31], [sflag:$0x1] =	stream.indirect.gather [hbm4b:s2+s23], $0x40, s9, s23, $0xb8;
	[tilespmem:$0x8B10] =	vst v63  }
0x4d: {  	_ =	swait.ge [sflag:s29], $0x1400  }
0x4e: {  	[sflag:s29] =	ssyncset.done $0x0  }
0x4f: {  	[sflag:s29] =	ssyncadd.s32 $0xFFFFEC00  }
0x50: {  	[hbm4b:s20+s3] =	stream.linear.scatter [tilespmem:s25], [sflag:$0x2], $0x1400, $0x38;
	[tilespmem:$0x8B10] =	vst v63  }
0x51: {  	_ =	swait.ge [sflag:s26], $0x1400  }
0x52: {  	[sflag:s26] =	ssyncset.done $0x0  }
0x53: {  	s10 =	simm.s32 $0x2D0;
	[sflag:s26] =	ssyncadd.s32 $0xFFFFEC00  }
0x54: {  	[tilespmem:s0], [sflag:$0x1] =	stream.indirect.gather [hbm4b:s2+s23], $0x40, s10, s23, $0xb8;
	[tilespmem:$0x8B10] =	vst v63  }
0x55: {  	_ =	swait.ge [sflag:s29], $0x1400  }
0x56: {  	[sflag:s29] =	ssyncset.done $0x0  }
0x57: {  	[sflag:s29] =	ssyncadd.s32 $0xFFFFEC00  }
0x58: {  	[hbm4b:s19+s3] =	stream.linear.scatter [tilespmem:s28], [sflag:$0x2], $0x1400, $0x38;
	[tilespmem:$0x8B10] =	vst v63  }
0x59: {  	_ =	swait.ge [sflag:s26], $0x1400  }
0x5a: {  	[sflag:s26] =	ssyncset.done $0x0  }
0x5b: {  	s11 =	simm.s32 $0x320;
	[sflag:s26] =	ssyncadd.s32 $0xFFFFEC00  }
0x5c: {  	[tilespmem:s24], [sflag:$0x1] =	stream.indirect.gather [hbm4b:s2+s23], $0x40, s11, s23, $0xb8;
	[tilespmem:$0x8B10] =	vst v63  }
0x5d: {  	_ =	swait.ge [sflag:s29], $0x1400  }
0x5e: {  	[sflag:s29] =	ssyncset.done $0x0  }
0x5f: {  	[sflag:s29] =	ssyncadd.s32 $0xFFFFEC00  }
0x60: {  	[hbm4b:s18+s3] =	stream.linear.scatter [tilespmem:s31], [sflag:$0x2], $0x1400, $0x38;
	[tilespmem:$0x8B10] =	vst v63  }
0x61: {  	_ =	swait.ge [sflag:s26], $0x1400  }
0x62: {  	[sflag:s26] =	ssyncset.done $0x0  }
0x63: {  	s12 =	simm.s32 $0x370;
	[sflag:s26] =	ssyncadd.s32 $0xFFFFEC00  }
0x64: {  	[tilespmem:s25], [sflag:$0x1] =	stream.indirect.gather [hbm4b:s2+s23], $0x40, s12, s23, $0xb8;
	[tilespmem:$0x8B10] =	vst v63  }
0x65: {  	_ =	swait.ge [sflag:s29], $0x1400  }
0x66: {  	[sflag:s29] =	ssyncset.done $0x0  }
0x67: {  	s30 =	simm.s32 $0x640;
	[sflag:s29] =	ssyncadd.s32 $0xFFFFEC00  }
0x68: {  	[hbm4b:s17+s3] =	stream.linear.scatter [tilespmem:s0], [sflag:$0x2], $0x1400, $0x38;
	[tilespmem:$0x8B10] =	vst v63  }
0x69: {  	s8 =	sadd.s32 $0xC80, s18;
	s7 =	sadd.s32 $0x6400, s21;
	_ =	swait.ge [sflag:s26], $0x1400  }
0x6a: {  	s6 =	sadd.s32 $0xC80, s20;
	s9 =	sadd.s32 $0xC80, s19;
	[sflag:s26] =	ssyncset.done $0x0  }
0x6b: {  	s10 =	sadd.s32 $0xC80, s17;
	s11 =	simm.s32 $0x3C0;
	[sflag:s26] =	ssyncadd.s32 $0xFFFFEC00  }
.LBB2_2:
0x6c: {  	[tilespmem:s28], [sflag:$0x1] =	stream.indirect.gather [hbm4b:s2+s23], $0x40, s11, s23, $0xb8;
	[tilespmem:$0x8B10] =	vst v63  }
0x6d: {  	s11 =	smov.u32 s30  }
0x6e: {  	p0 =	sne.s32 s30, $0x8980;
	s30 =	sadd.s32 $0x640, s30;
	_ =	swait.ge [sflag:s29], $0x1400  }
0x6f: {  	s12 =	sshrl.u32 s7, $0x3;
	[sflag:s29] =	ssyncset.done $0x0  }
0x70: {  	s12 =	sadd.s32 s4, s12;
	[sflag:s29] =	ssyncadd.s32 $0xFFFFEC00  }
0x71: {  	[hbm4b:s12+s3] =	stream.linear.scatter [tilespmem:s24], [sflag:$0x2], $0x1400, $0x38;
	[tilespmem:$0x8B10] =	vst v63  }
0x72: {  	_ =	swait.ge [sflag:s26], $0x1400  }
0x73: {  	s11 =	sshra.s32 s11, $0x2;
	[sflag:s26] =	ssyncset.done $0x0  }
0x74: {  	s12 =	sadd.s32 $0x280, s11;
	[sflag:s26] =	ssyncadd.s32 $0xFFFFEC00  }
0x75: {  	[tilespmem:s31], [sflag:$0x1] =	stream.indirect.gather [hbm4b:s2+s23], $0x40, s12, s23, $0xb8;
	[tilespmem:$0x8B10] =	vst v63  }
0x76: {  	_ =	swait.ge [sflag:s29], $0x1400  }
0x77: {  	[sflag:s29] =	ssyncset.done $0x0  }
0x78: {  	[sflag:s29] =	ssyncadd.s32 $0xFFFFEC00  }
0x79: {  	[hbm4b:s6+s3] =	stream.linear.scatter [tilespmem:s25], [sflag:$0x2], $0x1400, $0x38;
	[tilespmem:$0x8B10] =	vst v63  }
0x7a: {  	_ =	swait.ge [sflag:s26], $0x1400  }
0x7b: {  	[sflag:s26] =	ssyncset.done $0x0  }
0x7c: {  	s12 =	sadd.s32 $0x2D0, s11;
	[sflag:s26] =	ssyncadd.s32 $0xFFFFEC00  }
0x7d: {  	[tilespmem:s0], [sflag:$0x1] =	stream.indirect.gather [hbm4b:s2+s23], $0x40, s12, s23, $0xb8;
	[tilespmem:$0x8B10] =	vst v63  }
0x7e: {  	_ =	swait.ge [sflag:s29], $0x1400  }
0x7f: {  	[sflag:s29] =	ssyncset.done $0x0  }
0x80: {  	[sflag:s29] =	ssyncadd.s32 $0xFFFFEC00  }
0x81: {  	[hbm4b:s9+s3] =	stream.linear.scatter [tilespmem:s28], [sflag:$0x2], $0x1400, $0x38;
	[tilespmem:$0x8B10] =	vst v63  }
0x82: {  	_ =	swait.ge [sflag:s26], $0x1400  }
0x83: {  	[sflag:s26] =	ssyncset.done $0x0  }
0x84: {  	s12 =	sadd.s32 $0x320, s11;
	[sflag:s26] =	ssyncadd.s32 $0xFFFFEC00  }
0x85: {  	[tilespmem:s24], [sflag:$0x1] =	stream.indirect.gather [hbm4b:s2+s23], $0x40, s12, s23, $0xb8;
	[tilespmem:$0x8B10] =	vst v63  }
0x86: {  	_ =	swait.ge [sflag:s29], $0x1400  }
0x87: {  	[sflag:s29] =	ssyncset.done $0x0  }
0x88: {  	[sflag:s29] =	ssyncadd.s32 $0xFFFFEC00  }
0x89: {  	[hbm4b:s8+s3] =	stream.linear.scatter [tilespmem:s31], [sflag:$0x2], $0x1400, $0x38;
	[tilespmem:$0x8B10] =	vst v63  }
0x8a: {  	_ =	swait.ge [sflag:s26], $0x1400  }
0x8b: {  	[sflag:s26] =	ssyncset.done $0x0  }
0x8c: {  	s12 =	sadd.s32 $0x370, s11;
	[sflag:s26] =	ssyncadd.s32 $0xFFFFEC00  }
0x8d: {  	[tilespmem:s25], [sflag:$0x1] =	stream.indirect.gather [hbm4b:s2+s23], $0x40, s12, s23, $0xb8;
	[tilespmem:$0x8B10] =	vst v63  }
0x8e: {  	_ =	swait.ge [sflag:s29], $0x1400  }
0x8f: {  	[sflag:s29] =	ssyncset.done $0x0  }
.Ltmp0:
0x90: {  	[sflag:s29] =	ssyncadd.s32 $0xFFFFEC00;
	(pc) =	sbr.rel @p0 .LBB2_2-.Ltmp0, $4  }
0x91: {  	[hbm4b:s10+s3] =	stream.linear.scatter [tilespmem:s0], [sflag:$0x2], $0x1400, $0x38;
	[tilespmem:$0x8B10] =	vst v63  }
0x92: {  	s7 =	sadd.s32 $0x6400, s7;
	s6 =	sadd.s32 $0xC80, s6;
	_ =	swait.ge [sflag:s26], $0x1400  }
0x93: {  	s9 =	sadd.s32 $0xC80, s9;
	s8 =	sadd.s32 $0xC80, s8;
	[sflag:s26] =	ssyncset.done $0x0  }
0x94: {  	s11 =	sadd.s32 $0x3C0, s11;
	s10 =	sadd.s32 $0xC80, s10;
	[sflag:s26] =	ssyncadd.s32 $0xFFFFEC00  }
0x95: {  	[tilespmem:s28], [sflag:$0x1] =	stream.indirect.gather [hbm4b:s2+s23], $0x40, s11, s23, $0xb8;
	[tilespmem:$0x8B10] =	vst v63  }
0x96: {  	_ =	swait.ge [sflag:s29], $0x1400  }
0x97: {  	[sflag:s29] =	ssyncset.done $0x0  }
0x98: {  	s6 =	rddreg [dreg:$0x8];
	[sflag:s29] =	ssyncadd.s32 $0xFFFFEC00  }
0x99: {  	[hbm4b:s6+s3] =	stream.linear.scatter [tilespmem:s24], [sflag:$0x2], $0x1400, $0x38;
	[tilespmem:$0x8B10] =	vst v63  }
0x9a: {  	_ =	swait.ge [sflag:s26], $0x1400  }
0x9b: {  	[sflag:s26] =	ssyncset.done $0x0  }
0x9c: {  	s11 =	simm.s32 $0x2670;
	[sflag:s26] =	ssyncadd.s32 $0xFFFFEC00  }
0x9d: {  	[tilespmem:s31], [sflag:$0x1] =	stream.indirect.gather [hbm4b:s2+s23], $0x40, s11, s23, $0xb8;
	[tilespmem:$0x8B10] =	vst v63  }
0x9e: {  	_ =	swait.ge [sflag:s29], $0x1400  }
0x9f: {  	[sflag:s29] =	ssyncset.done $0x0  }
0xa0: {  	s12 =	rddreg [dreg:$0x9];
	[sflag:s29] =	ssyncadd.s32 $0xFFFFEC00  }
0xa1: {  	[hbm4b:s12+s3] =	stream.linear.scatter [tilespmem:s25], [sflag:$0x2], $0x1400, $0x38;
	[tilespmem:$0x8B10] =	vst v63  }
0xa2: {  	_ =	swait.ge [sflag:s26], $0x1400  }
0xa3: {  	[sflag:s26] =	ssyncset.done $0x0  }
0xa4: {  	s30 =	simm.s32 $0x26C0;
	[sflag:s26] =	ssyncadd.s32 $0xFFFFEC00  }
0xa5: {  	[tilespmem:s0], [sflag:$0x1] =	stream.indirect.gather [hbm4b:s2+s23], $0x40, s30, s23, $0xb8;
	[tilespmem:$0x8B10] =	vst v63  }
0xa6: {  	_ =	swait.ge [sflag:s29], $0x1400  }
0xa7: {  	[sflag:s29] =	ssyncset.done $0x0  }
0xa8: {  	[sflag:s29] =	ssyncadd.s32 $0xFFFFEC00  }
0xa9: {  	[hbm4b:s13+s3] =	stream.linear.scatter [tilespmem:s28], [sflag:$0x2], $0x1400, $0x38;
	[tilespmem:$0x8B10] =	vst v63  }
0xaa: {  	_ =	swait.ge [sflag:s29], $0x1400  }
0xab: {  	[sflag:s29] =	ssyncset.done $0x0  }
0xac: {  	[sflag:s29] =	ssyncadd.s32 $0xFFFFEC00  }
0xad: {  	[hbm4b:s14+s3] =	stream.linear.scatter [tilespmem:s31], [sflag:$0x2], $0x1400, $0x38;
	[tilespmem:$0x8B10] =	vst v63  }
0xae: {  	_ =	swait.ge [sflag:s29], $0x1400  }
0xaf: {  	[sflag:s29] =	ssyncset.done $0x0  }
0xb0: {  	[sflag:s29] =	ssyncadd.s32 $0xFFFFEC00  }
0xb1: {  	[hbm4b:s15+s3] =	stream.linear.scatter [tilespmem:s0], [sflag:$0x2], $0x1400, $0x38;
	[tilespmem:$0x8B10] =	vst v63  }
0xb2: {  	_ =	swait.ge [sflag:s26], $0x1400  }
0xb3: {  	[sflag:s26] =	ssyncset.done $0x0  }
0xb4: {  	[sflag:s26] =	ssyncadd.s32 $0xFFFFEC00  }
0xb5: {  	_ =	swait.ge [sflag:s26], $0x1400  }
0xb6: {  	[sflag:s26] =	ssyncset.done $0x0  }
0xb7: {  	[sflag:s26] =	ssyncadd.s32 $0xFFFFEC00  }
0xb8: {  	_ =	swait.ge [sflag:s26], $0x1400  }
0xb9: {  	[sflag:s26] =	ssyncset.done $0x0  }
0xba: {  	s1 =	sadd.s32 $0x1, s1;
	[sflag:s26] =	ssyncadd.s32 $0xFFFFEC00  }
0xbb: {  	p0 =	sne.s32 s1, s16;
	_ =	swait.ge [sflag:s26], $0x1400  }
.Ltmp1:
0xbc: {  	[sflag:s26] =	ssyncset.done $0x0;
	(pc) =	sbr.rel @p0 .LBB2_1-.Ltmp1, $4  }
0xbd: {  	[sflag:s26] =	ssyncadd.s32 $0xFFFFEC00  }
0xbe: {  	_ =	swait.ge [sflag:s26], $0x1400  }
0xbf: {  	[sflag:s26] =	ssyncset.done $0x0  }
0xc0: {  	[sflag:s26] =	ssyncadd.s32 $0xFFFFEC00  }
0xc1: {  	_ =	sfence.sel $0x180000  }
0xc2: {  	[bflag:$0x0] =	sbarrier.arrive $0xFFFF  }
0xc3: {  	_ =	strace $0x9000004A  }
0xc4: {  	s0 =	stileid.u32;
	[bflag:$0x2] =	sbarrier.arrive $0xFFFF  }
0xc5: {  	p0 =	sne.s32 s0, $0x0;
	s0 =	rddreg [dreg:$0x2]  }
0xc6: {  	s0 =	sadd.s32 @!p0 $0x100000, s0  }
0xc7: {  	[sflag:s0] =	ssyncadd.tile.s32 @!p0 $0x1;
	_ =	shalt  }
.Lfunc_end2:
_tile_overlayer_lowered:
.L_overlay_start_2:
0xc8: {  	(tag) =	ssettag $0x2  }
0xc9: {  	s0 =	rddreg [dreg:$0x0];
	s2 =	stileid.u32  }
0xca: {  	s1 =	rddreg [dreg:$0x1];
	p0 =	sne.s32 s2, $0x0  }
0xcb: {  	s3 =	rddreg [dreg:$0x2];
	[bflag:$0x3] =	sbarrier.arrive $0xFFFF;
	s2 =	simm.s32 @!p0 $0x1C03  }
0xcc: {  	[timem:s3], [sflag:s2] =	dma.local @!p0 [hbm:s0], s1  }
0xcd: {  	s0 =	simm.s32 @!p0 $0x3  }
0xce: {  	_ =	swait.ge @!p0 [sflag:s0], s1  }
0xcf: {  	s1 =	ssub.s32 @!p0 $0x0, s1;
	[sflag:s0] =	ssyncset.done @!p0 $0x0  }
0xd0: {  	[sflag:s0] =	ssyncadd.s32 @!p0 s1  }
0xd1: {  	[bflag:$0x3] =	sbarrier.arrive $0xFFFF  }
0xd2: {  	_ =	shalt  }

// kernel: kernel.8.cloned.1.call-start
scs
__scs_entry_jumppad:
0x0: {  	(pc) =	sbr.rel $0x88, $3  }
0x1: {  	(tag) =	ssettag $0x0;
	lr =	simm.s32 $0x1  }
0x2: {  	[smem:$0x3F98] =	sst lr;
	_ =	strace $0xD0000000  }
0x3: {  	_ = 	snop  }
0x4: {  	_ = 	snop  }
0x5: {  	_ = 	snop  }
0x6: {  	_ = 	snop  }
0x7: {  	_ = 	snop  }
__scs_overlays_trampoline_lowered:
0x8: {  	[smem:$0x3FA7] =	sst s0  }
0x9: {  	[smem:$0x3FA8] =	sst s1  }
0xa: {  	[smem:$0x3FA9] =	sst s2  }
0xb: {  	[smem:$0x3FAA] =	sst s3  }
0xc: {  	[smem:$0x3FAB] =	sst s4  }
0xd: {  	[smem:$0x3FAC] =	sst s5  }
0xe: {  	[smem:$0x3FAD] =	sst s6  }
0xf: {  	[smem:$0x3FAE] =	sst s7  }
0x10: {  	[smem:$0x3FAF] =	sst s8  }
0x11: {  	[smem:$0x3FB0] =	sst s9;
	s0 =	simm.s32 @!p0 $0x0  }
0x12: {  	s1 =	sld [smem:$0x3F96];
	s0 =	simm.s32 @p0 $0x1  }
0x13: {  	[smem:$0x3FB1] =	sst s0;
	s0 =	simm.s32 @!p1 $0x0  }
0x14: {  	s2 =	sld [smem:$0x3F95];
	s0 =	simm.s32 @p1 $0x1  }
0x15: {  	[smem:$0x3FB2] =	sst s0;
	s0 =	simm.s32 @!p2 $0x0  }
0x16: {  	s3 =	sld [smem:$0x3FDB];
	s0 =	simm.s32 @p2 $0x1  }
0x17: {  	s4 =	simm.s32 $0x1BF5;
	[smem:$0x3FB4] =	sst s0  }
0x18: {  	s0 =	sld [smem:$0x3F97];
	_ =	swait.ge [sflag:s4], $0x0  }
0x19: {  	s7 =	sld [smem:$0x3F98]  }
0x1a: {  	s8 =	sadd.s32 $0xFFFFE003, lr  }
0x1b: {  	s9 =	sadd.s32 $0xFFFFFEF7, lr;
	s5 =	simm.s32 $0xFFFFFFFF;
	p2 =	slt.u32 s8, $0xFFFFF086  }
0x1c: {  	p1 =	slt.u32 s9, $0xF7A;
	s5 =	simm.s32 @!p2 $0x0  }
0x1d: {  	s5 =	simm.s32 @p1 $0x1;
	p0 =	seq.s32 s7, s2  }
0x1e: {  	s7 =	smul.u32 @!p0 $0xF7A, s2;
	p2 =	seq.s32 @!p0 s5, $0x0  }
0x1f: {  	s9 =	smul.u32 $0xF7A, s1;
	s8 =	simm.s32 @!p0 $0x1BF5;
	p2 =	por !p2, p0  }
0x20: {  	[sflag:s8] =	ssyncset.s32 @!p0 $0xFFFFF086;
	s6 =	sadd.s32 @!p0 s3, s7;
	s7 =	simm.s32 @!p0 $0x108  }
0x21: {  	s3 =	sadd.s32 s3, s9;
	s6 =	sadd.s32 @!p0 $0x88, s6;
	s7 =	simm.s32 @p2 $0x1082  }
0x22: {  	[simem:s7], [sflag:s8] =	dma.local @!p0 [hbm:s6], $0xF7A  }
0x23: {  	s9 =	sor.u32 $0xD0000000, s2;
	s6 =	simm.s32 $0x108;
	_ =	swait.ge @!p0 [sflag:s8], $0x0  }
0x24: {  	s3 =	sadd.s32 $0x88, s3;
	s6 =	simm.s32 @!p1 $0x1082;
	[sflag:s4] =	ssyncset.s32 $0xFFFFF086  }
0x25: {  	[simem:s6], [sflag:s4] =	dma.local [hbm:s3], $0xF7A  }
0x26: {  	[smem:$0x3F98] =	sst s1;
	(tag) =	ssettag s2;
	_ =	strace s9  }
0x27: {  	s1 =	sld [smem:$0x3FA8]  }
0x28: {  	s2 =	sld [smem:$0x3FA9]  }
0x29: {  	s4 =	sld [smem:$0x3FAB]  }
0x2a: {  	p0 =	seq.s32 s5, $0x0;
	s5 =	sld [smem:$0x3FAC]  }
0x2b: {  	s6 =	sld [smem:$0x3FAD]  }
0x2c: {  	s7 =	sld [smem:$0x3FAE]  }
0x2d: {  	s3 =	simm.s32 $0x108;
	s8 =	sld [smem:$0x3FAF]  }
0x2e: {  	s3 =	simm.s32 @!p0 $0x1082;
	s9 =	sld [smem:$0x3FB0]  }
0x2f: {  	lr =	sadd.s32 s0, s3;
	s0 =	sld [smem:$0x3FA7]  }
0x30: {  	s3 =	sld [smem:$0x3FAA]  }
0x31: {  	[smem:$0x3FB3] =	sst s10  }
0x32: {  	s10 =	sld [smem:$0x3FB1];
	_ =	sdelay $0x3  }
0x33: {  	p0 =	seq.s32 s10, $0x1;
	s10 =	sld [smem:$0x3FB3];
	_ =	sdelay $0x3  }
0x34: {  	[smem:$0x3FB3] =	sst s10  }
0x35: {  	s10 =	sld [smem:$0x3FB2];
	_ =	sdelay $0x3  }
0x36: {  	p1 =	seq.s32 s10, $0x1;
	s10 =	sld [smem:$0x3FB3];
	_ =	sdelay $0x3  }
0x37: {  	[smem:$0x3FB3] =	sst s10  }
0x38: {  	s10 =	sld [smem:$0x3FB4]  }
0x39: {  	_ = 	snop;
	(pc) =	sbr.ind lr, $3  }
0x3a: {  	_ = 	snop  }
0x3b: {  	_ = 	snop  }
0x3c: {  	p2 =	seq.s32 s10, $0x1;
	s10 =	sld [smem:$0x3FB3]  }
0x3d: {  	_ =	shalt  }
0x3e: {  	_ =	shalt  }
0x3f: {  	_ =	shalt  }
0x40: {  	_ =	shalt  }
0x41: {  	_ =	shalt  }
0x42: {  	_ =	shalt  }
0x43: {  	_ =	shalt  }
0x44: {  	_ =	shalt  }
0x45: {  	_ =	shalt  }
0x46: {  	_ =	shalt  }
0x47: {  	_ =	shalt  }
0x48: {  	_ =	shalt  }
0x49: {  	_ =	shalt  }
0x4a: {  	_ =	shalt  }
0x4b: {  	_ =	shalt  }
0x4c: {  	_ =	shalt  }
0x4d: {  	_ =	shalt  }
0x4e: {  	_ =	shalt  }
0x4f: {  	_ =	shalt  }
0x50: {  	_ =	shalt  }
0x51: {  	_ =	shalt  }
0x52: {  	_ =	shalt  }
0x53: {  	_ =	shalt  }
0x54: {  	_ =	shalt  }
0x55: {  	_ =	shalt  }
0x56: {  	_ =	shalt  }
0x57: {  	_ =	shalt  }
0x58: {  	_ =	shalt  }
0x59: {  	_ =	shalt  }
0x5a: {  	_ =	shalt  }
0x5b: {  	_ =	shalt  }
0x5c: {  	_ =	shalt  }
0x5d: {  	_ =	shalt  }
0x5e: {  	_ =	shalt  }
0x5f: {  	_ =	shalt  }
0x60: {  	_ =	shalt  }
0x61: {  	_ =	shalt  }
0x62: {  	_ =	shalt  }
0x63: {  	_ =	shalt  }
0x64: {  	_ =	shalt  }
0x65: {  	_ =	shalt  }
0x66: {  	_ =	shalt  }
0x67: {  	_ =	shalt  }
0x68: {  	_ =	shalt  }
0x69: {  	_ =	shalt  }
0x6a: {  	_ =	shalt  }
0x6b: {  	_ =	shalt  }
0x6c: {  	_ =	shalt  }
0x6d: {  	_ =	shalt  }
0x6e: {  	_ =	shalt  }
0x6f: {  	_ =	shalt  }
0x70: {  	_ =	shalt  }
0x71: {  	_ =	shalt  }
0x72: {  	_ =	shalt  }
0x73: {  	_ =	shalt  }
0x74: {  	_ =	shalt  }
0x75: {  	_ =	shalt  }
0x76: {  	_ =	shalt  }
0x77: {  	_ =	shalt  }
0x78: {  	_ =	shalt  }
0x79: {  	_ =	shalt  }
0x7a: {  	_ =	shalt  }
0x7b: {  	_ =	shalt  }
0x7c: {  	_ =	shalt  }
0x7d: {  	_ =	shalt  }
0x7e: {  	_ =	shalt  }
0x7f: {  	_ =	shalt  }
0x80: {  	_ =	shalt  }
0x81: {  	_ =	shalt  }
0x82: {  	_ =	shalt  }
0x83: {  	_ =	shalt  }
0x84: {  	_ =	shalt  }
0x85: {  	_ =	shalt  }
0x86: {  	_ =	shalt  }
0x87: {  	_ =	shalt  }
.Lfunc_end0:
.L_simem_size_0:
called_computation_lowered:
.L_overlay_start_0:
0x88: {  	s2 =	sld [smem:$0x3FD9]  }
0x89: {  	s3 =	sld [smem:$0x3FFE];
	_ =	sdelay $0x1  }
0x8a: {  	s1 =	srdreg.scid  }
0x8b: {  	s0 =	sand.u32 $0x1, s1  }
0x8c: {  	s17 =	sshll.u32 s0, $0xA;
	s2 =	sadd.s32 s3, s2  }
0x8d: {  	s2 =	sadd.s32 s2, s17  }
0x8e: {  	[smem:$0x3FBF] =	sst s2  }
0x8f: {  	_ = 	snop  }
0x90: {  	s2 =	sld [smem:$0x3FD0];
	(tm) =	ssettm $0x1  }
0x91: {  	s18 =	sld [smem:$0x3FFB];
	_ =	sdelay $0x3  }
0x92: {  	_ =	strace s18  }
0x93: {  	s3 =	sld [smem:$0x3FFC];
	_ =	sdelay $0x3  }
0x94: {  	_ =	strace s3  }
0x95: {  	s3 =	sld [smem:$0x3FFD];
	_ =	sdelay $0x3  }
0x96: {  	_ =	strace s3  }
0x97: {  	_ =	strace $0x8FFFFFFF  }
0x98: {  	s19 =	sld [smem:$0x3FDB];
	_ =	sdelay $0x1  }
0x99: {  	s4 =	simm.s32 $_scs_section_size  }
0x9a: {  	s5 =	simm.s32 $_size__tile_overlayer_lowered;
	s6 =	simm.s32 $_tile_overlayer_lowered  }
0x9b: {  	s22 =	simm.s32 $0x1BFF;
	s21 =	sshll.u32 s6, $0x1;
	s3 =	sadd.s32 s4, s19  }
0x9c: {  	s7 =	simm.s32 $0x0;
	s20 =	sshll.u32 s5, $0x1;
	s5 =	sadd.s32 s21, s3  }
0x9d: {  	[timem:s7], [sflag:s22] =	dma.local [hbm:s5], s20  }
0x9e: {  	_ =	swait.ge [sflag:s22], s20  }
0x9f: {  	s4 =	ssub.s32 $0x0, s20;
	[sflag:s22] =	ssyncset.done $0x0  }
0xa0: {  	[sflag:s22] =	ssyncadd.s32 s4;
	_ =	sdelay $0x1  }
0xa1: {  	s23 =	simm.s32 $0x1B8B  }
0xa2: {  	_ =	swait.ge [sflag:s23], $0x1  }
0xa3: {  	[sflag:s23] =	ssyncset.done $0x0  }
0xa4: {  	s25 =	simm.s32 $0x1B8E;
	s24 =	sld [smem:$0x3FFE];
	[sflag:s23] =	ssyncadd.s32 $0xFFFFFFFF  }
0xa5: {  	s26 =	simm.s32 $execute0_lowered;
	[smem:$0x3FD2] =	sst s25  }
0xa6: {  	s5 =	sshll.u32 s26, $0x1;
	_ =	strace $0x80000046;
	[dreg:$0x1] =	wrdreg $0xFFFFFFFF  }
0xa7: {  	s28 =	simm.s32 $_size_execute0_lowered;
	s3 =	sadd.s32 s3, s5;
	[dreg:$0x0] =	wrdreg $0x0  }
0xa8: {  	s5 =	sshll.u32 s28, $0x1;
	[dreg:$0x2] =	wrdreg s3  }
0xa9: {  	[dreg:$0x3] =	wrdreg s5  }
0xaa: {  	[dreg:$0x4] =	wrdreg $0xC0  }
0xab: {  	_ =	task [dreg:s7], $0x5FFFF  }
0xac: {  	[dreg:$0x1] =	wrdreg $0xFFFFFFFF  }
0xad: {  	[dreg:$0x0] =	wrdreg $0x60  }
0xae: {  	[dreg:$0x2] =	wrdreg s2  }
0xaf: {  	[dreg:$0x3] =	wrdreg s24  }
0xb0: {  	[dreg:$0x4] =	wrdreg $0x9  }
0xb1: {  	_ =	task.clear_ibuf [dreg:s7], $0x5FFFF;
	_ =	strace $0x90000046  }
0xb2: {  	s29 =	simm.s32 $0x9;
	_ =	strace $0x80000048  }
0xb3: {  	_ =	swait.ge [sflag:s29], $0x1  }
0xb4: {  	[sflag:s29] =	ssyncadd.s32 $0xFFFFFFFF  }
0xb5: {  	_ =	strace $0x90000048  }
0xb6: {  	_ =	sfence  }
0xb7: {  	s30 =	sld [smem:$0x0];
	_ =	sdelay $0x2  }
0xb8: {  	s31 =	sshll.u32 s1, $0xD;
	s1 =	sshrl.u32 s1, $0x2  }
0xb9: {  	s3 =	sand.u32 $0x4000, s31;
	s1 =	sadd.s32 s1, s30  }
0xba: {  	s0 =	sor.u32 s3, s0;
	s1 =	sshll.u32 s1, $0x11  }
0xbb: {  	s0 =	sor.u32 s1, s0  }
0xbc: {  	s0 =	sadd.s32 $0x8F2B, s0  }
0xbd: {  	[sflag:s0] =	ssyncadd.remote.s32 $0x1  }
0xbe: {  	_ =	sfence.sel $0xFFFF  }
0xbf: {  	[dreg:$0x0] =	wrdreg $0xFFFFFFFF;
	(pc) =	sbr.abs _section_cstart, $3  }
0xc0: {  	[dreg:$0x1] =	wrdreg $0xFFFFFFFF  }
0xc1: {  	_ =	task.clear_ibuf [dreg:s7], $0x2FFFF;
	_ =	strace $0x9FFFFFFF  }
0xc2: {  	(tm) =	ssettm $0x7FFFFFFF  }
0xc3: {  	_ =	shalt  }
tec
execute0_lowered:
.L_overlay_start_1:
0x0: {  	(tag) =	ssettag $0x1  }
0x1: {  	s0 =	srdreg.scid  }
0x2: {  	s6 =	stileid.u32;
	s2 =	rddreg [dreg:$0x0]  }
0x3: {  	s5 =	rddreg [dreg:$0x1];
	s3 =	simm.s32 $0x0;
	s1 =	smul.u32 $0x9C40, s6  }
0x4: {  	s28 =	simm.s32 $0x4F10;
	s0 =	sand.u32 $0x1, s0;
	s6 =	smul.u32 $0x138800, s6  }
0x5: {  	s29 =	simm.s32 $0x1;
	s31 =	simm.s32 $0x6310;
	s4 =	smul.u32 $0x4E20, s0  }
0x6: {  	[smem:$0x7FF] =	sst s3;
	s7 =	smul.u32 $0x9C400, s0;
	s0 =	ssub.s32 $0x2, s0  }
0x7: {  	_ =	strace $0x80000047;
	s15 =	sshrl.u32 s0, $0x1;
	s1 =	sadd.s32 s4, s1  }
0x8: {  	s6 =	sadd.s32 s7, s6;
	s4 =	sadd.s32 $0x14EC00, s5;
	s0 =	ssub.s32 s0, s15  }
0x9: {  	s1 =	sshrl.u32 s1, $0x3;
	s8 =	sshrl.u32 s6, $0x3;
	s22 =	sadd.s32 $0xB400, s6  }
0xa: {  	s23 =	sadd.s32 $0xA000, s6;
	s24 =	sadd.s32 $0x8C00, s6;
	s1 =	sadd.s32 s1, s5  }
0xb: {  	s25 =	sadd.s32 $0x7800, s6;
	s5 =	sadd.s32 s4, s8;
	s1 =	sadd.s32 $0x13B200, s1  }
0xc: {  	s26 =	sshrl.u32 s24, $0x3;
	s16 =	sadd.s32 $0x280, s5;
	[dreg:$0x3] =	wrdreg s1  }
0xd: {  	s30 =	sshrl.u32 s25, $0x3;
	s17 =	sadd.s32 $0x500, s5;
	[dreg:$0x4] =	wrdreg s16  }
0xe: {  	s24 =	simm.s32 $0x2710;
	s18 =	sadd.s32 $0x780, s5;
	[dreg:$0x5] =	wrdreg s17  }
0xf: {  	s25 =	simm.s32 $0x3B10;
	s19 =	sadd.s32 $0xA00, s5;
	[dreg:$0x6] =	wrdreg s18  }
0x10: {  	s20 =	sadd.s32 $0x12C00, s5;
	s21 =	sadd.s32 $0x12E80, s5;
	[dreg:$0x7] =	wrdreg s19  }
0x11: {  	s13 =	sadd.s32 $0x13100, s5;
	s14 =	sadd.s32 $0x13380, s5;
	[dreg:$0x8] =	wrdreg s20  }
0x12: {  	s15 =	sadd.s32 $0x13600, s5;
	[dreg:$0x9] =	wrdreg s21;
	s1 =	sshrl.u32 s22, $0x3  }
0x13: {  	s16 =	smax.u32 s0, $0x1;
	s0 =	sshrl.u32 s23, $0x3;
	s19 =	sadd.s32 s26, s4  }
0x14: {  	s20 =	sadd.s32 s30, s4;
	s21 =	sadd.s32 $0x6400, s6;
	s22 =	simm.s32 $0x3  }
0x15: {  	s23 =	simm.s32 $0x50;
	s26 =	simm.s32 $0x2;
	s17 =	sadd.s32 s1, s4  }
0x16: {  	s18 =	sadd.s32 s0, s4;
	s0 =	simm.s32 $0x7710;
	s1 =	simm.s32 $0x0  }
.LBB2_1:
0x17: {  	s6 =	rddreg [dreg:$0x3]  }
0x18: {  	[tilespmem:s3], [sflag:$0x3] =	stream.linear.gather [hbm4b:s6+s3], $0x2710, $0x38;
	[tilespmem:$0x8B10] =	vst v63  }
0x19: {  	_ =	swait.ge [sflag:s22], $0x2710  }
0x1a: {  	[sflag:s22] =	ssyncset.done $0x0  }
0x1b: {  	[sflag:s22] =	ssyncadd.s32 $0xFFFFD8F0  }
0x1c: {  	[tilespmem:s24], [sflag:$0x1] =	stream.indirect.gather [hbm4b:s2+s23], $0x40, s3, s23, $0xb8;
	[tilespmem:$0x8B10] =	vst v63  }
0x1d: {  	_ = 	snop  }
0x1e: {  	[tilespmem:s25], [sflag:$0x1] =	stream.indirect.gather [hbm4b:s2+s23], $0x40, s23, s23, $0xb8;
	[tilespmem:$0x8B10] =	vst v63  }
0x1f: {  	s10 =	simm.s32 $0xA0  }
0x20: {  	[tilespmem:s28], [sflag:$0x1] =	stream.indirect.gather [hbm4b:s2+s23], $0x40, s10, s23, $0xb8;
	[tilespmem:$0x8B10] =	vst v63  }
0x21: {  	_ =	swait.ge [sflag:s29], $0x1400  }
0x22: {  	[sflag:s29] =	ssyncset.done $0x0  }
0x23: {  	[sflag:s29] =	ssyncadd.s32 $0xFFFFEC00  }
0x24: {  	[hbm4b:s5+s3] =	stream.linear.scatter [tilespmem:s24], [sflag:$0x2], $0x1400, $0x38;
	[tilespmem:$0x8B10] =	vst v63  }
0x25: {  	s11 =	simm.s32 $0xF0  }
0x26: {  	[tilespmem:s31], [sflag:$0x1] =	stream.indirect.gather [hbm4b:s2+s23], $0x40, s11, s23, $0xb8;
	[tilespmem:$0x8B10] =	vst v63  }
0x27: {  	_ =	swait.ge [sflag:s29], $0x1400  }
0x28: {  	[sflag:s29] =	ssyncset.done $0x0  }
0x29: {  	s12 =	rddreg [dreg:$0x4];
	[sflag:s29] =	ssyncadd.s32 $0xFFFFEC00  }
0x2a: {  	[hbm4b:s12+s3] =	stream.linear.scatter [tilespmem:s25], [sflag:$0x2], $0x1400, $0x38;
	[tilespmem:$0x8B10] =	vst v63  }
0x2b: {  	s7 =	simm.s32 $0x140  }
0x2c: {  	[tilespmem:s0], [sflag:$0x1] =	stream.indirect.gather [hbm4b:s2+s23], $0x40, s7, s23, $0xb8;
	[tilespmem:$0x8B10] =	vst v63  }
0x2d: {  	_ =	swait.ge [sflag:s29], $0x1400  }
0x2e: {  	[sflag:s29] =	ssyncset.done $0x0  }
0x2f: {  	s8 =	rddreg [dreg:$0x5];
	[sflag:s29] =	ssyncadd.s32 $0xFFFFEC00  }
0x30: {  	[hbm4b:s8+s3] =	stream.linear.scatter [tilespmem:s28], [sflag:$0x2], $0x1400, $0x38;
	[tilespmem:$0x8B10] =	vst v63  }
0x31: {  	_ =	swait.ge [sflag:s26], $0x1400  }
0x32: {  	[sflag:s26] =	ssyncset.done $0x0  }
0x33: {  	s9 =	simm.s32 $0x190;
	[sflag:s26] =	ssyncadd.s32 $0xFFFFEC00  }
0x34: {  	[tilespmem:s24], [sflag:$0x1] =	stream.indirect.gather [hbm4b:s2+s23], $0x40, s9, s23, $0xb8;
	[tilespmem:$0x8B10] =	vst v63  }
0x35: {  	_ =	swait.ge [sflag:s29], $0x1400  }
0x36: {  	[sflag:s29] =	ssyncset.done $0x0  }
0x37: {  	s10 =	rddreg [dreg:$0x6];
	[sflag:s29] =	ssyncadd.s32 $0xFFFFEC00  }
0x38: {  	[hbm4b:s10+s3] =	stream.linear.scatter [tilespmem:s31], [sflag:$0x2], $0x1400, $0x38;
	[tilespmem:$0x8B10] =	vst v63  }
0x39: {  	_ =	swait.ge [sflag:s26], $0x1400  }
0x3a: {  	[sflag:s26] =	ssyncset.done $0x0  }
0x3b: {  	s11 =	simm.s32 $0x1E0;
	[sflag:s26] =	ssyncadd.s32 $0xFFFFEC00  }
0x3c: {  	[tilespmem:s25], [sflag:$0x1] =	stream.indirect.gather [hbm4b:s2+s23], $0x40, s11, s23, $0xb8;
	[tilespmem:$0x8B10] =	vst v63  }
0x3d: {  	_ =	swait.ge [sflag:s29], $0x1400  }
0x3e: {  	[sflag:s29] =	ssyncset.done $0x0  }
0x3f: {  	s12 =	rddreg [dreg:$0x7];
	[sflag:s29] =	ssyncadd.s32 $0xFFFFEC00  }
0x40: {  	[hbm4b:s12+s3] =	stream.linear.scatter [tilespmem:s0], [sflag:$0x2], $0x1400, $0x38;
	[tilespmem:$0x8B10] =	vst v63  }
0x41: {  	_ =	swait.ge [sflag:s26], $0x1400  }
0x42: {  	[sflag:s26] =	ssyncset.done $0x0  }
0x43: {  	s7 =	simm.s32 $0x230;
	[sflag:s26] =	ssyncadd.s32 $0xFFFFEC00  }
0x44: {  	[tilespmem:s28], [sflag:$0x1] =	stream.indirect.gather [hbm4b:s2+s23], $0x40, s7, s23, $0xb8;
	[tilespmem:$0x8B10] =	vst v63  }
0x45: {  	_ =	swait.ge [sflag:s29], $0x1400  }
0x46: {  	s8 =	sshrl.u32 s21, $0x3;
	[sflag:s29] =	ssyncset.done $0x0  }
0x47: {  	s6 =	sadd.s32 s4, s8;
	[sflag:s29] =	ssyncadd.s32 $0xFFFFEC00  }
0x48: {  	[hbm4b:s6+s3] =	stream.linear.scatter [tilespmem:s24], [sflag:$0x2], $0x1400, $0x38;
	[tilespmem:$0x8B10] =	vst v63  }
0x49: {  	_ =	swait.ge [sflag:s26], $0x1400  }
0x4a: {  	[sflag:s26] =	ssyncset.done $0x0  }
0x4b: {  	s9 =	simm.s32 $0x280;
	[sflag:s26] =	ssyncadd.s32 $0xFFFFEC00  }
0x4c: {  	[tilespmem:s31], [sflag:$0x1] =	stream.indirect.gather [hbm4b:s2+s23], $0x40, s9, s23, $0xb8;
	[tilespmem:$0x8B10] =	vst v63  }
0x4d: {  	_ =	swait.ge [sflag:s29], $0x1400  }
0x4e: {  	[sflag:s29] =	ssyncset.done $0x0  }
0x4f: {  	[sflag:s29] =	ssyncadd.s32 $0xFFFFEC00  }
0x50: {  	[hbm4b:s20+s3] =	stream.linear.scatter [tilespmem:s25], [sflag:$0x2], $0x1400, $0x38;
	[tilespmem:$0x8B10] =	vst v63  }
0x51: {  	_ =	swait.ge [sflag:s26], $0x1400  }
0x52: {  	[sflag:s26] =	ssyncset.done $0x0  }
0x53: {  	s10 =	simm.s32 $0x2D0;
	[sflag:s26] =	ssyncadd.s32 $0xFFFFEC00  }
0x54: {  	[tilespmem:s0], [sflag:$0x1] =	stream.indirect.gather [hbm4b:s2+s23], $0x40, s10, s23, $0xb8;
	[tilespmem:$0x8B10] =	vst v63  }
0x55: {  	_ =	swait.ge [sflag:s29], $0x1400  }
0x56: {  	[sflag:s29] =	ssyncset.done $0x0  }
0x57: {  	[sflag:s29] =	ssyncadd.s32 $0xFFFFEC00  }
0x58: {  	[hbm4b:s19+s3] =	stream.linear.scatter [tilespmem:s28], [sflag:$0x2], $0x1400, $0x38;
	[tilespmem:$0x8B10] =	vst v63  }
0x59: {  	_ =	swait.ge [sflag:s26], $0x1400  }
0x5a: {  	[sflag:s26] =	ssyncset.done $0x0  }
0x5b: {  	s11 =	simm.s32 $0x320;
	[sflag:s26] =	ssyncadd.s32 $0xFFFFEC00  }
0x5c: {  	[tilespmem:s24], [sflag:$0x1] =	stream.indirect.gather [hbm4b:s2+s23], $0x40, s11, s23, $0xb8;
	[tilespmem:$0x8B10] =	vst v63  }
0x5d: {  	_ =	swait.ge [sflag:s29], $0x1400  }
0x5e: {  	[sflag:s29] =	ssyncset.done $0x0  }
0x5f: {  	[sflag:s29] =	ssyncadd.s32 $0xFFFFEC00  }
0x60: {  	[hbm4b:s18+s3] =	stream.linear.scatter [tilespmem:s31], [sflag:$0x2], $0x1400, $0x38;
	[tilespmem:$0x8B10] =	vst v63  }
0x61: {  	_ =	swait.ge [sflag:s26], $0x1400  }
0x62: {  	[sflag:s26] =	ssyncset.done $0x0  }
0x63: {  	s12 =	simm.s32 $0x370;
	[sflag:s26] =	ssyncadd.s32 $0xFFFFEC00  }
0x64: {  	[tilespmem:s25], [sflag:$0x1] =	stream.indirect.gather [hbm4b:s2+s23], $0x40, s12, s23, $0xb8;
	[tilespmem:$0x8B10] =	vst v63  }
0x65: {  	_ =	swait.ge [sflag:s29], $0x1400  }
0x66: {  	[sflag:s29] =	ssyncset.done $0x0  }
0x67: {  	s30 =	simm.s32 $0x640;
	[sflag:s29] =	ssyncadd.s32 $0xFFFFEC00  }
0x68: {  	[hbm4b:s17+s3] =	stream.linear.scatter [tilespmem:s0], [sflag:$0x2], $0x1400, $0x38;
	[tilespmem:$0x8B10] =	vst v63  }
0x69: {  	s8 =	sadd.s32 $0xC80, s18;
	s7 =	sadd.s32 $0x6400, s21;
	_ =	swait.ge [sflag:s26], $0x1400  }
0x6a: {  	s6 =	sadd.s32 $0xC80, s20;
	s9 =	sadd.s32 $0xC80, s19;
	[sflag:s26] =	ssyncset.done $0x0  }
0x6b: {  	s10 =	sadd.s32 $0xC80, s17;
	s11 =	simm.s32 $0x3C0;
	[sflag:s26] =	ssyncadd.s32 $0xFFFFEC00  }
.LBB2_2:
0x6c: {  	[tilespmem:s28], [sflag:$0x1] =	stream.indirect.gather [hbm4b:s2+s23], $0x40, s11, s23, $0xb8;
	[tilespmem:$0x8B10] =	vst v63  }
0x6d: {  	s11 =	smov.u32 s30  }
0x6e: {  	p0 =	sne.s32 s30, $0x8980;
	s30 =	sadd.s32 $0x640, s30;
	_ =	swait.ge [sflag:s29], $0x1400  }
0x6f: {  	s12 =	sshrl.u32 s7, $0x3;
	[sflag:s29] =	ssyncset.done $0x0  }
0x70: {  	s12 =	sadd.s32 s4, s12;
	[sflag:s29] =	ssyncadd.s32 $0xFFFFEC00  }
0x71: {  	[hbm4b:s12+s3] =	stream.linear.scatter [tilespmem:s24], [sflag:$0x2], $0x1400, $0x38;
	[tilespmem:$0x8B10] =	vst v63  }
0x72: {  	_ =	swait.ge [sflag:s26], $0x1400  }
0x73: {  	s11 =	sshra.s32 s11, $0x2;
	[sflag:s26] =	ssyncset.done $0x0  }
0x74: {  	s12 =	sadd.s32 $0x280, s11;
	[sflag:s26] =	ssyncadd.s32 $0xFFFFEC00  }
0x75: {  	[tilespmem:s31], [sflag:$0x1] =	stream.indirect.gather [hbm4b:s2+s23], $0x40, s12, s23, $0xb8;
	[tilespmem:$0x8B10] =	vst v63  }
0x76: {  	_ =	swait.ge [sflag:s29], $0x1400  }
0x77: {  	[sflag:s29] =	ssyncset.done $0x0  }
0x78: {  	[sflag:s29] =	ssyncadd.s32 $0xFFFFEC00  }
0x79: {  	[hbm4b:s6+s3] =	stream.linear.scatter [tilespmem:s25], [sflag:$0x2], $0x1400, $0x38;
	[tilespmem:$0x8B10] =	vst v63  }
0x7a: {  	_ =	swait.ge [sflag:s26], $0x1400  }
0x7b: {  	[sflag:s26] =	ssyncset.done $0x0  }
0x7c: {  	s12 =	sadd.s32 $0x2D0, s11;
	[sflag:s26] =	ssyncadd.s32 $0xFFFFEC00  }
0x7d: {  	[tilespmem:s0], [sflag:$0x1] =	stream.indirect.gather [hbm4b:s2+s23], $0x40, s12, s23, $0xb8;
	[tilespmem:$0x8B10] =	vst v63  }
0x7e: {  	_ =	swait.ge [sflag:s29], $0x1400  }
0x7f: {  	[sflag:s29] =	ssyncset.done $0x0  }
0x80: {  	[sflag:s29] =	ssyncadd.s32 $0xFFFFEC00  }
0x81: {  	[hbm4b:s9+s3] =	stream.linear.scatter [tilespmem:s28], [sflag:$0x2], $0x1400, $0x38;
	[tilespmem:$0x8B10] =	vst v63  }
0x82: {  	_ =	swait.ge [sflag:s26], $0x1400  }
0x83: {  	[sflag:s26] =	ssyncset.done $0x0  }
0x84: {  	s12 =	sadd.s32 $0x320, s11;
	[sflag:s26] =	ssyncadd.s32 $0xFFFFEC00  }
0x85: {  	[tilespmem:s24], [sflag:$0x1] =	stream.indirect.gather [hbm4b:s2+s23], $0x40, s12, s23, $0xb8;
	[tilespmem:$0x8B10] =	vst v63  }
0x86: {  	_ =	swait.ge [sflag:s29], $0x1400  }
0x87: {  	[sflag:s29] =	ssyncset.done $0x0  }
0x88: {  	[sflag:s29] =	ssyncadd.s32 $0xFFFFEC00  }
0x89: {  	[hbm4b:s8+s3] =	stream.linear.scatter [tilespmem:s31], [sflag:$0x2], $0x1400, $0x38;
	[tilespmem:$0x8B10] =	vst v63  }
0x8a: {  	_ =	swait.ge [sflag:s26], $0x1400  }
0x8b: {  	[sflag:s26] =	ssyncset.done $0x0  }
0x8c: {  	s12 =	sadd.s32 $0x370, s11;
	[sflag:s26] =	ssyncadd.s32 $0xFFFFEC00  }
0x8d: {  	[tilespmem:s25], [sflag:$0x1] =	stream.indirect.gather [hbm4b:s2+s23], $0x40, s12, s23, $0xb8;
	[tilespmem:$0x8B10] =	vst v63  }
0x8e: {  	_ =	swait.ge [sflag:s29], $0x1400  }
0x8f: {  	[sflag:s29] =	ssyncset.done $0x0  }
.Ltmp0:
0x90: {  	[sflag:s29] =	ssyncadd.s32 $0xFFFFEC00;
	(pc) =	sbr.rel @p0 .LBB2_2-.Ltmp0, $4  }
0x91: {  	[hbm4b:s10+s3] =	stream.linear.scatter [tilespmem:s0], [sflag:$0x2], $0x1400, $0x38;
	[tilespmem:$0x8B10] =	vst v63  }
0x92: {  	s7 =	sadd.s32 $0x6400, s7;
	s6 =	sadd.s32 $0xC80, s6;
	_ =	swait.ge [sflag:s26], $0x1400  }
0x93: {  	s9 =	sadd.s32 $0xC80, s9;
	s8 =	sadd.s32 $0xC80, s8;
	[sflag:s26] =	ssyncset.done $0x0  }
0x94: {  	s11 =	sadd.s32 $0x3C0, s11;
	s10 =	sadd.s32 $0xC80, s10;
	[sflag:s26] =	ssyncadd.s32 $0xFFFFEC00  }
0x95: {  	[tilespmem:s28], [sflag:$0x1] =	stream.indirect.gather [hbm4b:s2+s23], $0x40, s11, s23, $0xb8;
	[tilespmem:$0x8B10] =	vst v63  }
0x96: {  	_ =	swait.ge [sflag:s29], $0x1400  }
0x97: {  	[sflag:s29] =	ssyncset.done $0x0  }
0x98: {  	s6 =	rddreg [dreg:$0x8];
	[sflag:s29] =	ssyncadd.s32 $0xFFFFEC00  }
0x99: {  	[hbm4b:s6+s3] =	stream.linear.scatter [tilespmem:s24], [sflag:$0x2], $0x1400, $0x38;
	[tilespmem:$0x8B10] =	vst v63  }
0x9a: {  	_ =	swait.ge [sflag:s26], $0x1400  }
0x9b: {  	[sflag:s26] =	ssyncset.done $0x0  }
0x9c: {  	s11 =	simm.s32 $0x2670;
	[sflag:s26] =	ssyncadd.s32 $0xFFFFEC00  }
0x9d: {  	[tilespmem:s31], [sflag:$0x1] =	stream.indirect.gather [hbm4b:s2+s23], $0x40, s11, s23, $0xb8;
	[tilespmem:$0x8B10] =	vst v63  }
0x9e: {  	_ =	swait.ge [sflag:s29], $0x1400  }
0x9f: {  	[sflag:s29] =	ssyncset.done $0x0  }
0xa0: {  	s12 =	rddreg [dreg:$0x9];
	[sflag:s29] =	ssyncadd.s32 $0xFFFFEC00  }
0xa1: {  	[hbm4b:s12+s3] =	stream.linear.scatter [tilespmem:s25], [sflag:$0x2], $0x1400, $0x38;
	[tilespmem:$0x8B10] =	vst v63  }
0xa2: {  	_ =	swait.ge [sflag:s26], $0x1400  }
0xa3: {  	[sflag:s26] =	ssyncset.done $0x0  }
0xa4: {  	s30 =	simm.s32 $0x26C0;
	[sflag:s26] =	ssyncadd.s32 $0xFFFFEC00  }
0xa5: {  	[tilespmem:s0], [sflag:$0x1] =	stream.indirect.gather [hbm4b:s2+s23], $0x40, s30, s23, $0xb8;
	[tilespmem:$0x8B10] =	vst v63  }
0xa6: {  	_ =	swait.ge [sflag:s29], $0x1400  }
0xa7: {  	[sflag:s29] =	ssyncset.done $0x0  }
0xa8: {  	[sflag:s29] =	ssyncadd.s32 $0xFFFFEC00  }
0xa9: {  	[hbm4b:s13+s3] =	stream.linear.scatter [tilespmem:s28], [sflag:$0x2], $0x1400, $0x38;
	[tilespmem:$0x8B10] =	vst v63  }
0xaa: {  	_ =	swait.ge [sflag:s29], $0x1400  }
0xab: {  	[sflag:s29] =	ssyncset.done $0x0  }
0xac: {  	[sflag:s29] =	ssyncadd.s32 $0xFFFFEC00  }
0xad: {  	[hbm4b:s14+s3] =	stream.linear.scatter [tilespmem:s31], [sflag:$0x2], $0x1400, $0x38;
	[tilespmem:$0x8B10] =	vst v63  }
0xae: {  	_ =	swait.ge [sflag:s29], $0x1400  }
0xaf: {  	[sflag:s29] =	ssyncset.done $0x0  }
0xb0: {  	[sflag:s29] =	ssyncadd.s32 $0xFFFFEC00  }
0xb1: {  	[hbm4b:s15+s3] =	stream.linear.scatter [tilespmem:s0], [sflag:$0x2], $0x1400, $0x38;
	[tilespmem:$0x8B10] =	vst v63  }
0xb2: {  	_ =	swait.ge [sflag:s26], $0x1400  }
0xb3: {  	[sflag:s26] =	ssyncset.done $0x0  }
0xb4: {  	[sflag:s26] =	ssyncadd.s32 $0xFFFFEC00  }
0xb5: {  	_ =	swait.ge [sflag:s26], $0x1400  }
0xb6: {  	[sflag:s26] =	ssyncset.done $0x0  }
0xb7: {  	[sflag:s26] =	ssyncadd.s32 $0xFFFFEC00  }
0xb8: {  	_ =	swait.ge [sflag:s26], $0x1400  }
0xb9: {  	[sflag:s26] =	ssyncset.done $0x0  }
0xba: {  	s1 =	sadd.s32 $0x1, s1;
	[sflag:s26] =	ssyncadd.s32 $0xFFFFEC00  }
0xbb: {  	p0 =	sne.s32 s1, s16;
	_ =	swait.ge [sflag:s26], $0x1400  }
.Ltmp1:
0xbc: {  	[sflag:s26] =	ssyncset.done $0x0;
	(pc) =	sbr.rel @p0 .LBB2_1-.Ltmp1, $4  }
0xbd: {  	[sflag:s26] =	ssyncadd.s32 $0xFFFFEC00  }
0xbe: {  	_ =	swait.ge [sflag:s26], $0x1400  }
0xbf: {  	[sflag:s26] =	ssyncset.done $0x0  }
0xc0: {  	[sflag:s26] =	ssyncadd.s32 $0xFFFFEC00  }
0xc1: {  	_ =	sfence.sel $0x180000  }
0xc2: {  	[bflag:$0x0] =	sbarrier.arrive $0xFFFF  }
0xc3: {  	_ =	strace $0x90000047  }
0xc4: {  	s0 =	stileid.u32;
	[bflag:$0x2] =	sbarrier.arrive $0xFFFF  }
0xc5: {  	p0 =	sne.s32 s0, $0x0;
	s0 =	rddreg [dreg:$0x2]  }
0xc6: {  	s0 =	sadd.s32 @!p0 $0x100000, s0  }
0xc7: {  	[sflag:s0] =	ssyncadd.tile.s32 @!p0 $0x1;
	_ =	shalt  }
.Lfunc_end2:
_tile_overlayer_lowered:
.L_overlay_start_2:
0xc8: {  	(tag) =	ssettag $0x2  }
0xc9: {  	s0 =	rddreg [dreg:$0x0];
	s2 =	stileid.u32  }
0xca: {  	s1 =	rddreg [dreg:$0x1];
	p0 =	sne.s32 s2, $0x0  }
0xcb: {  	s3 =	rddreg [dreg:$0x2];
	[bflag:$0x3] =	sbarrier.arrive $0xFFFF;
	s2 =	simm.s32 @!p0 $0x1C03  }
0xcc: {  	[timem:s3], [sflag:s2] =	dma.local @!p0 [hbm:s0], s1  }
0xcd: {  	s0 =	simm.s32 @!p0 $0x3  }
0xce: {  	_ =	swait.ge @!p0 [sflag:s0], s1  }
0xcf: {  	s1 =	ssub.s32 @!p0 $0x0, s1;
	[sflag:s0] =	ssyncset.done @!p0 $0x0  }
0xd0: {  	[sflag:s0] =	ssyncadd.s32 @!p0 s1  }
0xd1: {  	[bflag:$0x3] =	sbarrier.arrive $0xFFFF  }
0xd2: {  	_ =	shalt  }

</sc_bundles>
